<compile_context>
chip_gen: v7x
topology: tpu7x:2x2x1
jax: 0.10.2.dev20260603
libtpu: 0.0.44.dev20260713+nightly
codegen_flags: <defaults>
</compile_context>

<pallas_src>
import functools

import jax
import jax.numpy as jnp
from jax import lax
from jax.experimental import pallas as pl
from jax.experimental.pallas import tpu as pltpu
from jax.experimental.pallas import tpu_sc as plsc

_NUM_SC = 2
_NUM_SUBCORES = 16
_LANES = 16
_G = 64



def _mm_bias(x, W, b, block_rows):
    n, k = x.shape
    m = W.shape[1]
    assert n % block_rows == 0

    def body(x_ref, w_ref, b_ref, o_ref):
        o_ref[...] = (
            jnp.dot(x_ref[...], w_ref[...], preferred_element_type=jnp.float32)
            + b_ref[...]
        )

    return pl.pallas_call(
        body,
        grid=(n // block_rows,),
        in_specs=[
            pl.BlockSpec((block_rows, k), lambda i: (i, 0)),
            pl.BlockSpec((k, m), lambda i: (0, 0)),
            pl.BlockSpec((1, m), lambda i: (0, 0)),
        ],
        out_specs=pl.BlockSpec((block_rows, m), lambda i: (i, 0)),
        out_shape=jax.ShapeDtypeStruct((n, m), jnp.float32),
    )(x, W, b.reshape(1, m))


def _node_mlp_stats(h, parts, W1, b1, W2, b2, block_rows):
    n, d = h.shape

    def body(h_ref, a0_ref, a1_ref, w1_ref, b1_ref, w2_ref, b2_ref,
             z2_ref, st_ref):
        z = h_ref[...] + a0_ref[0] + a1_ref[0]
        t = jnp.maximum(
            jnp.dot(z, w1_ref[...], preferred_element_type=jnp.float32)
            + b1_ref[...], 0.0)
        z2 = (jnp.dot(t, w2_ref[...], preferred_element_type=jnp.float32)
              + b2_ref[...])
        z2_ref[...] = z2
        s = jnp.sum(z2, axis=0, keepdims=True)
        ss = jnp.sum(z2 * z2, axis=0, keepdims=True)
        st = jnp.concatenate([s, ss, jnp.zeros((6, d), jnp.float32)], axis=0)

        @pl.when(pl.program_id(0) == 0)
        def _():
            st_ref[...] = st

        @pl.when(pl.program_id(0) != 0)
        def _():
            st_ref[...] += st

    return pl.pallas_call(
        body,
        grid=(n // block_rows,),
        in_specs=[
            pl.BlockSpec((block_rows, d), lambda i: (i, 0)),
            pl.BlockSpec((1, block_rows, d), lambda i: (0, i, 0)),
            pl.BlockSpec((1, block_rows, d), lambda i: (1, i, 0)),
            pl.BlockSpec((d, d), lambda i: (0, 0)),
            pl.BlockSpec((1, d), lambda i: (0, 0)),
            pl.BlockSpec((d, d), lambda i: (0, 0)),
            pl.BlockSpec((1, d), lambda i: (0, 0)),
        ],
        out_specs=[
            pl.BlockSpec((block_rows, d), lambda i: (i, 0)),
            pl.BlockSpec((8, d), lambda i: (0, 0)),
        ],
        out_shape=[
            jax.ShapeDtypeStruct((n, d), jnp.float32),
            jax.ShapeDtypeStruct((8, d), jnp.float32),
        ],
    )(h, parts, parts, W1, b1.reshape(1, d), W2, b2.reshape(1, d))


def _bn_relu(z2, stats, gamma_l, beta_l, block_rows):
    n, d = z2.shape
    inv_n = 1.0 / n

    def body(z_ref, st_ref, g_ref, b_ref, o_ref):
        mu = st_ref[0, :] * inv_n
        var = st_ref[1, :] * inv_n - mu * mu
        scale = g_ref[...] * lax.rsqrt(var + 1e-5)[None, :]
        o_ref[...] = jnp.maximum(
            (z_ref[...] - mu[None, :]) * scale + b_ref[...], 0.0)

    return pl.pallas_call(
        body,
        grid=(n // block_rows,),
        in_specs=[
            pl.BlockSpec((block_rows, d), lambda i: (i, 0)),
            pl.BlockSpec((8, d), lambda i: (0, 0)),
            pl.BlockSpec((1, d), lambda i: (0, 0)),
            pl.BlockSpec((1, d), lambda i: (0, 0)),
        ],
        out_specs=pl.BlockSpec((block_rows, d), lambda i: (i, 0)),
        out_shape=jax.ShapeDtypeStruct((n, d), jnp.float32),
    )(z2, stats, gamma_l.reshape(1, d), beta_l.reshape(1, d))


def _pool(h, batch3, block_rows, num_graphs):
    n, d = h.shape
    nblk = n // block_rows

    def body(h_ref, b_ref, o_ref):
        bi = b_ref[0, 0, :]
        oh = (bi[:, None]
              == lax.broadcasted_iota(jnp.int32, (block_rows, num_graphs), 1)
              ).astype(jnp.float32)
        contrib = lax.dot_general(
            oh, h_ref[...], (((0,), (0,)), ((), ())),
            preferred_element_type=jnp.float32)

        @pl.when(pl.program_id(0) == 0)
        def _():
            o_ref[...] = contrib

        @pl.when(pl.program_id(0) != 0)
        def _():
            o_ref[...] += contrib

    return pl.pallas_call(
        body,
        grid=(nblk,),
        in_specs=[
            pl.BlockSpec((block_rows, d), lambda i: (i, 0)),
            pl.BlockSpec((1, 1, block_rows), lambda i: (i, 0, 0)),
        ],
        out_specs=pl.BlockSpec((num_graphs, d), lambda i: (0, 0)),
        out_shape=jax.ShapeDtypeStruct((num_graphs, d), jnp.float32),
    )(h, batch3)


def _readout(pooled, Wr1, br1, Wr2p, br2p):
    g, d = pooled.shape

    def body(p_ref, w1_ref, b1_ref, w2_ref, b2_ref, o_ref):
        t = jnp.maximum(
            jnp.dot(p_ref[...], w1_ref[...], preferred_element_type=jnp.float32)
            + b1_ref[...], 0.0)
        o_ref[...] = (
            jnp.dot(t, w2_ref[...], preferred_element_type=jnp.float32)
            + b2_ref[...])

    return pl.pallas_call(
        body,
        grid=(1,),
        in_specs=[
            pl.BlockSpec((g, d), lambda i: (0, 0)),
            pl.BlockSpec((d, d), lambda i: (0, 0)),
            pl.BlockSpec((1, d), lambda i: (0, 0)),
            pl.BlockSpec((d, d), lambda i: (0, 0)),
            pl.BlockSpec((1, d), lambda i: (0, 0)),
        ],
        out_specs=pl.BlockSpec((g, d), lambda i: (0, 0)),
        out_shape=jax.ShapeDtypeStruct((g, d), jnp.float32),
    )(pooled, Wr1, br1.reshape(1, d), Wr2p, br2p)



def _sc_aggregate(h, e, src, dst, zeros_nd, K):
    n, d = h.shape
    n_pad = zeros_nd.shape[0]
    num_edges = src.shape[0]
    nw = _NUM_SC * _NUM_SUBCORES
    cpt = num_edges // (K * nw)
    pairs = cpt // 2
    rows_per_tile = n_pad // _NUM_SUBCORES

    mesh = plsc.VectorSubcoreMesh(
        core_axis_name="c", subcore_axis_name="s",
        num_cores=_NUM_SC, num_subcores=_NUM_SUBCORES)

    @functools.partial(
        pl.kernel,
        out_type=jax.ShapeDtypeStruct((_NUM_SC, n_pad, d), jnp.float32),
        mesh=mesh,
        scratch_types=[
            pltpu.VMEM_SHARED((n_pad, d), jnp.float32),
            pltpu.VMEM((K, d), jnp.float32),
            pltpu.VMEM((K, d), jnp.float32),
            pltpu.VMEM((K, d), jnp.float32),
            pltpu.VMEM((K, d), jnp.float32),
            pltpu.VMEM((K, d), jnp.float32),
            pltpu.VMEM((K, d), jnp.float32),
            pltpu.VMEM((K,), jnp.int32),
            pltpu.VMEM((K,), jnp.int32),
            pltpu.VMEM((K,), jnp.int32),
            pltpu.VMEM((K,), jnp.int32),
            pltpu.SemaphoreType.DMA,
            pltpu.SemaphoreType.DMA,
            pltpu.SemaphoreType.DMA,
            pltpu.SemaphoreType.DMA,
            pltpu.SemaphoreType.DMA,
            pltpu.SemaphoreType.DMA,
            pltpu.SemaphoreType.DMA,
            pltpu.SemaphoreType.DMA,
            pltpu.SemaphoreType.DMA,
            pltpu.SemaphoreType.DMA,
        ],
    )
    def agg(h_hbm, e_hbm, src_hbm, dst_hbm, z_hbm, out_hbm, acc,
            hrA, hrB, ebA, ebB, msA, msB, sxA, sxB, dxA, dxB,
            gsA, gsB, esA, esB, ssA, ssB, sxsA, sxsB, dxsA, dxsB):
        core = lax.axis_index("c")
        sub = lax.axis_index("s")
        wid = core * _NUM_SUBCORES + sub
        r0 = sub * rows_per_tile
        c0 = wid * cpt

        pltpu.sync_copy(z_hbm.at[pl.ds(r0, rows_per_tile)],
                        acc.at[pl.ds(r0, rows_per_tile)])
        plsc.subcore_barrier()

        def fetch_src(c_local, sx, sxs):
            pltpu.async_copy(src_hbm.at[pl.ds((c0 + c_local) * K, K)], sx, sxs)

        def fetch_dst(c_local, dx, dxs):
            pltpu.async_copy(dst_hbm.at[pl.ds((c0 + c_local) * K, K)], dx, dxs)

        def wait_idx(hbm, xb, xs):
            pltpu.make_async_copy(hbm.at[pl.ds(0, K)], xb, xs).wait()

        def issue_in(c_local, sx, hr, eb, gs, es):
            pltpu.async_copy(h_hbm.at[sx], hr, gs)
            pltpu.async_copy(e_hbm.at[pl.ds((c0 + c_local) * K, K)], eb, es)

        def wait_in(sx, hr, eb, gs, es):
            pltpu.make_async_copy(h_hbm.at[sx], hr, gs).wait()
            pltpu.make_async_copy(e_hbm.at[pl.ds(0, K)], eb, es).wait()

        def compute(hr, eb, ms):
            def row_body(r, carry):
                for q in range(d // _LANES):
                    s = pl.ds(q * _LANES, _LANES)
                    ms[r, s] = jnp.maximum(hr[r, s] + eb[r, s], 0.0)
                return carry

            lax.fori_loop(0, K, row_body, 0)

        def scatter(dx, ms, ss):
            pltpu.async_copy(ms, acc.at[dx], ss, add=True)

        def wait_scat(dx, ms, ss):
            pltpu.make_async_copy(ms, acc.at[dx], ss).wait()

        fetch_src(0, sxA, sxsA)
        fetch_src(1, sxB, sxsB)
        wait_idx(src_hbm, sxA, sxsA)
        issue_in(0, sxA, hrA, ebA, gsA, esA)
        wait_idx(src_hbm, sxB, sxsB)
        issue_in(1, sxB, hrB, ebB, gsB, esB)

        def slot_step(p, c, sx, dx, hr, eb, ms, gs, es, ss, sxs, dxs):
            wait_in(sx, hr, eb, gs, es)

            @pl.when(p < pairs - 1)
            def _():
                fetch_src(c + 2, sx, sxs)

            @pl.when(p > 0)
            def _():
                wait_scat(dx, ms, ss)

            fetch_dst(c, dx, dxs)
            compute(hr, eb, ms)
            wait_idx(dst_hbm, dx, dxs)
            scatter(dx, ms, ss)

            @pl.when(p < pairs - 1)
            def _():
                wait_idx(src_hbm, sx, sxs)
                issue_in(c + 2, sx, hr, eb, gs, es)

        def pair_body(p, carry):
            slot_step(p, 2 * p, sxA, dxA, hrA, ebA, msA, gsA, esA, ssA,
                      sxsA, dxsA)
            slot_step(p, 2 * p + 1, sxB, dxB, hrB, ebB, msB, gsB, esB, ssB,
                      sxsB, dxsB)
            return carry

        lax.fori_loop(0, pairs, pair_body, 0)
        wait_scat(dxA, msA, ssA)
        wait_scat(dxB, msB, ssB)
        plsc.subcore_barrier()

        pltpu.sync_copy(acc.at[pl.ds(r0, rows_per_tile)],
                        out_hbm.at[core, pl.ds(r0, rows_per_tile)])

    return agg(h, e, src, dst, zeros_nd)



def kernel(x, edge_index, edge_attr, batch, W_in, b_in, We, be, W1, b1,
           W2, b2, gamma, beta, Wr1, br1, Wr2, br2):
    n, d = x.shape
    num_edges = edge_index.shape[1]
    de = edge_attr.shape[1]
    num_layers = We.shape[0]
    c_out = Wr2.shape[1]
    node_blk = 1000
    K = 56
    nw = _NUM_SC * _NUM_SUBCORES
    edge_blk = 2 * K * nw

    n_pad = 128 * ((n + 127) // 128)
    cpt = -(-num_edges // (K * nw))
    cpt += cpt % 2
    e_pad = cpt * K * nw - num_edges

    zeros_nd = jnp.zeros((n_pad, d), jnp.float32)
    pad_idx = jnp.stack([jnp.zeros((e_pad,), jnp.int32),
                         jnp.full((e_pad,), n_pad - 1, jnp.int32)])
    ei_pad = jnp.concatenate([edge_index, pad_idx], axis=1)
    src_pad = ei_pad[0]
    dst_pad = ei_pad[1]
    ea_pad = jnp.concatenate(
        [edge_attr, jnp.zeros((e_pad, de), jnp.float32)], axis=0)
    batch3 = batch.reshape(n // node_blk, 1, node_blk)
    Wr2p = jnp.zeros((d, d), jnp.float32).at[:, :c_out].set(Wr2)
    br2p = jnp.zeros((1, d), jnp.float32).at[0, :c_out].set(br2)

    h = _mm_bias(x, W_in, b_in, node_blk)
    es = [_mm_bias(ea_pad, We[l], be[l], edge_blk) for l in range(num_layers)]
    for l in range(num_layers):
        parts = _sc_aggregate(h, es[l], src_pad, dst_pad, zeros_nd, K)
        z2, stats = _node_mlp_stats(h, parts, W1[l], b1[l], W2[l], b2[l],
                                    node_blk)
        h = _bn_relu(z2, stats, gamma[l], beta[l], node_blk)

    pooled = _pool(h, batch3, node_blk, _G)
    out = _readout(pooled, Wr1, br1, Wr2p, br2p)
    return out[:, :c_out]

# --- scband reference (transcript-rebuilt; emitter-appended) ---
"""Pipeline reference for scband-gintox-model-81174881894540 (READ-ONLY COPY).

The authoritative reference and input builder live on the scoring server;
editing this copy changes nothing except your own understanding.
"""

import jax, jax.numpy as jnp
import numpy as np

N = 10000
E = 320000
D = 128
DE = 16
L = 5
C = 12
G = 64

def setup_inputs(seed: int = 0):
    key = jax.random.key(seed)
    ks = jax.random.split(key, 12)
    s = 0.05
    x = jax.random.normal(ks[0], (N, D), jnp.float32)
    edge_index = jax.random.randint(ks[1], (2, E), 0, N, dtype=jnp.int32)
    edge_attr = jax.random.normal(ks[2], (E, DE), jnp.float32)
    batch = jnp.sort(jax.random.randint(ks[3], (N,), 0, G, dtype=jnp.int32))
    W_in = jax.random.normal(ks[4], (D, D), jnp.float32) * s
    b_in = jnp.zeros((D,), jnp.float32)
    We = jax.random.normal(ks[5], (L, DE, D), jnp.float32) * s
    be = jnp.zeros((L, D), jnp.float32)
    W1 = jax.random.normal(ks[6], (L, D, D), jnp.float32) * s
    b1 = jnp.zeros((L, D), jnp.float32)
    W2 = jax.random.normal(ks[7], (L, D, D), jnp.float32) * s
    b2 = jnp.zeros((L, D), jnp.float32)
    gamma = jnp.ones((L, D), jnp.float32)
    beta = jnp.zeros((L, D), jnp.float32)
    Wr1 = jax.random.normal(ks[8], (D, D), jnp.float32) * s
    br1 = jnp.zeros((D,), jnp.float32)
    Wr2 = jax.random.normal(ks[9], (D, C), jnp.float32) * s
    br2 = jnp.zeros((C,), jnp.float32)
    return dict(x=x, edge_index=edge_index, edge_attr=edge_attr, batch=batch,
                W_in=W_in, b_in=b_in, We=We, be=be, W1=W1, b1=b1, W2=W2, b2=b2,
                gamma=gamma, beta=beta, Wr1=Wr1, br1=br1, Wr2=Wr2, br2=br2)

def reference(x, edge_index, edge_attr, batch, W_in, b_in, We, be, W1, b1, W2, b2, gamma, beta, Wr1, br1, Wr2, br2):
    # GINToxModel forward (eval-mode dropout = identity; BN uses batch stats)
    src = edge_index[0]
    dst = edge_index[1]
    h = x @ W_in + b_in
    for l in range(L):
        # GINEConv: out_i = mlp((1+eps)*x_i + sum_j relu(x_j + lin_e(e_ij))), eps=0
        e = edge_attr @ We[l] + be[l]
        msg = jax.nn.relu(h[src] + e)          # gather from src nodes
        agg = jax.ops.segment_sum(msg, dst, num_segments=N)  # scatter-add to dst
        z = h + agg
        z = jax.nn.relu(z @ W1[l] + b1[l]) @ W2[l] + b2[l]
        mu = jnp.mean(z, axis=0)
        var = jnp.var(z, axis=0)
        z = gamma[l] * (z - mu) / jnp.sqrt(var + 1e-5) + beta[l]
        h = jax.nn.relu(z)
    pooled = jax.ops.segment_sum(h, batch, num_segments=G)  # global_add_pool
    out = jax.nn.relu(pooled @ Wr1 + br1) @ Wr2 + br2
    return out

if __name__ == "__main__":
    import jax
    _d = setup_inputs()
    print(jax.jit(kernel)(*tuple(_d.values())))

</pallas_src>

<mosaic_0001>
#map = affine_map<(d0, d1) -> (0, 0)>
#map1 = affine_map<(d0, d1) -> (0)>
#map2 = affine_map<(d0, d1) -> (0, 0, 0)>
module attributes {stable_mosaic.version = 14 : i64} {
  func.func @agg(%arg0: i32, %arg1: i32, %arg2: memref<10000x128xf32, #tpu.memory_space<hbm>>, %arg3: memref<322560x128xf32, #tpu.memory_space<hbm>>, %arg4: memref<322560xi32, #tpu.memory_space<hbm>>, %arg5: memref<322560xi32, #tpu.memory_space<hbm>>, %arg6: memref<10112x128xf32, #tpu.memory_space<hbm>>, %arg7: memref<2x10112x128xf32, #tpu.memory_space<hbm>>, %arg8: memref<10112x128xf32, #tpu.memory_space<vmem_shared>>, %arg9: memref<56x128xf32, #tpu.memory_space<vmem>>, %arg10: memref<56x128xf32, #tpu.memory_space<vmem>>, %arg11: memref<56x128xf32, #tpu.memory_space<vmem>>, %arg12: memref<56x128xf32, #tpu.memory_space<vmem>>, %arg13: memref<56x128xf32, #tpu.memory_space<vmem>>, %arg14: memref<56x128xf32, #tpu.memory_space<vmem>>, %arg15: memref<56xi32, #tpu.memory_space<vmem>>, %arg16: memref<56xi32, #tpu.memory_space<vmem>>, %arg17: memref<56xi32, #tpu.memory_space<vmem>>, %arg18: memref<56xi32, #tpu.memory_space<vmem>>, %arg19: memref<!tpu.dma_semaphore, #tpu.memory_space<semaphore_mem>>, %arg20: memref<!tpu.dma_semaphore, #tpu.memory_space<semaphore_mem>>, %arg21: memref<!tpu.dma_semaphore, #tpu.memory_space<semaphore_mem>>, %arg22: memref<!tpu.dma_semaphore, #tpu.memory_space<semaphore_mem>>, %arg23: memref<!tpu.dma_semaphore, #tpu.memory_space<semaphore_mem>>, %arg24: memref<!tpu.dma_semaphore, #tpu.memory_space<semaphore_mem>>, %arg25: memref<!tpu.dma_semaphore, #tpu.memory_space<semaphore_mem>>, %arg26: memref<!tpu.dma_semaphore, #tpu.memory_space<semaphore_mem>>, %arg27: memref<!tpu.dma_semaphore, #tpu.memory_space<semaphore_mem>>, %arg28: memref<!tpu.dma_semaphore, #tpu.memory_space<semaphore_mem>>) attributes {dimension_semantics = [#tpu.dimension_semantics<core_parallel>, #tpu.dimension_semantics<subcore_parallel>], iteration_bounds = array<i64: 2, 16>, scalar_prefetch = 0 : i64, scratch_operands = 21 : i64, tpu.core_type = #tpu.core_type<sc_vector_subcore>, window_params = [{transform_indices = #map}, {transform_indices = #map}, {transform_indices = #map1}, {transform_indices = #map1}, {transform_indices = #map}, {transform_indices = #map2}]} {
    %mul3A = arith.constant 16 : i32
    %mul3A_0 = arith.muli %arg0, %mul3A : i32
    %add3A = arith.addi %mul3A_0, %arg1 : i32
    %mul3A_1 = arith.constant 632 : i32
    %mul3A_2 = arith.muli %arg1, %mul3A_1 : i32
    %mul3A_3 = arith.constant 180 : i32
    %mul3A_4 = arith.muli %add3A, %mul3A_3 : i32
    "tpu.region"() ({
      %run_scoped3A = tpu.sem_alloc : memref<!tpu.dma_semaphore, #tpu.memory_space<semaphore_mem>>
      %dma_start3A_57 = arith.constant 0 : i32
      %dma_start3A_58 = tpu.memref_slice %arg8[%mul3A_2, %dma_start3A_57] : memref<10112x128xf32, #tpu.memory_space<vmem_shared>> -> memref<632x128xf32, #tpu.memory_space<vmem_shared>>
      %dma_start3A_59 = arith.constant 0 : i32
      %dma_start3A_60 = tpu.memref_slice %arg6[%mul3A_2, %dma_start3A_59] : memref<10112x128xf32, #tpu.memory_space<hbm>> -> memref<632x128xf32, #tpu.memory_space<hbm>>
      tpu.enqueue_dma source(%dma_start3A_60 : memref<632x128xf32, #tpu.memory_space<hbm>>) target(%dma_start3A_58 : memref<632x128xf32, #tpu.memory_space<vmem_shared>>) target_semaphore(%run_scoped3A : memref<!tpu.dma_semaphore, #tpu.memory_space<semaphore_mem>>)
      %dma_wait3A_61 = arith.constant 0 : i32
      %dma_wait3A_62 = tpu.memref_slice %arg8[%mul3A_2, %dma_wait3A_61] : memref<10112x128xf32, #tpu.memory_space<vmem_shared>> -> memref<632x128xf32, #tpu.memory_space<vmem_shared>>
      %dma_wait3A_63 = arith.constant 0 : i32
      %dma_wait3A_64 = tpu.memref_slice %arg6[%mul3A_2, %dma_wait3A_63] : memref<10112x128xf32, #tpu.memory_space<hbm>> -> memref<632x128xf32, #tpu.memory_space<hbm>>
      tpu.wait_dma2 semaphore(%run_scoped3A : memref<!tpu.dma_semaphore, #tpu.memory_space<semaphore_mem>>) src(%dma_wait3A_64 : memref<632x128xf32, #tpu.memory_space<hbm>>) dst(%dma_wait3A_62 : memref<632x128xf32, #tpu.memory_space<vmem_shared>>)
      tpu.yield
    }) : () -> ()
    %barrier3A = arith.constant 0 : index
    tpu.barrier barrier_id(%barrier3A)
    %add3A_5 = arith.constant 0 : i32
    %add3A_6 = arith.addi %mul3A_4, %add3A_5 : i32
    %mul3A_7 = arith.constant 56 : i32
    %mul3A_8 = arith.muli %add3A_6, %mul3A_7 : i32
    %dma_start3A = tpu.memref_slice %arg4[%mul3A_8] : memref<322560xi32, #tpu.memory_space<hbm>> -> memref<56xi32, #tpu.memory_space<hbm>>
    %dma_start3A_9 = tpu.memref_slice %arg4[%mul3A_8] : memref<322560xi32, #tpu.memory_space<hbm>> -> memref<56xi32, #tpu.memory_space<hbm>>
    tpu.enqueue_dma source(%dma_start3A_9 : memref<56xi32, #tpu.memory_space<hbm>>) target(%arg15 : memref<56xi32, #tpu.memory_space<vmem>>) target_semaphore(%arg25 : memref<!tpu.dma_semaphore, #tpu.memory_space<semaphore_mem>>)
    %add3A_10 = arith.constant 1 : i32
    %add3A_11 = arith.addi %mul3A_4, %add3A_10 : i32
    %mul3A_12 = arith.constant 56 : i32
    %mul3A_13 = arith.muli %add3A_11, %mul3A_12 : i32
    %dma_start3A_14 = tpu.memref_slice %arg4[%mul3A_13] : memref<322560xi32, #tpu.memory_space<hbm>> -> memref<56xi32, #tpu.memory_space<hbm>>
    %dma_start3A_15 = tpu.memref_slice %arg4[%mul3A_13] : memref<322560xi32, #tpu.memory_space<hbm>> -> memref<56xi32, #tpu.memory_space<hbm>>
    tpu.enqueue_dma source(%dma_start3A_15 : memref<56xi32, #tpu.memory_space<hbm>>) target(%arg16 : memref<56xi32, #tpu.memory_space<vmem>>) target_semaphore(%arg26 : memref<!tpu.dma_semaphore, #tpu.memory_space<semaphore_mem>>)
    %dma_wait3A = arith.constant 0 : i32
    %dma_wait3A_16 = tpu.memref_slice %arg4[%dma_wait3A] : memref<322560xi32, #tpu.memory_space<hbm>> -> memref<56xi32, #tpu.memory_space<hbm>>
    %dma_wait3A_17 = arith.constant 0 : i32
    %dma_wait3A_18 = tpu.memref_slice %arg4[%dma_wait3A_17] : memref<322560xi32, #tpu.memory_space<hbm>> -> memref<56xi32, #tpu.memory_space<hbm>>
    tpu.wait_dma2 semaphore(%arg25 : memref<!tpu.dma_semaphore, #tpu.memory_space<semaphore_mem>>) src(%dma_wait3A_18 : memref<56xi32, #tpu.memory_space<hbm>>) dst(%arg15 : memref<56xi32, #tpu.memory_space<vmem>>)
    %dma_start3A_19 = arith.constant 0 : i32
    %dma_start3A_20 = arith.constant 0 : i32
    %dma_start3A_21 = tpu.memref_slice %arg2[%dma_start3A_19, %dma_start3A_20] : memref<10000x128xf32, #tpu.memory_space<hbm>> -> memref<10000x128xf32, #tpu.memory_space<hbm>>
    tpu.enqueue_indirect_dma source(%dma_start3A_21 : memref<10000x128xf32, #tpu.memory_space<hbm>>) target(%arg9 : memref<56x128xf32, #tpu.memory_space<vmem>>) offsets(%arg15 : memref<56xi32, #tpu.memory_space<vmem>>) semaphore(%arg19 : memref<!tpu.dma_semaphore, #tpu.memory_space<semaphore_mem>>)
    %add3A_22 = arith.constant 0 : i32
    %add3A_23 = arith.addi %mul3A_4, %add3A_22 : i32
    %mul3A_24 = arith.constant 56 : i32
    %mul3A_25 = arith.muli %add3A_23, %mul3A_24 : i32
    %dma_start3A_26 = arith.constant 0 : i32
    %dma_start3A_27 = tpu.memref_slice %arg3[%mul3A_25, %dma_start3A_26] : memref<322560x128xf32, #tpu.memory_space<hbm>> -> memref<56x128xf32, #tpu.memory_space<hbm>>
    %dma_start3A_28 = arith.constant 0 : i32
    %dma_start3A_29 = tpu.memref_slice %arg3[%mul3A_25, %dma_start3A_28] : memref<322560x128xf32, #tpu.memory_space<hbm>> -> memref<56x128xf32, #tpu.memory_space<hbm>>
    tpu.enqueue_dma source(%dma_start3A_29 : memref<56x128xf32, #tpu.memory_space<hbm>>) target(%arg11 : memref<56x128xf32, #tpu.memory_space<vmem>>) target_semaphore(%arg21 : memref<!tpu.dma_semaphore, #tpu.memory_space<semaphore_mem>>)
    %dma_wait3A_30 = arith.constant 0 : i32
    %dma_wait3A_31 = tpu.memref_slice %arg4[%dma_wait3A_30] : memref<322560xi32, #tpu.memory_space<hbm>> -> memref<56xi32, #tpu.memory_space<hbm>>
    %dma_wait3A_32 = arith.constant 0 : i32
    %dma_wait3A_33 = tpu.memref_slice %arg4[%dma_wait3A_32] : memref<322560xi32, #tpu.memory_space<hbm>> -> memref<56xi32, #tpu.memory_space<hbm>>
    tpu.wait_dma2 semaphore(%arg26 : memref<!tpu.dma_semaphore, #tpu.memory_space<semaphore_mem>>) src(%dma_wait3A_33 : memref<56xi32, #tpu.memory_space<hbm>>) dst(%arg16 : memref<56xi32, #tpu.memory_space<vmem>>)
    %dma_start3A_34 = arith.constant 0 : i32
    %dma_start3A_35 = arith.constant 0 : i32
    %dma_start3A_36 = tpu.memref_slice %arg2[%dma_start3A_34, %dma_start3A_35] : memref<10000x128xf32, #tpu.memory_space<hbm>> -> memref<10000x128xf32, #tpu.memory_space<hbm>>
    tpu.enqueue_indirect_dma source(%dma_start3A_36 : memref<10000x128xf32, #tpu.memory_space<hbm>>) target(%arg10 : memref<56x128xf32, #tpu.memory_space<vmem>>) offsets(%arg16 : memref<56xi32, #tpu.memory_space<vmem>>) semaphore(%arg20 : memref<!tpu.dma_semaphore, #tpu.memory_space<semaphore_mem>>)
    %add3A_37 = arith.constant 1 : i32
    %add3A_38 = arith.addi %mul3A_4, %add3A_37 : i32
    %mul3A_39 = arith.constant 56 : i32
    %mul3A_40 = arith.muli %add3A_38, %mul3A_39 : i32
    %dma_start3A_41 = arith.constant 0 : i32
    %dma_start3A_42 = tpu.memref_slice %arg3[%mul3A_40, %dma_start3A_41] : memref<322560x128xf32, #tpu.memory_space<hbm>> -> memref<56x128xf32, #tpu.memory_space<hbm>>
    %dma_start3A_43 = arith.constant 0 : i32
    %dma_start3A_44 = tpu.memref_slice %arg3[%mul3A_40, %dma_start3A_43] : memref<322560x128xf32, #tpu.memory_space<hbm>> -> memref<56x128xf32, #tpu.memory_space<hbm>>
    tpu.enqueue_dma source(%dma_start3A_44 : memref<56x128xf32, #tpu.memory_space<hbm>>) target(%arg12 : memref<56x128xf32, #tpu.memory_space<vmem>>) target_semaphore(%arg22 : memref<!tpu.dma_semaphore, #tpu.memory_space<semaphore_mem>>)
    %scan3A = arith.constant 0 : i32
    %scan3A_45 = arith.constant 0 : i32
    %scan3A_46 = arith.constant 90 : i32
    %scan3A_47 = arith.addi %scan3A_45, %scan3A_46 : i32
    %scan3A_48 = arith.constant 1 : i32
    scf.for %scan3A_57 = %scan3A_45 to %scan3A_47 step %scan3A_48  : i32 {
      %mul3A_58 = arith.constant 2 : i32
      %mul3A_59 = arith.muli %mul3A_58, %scan3A_57 : i32
      %dma_wait3A_60 = arith.constant 0 : i32
      %dma_wait3A_61 = arith.constant 0 : i32
      %dma_wait3A_62 = tpu.memref_slice %arg2[%dma_wait3A_60, %dma_wait3A_61] : memref<10000x128xf32, #tpu.memory_space<hbm>> -> memref<10000x128xf32, #tpu.memory_space<hbm>>
      tpu.wait_indirect_dma semaphore(%arg19 : memref<!tpu.dma_semaphore, #tpu.memory_space<semaphore_mem>>) src(%dma_wait3A_62 : memref<10000x128xf32, #tpu.memory_space<hbm>>) dst(%arg9 : memref<56x128xf32, #tpu.memory_space<vmem>>)
      %dma_wait3A_63 = arith.constant 0 : i32
      %dma_wait3A_64 = arith.constant 0 : i32
      %dma_wait3A_65 = tpu.memref_slice %arg3[%dma_wait3A_63, %dma_wait3A_64] : memref<322560x128xf32, #tpu.memory_space<hbm>> -> memref<56x128xf32, #tpu.memory_space<hbm>>
      %dma_wait3A_66 = arith.constant 0 : i32
      %dma_wait3A_67 = arith.constant 0 : i32
      %dma_wait3A_68 = tpu.memref_slice %arg3[%dma_wait3A_66, %dma_wait3A_67] : memref<322560x128xf32, #tpu.memory_space<hbm>> -> memref<56x128xf32, #tpu.memory_space<hbm>>
      tpu.wait_dma2 semaphore(%arg21 : memref<!tpu.dma_semaphore, #tpu.memory_space<semaphore_mem>>) src(%dma_wait3A_68 : memref<56x128xf32, #tpu.memory_space<hbm>>) dst(%arg11 : memref<56x128xf32, #tpu.memory_space<vmem>>)
      %lt3A = arith.constant 89 : i32
      %lt3A_69 = arith.cmpi slt, %scan3A_57, %lt3A : i32
      %convert_element_type3A = arith.extui %lt3A_69 : i1 to i32
      %cond3A = arith.constant 0 : i32
      %cond3A_70 = arith.cmpi ne, %convert_element_type3A, %cond3A : i32
      scf.if %cond3A_70 {
        %add3A_144 = arith.constant 2 : i32
        %add3A_145 = arith.addi %mul3A_59, %add3A_144 : i32
        %add3A_146 = arith.addi %mul3A_4, %add3A_145 : i32
        %mul3A_147 = arith.constant 56 : i32
        %mul3A_148 = arith.muli %add3A_146, %mul3A_147 : i32
        %dma_start3A_149 = tpu.memref_slice %arg4[%mul3A_148] : memref<322560xi32, #tpu.memory_space<hbm>> -> memref<56xi32, #tpu.memory_space<hbm>>
        %dma_start3A_150 = tpu.memref_slice %arg4[%mul3A_148] : memref<322560xi32, #tpu.memory_space<hbm>> -> memref<56xi32, #tpu.memory_space<hbm>>
        tpu.enqueue_dma source(%dma_start3A_150 : memref<56xi32, #tpu.memory_space<hbm>>) target(%arg15 : memref<56xi32, #tpu.memory_space<vmem>>) target_semaphore(%arg25 : memref<!tpu.dma_semaphore, #tpu.memory_space<semaphore_mem>>)
      } else {
      }
      %gt3A = arith.constant 0 : i32
      %gt3A_71 = arith.cmpi sgt, %scan3A_57, %gt3A : i32
      %convert_element_type3A_72 = arith.extui %gt3A_71 : i1 to i32
      %cond3A_73 = arith.constant 0 : i32
      %cond3A_74 = arith.cmpi ne, %convert_element_type3A_72, %cond3A_73 : i32
      scf.if %cond3A_74 {
        %dma_wait3A_144 = arith.constant 0 : i32
        %dma_wait3A_145 = arith.constant 0 : i32
        %dma_wait3A_146 = tpu.memref_slice %arg8[%dma_wait3A_144, %dma_wait3A_145] : memref<10112x128xf32, #tpu.memory_space<vmem_shared>> -> memref<10112x128xf32, #tpu.memory_space<vmem_shared>>
        tpu.wait_indirect_dma semaphore(%arg23 : memref<!tpu.dma_semaphore, #tpu.memory_space<semaphore_mem>>) src(%arg13 : memref<56x128xf32, #tpu.memory_space<vmem>>) dst(%dma_wait3A_146 : memref<10112x128xf32, #tpu.memory_space<vmem_shared>>)
      } else {
      }
      %add3A_75 = arith.addi %mul3A_4, %mul3A_59 : i32
      %mul3A_76 = arith.constant 56 : i32
      %mul3A_77 = arith.muli %add3A_75, %mul3A_76 : i32
      %dma_start3A_78 = tpu.memref_slice %arg5[%mul3A_77] : memref<322560xi32, #tpu.memory_space<hbm>> -> memref<56xi32, #tpu.memory_space<hbm>>
      %dma_start3A_79 = tpu.memref_slice %arg5[%mul3A_77] : memref<322560xi32, #tpu.memory_space<hbm>> -> memref<56xi32, #tpu.memory_space<hbm>>
      tpu.enqueue_dma source(%dma_start3A_79 : memref<56xi32, #tpu.memory_space<hbm>>) target(%arg17 : memref<56xi32, #tpu.memory_space<vmem>>) target_semaphore(%arg27 : memref<!tpu.dma_semaphore, #tpu.memory_space<semaphore_mem>>)
      %scan3A_80 = arith.constant 0 : i32
      %scan3A_81 = arith.constant 0 : i32
      %scan3A_82 = arith.constant 56 : i32
      %scan3A_83 = arith.addi %scan3A_81, %scan3A_82 : i32
      %scan3A_84 = arith.constant 1 : i32
      scf.for %scan3A_144 = %scan3A_81 to %scan3A_83 step %scan3A_84  : i32 {
        %get3A = arith.index_cast %scan3A_144 : i32 to index
        %get3A_145 = arith.constant 0 : index
        %get3A_146 = tpu.vector_load %arg9[%get3A, %get3A_145] {strides = array<i32>} : memref<56x128xf32, #tpu.memory_space<vmem>>, vector<1x16xf32>,
        %get3A_147 = vector.shape_cast %get3A_146 : vector<1x16xf32> to vector<16xf32>
        %get3A_148 = arith.index_cast %scan3A_144 : i32 to index
        %get3A_149 = arith.constant 0 : index
        %get3A_150 = tpu.vector_load %arg11[%get3A_148, %get3A_149] {strides = array<i32>} : memref<56x128xf32, #tpu.memory_space<vmem>>, vector<1x16xf32>,
        %get3A_151 = vector.shape_cast %get3A_150 : vector<1x16xf32> to vector<16xf32>
        %add3A_152 = arith.addf %get3A_147, %get3A_151 : vector<16xf32>
        %max3A = arith.constant 0.000000e+00 : f32
        %max3A_153 = vector.broadcast %max3A : f32 to vector<16xf32>
        %max3A_154 = arith.maximumf %add3A_152, %max3A_153 : vector<16xf32>
        %swap3A = arith.index_cast %scan3A_144 : i32 to index
        %swap3A_155 = arith.constant 0 : index
        %swap3A_156 = tpu.vector_load %arg13[%swap3A, %swap3A_155] {strides = array<i32>} : memref<56x128xf32, #tpu.memory_space<vmem>>, vector<1x16xf32>,
        %swap3A_157 = vector.shape_cast %swap3A_156 : vector<1x16xf32> to vector<16xf32>
        %swap3A_158 = vector.shape_cast %max3A_154 : vector<16xf32> to vector<1x16xf32>
        tpu.vector_store %arg13[%swap3A, %swap3A_155], %swap3A_158 {strides = array<i32>} : memref<56x128xf32, #tpu.memory_space<vmem>>, vector<1x16xf32>,
        %get3A_159 = arith.index_cast %scan3A_144 : i32 to index
        %get3A_160 = arith.constant 16 : index
        %get3A_161 = tpu.vector_load %arg9[%get3A_159, %get3A_160] {strides = array<i32>} : memref<56x128xf32, #tpu.memory_space<vmem>>, vector<1x16xf32>,
        %get3A_162 = vector.shape_cast %get3A_161 : vector<1x16xf32> to vector<16xf32>
        %get3A_163 = arith.index_cast %scan3A_144 : i32 to index
        %get3A_164 = arith.constant 16 : index
        %get3A_165 = tpu.vector_load %arg11[%get3A_163, %get3A_164] {strides = array<i32>} : memref<56x128xf32, #tpu.memory_space<vmem>>, vector<1x16xf32>,
        %get3A_166 = vector.shape_cast %get3A_165 : vector<1x16xf32> to vector<16xf32>
        %add3A_167 = arith.addf %get3A_162, %get3A_166 : vector<16xf32>
        %max3A_168 = arith.constant 0.000000e+00 : f32
        %max3A_169 = vector.broadcast %max3A_168 : f32 to vector<16xf32>
        %max3A_170 = arith.maximumf %add3A_167, %max3A_169 : vector<16xf32>
        %swap3A_171 = arith.index_cast %scan3A_144 : i32 to index
        %swap3A_172 = arith.constant 16 : index
        %swap3A_173 = tpu.vector_load %arg13[%swap3A_171, %swap3A_172] {strides = array<i32>} : memref<56x128xf32, #tpu.memory_space<vmem>>, vector<1x16xf32>,
        %swap3A_174 = vector.shape_cast %swap3A_173 : vector<1x16xf32> to vector<16xf32>
        %swap3A_175 = vector.shape_cast %max3A_170 : vector<16xf32> to vector<1x16xf32>
        tpu.vector_store %arg13[%swap3A_171, %swap3A_172], %swap3A_175 {strides = array<i32>} : memref<56x128xf32, #tpu.memory_space<vmem>>, vector<1x16xf32>,
        %get3A_176 = arith.index_cast %scan3A_144 : i32 to index
        %get3A_177 = arith.constant 32 : index
        %get3A_178 = tpu.vector_load %arg9[%get3A_176, %get3A_177] {strides = array<i32>} : memref<56x128xf32, #tpu.memory_space<vmem>>, vector<1x16xf32>,
        %get3A_179 = vector.shape_cast %get3A_178 : vector<1x16xf32> to vector<16xf32>
        %get3A_180 = arith.index_cast %scan3A_144 : i32 to index
        %get3A_181 = arith.constant 32 : index
        %get3A_182 = tpu.vector_load %arg11[%get3A_180, %get3A_181] {strides = array<i32>} : memref<56x128xf32, #tpu.memory_space<vmem>>, vector<1x16xf32>,
        %get3A_183 = vector.shape_cast %get3A_182 : vector<1x16xf32> to vector<16xf32>
        %add3A_184 = arith.addf %get3A_179, %get3A_183 : vector<16xf32>
        %max3A_185 = arith.constant 0.000000e+00 : f32
        %max3A_186 = vector.broadcast %max3A_185 : f32 to vector<16xf32>
        %max3A_187 = arith.maximumf %add3A_184, %max3A_186 : vector<16xf32>
        %swap3A_188 = arith.index_cast %scan3A_144 : i32 to index
        %swap3A_189 = arith.constant 32 : index
        %swap3A_190 = tpu.vector_load %arg13[%swap3A_188, %swap3A_189] {strides = array<i32>} : memref<56x128xf32, #tpu.memory_space<vmem>>, vector<1x16xf32>,
        %swap3A_191 = vector.shape_cast %swap3A_190 : vector<1x16xf32> to vector<16xf32>
        %swap3A_192 = vector.shape_cast %max3A_187 : vector<16xf32> to vector<1x16xf32>
        tpu.vector_store %arg13[%swap3A_188, %swap3A_189], %swap3A_192 {strides = array<i32>} : memref<56x128xf32, #tpu.memory_space<vmem>>, vector<1x16xf32>,
        %get3A_193 = arith.index_cast %scan3A_144 : i32 to index
        %get3A_194 = arith.constant 48 : index
        %get3A_195 = tpu.vector_load %arg9[%get3A_193, %get3A_194] {strides = array<i32>} : memref<56x128xf32, #tpu.memory_space<vmem>>, vector<1x16xf32>,
        %get3A_196 = vector.shape_cast %get3A_195 : vector<1x16xf32> to vector<16xf32>
        %get3A_197 = arith.index_cast %scan3A_144 : i32 to index
        %get3A_198 = arith.constant 48 : index
        %get3A_199 = tpu.vector_load %arg11[%get3A_197, %get3A_198] {strides = array<i32>} : memref<56x128xf32, #tpu.memory_space<vmem>>, vector<1x16xf32>,
        %get3A_200 = vector.shape_cast %get3A_199 : vector<1x16xf32> to vector<16xf32>
        %add3A_201 = arith.addf %get3A_196, %get3A_200 : vector<16xf32>
        %max3A_202 = arith.constant 0.000000e+00 : f32
        %max3A_203 = vector.broadcast %max3A_202 : f32 to vector<16xf32>
        %max3A_204 = arith.maximumf %add3A_201, %max3A_203 : vector<16xf32>
        %swap3A_205 = arith.index_cast %scan3A_144 : i32 to index
        %swap3A_206 = arith.constant 48 : index
        %swap3A_207 = tpu.vector_load %arg13[%swap3A_205, %swap3A_206] {strides = array<i32>} : memref<56x128xf32, #tpu.memory_space<vmem>>, vector<1x16xf32>,
        %swap3A_208 = vector.shape_cast %swap3A_207 : vector<1x16xf32> to vector<16xf32>
        %swap3A_209 = vector.shape_cast %max3A_204 : vector<16xf32> to vector<1x16xf32>
        tpu.vector_store %arg13[%swap3A_205, %swap3A_206], %swap3A_209 {strides = array<i32>} : memref<56x128xf32, #tpu.memory_space<vmem>>, vector<1x16xf32>,
        %get3A_210 = arith.index_cast %scan3A_144 : i32 to index
        %get3A_211 = arith.constant 64 : index
        %get3A_212 = tpu.vector_load %arg9[%get3A_210, %get3A_211] {strides = array<i32>} : memref<56x128xf32, #tpu.memory_space<vmem>>, vector<1x16xf32>,
        %get3A_213 = vector.shape_cast %get3A_212 : vector<1x16xf32> to vector<16xf32>
        %get3A_214 = arith.index_cast %scan3A_144 : i32 to index
        %get3A_215 = arith.constant 64 : index
        %get3A_216 = tpu.vector_load %arg11[%get3A_214, %get3A_215] {strides = array<i32>} : memref<56x128xf32, #tpu.memory_space<vmem>>, vector<1x16xf32>,
        %get3A_217 = vector.shape_cast %get3A_216 : vector<1x16xf32> to vector<16xf32>
        %add3A_218 = arith.addf %get3A_213, %get3A_217 : vector<16xf32>
        %max3A_219 = arith.constant 0.000000e+00 : f32
        %max3A_220 = vector.broadcast %max3A_219 : f32 to vector<16xf32>
        %max3A_221 = arith.maximumf %add3A_218, %max3A_220 : vector<16xf32>
        %swap3A_222 = arith.index_cast %scan3A_144 : i32 to index
        %swap3A_223 = arith.constant 64 : index
        %swap3A_224 = tpu.vector_load %arg13[%swap3A_222, %swap3A_223] {strides = array<i32>} : memref<56x128xf32, #tpu.memory_space<vmem>>, vector<1x16xf32>,
        %swap3A_225 = vector.shape_cast %swap3A_224 : vector<1x16xf32> to vector<16xf32>
        %swap3A_226 = vector.shape_cast %max3A_221 : vector<16xf32> to vector<1x16xf32>
        tpu.vector_store %arg13[%swap3A_222, %swap3A_223], %swap3A_226 {strides = array<i32>} : memref<56x128xf32, #tpu.memory_space<vmem>>, vector<1x16xf32>,
        %get3A_227 = arith.index_cast %scan3A_144 : i32 to index
        %get3A_228 = arith.constant 80 : index
        %get3A_229 = tpu.vector_load %arg9[%get3A_227, %get3A_228] {strides = array<i32>} : memref<56x128xf32, #tpu.memory_space<vmem>>, vector<1x16xf32>,
        %get3A_230 = vector.shape_cast %get3A_229 : vector<1x16xf32> to vector<16xf32>
        %get3A_231 = arith.index_cast %scan3A_144 : i32 to index
        %get3A_232 = arith.constant 80 : index
        %get3A_233 = tpu.vector_load %arg11[%get3A_231, %get3A_232] {strides = array<i32>} : memref<56x128xf32, #tpu.memory_space<vmem>>, vector<1x16xf32>,
        %get3A_234 = vector.shape_cast %get3A_233 : vector<1x16xf32> to vector<16xf32>
        %add3A_235 = arith.addf %get3A_230, %get3A_234 : vector<16xf32>
        %max3A_236 = arith.constant 0.000000e+00 : f32
        %max3A_237 = vector.broadcast %max3A_236 : f32 to vector<16xf32>
        %max3A_238 = arith.maximumf %add3A_235, %max3A_237 : vector<16xf32>
        %swap3A_239 = arith.index_cast %scan3A_144 : i32 to index
        %swap3A_240 = arith.constant 80 : index
        %swap3A_241 = tpu.vector_load %arg13[%swap3A_239, %swap3A_240] {strides = array<i32>} : memref<56x128xf32, #tpu.memory_space<vmem>>, vector<1x16xf32>,
        %swap3A_242 = vector.shape_cast %swap3A_241 : vector<1x16xf32> to vector<16xf32>
        %swap3A_243 = vector.shape_cast %max3A_238 : vector<16xf32> to vector<1x16xf32>
        tpu.vector_store %arg13[%swap3A_239, %swap3A_240], %swap3A_243 {strides = array<i32>} : memref<56x128xf32, #tpu.memory_space<vmem>>, vector<1x16xf32>,
        %get3A_244 = arith.index_cast %scan3A_144 : i32 to index
        %get3A_245 = arith.constant 96 : index
        %get3A_246 = tpu.vector_load %arg9[%get3A_244, %get3A_245] {strides = array<i32>} : memref<56x128xf32, #tpu.memory_space<vmem>>, vector<1x16xf32>,
        %get3A_247 = vector.shape_cast %get3A_246 : vector<1x16xf32> to vector<16xf32>
        %get3A_248 = arith.index_cast %scan3A_144 : i32 to index
        %get3A_249 = arith.constant 96 : index
        %get3A_250 = tpu.vector_load %arg11[%get3A_248, %get3A_249] {strides = array<i32>} : memref<56x128xf32, #tpu.memory_space<vmem>>, vector<1x16xf32>,
        %get3A_251 = vector.shape_cast %get3A_250 : vector<1x16xf32> to vector<16xf32>
        %add3A_252 = arith.addf %get3A_247, %get3A_251 : vector<16xf32>
        %max3A_253 = arith.constant 0.000000e+00 : f32
        %max3A_254 = vector.broadcast %max3A_253 : f32 to vector<16xf32>
        %max3A_255 = arith.maximumf %add3A_252, %max3A_254 : vector<16xf32>
        %swap3A_256 = arith.index_cast %scan3A_144 : i32 to index
        %swap3A_257 = arith.constant 96 : index
        %swap3A_258 = tpu.vector_load %arg13[%swap3A_256, %swap3A_257] {strides = array<i32>} : memref<56x128xf32, #tpu.memory_space<vmem>>, vector<1x16xf32>,
        %swap3A_259 = vector.shape_cast %swap3A_258 : vector<1x16xf32> to vector<16xf32>
        %swap3A_260 = vector.shape_cast %max3A_255 : vector<16xf32> to vector<1x16xf32>
        tpu.vector_store %arg13[%swap3A_256, %swap3A_257], %swap3A_260 {strides = array<i32>} : memref<56x128xf32, #tpu.memory_space<vmem>>, vector<1x16xf32>,
        %get3A_261 = arith.index_cast %scan3A_144 : i32 to index
        %get3A_262 = arith.constant 112 : index
        %get3A_263 = tpu.vector_load %arg9[%get3A_261, %get3A_262] {strides = array<i32>} : memref<56x128xf32, #tpu.memory_space<vmem>>, vector<1x16xf32>,
        %get3A_264 = vector.shape_cast %get3A_263 : vector<1x16xf32> to vector<16xf32>
        %get3A_265 = arith.index_cast %scan3A_144 : i32 to index
        %get3A_266 = arith.constant 112 : index
        %get3A_267 = tpu.vector_load %arg11[%get3A_265, %get3A_266] {strides = array<i32>} : memref<56x128xf32, #tpu.memory_space<vmem>>, vector<1x16xf32>,
        %get3A_268 = vector.shape_cast %get3A_267 : vector<1x16xf32> to vector<16xf32>
        %add3A_269 = arith.addf %get3A_264, %get3A_268 : vector<16xf32>
        %max3A_270 = arith.constant 0.000000e+00 : f32
        %max3A_271 = vector.broadcast %max3A_270 : f32 to vector<16xf32>
        %max3A_272 = arith.maximumf %add3A_269, %max3A_271 : vector<16xf32>
        %swap3A_273 = arith.index_cast %scan3A_144 : i32 to index
        %swap3A_274 = arith.constant 112 : index
        %swap3A_275 = tpu.vector_load %arg13[%swap3A_273, %swap3A_274] {strides = array<i32>} : memref<56x128xf32, #tpu.memory_space<vmem>>, vector<1x16xf32>,
        %swap3A_276 = vector.shape_cast %swap3A_275 : vector<1x16xf32> to vector<16xf32>
        %swap3A_277 = vector.shape_cast %max3A_272 : vector<16xf32> to vector<1x16xf32>
        tpu.vector_store %arg13[%swap3A_273, %swap3A_274], %swap3A_277 {strides = array<i32>} : memref<56x128xf32, #tpu.memory_space<vmem>>, vector<1x16xf32>,
      }
      %scan3A_85 = arith.constant 56 : i32
      %dma_wait3A_86 = arith.constant 0 : i32
      %dma_wait3A_87 = tpu.memref_slice %arg5[%dma_wait3A_86] : memref<322560xi32, #tpu.memory_space<hbm>> -> memref<56xi32, #tpu.memory_space<hbm>>
      %dma_wait3A_88 = arith.constant 0 : i32
      %dma_wait3A_89 = tpu.memref_slice %arg5[%dma_wait3A_88] : memref<322560xi32, #tpu.memory_space<hbm>> -> memref<56xi32, #tpu.memory_space<hbm>>
      tpu.wait_dma2 semaphore(%arg27 : memref<!tpu.dma_semaphore, #tpu.memory_space<semaphore_mem>>) src(%dma_wait3A_89 : memref<56xi32, #tpu.memory_space<hbm>>) dst(%arg17 : memref<56xi32, #tpu.memory_space<vmem>>)
      %dma_start3A_90 = arith.constant 0 : i32
      %dma_start3A_91 = arith.constant 0 : i32
      %dma_start3A_92 = tpu.memref_slice %arg8[%dma_start3A_90, %dma_start3A_91] : memref<10112x128xf32, #tpu.memory_space<vmem_shared>> -> memref<10112x128xf32, #tpu.memory_space<vmem_shared>>
      tpu.enqueue_indirect_dma source(%arg13 : memref<56x128xf32, #tpu.memory_space<vmem>>) target(%dma_start3A_92 : memref<10112x128xf32, #tpu.memory_space<vmem_shared>>) offsets(%arg17 : memref<56xi32, #tpu.memory_space<vmem>>) semaphore(%arg23 : memref<!tpu.dma_semaphore, #tpu.memory_space<semaphore_mem>>) {add = true}
      %lt3A_93 = arith.constant 89 : i32
      %lt3A_94 = arith.cmpi slt, %scan3A_57, %lt3A_93 : i32
      %convert_element_type3A_95 = arith.extui %lt3A_94 : i1 to i32
      %cond3A_96 = arith.constant 0 : i32
      %cond3A_97 = arith.cmpi ne, %convert_element_type3A_95, %cond3A_96 : i32
      scf.if %cond3A_97 {
        %dma_wait3A_144 = arith.constant 0 : i32
        %dma_wait3A_145 = tpu.memref_slice %arg4[%dma_wait3A_144] : memref<322560xi32, #tpu.memory_space<hbm>> -> memref<56xi32, #tpu.memory_space<hbm>>
        %dma_wait3A_146 = arith.constant 0 : i32
        %dma_wait3A_147 = tpu.memref_slice %arg4[%dma_wait3A_146] : memref<322560xi32, #tpu.memory_space<hbm>> -> memref<56xi32, #tpu.memory_space<hbm>>
        tpu.wait_dma2 semaphore(%arg25 : memref<!tpu.dma_semaphore, #tpu.memory_space<semaphore_mem>>) src(%dma_wait3A_147 : memref<56xi32, #tpu.memory_space<hbm>>) dst(%arg15 : memref<56xi32, #tpu.memory_space<vmem>>)
        %add3A_148 = arith.constant 2 : i32
        %add3A_149 = arith.addi %mul3A_59, %add3A_148 : i32
        %dma_start3A_150 = arith.constant 0 : i32
        %dma_start3A_151 = arith.constant 0 : i32
        %dma_start3A_152 = tpu.memref_slice %arg2[%dma_start3A_150, %dma_start3A_151] : memref<10000x128xf32, #tpu.memory_space<hbm>> -> memref<10000x128xf32, #tpu.memory_space<hbm>>
        tpu.enqueue_indirect_dma source(%dma_start3A_152 : memref<10000x128xf32, #tpu.memory_space<hbm>>) target(%arg9 : memref<56x128xf32, #tpu.memory_space<vmem>>) offsets(%arg15 : memref<56xi32, #tpu.memory_space<vmem>>) semaphore(%arg19 : memref<!tpu.dma_semaphore, #tpu.memory_space<semaphore_mem>>)
        %add3A_153 = arith.addi %mul3A_4, %add3A_149 : i32
        %mul3A_154 = arith.constant 56 : i32
        %mul3A_155 = arith.muli %add3A_153, %mul3A_154 : i32
        %dma_start3A_156 = arith.constant 0 : i32
        %dma_start3A_157 = tpu.memref_slice %arg3[%mul3A_155, %dma_start3A_156] : memref<322560x128xf32, #tpu.memory_space<hbm>> -> memref<56x128xf32, #tpu.memory_space<hbm>>
        %dma_start3A_158 = arith.constant 0 : i32
        %dma_start3A_159 = tpu.memref_slice %arg3[%mul3A_155, %dma_start3A_158] : memref<322560x128xf32, #tpu.memory_space<hbm>> -> memref<56x128xf32, #tpu.memory_space<hbm>>
        tpu.enqueue_dma source(%dma_start3A_159 : memref<56x128xf32, #tpu.memory_space<hbm>>) target(%arg11 : memref<56x128xf32, #tpu.memory_space<vmem>>) target_semaphore(%arg21 : memref<!tpu.dma_semaphore, #tpu.memory_space<semaphore_mem>>)
      } else {
      }
      %mul3A_98 = arith.constant 2 : i32
      %mul3A_99 = arith.muli %mul3A_98, %scan3A_57 : i32
      %add3A_100 = arith.constant 1 : i32
      %add3A_101 = arith.addi %mul3A_99, %add3A_100 : i32
      %dma_wait3A_102 = arith.constant 0 : i32
      %dma_wait3A_103 = arith.constant 0 : i32
      %dma_wait3A_104 = tpu.memref_slice %arg2[%dma_wait3A_102, %dma_wait3A_103] : memref<10000x128xf32, #tpu.memory_space<hbm>> -> memref<10000x128xf32, #tpu.memory_space<hbm>>
      tpu.wait_indirect_dma semaphore(%arg20 : memref<!tpu.dma_semaphore, #tpu.memory_space<semaphore_mem>>) src(%dma_wait3A_104 : memref<10000x128xf32, #tpu.memory_space<hbm>>) dst(%arg10 : memref<56x128xf32, #tpu.memory_space<vmem>>)
      %dma_wait3A_105 = arith.constant 0 : i32
      %dma_wait3A_106 = arith.constant 0 : i32
      %dma_wait3A_107 = tpu.memref_slice %arg3[%dma_wait3A_105, %dma_wait3A_106] : memref<322560x128xf32, #tpu.memory_space<hbm>> -> memref<56x128xf32, #tpu.memory_space<hbm>>
      %dma_wait3A_108 = arith.constant 0 : i32
      %dma_wait3A_109 = arith.constant 0 : i32
      %dma_wait3A_110 = tpu.memref_slice %arg3[%dma_wait3A_108, %dma_wait3A_109] : memref<322560x128xf32, #tpu.memory_space<hbm>> -> memref<56x128xf32, #tpu.memory_space<hbm>>
      tpu.wait_dma2 semaphore(%arg22 : memref<!tpu.dma_semaphore, #tpu.memory_space<semaphore_mem>>) src(%dma_wait3A_110 : memref<56x128xf32, #tpu.memory_space<hbm>>) dst(%arg12 : memref<56x128xf32, #tpu.memory_space<vmem>>)
      %lt3A_111 = arith.constant 89 : i32
      %lt3A_112 = arith.cmpi slt, %scan3A_57, %lt3A_111 : i32
      %convert_element_type3A_113 = arith.extui %lt3A_112 : i1 to i32
      %cond3A_114 = arith.constant 0 : i32
      %cond3A_115 = arith.cmpi ne, %convert_element_type3A_113, %cond3A_114 : i32
      scf.if %cond3A_115 {
        %add3A_144 = arith.constant 2 : i32
        %add3A_145 = arith.addi %add3A_101, %add3A_144 : i32
        %add3A_146 = arith.addi %mul3A_4, %add3A_145 : i32
        %mul3A_147 = arith.constant 56 : i32
        %mul3A_148 = arith.muli %add3A_146, %mul3A_147 : i32
        %dma_start3A_149 = tpu.memref_slice %arg4[%mul3A_148] : memref<322560xi32, #tpu.memory_space<hbm>> -> memref<56xi32, #tpu.memory_space<hbm>>
        %dma_start3A_150 = tpu.memref_slice %arg4[%mul3A_148] : memref<322560xi32, #tpu.memory_space<hbm>> -> memref<56xi32, #tpu.memory_space<hbm>>
        tpu.enqueue_dma source(%dma_start3A_150 : memref<56xi32, #tpu.memory_space<hbm>>) target(%arg16 : memref<56xi32, #tpu.memory_space<vmem>>) target_semaphore(%arg26 : memref<!tpu.dma_semaphore, #tpu.memory_space<semaphore_mem>>)
      } else {
      }
      %gt3A_116 = arith.constant 0 : i32
      %gt3A_117 = arith.cmpi sgt, %scan3A_57, %gt3A_116 : i32
      %convert_element_type3A_118 = arith.extui %gt3A_117 : i1 to i32
      %cond3A_119 = arith.constant 0 : i32
      %cond3A_120 = arith.cmpi ne, %convert_element_type3A_118, %cond3A_119 : i32
      scf.if %cond3A_120 {
        %dma_wait3A_144 = arith.constant 0 : i32
        %dma_wait3A_145 = arith.constant 0 : i32
        %dma_wait3A_146 = tpu.memref_slice %arg8[%dma_wait3A_144, %dma_wait3A_145] : memref<10112x128xf32, #tpu.memory_space<vmem_shared>> -> memref<10112x128xf32, #tpu.memory_space<vmem_shared>>
        tpu.wait_indirect_dma semaphore(%arg24 : memref<!tpu.dma_semaphore, #tpu.memory_space<semaphore_mem>>) src(%arg14 : memref<56x128xf32, #tpu.memory_space<vmem>>) dst(%dma_wait3A_146 : memref<10112x128xf32, #tpu.memory_space<vmem_shared>>)
      } else {
      }
      %add3A_121 = arith.addi %mul3A_4, %add3A_101 : i32
      %mul3A_122 = arith.constant 56 : i32
      %mul3A_123 = arith.muli %add3A_121, %mul3A_122 : i32
      %dma_start3A_124 = tpu.memref_slice %arg5[%mul3A_123] : memref<322560xi32, #tpu.memory_space<hbm>> -> memref<56xi32, #tpu.memory_space<hbm>>
      %dma_start3A_125 = tpu.memref_slice %arg5[%mul3A_123] : memref<322560xi32, #tpu.memory_space<hbm>> -> memref<56xi32, #tpu.memory_space<hbm>>
      tpu.enqueue_dma source(%dma_start3A_125 : memref<56xi32, #tpu.memory_space<hbm>>) target(%arg18 : memref<56xi32, #tpu.memory_space<vmem>>) target_semaphore(%arg28 : memref<!tpu.dma_semaphore, #tpu.memory_space<semaphore_mem>>)
      %scan3A_126 = arith.constant 0 : i32
      %scan3A_127 = arith.constant 0 : i32
      %scan3A_128 = arith.constant 56 : i32
      %scan3A_129 = arith.addi %scan3A_127, %scan3A_128 : i32
      %scan3A_130 = arith.constant 1 : i32
      scf.for %scan3A_144 = %scan3A_127 to %scan3A_129 step %scan3A_130  : i32 {
        %get3A = arith.index_cast %scan3A_144 : i32 to index
        %get3A_145 = arith.constant 0 : index
        %get3A_146 = tpu.vector_load %arg10[%get3A, %get3A_145] {strides = array<i32>} : memref<56x128xf32, #tpu.memory_space<vmem>>, vector<1x16xf32>,
        %get3A_147 = vector.shape_cast %get3A_146 : vector<1x16xf32> to vector<16xf32>
        %get3A_148 = arith.index_cast %scan3A_144 : i32 to index
        %get3A_149 = arith.constant 0 : index
        %get3A_150 = tpu.vector_load %arg12[%get3A_148, %get3A_149] {strides = array<i32>} : memref<56x128xf32, #tpu.memory_space<vmem>>, vector<1x16xf32>,
        %get3A_151 = vector.shape_cast %get3A_150 : vector<1x16xf32> to vector<16xf32>
        %add3A_152 = arith.addf %get3A_147, %get3A_151 : vector<16xf32>
        %max3A = arith.constant 0.000000e+00 : f32
        %max3A_153 = vector.broadcast %max3A : f32 to vector<16xf32>
        %max3A_154 = arith.maximumf %add3A_152, %max3A_153 : vector<16xf32>
        %swap3A = arith.index_cast %scan3A_144 : i32 to index
        %swap3A_155 = arith.constant 0 : index
        %swap3A_156 = tpu.vector_load %arg14[%swap3A, %swap3A_155] {strides = array<i32>} : memref<56x128xf32, #tpu.memory_space<vmem>>, vector<1x16xf32>,
        %swap3A_157 = vector.shape_cast %swap3A_156 : vector<1x16xf32> to vector<16xf32>
        %swap3A_158 = vector.shape_cast %max3A_154 : vector<16xf32> to vector<1x16xf32>
        tpu.vector_store %arg14[%swap3A, %swap3A_155], %swap3A_158 {strides = array<i32>} : memref<56x128xf32, #tpu.memory_space<vmem>>, vector<1x16xf32>,
        %get3A_159 = arith.index_cast %scan3A_144 : i32 to index
        %get3A_160 = arith.constant 16 : index
        %get3A_161 = tpu.vector_load %arg10[%get3A_159, %get3A_160] {strides = array<i32>} : memref<56x128xf32, #tpu.memory_space<vmem>>, vector<1x16xf32>,
        %get3A_162 = vector.shape_cast %get3A_161 : vector<1x16xf32> to vector<16xf32>
        %get3A_163 = arith.index_cast %scan3A_144 : i32 to index
        %get3A_164 = arith.constant 16 : index
        %get3A_165 = tpu.vector_load %arg12[%get3A_163, %get3A_164] {strides = array<i32>} : memref<56x128xf32, #tpu.memory_space<vmem>>, vector<1x16xf32>,
        %get3A_166 = vector.shape_cast %get3A_165 : vector<1x16xf32> to vector<16xf32>
        %add3A_167 = arith.addf %get3A_162, %get3A_166 : vector<16xf32>
        %max3A_168 = arith.constant 0.000000e+00 : f32
        %max3A_169 = vector.broadcast %max3A_168 : f32 to vector<16xf32>
        %max3A_170 = arith.maximumf %add3A_167, %max3A_169 : vector<16xf32>
        %swap3A_171 = arith.index_cast %scan3A_144 : i32 to index
        %swap3A_172 = arith.constant 16 : index
        %swap3A_173 = tpu.vector_load %arg14[%swap3A_171, %swap3A_172] {strides = array<i32>} : memref<56x128xf32, #tpu.memory_space<vmem>>, vector<1x16xf32>,
        %swap3A_174 = vector.shape_cast %swap3A_173 : vector<1x16xf32> to vector<16xf32>
        %swap3A_175 = vector.shape_cast %max3A_170 : vector<16xf32> to vector<1x16xf32>
        tpu.vector_store %arg14[%swap3A_171, %swap3A_172], %swap3A_175 {strides = array<i32>} : memref<56x128xf32, #tpu.memory_space<vmem>>, vector<1x16xf32>,
        %get3A_176 = arith.index_cast %scan3A_144 : i32 to index
        %get3A_177 = arith.constant 32 : index
        %get3A_178 = tpu.vector_load %arg10[%get3A_176, %get3A_177] {strides = array<i32>} : memref<56x128xf32, #tpu.memory_space<vmem>>, vector<1x16xf32>,
        %get3A_179 = vector.shape_cast %get3A_178 : vector<1x16xf32> to vector<16xf32>
        %get3A_180 = arith.index_cast %scan3A_144 : i32 to index
        %get3A_181 = arith.constant 32 : index
        %get3A_182 = tpu.vector_load %arg12[%get3A_180, %get3A_181] {strides = array<i32>} : memref<56x128xf32, #tpu.memory_space<vmem>>, vector<1x16xf32>,
        %get3A_183 = vector.shape_cast %get3A_182 : vector<1x16xf32> to vector<16xf32>
        %add3A_184 = arith.addf %get3A_179, %get3A_183 : vector<16xf32>
        %max3A_185 = arith.constant 0.000000e+00 : f32
        %max3A_186 = vector.broadcast %max3A_185 : f32 to vector<16xf32>
        %max3A_187 = arith.maximumf %add3A_184, %max3A_186 : vector<16xf32>
        %swap3A_188 = arith.index_cast %scan3A_144 : i32 to index
        %swap3A_189 = arith.constant 32 : index
        %swap3A_190 = tpu.vector_load %arg14[%swap3A_188, %swap3A_189] {strides = array<i32>} : memref<56x128xf32, #tpu.memory_space<vmem>>, vector<1x16xf32>,
        %swap3A_191 = vector.shape_cast %swap3A_190 : vector<1x16xf32> to vector<16xf32>
        %swap3A_192 = vector.shape_cast %max3A_187 : vector<16xf32> to vector<1x16xf32>
        tpu.vector_store %arg14[%swap3A_188, %swap3A_189], %swap3A_192 {strides = array<i32>} : memref<56x128xf32, #tpu.memory_space<vmem>>, vector<1x16xf32>,
        %get3A_193 = arith.index_cast %scan3A_144 : i32 to index
        %get3A_194 = arith.constant 48 : index
        %get3A_195 = tpu.vector_load %arg10[%get3A_193, %get3A_194] {strides = array<i32>} : memref<56x128xf32, #tpu.memory_space<vmem>>, vector<1x16xf32>,
        %get3A_196 = vector.shape_cast %get3A_195 : vector<1x16xf32> to vector<16xf32>
        %get3A_197 = arith.index_cast %scan3A_144 : i32 to index
        %get3A_198 = arith.constant 48 : index
        %get3A_199 = tpu.vector_load %arg12[%get3A_197, %get3A_198] {strides = array<i32>} : memref<56x128xf32, #tpu.memory_space<vmem>>, vector<1x16xf32>,
        %get3A_200 = vector.shape_cast %get3A_199 : vector<1x16xf32> to vector<16xf32>
        %add3A_201 = arith.addf %get3A_196, %get3A_200 : vector<16xf32>
        %max3A_202 = arith.constant 0.000000e+00 : f32
        %max3A_203 = vector.broadcast %max3A_202 : f32 to vector<16xf32>
        %max3A_204 = arith.maximumf %add3A_201, %max3A_203 : vector<16xf32>
        %swap3A_205 = arith.index_cast %scan3A_144 : i32 to index
        %swap3A_206 = arith.constant 48 : index
        %swap3A_207 = tpu.vector_load %arg14[%swap3A_205, %swap3A_206] {strides = array<i32>} : memref<56x128xf32, #tpu.memory_space<vmem>>, vector<1x16xf32>,
        %swap3A_208 = vector.shape_cast %swap3A_207 : vector<1x16xf32> to vector<16xf32>
        %swap3A_209 = vector.shape_cast %max3A_204 : vector<16xf32> to vector<1x16xf32>
        tpu.vector_store %arg14[%swap3A_205, %swap3A_206], %swap3A_209 {strides = array<i32>} : memref<56x128xf32, #tpu.memory_space<vmem>>, vector<1x16xf32>,
        %get3A_210 = arith.index_cast %scan3A_144 : i32 to index
        %get3A_211 = arith.constant 64 : index
        %get3A_212 = tpu.vector_load %arg10[%get3A_210, %get3A_211] {strides = array<i32>} : memref<56x128xf32, #tpu.memory_space<vmem>>, vector<1x16xf32>,
        %get3A_213 = vector.shape_cast %get3A_212 : vector<1x16xf32> to vector<16xf32>
        %get3A_214 = arith.index_cast %scan3A_144 : i32 to index
        %get3A_215 = arith.constant 64 : index
        %get3A_216 = tpu.vector_load %arg12[%get3A_214, %get3A_215] {strides = array<i32>} : memref<56x128xf32, #tpu.memory_space<vmem>>, vector<1x16xf32>,
        %get3A_217 = vector.shape_cast %get3A_216 : vector<1x16xf32> to vector<16xf32>
        %add3A_218 = arith.addf %get3A_213, %get3A_217 : vector<16xf32>
        %max3A_219 = arith.constant 0.000000e+00 : f32
        %max3A_220 = vector.broadcast %max3A_219 : f32 to vector<16xf32>
        %max3A_221 = arith.maximumf %add3A_218, %max3A_220 : vector<16xf32>
        %swap3A_222 = arith.index_cast %scan3A_144 : i32 to index
        %swap3A_223 = arith.constant 64 : index
        %swap3A_224 = tpu.vector_load %arg14[%swap3A_222, %swap3A_223] {strides = array<i32>} : memref<56x128xf32, #tpu.memory_space<vmem>>, vector<1x16xf32>,
        %swap3A_225 = vector.shape_cast %swap3A_224 : vector<1x16xf32> to vector<16xf32>
        %swap3A_226 = vector.shape_cast %max3A_221 : vector<16xf32> to vector<1x16xf32>
        tpu.vector_store %arg14[%swap3A_222, %swap3A_223], %swap3A_226 {strides = array<i32>} : memref<56x128xf32, #tpu.memory_space<vmem>>, vector<1x16xf32>,
        %get3A_227 = arith.index_cast %scan3A_144 : i32 to index
        %get3A_228 = arith.constant 80 : index
        %get3A_229 = tpu.vector_load %arg10[%get3A_227, %get3A_228] {strides = array<i32>} : memref<56x128xf32, #tpu.memory_space<vmem>>, vector<1x16xf32>,
        %get3A_230 = vector.shape_cast %get3A_229 : vector<1x16xf32> to vector<16xf32>
        %get3A_231 = arith.index_cast %scan3A_144 : i32 to index
        %get3A_232 = arith.constant 80 : index
        %get3A_233 = tpu.vector_load %arg12[%get3A_231, %get3A_232] {strides = array<i32>} : memref<56x128xf32, #tpu.memory_space<vmem>>, vector<1x16xf32>,
        %get3A_234 = vector.shape_cast %get3A_233 : vector<1x16xf32> to vector<16xf32>
        %add3A_235 = arith.addf %get3A_230, %get3A_234 : vector<16xf32>
        %max3A_236 = arith.constant 0.000000e+00 : f32
        %max3A_237 = vector.broadcast %max3A_236 : f32 to vector<16xf32>
        %max3A_238 = arith.maximumf %add3A_235, %max3A_237 : vector<16xf32>
        %swap3A_239 = arith.index_cast %scan3A_144 : i32 to index
        %swap3A_240 = arith.constant 80 : index
        %swap3A_241 = tpu.vector_load %arg14[%swap3A_239, %swap3A_240] {strides = array<i32>} : memref<56x128xf32, #tpu.memory_space<vmem>>, vector<1x16xf32>,
        %swap3A_242 = vector.shape_cast %swap3A_241 : vector<1x16xf32> to vector<16xf32>
        %swap3A_243 = vector.shape_cast %max3A_238 : vector<16xf32> to vector<1x16xf32>
        tpu.vector_store %arg14[%swap3A_239, %swap3A_240], %swap3A_243 {strides = array<i32>} : memref<56x128xf32, #tpu.memory_space<vmem>>, vector<1x16xf32>,
        %get3A_244 = arith.index_cast %scan3A_144 : i32 to index
        %get3A_245 = arith.constant 96 : index
        %get3A_246 = tpu.vector_load %arg10[%get3A_244, %get3A_245] {strides = array<i32>} : memref<56x128xf32, #tpu.memory_space<vmem>>, vector<1x16xf32>,
        %get3A_247 = vector.shape_cast %get3A_246 : vector<1x16xf32> to vector<16xf32>
        %get3A_248 = arith.index_cast %scan3A_144 : i32 to index
        %get3A_249 = arith.constant 96 : index
        %get3A_250 = tpu.vector_load %arg12[%get3A_248, %get3A_249] {strides = array<i32>} : memref<56x128xf32, #tpu.memory_space<vmem>>, vector<1x16xf32>,
        %get3A_251 = vector.shape_cast %get3A_250 : vector<1x16xf32> to vector<16xf32>
        %add3A_252 = arith.addf %get3A_247, %get3A_251 : vector<16xf32>
        %max3A_253 = arith.constant 0.000000e+00 : f32
        %max3A_254 = vector.broadcast %max3A_253 : f32 to vector<16xf32>
        %max3A_255 = arith.maximumf %add3A_252, %max3A_254 : vector<16xf32>
        %swap3A_256 = arith.index_cast %scan3A_144 : i32 to index
        %swap3A_257 = arith.constant 96 : index
        %swap3A_258 = tpu.vector_load %arg14[%swap3A_256, %swap3A_257] {strides = array<i32>} : memref<56x128xf32, #tpu.memory_space<vmem>>, vector<1x16xf32>,
        %swap3A_259 = vector.shape_cast %swap3A_258 : vector<1x16xf32> to vector<16xf32>
        %swap3A_260 = vector.shape_cast %max3A_255 : vector<16xf32> to vector<1x16xf32>
        tpu.vector_store %arg14[%swap3A_256, %swap3A_257], %swap3A_260 {strides = array<i32>} : memref<56x128xf32, #tpu.memory_space<vmem>>, vector<1x16xf32>,
        %get3A_261 = arith.index_cast %scan3A_144 : i32 to index
        %get3A_262 = arith.constant 112 : index
        %get3A_263 = tpu.vector_load %arg10[%get3A_261, %get3A_262] {strides = array<i32>} : memref<56x128xf32, #tpu.memory_space<vmem>>, vector<1x16xf32>,
        %get3A_264 = vector.shape_cast %get3A_263 : vector<1x16xf32> to vector<16xf32>
        %get3A_265 = arith.index_cast %scan3A_144 : i32 to index
        %get3A_266 = arith.constant 112 : index
        %get3A_267 = tpu.vector_load %arg12[%get3A_265, %get3A_266] {strides = array<i32>} : memref<56x128xf32, #tpu.memory_space<vmem>>, vector<1x16xf32>,
        %get3A_268 = vector.shape_cast %get3A_267 : vector<1x16xf32> to vector<16xf32>
        %add3A_269 = arith.addf %get3A_264, %get3A_268 : vector<16xf32>
        %max3A_270 = arith.constant 0.000000e+00 : f32
        %max3A_271 = vector.broadcast %max3A_270 : f32 to vector<16xf32>
        %max3A_272 = arith.maximumf %add3A_269, %max3A_271 : vector<16xf32>
        %swap3A_273 = arith.index_cast %scan3A_144 : i32 to index
        %swap3A_274 = arith.constant 112 : index
        %swap3A_275 = tpu.vector_load %arg14[%swap3A_273, %swap3A_274] {strides = array<i32>} : memref<56x128xf32, #tpu.memory_space<vmem>>, vector<1x16xf32>,
        %swap3A_276 = vector.shape_cast %swap3A_275 : vector<1x16xf32> to vector<16xf32>
        %swap3A_277 = vector.shape_cast %max3A_272 : vector<16xf32> to vector<1x16xf32>
        tpu.vector_store %arg14[%swap3A_273, %swap3A_274], %swap3A_277 {strides = array<i32>} : memref<56x128xf32, #tpu.memory_space<vmem>>, vector<1x16xf32>,
      }
      %scan3A_131 = arith.constant 56 : i32
      %dma_wait3A_132 = arith.constant 0 : i32
      %dma_wait3A_133 = tpu.memref_slice %arg5[%dma_wait3A_132] : memref<322560xi32, #tpu.memory_space<hbm>> -> memref<56xi32, #tpu.memory_space<hbm>>
      %dma_wait3A_134 = arith.constant 0 : i32
      %dma_wait3A_135 = tpu.memref_slice %arg5[%dma_wait3A_134] : memref<322560xi32, #tpu.memory_space<hbm>> -> memref<56xi32, #tpu.memory_space<hbm>>
      tpu.wait_dma2 semaphore(%arg28 : memref<!tpu.dma_semaphore, #tpu.memory_space<semaphore_mem>>) src(%dma_wait3A_135 : memref<56xi32, #tpu.memory_space<hbm>>) dst(%arg18 : memref<56xi32, #tpu.memory_space<vmem>>)
      %dma_start3A_136 = arith.constant 0 : i32
      %dma_start3A_137 = arith.constant 0 : i32
      %dma_start3A_138 = tpu.memref_slice %arg8[%dma_start3A_136, %dma_start3A_137] : memref<10112x128xf32, #tpu.memory_space<vmem_shared>> -> memref<10112x128xf32, #tpu.memory_space<vmem_shared>>
      tpu.enqueue_indirect_dma source(%arg14 : memref<56x128xf32, #tpu.memory_space<vmem>>) target(%dma_start3A_138 : memref<10112x128xf32, #tpu.memory_space<vmem_shared>>) offsets(%arg18 : memref<56xi32, #tpu.memory_space<vmem>>) semaphore(%arg24 : memref<!tpu.dma_semaphore, #tpu.memory_space<semaphore_mem>>) {add = true}
      %lt3A_139 = arith.constant 89 : i32
      %lt3A_140 = arith.cmpi slt, %scan3A_57, %lt3A_139 : i32
      %convert_element_type3A_141 = arith.extui %lt3A_140 : i1 to i32
      %cond3A_142 = arith.constant 0 : i32
      %cond3A_143 = arith.cmpi ne, %convert_element_type3A_141, %cond3A_142 : i32
      scf.if %cond3A_143 {
        %dma_wait3A_144 = arith.constant 0 : i32
        %dma_wait3A_145 = tpu.memref_slice %arg4[%dma_wait3A_144] : memref<322560xi32, #tpu.memory_space<hbm>> -> memref<56xi32, #tpu.memory_space<hbm>>
        %dma_wait3A_146 = arith.constant 0 : i32
        %dma_wait3A_147 = tpu.memref_slice %arg4[%dma_wait3A_146] : memref<322560xi32, #tpu.memory_space<hbm>> -> memref<56xi32, #tpu.memory_space<hbm>>
        tpu.wait_dma2 semaphore(%arg26 : memref<!tpu.dma_semaphore, #tpu.memory_space<semaphore_mem>>) src(%dma_wait3A_147 : memref<56xi32, #tpu.memory_space<hbm>>) dst(%arg16 : memref<56xi32, #tpu.memory_space<vmem>>)
        %add3A_148 = arith.constant 2 : i32
        %add3A_149 = arith.addi %add3A_101, %add3A_148 : i32
        %dma_start3A_150 = arith.constant 0 : i32
        %dma_start3A_151 = arith.constant 0 : i32
        %dma_start3A_152 = tpu.memref_slice %arg2[%dma_start3A_150, %dma_start3A_151] : memref<10000x128xf32, #tpu.memory_space<hbm>> -> memref<10000x128xf32, #tpu.memory_space<hbm>>
        tpu.enqueue_indirect_dma source(%dma_start3A_152 : memref<10000x128xf32, #tpu.memory_space<hbm>>) target(%arg10 : memref<56x128xf32, #tpu.memory_space<vmem>>) offsets(%arg16 : memref<56xi32, #tpu.memory_space<vmem>>) semaphore(%arg20 : memref<!tpu.dma_semaphore, #tpu.memory_space<semaphore_mem>>)
        %add3A_153 = arith.addi %mul3A_4, %add3A_149 : i32
        %mul3A_154 = arith.constant 56 : i32
        %mul3A_155 = arith.muli %add3A_153, %mul3A_154 : i32
        %dma_start3A_156 = arith.constant 0 : i32
        %dma_start3A_157 = tpu.memref_slice %arg3[%mul3A_155, %dma_start3A_156] : memref<322560x128xf32, #tpu.memory_space<hbm>> -> memref<56x128xf32, #tpu.memory_space<hbm>>
        %dma_start3A_158 = arith.constant 0 : i32
        %dma_start3A_159 = tpu.memref_slice %arg3[%mul3A_155, %dma_start3A_158] : memref<322560x128xf32, #tpu.memory_space<hbm>> -> memref<56x128xf32, #tpu.memory_space<hbm>>
        tpu.enqueue_dma source(%dma_start3A_159 : memref<56x128xf32, #tpu.memory_space<hbm>>) target(%arg12 : memref<56x128xf32, #tpu.memory_space<vmem>>) target_semaphore(%arg22 : memref<!tpu.dma_semaphore, #tpu.memory_space<semaphore_mem>>)
      } else {
      }
    }
    %scan3A_49 = arith.constant 90 : i32
    %dma_wait3A_50 = arith.constant 0 : i32
    %dma_wait3A_51 = arith.constant 0 : i32
    %dma_wait3A_52 = tpu.memref_slice %arg8[%dma_wait3A_50, %dma_wait3A_51] : memref<10112x128xf32, #tpu.memory_space<vmem_shared>> -> memref<10112x128xf32, #tpu.memory_space<vmem_shared>>
    tpu.wait_indirect_dma semaphore(%arg23 : memref<!tpu.dma_semaphore, #tpu.memory_space<semaphore_mem>>) src(%arg13 : memref<56x128xf32, #tpu.memory_space<vmem>>) dst(%dma_wait3A_52 : memref<10112x128xf32, #tpu.memory_space<vmem_shared>>)
    %dma_wait3A_53 = arith.constant 0 : i32
    %dma_wait3A_54 = arith.constant 0 : i32
    %dma_wait3A_55 = tpu.memref_slice %arg8[%dma_wait3A_53, %dma_wait3A_54] : memref<10112x128xf32, #tpu.memory_space<vmem_shared>> -> memref<10112x128xf32, #tpu.memory_space<vmem_shared>>
    tpu.wait_indirect_dma semaphore(%arg24 : memref<!tpu.dma_semaphore, #tpu.memory_space<semaphore_mem>>) src(%arg14 : memref<56x128xf32, #tpu.memory_space<vmem>>) dst(%dma_wait3A_55 : memref<10112x128xf32, #tpu.memory_space<vmem_shared>>)
    %barrier3A_56 = arith.constant 0 : index
    tpu.barrier barrier_id(%barrier3A_56)
    "tpu.region"() ({
      %run_scoped3A = tpu.sem_alloc : memref<!tpu.dma_semaphore, #tpu.memory_space<semaphore_mem>>
      %dma_start3A_57 = arith.constant 0 : i32
      %dma_start3A_58 = tpu.memref_slice %arg7[%arg0, %mul3A_2, %dma_start3A_57] : memref<2x10112x128xf32, #tpu.memory_space<hbm>> -> memref<1x632x128xf32, #tpu.memory_space<hbm>>
      %dma_start3A_59 = tpu.memref_squeeze %dma_start3A_58 : memref<1x632x128xf32, #tpu.memory_space<hbm>> -> memref<632x128xf32, #tpu.memory_space<hbm>>
      %dma_start3A_60 = arith.constant 0 : i32
      %dma_start3A_61 = tpu.memref_slice %arg8[%mul3A_2, %dma_start3A_60] : memref<10112x128xf32, #tpu.memory_space<vmem_shared>> -> memref<632x128xf32, #tpu.memory_space<vmem_shared>>
      tpu.enqueue_dma source(%dma_start3A_61 : memref<632x128xf32, #tpu.memory_space<vmem_shared>>) target(%dma_start3A_59 : memref<632x128xf32, #tpu.memory_space<hbm>>) target_semaphore(%run_scoped3A : memref<!tpu.dma_semaphore, #tpu.memory_space<semaphore_mem>>)
      %dma_wait3A_62 = arith.constant 0 : i32
      %dma_wait3A_63 = tpu.memref_slice %arg7[%arg0, %mul3A_2, %dma_wait3A_62] : memref<2x10112x128xf32, #tpu.memory_space<hbm>> -> memref<1x632x128xf32, #tpu.memory_space<hbm>>
      %dma_wait3A_64 = tpu.memref_squeeze %dma_wait3A_63 : memref<1x632x128xf32, #tpu.memory_space<hbm>> -> memref<632x128xf32, #tpu.memory_space<hbm>>
      %dma_wait3A_65 = arith.constant 0 : i32
      %dma_wait3A_66 = tpu.memref_slice %arg8[%mul3A_2, %dma_wait3A_65] : memref<10112x128xf32, #tpu.memory_space<vmem_shared>> -> memref<632x128xf32, #tpu.memory_space<vmem_shared>>
      tpu.wait_dma2 semaphore(%run_scoped3A : memref<!tpu.dma_semaphore, #tpu.memory_space<semaphore_mem>>) src(%dma_wait3A_66 : memref<632x128xf32, #tpu.memory_space<vmem_shared>>) dst(%dma_wait3A_64 : memref<632x128xf32, #tpu.memory_space<hbm>>)
      tpu.yield
    }) : () -> ()
    return
  }
}

#map = affine_map<(d0, d1) -> (0, 0)>
#map1 = affine_map<(d0, d1) -> (0)>
#map2 = affine_map<(d0, d1) -> (0, 0, 0)>
module attributes {stable_mosaic.version = 14 : i64} {
  func.func @agg(%arg0: i32, %arg1: i32, %arg2: memref<10000x128xf32, #tpu.memory_space<hbm>>, %arg3: memref<322560x128xf32, #tpu.memory_space<hbm>>, %arg4: memref<322560xi32, #tpu.memory_space<hbm>>, %arg5: memref<322560xi32, #tpu.memory_space<hbm>>, %arg6: memref<10112x128xf32, #tpu.memory_space<hbm>>, %arg7: memref<2x10112x128xf32, #tpu.memory_space<hbm>>, %arg8: memref<10112x128xf32, #tpu.memory_space<vmem_shared>>, %arg9: memref<56x128xf32, #tpu.memory_space<vmem>>, %arg10: memref<56x128xf32, #tpu.memory_space<vmem>>, %arg11: memref<56x128xf32, #tpu.memory_space<vmem>>, %arg12: memref<56x128xf32, #tpu.memory_space<vmem>>, %arg13: memref<56x128xf32, #tpu.memory_space<vmem>>, %arg14: memref<56x128xf32, #tpu.memory_space<vmem>>, %arg15: memref<56xi32, #tpu.memory_space<vmem>>, %arg16: memref<56xi32, #tpu.memory_space<vmem>>, %arg17: memref<56xi32, #tpu.memory_space<vmem>>, %arg18: memref<56xi32, #tpu.memory_space<vmem>>, %arg19: memref<!tpu.dma_semaphore, #tpu.memory_space<semaphore_mem>>, %arg20: memref<!tpu.dma_semaphore, #tpu.memory_space<semaphore_mem>>, %arg21: memref<!tpu.dma_semaphore, #tpu.memory_space<semaphore_mem>>, %arg22: memref<!tpu.dma_semaphore, #tpu.memory_space<semaphore_mem>>, %arg23: memref<!tpu.dma_semaphore, #tpu.memory_space<semaphore_mem>>, %arg24: memref<!tpu.dma_semaphore, #tpu.memory_space<semaphore_mem>>, %arg25: memref<!tpu.dma_semaphore, #tpu.memory_space<semaphore_mem>>, %arg26: memref<!tpu.dma_semaphore, #tpu.memory_space<semaphore_mem>>, %arg27: memref<!tpu.dma_semaphore, #tpu.memory_space<semaphore_mem>>, %arg28: memref<!tpu.dma_semaphore, #tpu.memory_space<semaphore_mem>>) attributes {dimension_semantics = [#tpu.dimension_semantics<core_parallel>, #tpu.dimension_semantics<subcore_parallel>], iteration_bounds = array<i64: 2, 16>, scalar_prefetch = 0 : i64, scratch_operands = 21 : i64, tpu.core_type = #tpu.core_type<sc_vector_subcore>, window_params = [{transform_indices = #map}, {transform_indices = #map}, {transform_indices = #map1}, {transform_indices = #map1}, {transform_indices = #map}, {transform_indices = #map2}]} {
    %mul3A = arith.constant 16 : i32
    %mul3A_0 = arith.muli %arg0, %mul3A : i32
    %add3A = arith.addi %mul3A_0, %arg1 : i32
    %mul3A_1 = arith.constant 632 : i32
    %mul3A_2 = arith.muli %arg1, %mul3A_1 : i32
    %mul3A_3 = arith.constant 180 : i32
    %mul3A_4 = arith.muli %add3A, %mul3A_3 : i32
    "tpu.region"() ({
      %run_scoped3A = tpu.sem_alloc : memref<!tpu.dma_semaphore, #tpu.memory_space<semaphore_mem>>
      %dma_start3A_57 = arith.constant 0 : i32
      %dma_start3A_58 = tpu.memref_slice %arg8[%mul3A_2, %dma_start3A_57] : memref<10112x128xf32, #tpu.memory_space<vmem_shared>> -> memref<632x128xf32, #tpu.memory_space<vmem_shared>>
      %dma_start3A_59 = arith.constant 0 : i32
      %dma_start3A_60 = tpu.memref_slice %arg6[%mul3A_2, %dma_start3A_59] : memref<10112x128xf32, #tpu.memory_space<hbm>> -> memref<632x128xf32, #tpu.memory_space<hbm>>
      tpu.enqueue_dma source(%dma_start3A_60 : memref<632x128xf32, #tpu.memory_space<hbm>>) target(%dma_start3A_58 : memref<632x128xf32, #tpu.memory_space<vmem_shared>>) target_semaphore(%run_scoped3A : memref<!tpu.dma_semaphore, #tpu.memory_space<semaphore_mem>>)
      %dma_wait3A_61 = arith.constant 0 : i32
      %dma_wait3A_62 = tpu.memref_slice %arg8[%mul3A_2, %dma_wait3A_61] : memref<10112x128xf32, #tpu.memory_space<vmem_shared>> -> memref<632x128xf32, #tpu.memory_space<vmem_shared>>
      %dma_wait3A_63 = arith.constant 0 : i32
      %dma_wait3A_64 = tpu.memref_slice %arg6[%mul3A_2, %dma_wait3A_63] : memref<10112x128xf32, #tpu.memory_space<hbm>> -> memref<632x128xf32, #tpu.memory_space<hbm>>
      tpu.wait_dma2 semaphore(%run_scoped3A : memref<!tpu.dma_semaphore, #tpu.memory_space<semaphore_mem>>) src(%dma_wait3A_64 : memref<632x128xf32, #tpu.memory_space<hbm>>) dst(%dma_wait3A_62 : memref<632x128xf32, #tpu.memory_space<vmem_shared>>)
      tpu.yield
    }) : () -> ()
    %barrier3A = arith.constant 0 : index
    tpu.barrier barrier_id(%barrier3A)
    %add3A_5 = arith.constant 0 : i32
    %add3A_6 = arith.addi %mul3A_4, %add3A_5 : i32
    %mul3A_7 = arith.constant 56 : i32
    %mul3A_8 = arith.muli %add3A_6, %mul3A_7 : i32
    %dma_start3A = tpu.memref_slice %arg4[%mul3A_8] : memref<322560xi32, #tpu.memory_space<hbm>> -> memref<56xi32, #tpu.memory_space<hbm>>
    %dma_start3A_9 = tpu.memref_slice %arg4[%mul3A_8] : memref<322560xi32, #tpu.memory_space<hbm>> -> memref<56xi32, #tpu.memory_space<hbm>>
    tpu.enqueue_dma source(%dma_start3A_9 : memref<56xi32, #tpu.memory_space<hbm>>) target(%arg15 : memref<56xi32, #tpu.memory_space<vmem>>) target_semaphore(%arg25 : memref<!tpu.dma_semaphore, #tpu.memory_space<semaphore_mem>>)
    %add3A_10 = arith.constant 1 : i32
    %add3A_11 = arith.addi %mul3A_4, %add3A_10 : i32
    %mul3A_12 = arith.constant 56 : i32
    %mul3A_13 = arith.muli %add3A_11, %mul3A_12 : i32
    %dma_start3A_14 = tpu.memref_slice %arg4[%mul3A_13] : memref<322560xi32, #tpu.memory_space<hbm>> -> memref<56xi32, #tpu.memory_space<hbm>>
    %dma_start3A_15 = tpu.memref_slice %arg4[%mul3A_13] : memref<322560xi32, #tpu.memory_space<hbm>> -> memref<56xi32, #tpu.memory_space<hbm>>
    tpu.enqueue_dma source(%dma_start3A_15 : memref<56xi32, #tpu.memory_space<hbm>>) target(%arg16 : memref<56xi32, #tpu.memory_space<vmem>>) target_semaphore(%arg26 : memref<!tpu.dma_semaphore, #tpu.memory_space<semaphore_mem>>)
    %dma_wait3A = arith.constant 0 : i32
    %dma_wait3A_16 = tpu.memref_slice %arg4[%dma_wait3A] : memref<322560xi32, #tpu.memory_space<hbm>> -> memref<56xi32, #tpu.memory_space<hbm>>
    %dma_wait3A_17 = arith.constant 0 : i32
    %dma_wait3A_18 = tpu.memref_slice %arg4[%dma_wait3A_17] : memref<322560xi32, #tpu.memory_space<hbm>> -> memref<56xi32, #tpu.memory_space<hbm>>
    tpu.wait_dma2 semaphore(%arg25 : memref<!tpu.dma_semaphore, #tpu.memory_space<semaphore_mem>>) src(%dma_wait3A_18 : memref<56xi32, #tpu.memory_space<hbm>>) dst(%arg15 : memref<56xi32, #tpu.memory_space<vmem>>)
    %dma_start3A_19 = arith.constant 0 : i32
    %dma_start3A_20 = arith.constant 0 : i32
    %dma_start3A_21 = tpu.memref_slice %arg2[%dma_start3A_19, %dma_start3A_20] : memref<10000x128xf32, #tpu.memory_space<hbm>> -> memref<10000x128xf32, #tpu.memory_space<hbm>>
    tpu.enqueue_indirect_dma source(%dma_start3A_21 : memref<10000x128xf32, #tpu.memory_space<hbm>>) target(%arg9 : memref<56x128xf32, #tpu.memory_space<vmem>>) offsets(%arg15 : memref<56xi32, #tpu.memory_space<vmem>>) semaphore(%arg19 : memref<!tpu.dma_semaphore, #tpu.memory_space<semaphore_mem>>)
    %add3A_22 = arith.constant 0 : i32
    %add3A_23 = arith.addi %mul3A_4, %add3A_22 : i32
    %mul3A_24 = arith.constant 56 : i32
    %mul3A_25 = arith.muli %add3A_23, %mul3A_24 : i32
    %dma_start3A_26 = arith.constant 0 : i32
    %dma_start3A_27 = tpu.memref_slice %arg3[%mul3A_25, %dma_start3A_26] : memref<322560x128xf32, #tpu.memory_space<hbm>> -> memref<56x128xf32, #tpu.memory_space<hbm>>
    %dma_start3A_28 = arith.constant 0 : i32
    %dma_start3A_29 = tpu.memref_slice %arg3[%mul3A_25, %dma_start3A_28] : memref<322560x128xf32, #tpu.memory_space<hbm>> -> memref<56x128xf32, #tpu.memory_space<hbm>>
    tpu.enqueue_dma source(%dma_start3A_29 : memref<56x128xf32, #tpu.memory_space<hbm>>) target(%arg11 : memref<56x128xf32, #tpu.memory_space<vmem>>) target_semaphore(%arg21 : memref<!tpu.dma_semaphore, #tpu.memory_space<semaphore_mem>>)
    %dma_wait3A_30 = arith.constant 0 : i32
    %dma_wait3A_31 = tpu.memref_slice %arg4[%dma_wait3A_30] : memref<322560xi32, #tpu.memory_space<hbm>> -> memref<56xi32, #tpu.memory_space<hbm>>
    %dma_wait3A_32 = arith.constant 0 : i32
    %dma_wait3A_33 = tpu.memref_slice %arg4[%dma_wait3A_32] : memref<322560xi32, #tpu.memory_space<hbm>> -> memref<56xi32, #tpu.memory_space<hbm>>
    tpu.wait_dma2 semaphore(%arg26 : memref<!tpu.dma_semaphore, #tpu.memory_space<semaphore_mem>>) src(%dma_wait3A_33 : memref<56xi32, #tpu.memory_space<hbm>>) dst(%arg16 : memref<56xi32, #tpu.memory_space<vmem>>)
    %dma_start3A_34 = arith.constant 0 : i32
    %dma_start3A_35 = arith.constant 0 : i32
    %dma_start3A_36 = tpu.memref_slice %arg2[%dma_start3A_34, %dma_start3A_35] : memref<10000x128xf32, #tpu.memory_space<hbm>> -> memref<10000x128xf32, #tpu.memory_space<hbm>>
    tpu.enqueue_indirect_dma source(%dma_start3A_36 : memref<10000x128xf32, #tpu.memory_space<hbm>>) target(%arg10 : memref<56x128xf32, #tpu.memory_space<vmem>>) offsets(%arg16 : memref<56xi32, #tpu.memory_space<vmem>>) semaphore(%arg20 : memref<!tpu.dma_semaphore, #tpu.memory_space<semaphore_mem>>)
    %add3A_37 = arith.constant 1 : i32
    %add3A_38 = arith.addi %mul3A_4, %add3A_37 : i32
    %mul3A_39 = arith.constant 56 : i32
    %mul3A_40 = arith.muli %add3A_38, %mul3A_39 : i32
    %dma_start3A_41 = arith.constant 0 : i32
    %dma_start3A_42 = tpu.memref_slice %arg3[%mul3A_40, %dma_start3A_41] : memref<322560x128xf32, #tpu.memory_space<hbm>> -> memref<56x128xf32, #tpu.memory_space<hbm>>
    %dma_start3A_43 = arith.constant 0 : i32
    %dma_start3A_44 = tpu.memref_slice %arg3[%mul3A_40, %dma_start3A_43] : memref<322560x128xf32, #tpu.memory_space<hbm>> -> memref<56x128xf32, #tpu.memory_space<hbm>>
    tpu.enqueue_dma source(%dma_start3A_44 : memref<56x128xf32, #tpu.memory_space<hbm>>) target(%arg12 : memref<56x128xf32, #tpu.memory_space<vmem>>) target_semaphore(%arg22 : memref<!tpu.dma_semaphore, #tpu.memory_space<semaphore_mem>>)
    %scan3A = arith.constant 0 : i32
    %scan3A_45 = arith.constant 0 : i32
    %scan3A_46 = arith.constant 90 : i32
    %scan3A_47 = arith.addi %scan3A_45, %scan3A_46 : i32
    %scan3A_48 = arith.constant 1 : i32
    scf.for %scan3A_57 = %scan3A_45 to %scan3A_47 step %scan3A_48  : i32 {
      %mul3A_58 = arith.constant 2 : i32
      %mul3A_59 = arith.muli %mul3A_58, %scan3A_57 : i32
      %dma_wait3A_60 = arith.constant 0 : i32
      %dma_wait3A_61 = arith.constant 0 : i32
      %dma_wait3A_62 = tpu.memref_slice %arg2[%dma_wait3A_60, %dma_wait3A_61] : memref<10000x128xf32, #tpu.memory_space<hbm>> -> memref<10000x128xf32, #tpu.memory_space<hbm>>
      tpu.wait_indirect_dma semaphore(%arg19 : memref<!tpu.dma_semaphore, #tpu.memory_space<semaphore_mem>>) src(%dma_wait3A_62 : memref<10000x128xf32, #tpu.memory_space<hbm>>) dst(%arg9 : memref<56x128xf32, #tpu.memory_space<vmem>>)
      %dma_wait3A_63 = arith.constant 0 : i32
      %dma_wait3A_64 = arith.constant 0 : i32
      %dma_wait3A_65 = tpu.memref_slice %arg3[%dma_wait3A_63, %dma_wait3A_64] : memref<322560x128xf32, #tpu.memory_space<hbm>> -> memref<56x128xf32, #tpu.memory_space<hbm>>
      %dma_wait3A_66 = arith.constant 0 : i32
      %dma_wait3A_67 = arith.constant 0 : i32
      %dma_wait3A_68 = tpu.memref_slice %arg3[%dma_wait3A_66, %dma_wait3A_67] : memref<322560x128xf32, #tpu.memory_space<hbm>> -> memref<56x128xf32, #tpu.memory_space<hbm>>
      tpu.wait_dma2 semaphore(%arg21 : memref<!tpu.dma_semaphore, #tpu.memory_space<semaphore_mem>>) src(%dma_wait3A_68 : memref<56x128xf32, #tpu.memory_space<hbm>>) dst(%arg11 : memref<56x128xf32, #tpu.memory_space<vmem>>)
      %lt3A = arith.constant 89 : i32
      %lt3A_69 = arith.cmpi slt, %scan3A_57, %lt3A : i32
      %convert_element_type3A = arith.extui %lt3A_69 : i1 to i32
      %cond3A = arith.constant 0 : i32
      %cond3A_70 = arith.cmpi ne, %convert_element_type3A, %cond3A : i32
      scf.if %cond3A_70 {
        %add3A_144 = arith.constant 2 : i32
        %add3A_145 = arith.addi %mul3A_59, %add3A_144 : i32
        %add3A_146 = arith.addi %mul3A_4, %add3A_145 : i32
        %mul3A_147 = arith.constant 56 : i32
        %mul3A_148 = arith.muli %add3A_146, %mul3A_147 : i32
        %dma_start3A_149 = tpu.memref_slice %arg4[%mul3A_148] : memref<322560xi32, #tpu.memory_space<hbm>> -> memref<56xi32, #tpu.memory_space<hbm>>
        %dma_start3A_150 = tpu.memref_slice %arg4[%mul3A_148] : memref<322560xi32, #tpu.memory_space<hbm>> -> memref<56xi32, #tpu.memory_space<hbm>>
        tpu.enqueue_dma source(%dma_start3A_150 : memref<56xi32, #tpu.memory_space<hbm>>) target(%arg15 : memref<56xi32, #tpu.memory_space<vmem>>) target_semaphore(%arg25 : memref<!tpu.dma_semaphore, #tpu.memory_space<semaphore_mem>>)
      } else {
      }
      %gt3A = arith.constant 0 : i32
      %gt3A_71 = arith.cmpi sgt, %scan3A_57, %gt3A : i32
      %convert_element_type3A_72 = arith.extui %gt3A_71 : i1 to i32
      %cond3A_73 = arith.constant 0 : i32
      %cond3A_74 = arith.cmpi ne, %convert_element_type3A_72, %cond3A_73 : i32
      scf.if %cond3A_74 {
        %dma_wait3A_144 = arith.constant 0 : i32
        %dma_wait3A_145 = arith.constant 0 : i32
        %dma_wait3A_146 = tpu.memref_slice %arg8[%dma_wait3A_144, %dma_wait3A_145] : memref<10112x128xf32, #tpu.memory_space<vmem_shared>> -> memref<10112x128xf32, #tpu.memory_space<vmem_shared>>
        tpu.wait_indirect_dma semaphore(%arg23 : memref<!tpu.dma_semaphore, #tpu.memory_space<semaphore_mem>>) src(%arg13 : memref<56x128xf32, #tpu.memory_space<vmem>>) dst(%dma_wait3A_146 : memref<10112x128xf32, #tpu.memory_space<vmem_shared>>)
      } else {
      }
      %add3A_75 = arith.addi %mul3A_4, %mul3A_59 : i32
      %mul3A_76 = arith.constant 56 : i32
      %mul3A_77 = arith.muli %add3A_75, %mul3A_76 : i32
      %dma_start3A_78 = tpu.memref_slice %arg5[%mul3A_77] : memref<322560xi32, #tpu.memory_space<hbm>> -> memref<56xi32, #tpu.memory_space<hbm>>
      %dma_start3A_79 = tpu.memref_slice %arg5[%mul3A_77] : memref<322560xi32, #tpu.memory_space<hbm>> -> memref<56xi32, #tpu.memory_space<hbm>>
      tpu.enqueue_dma source(%dma_start3A_79 : memref<56xi32, #tpu.memory_space<hbm>>) target(%arg17 : memref<56xi32, #tpu.memory_space<vmem>>) target_semaphore(%arg27 : memref<!tpu.dma_semaphore, #tpu.memory_space<semaphore_mem>>)
      %scan3A_80 = arith.constant 0 : i32
      %scan3A_81 = arith.constant 0 : i32
      %scan3A_82 = arith.constant 56 : i32
      %scan3A_83 = arith.addi %scan3A_81, %scan3A_82 : i32
      %scan3A_84 = arith.constant 1 : i32
      scf.for %scan3A_144 = %scan3A_81 to %scan3A_83 step %scan3A_84  : i32 {
        %get3A = arith.index_cast %scan3A_144 : i32 to index
        %get3A_145 = arith.constant 0 : index
        %get3A_146 = tpu.vector_load %arg9[%get3A, %get3A_145] {strides = array<i32>} : memref<56x128xf32, #tpu.memory_space<vmem>>, vector<1x16xf32>,
        %get3A_147 = vector.shape_cast %get3A_146 : vector<1x16xf32> to vector<16xf32>
        %get3A_148 = arith.index_cast %scan3A_144 : i32 to index
        %get3A_149 = arith.constant 0 : index
        %get3A_150 = tpu.vector_load %arg11[%get3A_148, %get3A_149] {strides = array<i32>} : memref<56x128xf32, #tpu.memory_space<vmem>>, vector<1x16xf32>,
        %get3A_151 = vector.shape_cast %get3A_150 : vector<1x16xf32> to vector<16xf32>
        %add3A_152 = arith.addf %get3A_147, %get3A_151 : vector<16xf32>
        %max3A = arith.constant 0.000000e+00 : f32
        %max3A_153 = vector.broadcast %max3A : f32 to vector<16xf32>
        %max3A_154 = arith.maximumf %add3A_152, %max3A_153 : vector<16xf32>
        %swap3A = arith.index_cast %scan3A_144 : i32 to index
        %swap3A_155 = arith.constant 0 : index
        %swap3A_156 = tpu.vector_load %arg13[%swap3A, %swap3A_155] {strides = array<i32>} : memref<56x128xf32, #tpu.memory_space<vmem>>, vector<1x16xf32>,
        %swap3A_157 = vector.shape_cast %swap3A_156 : vector<1x16xf32> to vector<16xf32>
        %swap3A_158 = vector.shape_cast %max3A_154 : vector<16xf32> to vector<1x16xf32>
        tpu.vector_store %arg13[%swap3A, %swap3A_155], %swap3A_158 {strides = array<i32>} : memref<56x128xf32, #tpu.memory_space<vmem>>, vector<1x16xf32>,
        %get3A_159 = arith.index_cast %scan3A_144 : i32 to index
        %get3A_160 = arith.constant 16 : index
        %get3A_161 = tpu.vector_load %arg9[%get3A_159, %get3A_160] {strides = array<i32>} : memref<56x128xf32, #tpu.memory_space<vmem>>, vector<1x16xf32>,
        %get3A_162 = vector.shape_cast %get3A_161 : vector<1x16xf32> to vector<16xf32>
        %get3A_163 = arith.index_cast %scan3A_144 : i32 to index
        %get3A_164 = arith.constant 16 : index
        %get3A_165 = tpu.vector_load %arg11[%get3A_163, %get3A_164] {strides = array<i32>} : memref<56x128xf32, #tpu.memory_space<vmem>>, vector<1x16xf32>,
        %get3A_166 = vector.shape_cast %get3A_165 : vector<1x16xf32> to vector<16xf32>
        %add3A_167 = arith.addf %get3A_162, %get3A_166 : vector<16xf32>
        %max3A_168 = arith.constant 0.000000e+00 : f32
        %max3A_169 = vector.broadcast %max3A_168 : f32 to vector<16xf32>
        %max3A_170 = arith.maximumf %add3A_167, %max3A_169 : vector<16xf32>
        %swap3A_171 = arith.index_cast %scan3A_144 : i32 to index
        %swap3A_172 = arith.constant 16 : index
        %swap3A_173 = tpu.vector_load %arg13[%swap3A_171, %swap3A_172] {strides = array<i32>} : memref<56x128xf32, #tpu.memory_space<vmem>>, vector<1x16xf32>,
        %swap3A_174 = vector.shape_cast %swap3A_173 : vector<1x16xf32> to vector<16xf32>
        %swap3A_175 = vector.shape_cast %max3A_170 : vector<16xf32> to vector<1x16xf32>
        tpu.vector_store %arg13[%swap3A_171, %swap3A_172], %swap3A_175 {strides = array<i32>} : memref<56x128xf32, #tpu.memory_space<vmem>>, vector<1x16xf32>,
        %get3A_176 = arith.index_cast %scan3A_144 : i32 to index
        %get3A_177 = arith.constant 32 : index
        %get3A_178 = tpu.vector_load %arg9[%get3A_176, %get3A_177] {strides = array<i32>} : memref<56x128xf32, #tpu.memory_space<vmem>>, vector<1x16xf32>,
        %get3A_179 = vector.shape_cast %get3A_178 : vector<1x16xf32> to vector<16xf32>
        %get3A_180 = arith.index_cast %scan3A_144 : i32 to index
        %get3A_181 = arith.constant 32 : index
        %get3A_182 = tpu.vector_load %arg11[%get3A_180, %get3A_181] {strides = array<i32>} : memref<56x128xf32, #tpu.memory_space<vmem>>, vector<1x16xf32>,
        %get3A_183 = vector.shape_cast %get3A_182 : vector<1x16xf32> to vector<16xf32>
        %add3A_184 = arith.addf %get3A_179, %get3A_183 : vector<16xf32>
        %max3A_185 = arith.constant 0.000000e+00 : f32
        %max3A_186 = vector.broadcast %max3A_185 : f32 to vector<16xf32>
        %max3A_187 = arith.maximumf %add3A_184, %max3A_186 : vector<16xf32>
        %swap3A_188 = arith.index_cast %scan3A_144 : i32 to index
        %swap3A_189 = arith.constant 32 : index
        %swap3A_190 = tpu.vector_load %arg13[%swap3A_188, %swap3A_189] {strides = array<i32>} : memref<56x128xf32, #tpu.memory_space<vmem>>, vector<1x16xf32>,
        %swap3A_191 = vector.shape_cast %swap3A_190 : vector<1x16xf32> to vector<16xf32>
        %swap3A_192 = vector.shape_cast %max3A_187 : vector<16xf32> to vector<1x16xf32>
        tpu.vector_store %arg13[%swap3A_188, %swap3A_189], %swap3A_192 {strides = array<i32>} : memref<56x128xf32, #tpu.memory_space<vmem>>, vector<1x16xf32>,
        %get3A_193 = arith.index_cast %scan3A_144 : i32 to index
        %get3A_194 = arith.constant 48 : index
        %get3A_195 = tpu.vector_load %arg9[%get3A_193, %get3A_194] {strides = array<i32>} : memref<56x128xf32, #tpu.memory_space<vmem>>, vector<1x16xf32>,
        %get3A_196 = vector.shape_cast %get3A_195 : vector<1x16xf32> to vector<16xf32>
        %get3A_197 = arith.index_cast %scan3A_144 : i32 to index
        %get3A_198 = arith.constant 48 : index
        %get3A_199 = tpu.vector_load %arg11[%get3A_197, %get3A_198] {strides = array<i32>} : memref<56x128xf32, #tpu.memory_space<vmem>>, vector<1x16xf32>,
        %get3A_200 = vector.shape_cast %get3A_199 : vector<1x16xf32> to vector<16xf32>
        %add3A_201 = arith.addf %get3A_196, %get3A_200 : vector<16xf32>
        %max3A_202 = arith.constant 0.000000e+00 : f32
        %max3A_203 = vector.broadcast %max3A_202 : f32 to vector<16xf32>
        %max3A_204 = arith.maximumf %add3A_201, %max3A_203 : vector<16xf32>
        %swap3A_205 = arith.index_cast %scan3A_144 : i32 to index
        %swap3A_206 = arith.constant 48 : index
        %swap3A_207 = tpu.vector_load %arg13[%swap3A_205, %swap3A_206] {strides = array<i32>} : memref<56x128xf32, #tpu.memory_space<vmem>>, vector<1x16xf32>,
        %swap3A_208 = vector.shape_cast %swap3A_207 : vector<1x16xf32> to vector<16xf32>
        %swap3A_209 = vector.shape_cast %max3A_204 : vector<16xf32> to vector<1x16xf32>
        tpu.vector_store %arg13[%swap3A_205, %swap3A_206], %swap3A_209 {strides = array<i32>} : memref<56x128xf32, #tpu.memory_space<vmem>>, vector<1x16xf32>,
        %get3A_210 = arith.index_cast %scan3A_144 : i32 to index
        %get3A_211 = arith.constant 64 : index
        %get3A_212 = tpu.vector_load %arg9[%get3A_210, %get3A_211] {strides = array<i32>} : memref<56x128xf32, #tpu.memory_space<vmem>>, vector<1x16xf32>,
        %get3A_213 = vector.shape_cast %get3A_212 : vector<1x16xf32> to vector<16xf32>
        %get3A_214 = arith.index_cast %scan3A_144 : i32 to index
        %get3A_215 = arith.constant 64 : index
        %get3A_216 = tpu.vector_load %arg11[%get3A_214, %get3A_215] {strides = array<i32>} : memref<56x128xf32, #tpu.memory_space<vmem>>, vector<1x16xf32>,
        %get3A_217 = vector.shape_cast %get3A_216 : vector<1x16xf32> to vector<16xf32>
        %add3A_218 = arith.addf %get3A_213, %get3A_217 : vector<16xf32>
        %max3A_219 = arith.constant 0.000000e+00 : f32
        %max3A_220 = vector.broadcast %max3A_219 : f32 to vector<16xf32>
        %max3A_221 = arith.maximumf %add3A_218, %max3A_220 : vector<16xf32>
        %swap3A_222 = arith.index_cast %scan3A_144 : i32 to index
        %swap3A_223 = arith.constant 64 : index
        %swap3A_224 = tpu.vector_load %arg13[%swap3A_222, %swap3A_223] {strides = array<i32>} : memref<56x128xf32, #tpu.memory_space<vmem>>, vector<1x16xf32>,
        %swap3A_225 = vector.shape_cast %swap3A_224 : vector<1x16xf32> to vector<16xf32>
        %swap3A_226 = vector.shape_cast %max3A_221 : vector<16xf32> to vector<1x16xf32>
        tpu.vector_store %arg13[%swap3A_222, %swap3A_223], %swap3A_226 {strides = array<i32>} : memref<56x128xf32, #tpu.memory_space<vmem>>, vector<1x16xf32>,
        %get3A_227 = arith.index_cast %scan3A_144 : i32 to index
        %get3A_228 = arith.constant 80 : index
        %get3A_229 = tpu.vector_load %arg9[%get3A_227, %get3A_228] {strides = array<i32>} : memref<56x128xf32, #tpu.memory_space<vmem>>, vector<1x16xf32>,
        %get3A_230 = vector.shape_cast %get3A_229 : vector<1x16xf32> to vector<16xf32>
        %get3A_231 = arith.index_cast %scan3A_144 : i32 to index
        %get3A_232 = arith.constant 80 : index
        %get3A_233 = tpu.vector_load %arg11[%get3A_231, %get3A_232] {strides = array<i32>} : memref<56x128xf32, #tpu.memory_space<vmem>>, vector<1x16xf32>,
        %get3A_234 = vector.shape_cast %get3A_233 : vector<1x16xf32> to vector<16xf32>
        %add3A_235 = arith.addf %get3A_230, %get3A_234 : vector<16xf32>
        %max3A_236 = arith.constant 0.000000e+00 : f32
        %max3A_237 = vector.broadcast %max3A_236 : f32 to vector<16xf32>
        %max3A_238 = arith.maximumf %add3A_235, %max3A_237 : vector<16xf32>
        %swap3A_239 = arith.index_cast %scan3A_144 : i32 to index
        %swap3A_240 = arith.constant 80 : index
        %swap3A_241 = tpu.vector_load %arg13[%swap3A_239, %swap3A_240] {strides = array<i32>} : memref<56x128xf32, #tpu.memory_space<vmem>>, vector<1x16xf32>,
        %swap3A_242 = vector.shape_cast %swap3A_241 : vector<1x16xf32> to vector<16xf32>
        %swap3A_243 = vector.shape_cast %max3A_238 : vector<16xf32> to vector<1x16xf32>
        tpu.vector_store %arg13[%swap3A_239, %swap3A_240], %swap3A_243 {strides = array<i32>} : memref<56x128xf32, #tpu.memory_space<vmem>>, vector<1x16xf32>,
        %get3A_244 = arith.index_cast %scan3A_144 : i32 to index
        %get3A_245 = arith.constant 96 : index
        %get3A_246 = tpu.vector_load %arg9[%get3A_244, %get3A_245] {strides = array<i32>} : memref<56x128xf32, #tpu.memory_space<vmem>>, vector<1x16xf32>,
        %get3A_247 = vector.shape_cast %get3A_246 : vector<1x16xf32> to vector<16xf32>
        %get3A_248 = arith.index_cast %scan3A_144 : i32 to index
        %get3A_249 = arith.constant 96 : index
        %get3A_250 = tpu.vector_load %arg11[%get3A_248, %get3A_249] {strides = array<i32>} : memref<56x128xf32, #tpu.memory_space<vmem>>, vector<1x16xf32>,
        %get3A_251 = vector.shape_cast %get3A_250 : vector<1x16xf32> to vector<16xf32>
        %add3A_252 = arith.addf %get3A_247, %get3A_251 : vector<16xf32>
        %max3A_253 = arith.constant 0.000000e+00 : f32
        %max3A_254 = vector.broadcast %max3A_253 : f32 to vector<16xf32>
        %max3A_255 = arith.maximumf %add3A_252, %max3A_254 : vector<16xf32>
        %swap3A_256 = arith.index_cast %scan3A_144 : i32 to index
        %swap3A_257 = arith.constant 96 : index
        %swap3A_258 = tpu.vector_load %arg13[%swap3A_256, %swap3A_257] {strides = array<i32>} : memref<56x128xf32, #tpu.memory_space<vmem>>, vector<1x16xf32>,
        %swap3A_259 = vector.shape_cast %swap3A_258 : vector<1x16xf32> to vector<16xf32>
        %swap3A_260 = vector.shape_cast %max3A_255 : vector<16xf32> to vector<1x16xf32>
        tpu.vector_store %arg13[%swap3A_256, %swap3A_257], %swap3A_260 {strides = array<i32>} : memref<56x128xf32, #tpu.memory_space<vmem>>, vector<1x16xf32>,
        %get3A_261 = arith.index_cast %scan3A_144 : i32 to index
        %get3A_262 = arith.constant 112 : index
        %get3A_263 = tpu.vector_load %arg9[%get3A_261, %get3A_262] {strides = array<i32>} : memref<56x128xf32, #tpu.memory_space<vmem>>, vector<1x16xf32>,
        %get3A_264 = vector.shape_cast %get3A_263 : vector<1x16xf32> to vector<16xf32>
        %get3A_265 = arith.index_cast %scan3A_144 : i32 to index
        %get3A_266 = arith.constant 112 : index
        %get3A_267 = tpu.vector_load %arg11[%get3A_265, %get3A_266] {strides = array<i32>} : memref<56x128xf32, #tpu.memory_space<vmem>>, vector<1x16xf32>,
        %get3A_268 = vector.shape_cast %get3A_267 : vector<1x16xf32> to vector<16xf32>
        %add3A_269 = arith.addf %get3A_264, %get3A_268 : vector<16xf32>
        %max3A_270 = arith.constant 0.000000e+00 : f32
        %max3A_271 = vector.broadcast %max3A_270 : f32 to vector<16xf32>
        %max3A_272 = arith.maximumf %add3A_269, %max3A_271 : vector<16xf32>
        %swap3A_273 = arith.index_cast %scan3A_144 : i32 to index
        %swap3A_274 = arith.constant 112 : index
        %swap3A_275 = tpu.vector_load %arg13[%swap3A_273, %swap3A_274] {strides = array<i32>} : memref<56x128xf32, #tpu.memory_space<vmem>>, vector<1x16xf32>,
        %swap3A_276 = vector.shape_cast %swap3A_275 : vector<1x16xf32> to vector<16xf32>
        %swap3A_277 = vector.shape_cast %max3A_272 : vector<16xf32> to vector<1x16xf32>
        tpu.vector_store %arg13[%swap3A_273, %swap3A_274], %swap3A_277 {strides = array<i32>} : memref<56x128xf32, #tpu.memory_space<vmem>>, vector<1x16xf32>,
      }
      %scan3A_85 = arith.constant 56 : i32
      %dma_wait3A_86 = arith.constant 0 : i32
      %dma_wait3A_87 = tpu.memref_slice %arg5[%dma_wait3A_86] : memref<322560xi32, #tpu.memory_space<hbm>> -> memref<56xi32, #tpu.memory_space<hbm>>
      %dma_wait3A_88 = arith.constant 0 : i32
      %dma_wait3A_89 = tpu.memref_slice %arg5[%dma_wait3A_88] : memref<322560xi32, #tpu.memory_space<hbm>> -> memref<56xi32, #tpu.memory_space<hbm>>
      tpu.wait_dma2 semaphore(%arg27 : memref<!tpu.dma_semaphore, #tpu.memory_space<semaphore_mem>>) src(%dma_wait3A_89 : memref<56xi32, #tpu.memory_space<hbm>>) dst(%arg17 : memref<56xi32, #tpu.memory_space<vmem>>)
      %dma_start3A_90 = arith.constant 0 : i32
      %dma_start3A_91 = arith.constant 0 : i32
      %dma_start3A_92 = tpu.memref_slice %arg8[%dma_start3A_90, %dma_start3A_91] : memref<10112x128xf32, #tpu.memory_space<vmem_shared>> -> memref<10112x128xf32, #tpu.memory_space<vmem_shared>>
      tpu.enqueue_indirect_dma source(%arg13 : memref<56x128xf32, #tpu.memory_space<vmem>>) target(%dma_start3A_92 : memref<10112x128xf32, #tpu.memory_space<vmem_shared>>) offsets(%arg17 : memref<56xi32, #tpu.memory_space<vmem>>) semaphore(%arg23 : memref<!tpu.dma_semaphore, #tpu.memory_space<semaphore_mem>>) {add = true}
      %lt3A_93 = arith.constant 89 : i32
      %lt3A_94 = arith.cmpi slt, %scan3A_57, %lt3A_93 : i32
      %convert_element_type3A_95 = arith.extui %lt3A_94 : i1 to i32
      %cond3A_96 = arith.constant 0 : i32
      %cond3A_97 = arith.cmpi ne, %convert_element_type3A_95, %cond3A_96 : i32
      scf.if %cond3A_97 {
        %dma_wait3A_144 = arith.constant 0 : i32
        %dma_wait3A_145 = tpu.memref_slice %arg4[%dma_wait3A_144] : memref<322560xi32, #tpu.memory_space<hbm>> -> memref<56xi32, #tpu.memory_space<hbm>>
        %dma_wait3A_146 = arith.constant 0 : i32
        %dma_wait3A_147 = tpu.memref_slice %arg4[%dma_wait3A_146] : memref<322560xi32, #tpu.memory_space<hbm>> -> memref<56xi32, #tpu.memory_space<hbm>>
        tpu.wait_dma2 semaphore(%arg25 : memref<!tpu.dma_semaphore, #tpu.memory_space<semaphore_mem>>) src(%dma_wait3A_147 : memref<56xi32, #tpu.memory_space<hbm>>) dst(%arg15 : memref<56xi32, #tpu.memory_space<vmem>>)
        %add3A_148 = arith.constant 2 : i32
        %add3A_149 = arith.addi %mul3A_59, %add3A_148 : i32
        %dma_start3A_150 = arith.constant 0 : i32
        %dma_start3A_151 = arith.constant 0 : i32
        %dma_start3A_152 = tpu.memref_slice %arg2[%dma_start3A_150, %dma_start3A_151] : memref<10000x128xf32, #tpu.memory_space<hbm>> -> memref<10000x128xf32, #tpu.memory_space<hbm>>
        tpu.enqueue_indirect_dma source(%dma_start3A_152 : memref<10000x128xf32, #tpu.memory_space<hbm>>) target(%arg9 : memref<56x128xf32, #tpu.memory_space<vmem>>) offsets(%arg15 : memref<56xi32, #tpu.memory_space<vmem>>) semaphore(%arg19 : memref<!tpu.dma_semaphore, #tpu.memory_space<semaphore_mem>>)
        %add3A_153 = arith.addi %mul3A_4, %add3A_149 : i32
        %mul3A_154 = arith.constant 56 : i32
        %mul3A_155 = arith.muli %add3A_153, %mul3A_154 : i32
        %dma_start3A_156 = arith.constant 0 : i32
        %dma_start3A_157 = tpu.memref_slice %arg3[%mul3A_155, %dma_start3A_156] : memref<322560x128xf32, #tpu.memory_space<hbm>> -> memref<56x128xf32, #tpu.memory_space<hbm>>
        %dma_start3A_158 = arith.constant 0 : i32
        %dma_start3A_159 = tpu.memref_slice %arg3[%mul3A_155, %dma_start3A_158] : memref<322560x128xf32, #tpu.memory_space<hbm>> -> memref<56x128xf32, #tpu.memory_space<hbm>>
        tpu.enqueue_dma source(%dma_start3A_159 : memref<56x128xf32, #tpu.memory_space<hbm>>) target(%arg11 : memref<56x128xf32, #tpu.memory_space<vmem>>) target_semaphore(%arg21 : memref<!tpu.dma_semaphore, #tpu.memory_space<semaphore_mem>>)
      } else {
      }
      %mul3A_98 = arith.constant 2 : i32
      %mul3A_99 = arith.muli %mul3A_98, %scan3A_57 : i32
      %add3A_100 = arith.constant 1 : i32
      %add3A_101 = arith.addi %mul3A_99, %add3A_100 : i32
      %dma_wait3A_102 = arith.constant 0 : i32
      %dma_wait3A_103 = arith.constant 0 : i32
      %dma_wait3A_104 = tpu.memref_slice %arg2[%dma_wait3A_102, %dma_wait3A_103] : memref<10000x128xf32, #tpu.memory_space<hbm>> -> memref<10000x128xf32, #tpu.memory_space<hbm>>
      tpu.wait_indirect_dma semaphore(%arg20 : memref<!tpu.dma_semaphore, #tpu.memory_space<semaphore_mem>>) src(%dma_wait3A_104 : memref<10000x128xf32, #tpu.memory_space<hbm>>) dst(%arg10 : memref<56x128xf32, #tpu.memory_space<vmem>>)
      %dma_wait3A_105 = arith.constant 0 : i32
      %dma_wait3A_106 = arith.constant 0 : i32
      %dma_wait3A_107 = tpu.memref_slice %arg3[%dma_wait3A_105, %dma_wait3A_106] : memref<322560x128xf32, #tpu.memory_space<hbm>> -> memref<56x128xf32, #tpu.memory_space<hbm>>
      %dma_wait3A_108 = arith.constant 0 : i32
      %dma_wait3A_109 = arith.constant 0 : i32
      %dma_wait3A_110 = tpu.memref_slice %arg3[%dma_wait3A_108, %dma_wait3A_109] : memref<322560x128xf32, #tpu.memory_space<hbm>> -> memref<56x128xf32, #tpu.memory_space<hbm>>
      tpu.wait_dma2 semaphore(%arg22 : memref<!tpu.dma_semaphore, #tpu.memory_space<semaphore_mem>>) src(%dma_wait3A_110 : memref<56x128xf32, #tpu.memory_space<hbm>>) dst(%arg12 : memref<56x128xf32, #tpu.memory_space<vmem>>)
      %lt3A_111 = arith.constant 89 : i32
      %lt3A_112 = arith.cmpi slt, %scan3A_57, %lt3A_111 : i32
      %convert_element_type3A_113 = arith.extui %lt3A_112 : i1 to i32
      %cond3A_114 = arith.constant 0 : i32
      %cond3A_115 = arith.cmpi ne, %convert_element_type3A_113, %cond3A_114 : i32
      scf.if %cond3A_115 {
        %add3A_144 = arith.constant 2 : i32
        %add3A_145 = arith.addi %add3A_101, %add3A_144 : i32
        %add3A_146 = arith.addi %mul3A_4, %add3A_145 : i32
        %mul3A_147 = arith.constant 56 : i32
        %mul3A_148 = arith.muli %add3A_146, %mul3A_147 : i32
        %dma_start3A_149 = tpu.memref_slice %arg4[%mul3A_148] : memref<322560xi32, #tpu.memory_space<hbm>> -> memref<56xi32, #tpu.memory_space<hbm>>
        %dma_start3A_150 = tpu.memref_slice %arg4[%mul3A_148] : memref<322560xi32, #tpu.memory_space<hbm>> -> memref<56xi32, #tpu.memory_space<hbm>>
        tpu.enqueue_dma source(%dma_start3A_150 : memref<56xi32, #tpu.memory_space<hbm>>) target(%arg16 : memref<56xi32, #tpu.memory_space<vmem>>) target_semaphore(%arg26 : memref<!tpu.dma_semaphore, #tpu.memory_space<semaphore_mem>>)
      } else {
      }
      %gt3A_116 = arith.constant 0 : i32
      %gt3A_117 = arith.cmpi sgt, %scan3A_57, %gt3A_116 : i32
      %convert_element_type3A_118 = arith.extui %gt3A_117 : i1 to i32
      %cond3A_119 = arith.constant 0 : i32
      %cond3A_120 = arith.cmpi ne, %convert_element_type3A_118, %cond3A_119 : i32
      scf.if %cond3A_120 {
        %dma_wait3A_144 = arith.constant 0 : i32
        %dma_wait3A_145 = arith.constant 0 : i32
        %dma_wait3A_146 = tpu.memref_slice %arg8[%dma_wait3A_144, %dma_wait3A_145] : memref<10112x128xf32, #tpu.memory_space<vmem_shared>> -> memref<10112x128xf32, #tpu.memory_space<vmem_shared>>
        tpu.wait_indirect_dma semaphore(%arg24 : memref<!tpu.dma_semaphore, #tpu.memory_space<semaphore_mem>>) src(%arg14 : memref<56x128xf32, #tpu.memory_space<vmem>>) dst(%dma_wait3A_146 : memref<10112x128xf32, #tpu.memory_space<vmem_shared>>)
      } else {
      }
      %add3A_121 = arith.addi %mul3A_4, %add3A_101 : i32
      %mul3A_122 = arith.constant 56 : i32
      %mul3A_123 = arith.muli %add3A_121, %mul3A_122 : i32
      %dma_start3A_124 = tpu.memref_slice %arg5[%mul3A_123] : memref<322560xi32, #tpu.memory_space<hbm>> -> memref<56xi32, #tpu.memory_space<hbm>>
      %dma_start3A_125 = tpu.memref_slice %arg5[%mul3A_123] : memref<322560xi32, #tpu.memory_space<hbm>> -> memref<56xi32, #tpu.memory_space<hbm>>
      tpu.enqueue_dma source(%dma_start3A_125 : memref<56xi32, #tpu.memory_space<hbm>>) target(%arg18 : memref<56xi32, #tpu.memory_space<vmem>>) target_semaphore(%arg28 : memref<!tpu.dma_semaphore, #tpu.memory_space<semaphore_mem>>)
      %scan3A_126 = arith.constant 0 : i32
      %scan3A_127 = arith.constant 0 : i32
      %scan3A_128 = arith.constant 56 : i32
      %scan3A_129 = arith.addi %scan3A_127, %scan3A_128 : i32
      %scan3A_130 = arith.constant 1 : i32
      scf.for %scan3A_144 = %scan3A_127 to %scan3A_129 step %scan3A_130  : i32 {
        %get3A = arith.index_cast %scan3A_144 : i32 to index
        %get3A_145 = arith.constant 0 : index
        %get3A_146 = tpu.vector_load %arg10[%get3A, %get3A_145] {strides = array<i32>} : memref<56x128xf32, #tpu.memory_space<vmem>>, vector<1x16xf32>,
        %get3A_147 = vector.shape_cast %get3A_146 : vector<1x16xf32> to vector<16xf32>
        %get3A_148 = arith.index_cast %scan3A_144 : i32 to index
        %get3A_149 = arith.constant 0 : index
        %get3A_150 = tpu.vector_load %arg12[%get3A_148, %get3A_149] {strides = array<i32>} : memref<56x128xf32, #tpu.memory_space<vmem>>, vector<1x16xf32>,
        %get3A_151 = vector.shape_cast %get3A_150 : vector<1x16xf32> to vector<16xf32>
        %add3A_152 = arith.addf %get3A_147, %get3A_151 : vector<16xf32>
        %max3A = arith.constant 0.000000e+00 : f32
        %max3A_153 = vector.broadcast %max3A : f32 to vector<16xf32>
        %max3A_154 = arith.maximumf %add3A_152, %max3A_153 : vector<16xf32>
        %swap3A = arith.index_cast %scan3A_144 : i32 to index
        %swap3A_155 = arith.constant 0 : index
        %swap3A_156 = tpu.vector_load %arg14[%swap3A, %swap3A_155] {strides = array<i32>} : memref<56x128xf32, #tpu.memory_space<vmem>>, vector<1x16xf32>,
        %swap3A_157 = vector.shape_cast %swap3A_156 : vector<1x16xf32> to vector<16xf32>
        %swap3A_158 = vector.shape_cast %max3A_154 : vector<16xf32> to vector<1x16xf32>
        tpu.vector_store %arg14[%swap3A, %swap3A_155], %swap3A_158 {strides = array<i32>} : memref<56x128xf32, #tpu.memory_space<vmem>>, vector<1x16xf32>,
        %get3A_159 = arith.index_cast %scan3A_144 : i32 to index
        %get3A_160 = arith.constant 16 : index
        %get3A_161 = tpu.vector_load %arg10[%get3A_159, %get3A_160] {strides = array<i32>} : memref<56x128xf32, #tpu.memory_space<vmem>>, vector<1x16xf32>,
        %get3A_162 = vector.shape_cast %get3A_161 : vector<1x16xf32> to vector<16xf32>
        %get3A_163 = arith.index_cast %scan3A_144 : i32 to index
        %get3A_164 = arith.constant 16 : index
        %get3A_165 = tpu.vector_load %arg12[%get3A_163, %get3A_164] {strides = array<i32>} : memref<56x128xf32, #tpu.memory_space<vmem>>, vector<1x16xf32>,
        %get3A_166 = vector.shape_cast %get3A_165 : vector<1x16xf32> to vector<16xf32>
        %add3A_167 = arith.addf %get3A_162, %get3A_166 : vector<16xf32>
        %max3A_168 = arith.constant 0.000000e+00 : f32
        %max3A_169 = vector.broadcast %max3A_168 : f32 to vector<16xf32>
        %max3A_170 = arith.maximumf %add3A_167, %max3A_169 : vector<16xf32>
        %swap3A_171 = arith.index_cast %scan3A_144 : i32 to index
        %swap3A_172 = arith.constant 16 : index
        %swap3A_173 = tpu.vector_load %arg14[%swap3A_171, %swap3A_172] {strides = array<i32>} : memref<56x128xf32, #tpu.memory_space<vmem>>, vector<1x16xf32>,
        %swap3A_174 = vector.shape_cast %swap3A_173 : vector<1x16xf32> to vector<16xf32>
        %swap3A_175 = vector.shape_cast %max3A_170 : vector<16xf32> to vector<1x16xf32>
        tpu.vector_store %arg14[%swap3A_171, %swap3A_172], %swap3A_175 {strides = array<i32>} : memref<56x128xf32, #tpu.memory_space<vmem>>, vector<1x16xf32>,
        %get3A_176 = arith.index_cast %scan3A_144 : i32 to index
        %get3A_177 = arith.constant 32 : index
        %get3A_178 = tpu.vector_load %arg10[%get3A_176, %get3A_177] {strides = array<i32>} : memref<56x128xf32, #tpu.memory_space<vmem>>, vector<1x16xf32>,
        %get3A_179 = vector.shape_cast %get3A_178 : vector<1x16xf32> to vector<16xf32>
        %get3A_180 = arith.index_cast %scan3A_144 : i32 to index
        %get3A_181 = arith.constant 32 : index
        %get3A_182 = tpu.vector_load %arg12[%get3A_180, %get3A_181] {strides = array<i32>} : memref<56x128xf32, #tpu.memory_space<vmem>>, vector<1x16xf32>,
        %get3A_183 = vector.shape_cast %get3A_182 : vector<1x16xf32> to vector<16xf32>
        %add3A_184 = arith.addf %get3A_179, %get3A_183 : vector<16xf32>
        %max3A_185 = arith.constant 0.000000e+00 : f32
        %max3A_186 = vector.broadcast %max3A_185 : f32 to vector<16xf32>
        %max3A_187 = arith.maximumf %add3A_184, %max3A_186 : vector<16xf32>
        %swap3A_188 = arith.index_cast %scan3A_144 : i32 to index
        %swap3A_189 = arith.constant 32 : index
        %swap3A_190 = tpu.vector_load %arg14[%swap3A_188, %swap3A_189] {strides = array<i32>} : memref<56x128xf32, #tpu.memory_space<vmem>>, vector<1x16xf32>,
        %swap3A_191 = vector.shape_cast %swap3A_190 : vector<1x16xf32> to vector<16xf32>
        %swap3A_192 = vector.shape_cast %max3A_187 : vector<16xf32> to vector<1x16xf32>
        tpu.vector_store %arg14[%swap3A_188, %swap3A_189], %swap3A_192 {strides = array<i32>} : memref<56x128xf32, #tpu.memory_space<vmem>>, vector<1x16xf32>,
        %get3A_193 = arith.index_cast %scan3A_144 : i32 to index
        %get3A_194 = arith.constant 48 : index
        %get3A_195 = tpu.vector_load %arg10[%get3A_193, %get3A_194] {strides = array<i32>} : memref<56x128xf32, #tpu.memory_space<vmem>>, vector<1x16xf32>,
        %get3A_196 = vector.shape_cast %get3A_195 : vector<1x16xf32> to vector<16xf32>
        %get3A_197 = arith.index_cast %scan3A_144 : i32 to index
        %get3A_198 = arith.constant 48 : index
        %get3A_199 = tpu.vector_load %arg12[%get3A_197, %get3A_198] {strides = array<i32>} : memref<56x128xf32, #tpu.memory_space<vmem>>, vector<1x16xf32>,
        %get3A_200 = vector.shape_cast %get3A_199 : vector<1x16xf32> to vector<16xf32>
        %add3A_201 = arith.addf %get3A_196, %get3A_200 : vector<16xf32>
        %max3A_202 = arith.constant 0.000000e+00 : f32
        %max3A_203 = vector.broadcast %max3A_202 : f32 to vector<16xf32>
        %max3A_204 = arith.maximumf %add3A_201, %max3A_203 : vector<16xf32>
        %swap3A_205 = arith.index_cast %scan3A_144 : i32 to index
        %swap3A_206 = arith.constant 48 : index
        %swap3A_207 = tpu.vector_load %arg14[%swap3A_205, %swap3A_206] {strides = array<i32>} : memref<56x128xf32, #tpu.memory_space<vmem>>, vector<1x16xf32>,
        %swap3A_208 = vector.shape_cast %swap3A_207 : vector<1x16xf32> to vector<16xf32>
        %swap3A_209 = vector.shape_cast %max3A_204 : vector<16xf32> to vector<1x16xf32>
        tpu.vector_store %arg14[%swap3A_205, %swap3A_206], %swap3A_209 {strides = array<i32>} : memref<56x128xf32, #tpu.memory_space<vmem>>, vector<1x16xf32>,
        %get3A_210 = arith.index_cast %scan3A_144 : i32 to index
        %get3A_211 = arith.constant 64 : index
        %get3A_212 = tpu.vector_load %arg10[%get3A_210, %get3A_211] {strides = array<i32>} : memref<56x128xf32, #tpu.memory_space<vmem>>, vector<1x16xf32>,
        %get3A_213 = vector.shape_cast %get3A_212 : vector<1x16xf32> to vector<16xf32>
        %get3A_214 = arith.index_cast %scan3A_144 : i32 to index
        %get3A_215 = arith.constant 64 : index
        %get3A_216 = tpu.vector_load %arg12[%get3A_214, %get3A_215] {strides = array<i32>} : memref<56x128xf32, #tpu.memory_space<vmem>>, vector<1x16xf32>,
        %get3A_217 = vector.shape_cast %get3A_216 : vector<1x16xf32> to vector<16xf32>
        %add3A_218 = arith.addf %get3A_213, %get3A_217 : vector<16xf32>
        %max3A_219 = arith.constant 0.000000e+00 : f32
        %max3A_220 = vector.broadcast %max3A_219 : f32 to vector<16xf32>
        %max3A_221 = arith.maximumf %add3A_218, %max3A_220 : vector<16xf32>
        %swap3A_222 = arith.index_cast %scan3A_144 : i32 to index
        %swap3A_223 = arith.constant 64 : index
        %swap3A_224 = tpu.vector_load %arg14[%swap3A_222, %swap3A_223] {strides = array<i32>} : memref<56x128xf32, #tpu.memory_space<vmem>>, vector<1x16xf32>,
        %swap3A_225 = vector.shape_cast %swap3A_224 : vector<1x16xf32> to vector<16xf32>
        %swap3A_226 = vector.shape_cast %max3A_221 : vector<16xf32> to vector<1x16xf32>
        tpu.vector_store %arg14[%swap3A_222, %swap3A_223], %swap3A_226 {strides = array<i32>} : memref<56x128xf32, #tpu.memory_space<vmem>>, vector<1x16xf32>,
        %get3A_227 = arith.index_cast %scan3A_144 : i32 to index
        %get3A_228 = arith.constant 80 : index
        %get3A_229 = tpu.vector_load %arg10[%get3A_227, %get3A_228] {strides = array<i32>} : memref<56x128xf32, #tpu.memory_space<vmem>>, vector<1x16xf32>,
        %get3A_230 = vector.shape_cast %get3A_229 : vector<1x16xf32> to vector<16xf32>
        %get3A_231 = arith.index_cast %scan3A_144 : i32 to index
        %get3A_232 = arith.constant 80 : index
        %get3A_233 = tpu.vector_load %arg12[%get3A_231, %get3A_232] {strides = array<i32>} : memref<56x128xf32, #tpu.memory_space<vmem>>, vector<1x16xf32>,
        %get3A_234 = vector.shape_cast %get3A_233 : vector<1x16xf32> to vector<16xf32>
        %add3A_235 = arith.addf %get3A_230, %get3A_234 : vector<16xf32>
        %max3A_236 = arith.constant 0.000000e+00 : f32
        %max3A_237 = vector.broadcast %max3A_236 : f32 to vector<16xf32>
        %max3A_238 = arith.maximumf %add3A_235, %max3A_237 : vector<16xf32>
        %swap3A_239 = arith.index_cast %scan3A_144 : i32 to index
        %swap3A_240 = arith.constant 80 : index
        %swap3A_241 = tpu.vector_load %arg14[%swap3A_239, %swap3A_240] {strides = array<i32>} : memref<56x128xf32, #tpu.memory_space<vmem>>, vector<1x16xf32>,
        %swap3A_242 = vector.shape_cast %swap3A_241 : vector<1x16xf32> to vector<16xf32>
        %swap3A_243 = vector.shape_cast %max3A_238 : vector<16xf32> to vector<1x16xf32>
        tpu.vector_store %arg14[%swap3A_239, %swap3A_240], %swap3A_243 {strides = array<i32>} : memref<56x128xf32, #tpu.memory_space<vmem>>, vector<1x16xf32>,
        %get3A_244 = arith.index_cast %scan3A_144 : i32 to index
        %get3A_245 = arith.constant 96 : index
        %get3A_246 = tpu.vector_load %arg10[%get3A_244, %get3A_245] {strides = array<i32>} : memref<56x128xf32, #tpu.memory_space<vmem>>, vector<1x16xf32>,
        %get3A_247 = vector.shape_cast %get3A_246 : vector<1x16xf32> to vector<16xf32>
        %get3A_248 = arith.index_cast %scan3A_144 : i32 to index
        %get3A_249 = arith.constant 96 : index
        %get3A_250 = tpu.vector_load %arg12[%get3A_248, %get3A_249] {strides = array<i32>} : memref<56x128xf32, #tpu.memory_space<vmem>>, vector<1x16xf32>,
        %get3A_251 = vector.shape_cast %get3A_250 : vector<1x16xf32> to vector<16xf32>
        %add3A_252 = arith.addf %get3A_247, %get3A_251 : vector<16xf32>
        %max3A_253 = arith.constant 0.000000e+00 : f32
        %max3A_254 = vector.broadcast %max3A_253 : f32 to vector<16xf32>
        %max3A_255 = arith.maximumf %add3A_252, %max3A_254 : vector<16xf32>
        %swap3A_256 = arith.index_cast %scan3A_144 : i32 to index
        %swap3A_257 = arith.constant 96 : index
        %swap3A_258 = tpu.vector_load %arg14[%swap3A_256, %swap3A_257] {strides = array<i32>} : memref<56x128xf32, #tpu.memory_space<vmem>>, vector<1x16xf32>,
        %swap3A_259 = vector.shape_cast %swap3A_258 : vector<1x16xf32> to vector<16xf32>
        %swap3A_260 = vector.shape_cast %max3A_255 : vector<16xf32> to vector<1x16xf32>
        tpu.vector_store %arg14[%swap3A_256, %swap3A_257], %swap3A_260 {strides = array<i32>} : memref<56x128xf32, #tpu.memory_space<vmem>>, vector<1x16xf32>,
        %get3A_261 = arith.index_cast %scan3A_144 : i32 to index
        %get3A_262 = arith.constant 112 : index
        %get3A_263 = tpu.vector_load %arg10[%get3A_261, %get3A_262] {strides = array<i32>} : memref<56x128xf32, #tpu.memory_space<vmem>>, vector<1x16xf32>,
        %get3A_264 = vector.shape_cast %get3A_263 : vector<1x16xf32> to vector<16xf32>
        %get3A_265 = arith.index_cast %scan3A_144 : i32 to index
        %get3A_266 = arith.constant 112 : index
        %get3A_267 = tpu.vector_load %arg12[%get3A_265, %get3A_266] {strides = array<i32>} : memref<56x128xf32, #tpu.memory_space<vmem>>, vector<1x16xf32>,
        %get3A_268 = vector.shape_cast %get3A_267 : vector<1x16xf32> to vector<16xf32>
        %add3A_269 = arith.addf %get3A_264, %get3A_268 : vector<16xf32>
        %max3A_270 = arith.constant 0.000000e+00 : f32
        %max3A_271 = vector.broadcast %max3A_270 : f32 to vector<16xf32>
        %max3A_272 = arith.maximumf %add3A_269, %max3A_271 : vector<16xf32>
        %swap3A_273 = arith.index_cast %scan3A_144 : i32 to index
        %swap3A_274 = arith.constant 112 : index
        %swap3A_275 = tpu.vector_load %arg14[%swap3A_273, %swap3A_274] {strides = array<i32>} : memref<56x128xf32, #tpu.memory_space<vmem>>, vector<1x16xf32>,
        %swap3A_276 = vector.shape_cast %swap3A_275 : vector<1x16xf32> to vector<16xf32>
        %swap3A_277 = vector.shape_cast %max3A_272 : vector<16xf32> to vector<1x16xf32>
        tpu.vector_store %arg14[%swap3A_273, %swap3A_274], %swap3A_277 {strides = array<i32>} : memref<56x128xf32, #tpu.memory_space<vmem>>, vector<1x16xf32>,
      }
      %scan3A_131 = arith.constant 56 : i32
      %dma_wait3A_132 = arith.constant 0 : i32
      %dma_wait3A_133 = tpu.memref_slice %arg5[%dma_wait3A_132] : memref<322560xi32, #tpu.memory_space<hbm>> -> memref<56xi32, #tpu.memory_space<hbm>>
      %dma_wait3A_134 = arith.constant 0 : i32
      %dma_wait3A_135 = tpu.memref_slice %arg5[%dma_wait3A_134] : memref<322560xi32, #tpu.memory_space<hbm>> -> memref<56xi32, #tpu.memory_space<hbm>>
      tpu.wait_dma2 semaphore(%arg28 : memref<!tpu.dma_semaphore, #tpu.memory_space<semaphore_mem>>) src(%dma_wait3A_135 : memref<56xi32, #tpu.memory_space<hbm>>) dst(%arg18 : memref<56xi32, #tpu.memory_space<vmem>>)
      %dma_start3A_136 = arith.constant 0 : i32
      %dma_start3A_137 = arith.constant 0 : i32
      %dma_start3A_138 = tpu.memref_slice %arg8[%dma_start3A_136, %dma_start3A_137] : memref<10112x128xf32, #tpu.memory_space<vmem_shared>> -> memref<10112x128xf32, #tpu.memory_space<vmem_shared>>
      tpu.enqueue_indirect_dma source(%arg14 : memref<56x128xf32, #tpu.memory_space<vmem>>) target(%dma_start3A_138 : memref<10112x128xf32, #tpu.memory_space<vmem_shared>>) offsets(%arg18 : memref<56xi32, #tpu.memory_space<vmem>>) semaphore(%arg24 : memref<!tpu.dma_semaphore, #tpu.memory_space<semaphore_mem>>) {add = true}
      %lt3A_139 = arith.constant 89 : i32
      %lt3A_140 = arith.cmpi slt, %scan3A_57, %lt3A_139 : i32
      %convert_element_type3A_141 = arith.extui %lt3A_140 : i1 to i32
      %cond3A_142 = arith.constant 0 : i32
      %cond3A_143 = arith.cmpi ne, %convert_element_type3A_141, %cond3A_142 : i32
      scf.if %cond3A_143 {
        %dma_wait3A_144 = arith.constant 0 : i32
        %dma_wait3A_145 = tpu.memref_slice %arg4[%dma_wait3A_144] : memref<322560xi32, #tpu.memory_space<hbm>> -> memref<56xi32, #tpu.memory_space<hbm>>
        %dma_wait3A_146 = arith.constant 0 : i32
        %dma_wait3A_147 = tpu.memref_slice %arg4[%dma_wait3A_146] : memref<322560xi32, #tpu.memory_space<hbm>> -> memref<56xi32, #tpu.memory_space<hbm>>
        tpu.wait_dma2 semaphore(%arg26 : memref<!tpu.dma_semaphore, #tpu.memory_space<semaphore_mem>>) src(%dma_wait3A_147 : memref<56xi32, #tpu.memory_space<hbm>>) dst(%arg16 : memref<56xi32, #tpu.memory_space<vmem>>)
        %add3A_148 = arith.constant 2 : i32
        %add3A_149 = arith.addi %add3A_101, %add3A_148 : i32
        %dma_start3A_150 = arith.constant 0 : i32
        %dma_start3A_151 = arith.constant 0 : i32
        %dma_start3A_152 = tpu.memref_slice %arg2[%dma_start3A_150, %dma_start3A_151] : memref<10000x128xf32, #tpu.memory_space<hbm>> -> memref<10000x128xf32, #tpu.memory_space<hbm>>
        tpu.enqueue_indirect_dma source(%dma_start3A_152 : memref<10000x128xf32, #tpu.memory_space<hbm>>) target(%arg10 : memref<56x128xf32, #tpu.memory_space<vmem>>) offsets(%arg16 : memref<56xi32, #tpu.memory_space<vmem>>) semaphore(%arg20 : memref<!tpu.dma_semaphore, #tpu.memory_space<semaphore_mem>>)
        %add3A_153 = arith.addi %mul3A_4, %add3A_149 : i32
        %mul3A_154 = arith.constant 56 : i32
        %mul3A_155 = arith.muli %add3A_153, %mul3A_154 : i32
        %dma_start3A_156 = arith.constant 0 : i32
        %dma_start3A_157 = tpu.memref_slice %arg3[%mul3A_155, %dma_start3A_156] : memref<322560x128xf32, #tpu.memory_space<hbm>> -> memref<56x128xf32, #tpu.memory_space<hbm>>
        %dma_start3A_158 = arith.constant 0 : i32
        %dma_start3A_159 = tpu.memref_slice %arg3[%mul3A_155, %dma_start3A_158] : memref<322560x128xf32, #tpu.memory_space<hbm>> -> memref<56x128xf32, #tpu.memory_space<hbm>>
        tpu.enqueue_dma source(%dma_start3A_159 : memref<56x128xf32, #tpu.memory_space<hbm>>) target(%arg12 : memref<56x128xf32, #tpu.memory_space<vmem>>) target_semaphore(%arg22 : memref<!tpu.dma_semaphore, #tpu.memory_space<semaphore_mem>>)
      } else {
      }
    }
    %scan3A_49 = arith.constant 90 : i32
    %dma_wait3A_50 = arith.constant 0 : i32
    %dma_wait3A_51 = arith.constant 0 : i32
    %dma_wait3A_52 = tpu.memref_slice %arg8[%dma_wait3A_50, %dma_wait3A_51] : memref<10112x128xf32, #tpu.memory_space<vmem_shared>> -> memref<10112x128xf32, #tpu.memory_space<vmem_shared>>
    tpu.wait_indirect_dma semaphore(%arg23 : memref<!tpu.dma_semaphore, #tpu.memory_space<semaphore_mem>>) src(%arg13 : memref<56x128xf32, #tpu.memory_space<vmem>>) dst(%dma_wait3A_52 : memref<10112x128xf32, #tpu.memory_space<vmem_shared>>)
    %dma_wait3A_53 = arith.constant 0 : i32
    %dma_wait3A_54 = arith.constant 0 : i32
    %dma_wait3A_55 = tpu.memref_slice %arg8[%dma_wait3A_53, %dma_wait3A_54] : memref<10112x128xf32, #tpu.memory_space<vmem_shared>> -> memref<10112x128xf32, #tpu.memory_space<vmem_shared>>
    tpu.wait_indirect_dma semaphore(%arg24 : memref<!tpu.dma_semaphore, #tpu.memory_space<semaphore_mem>>) src(%arg14 : memref<56x128xf32, #tpu.memory_space<vmem>>) dst(%dma_wait3A_55 : memref<10112x128xf32, #tpu.memory_space<vmem_shared>>)
    %barrier3A_56 = arith.constant 0 : index
    tpu.barrier barrier_id(%barrier3A_56)
    "tpu.region"() ({
      %run_scoped3A = tpu.sem_alloc : memref<!tpu.dma_semaphore, #tpu.memory_space<semaphore_mem>>
      %dma_start3A_57 = arith.constant 0 : i32
      %dma_start3A_58 = tpu.memref_slice %arg7[%arg0, %mul3A_2, %dma_start3A_57] : memref<2x10112x128xf32, #tpu.memory_space<hbm>> -> memref<1x632x128xf32, #tpu.memory_space<hbm>>
      %dma_start3A_59 = tpu.memref_squeeze %dma_start3A_58 : memref<1x632x128xf32, #tpu.memory_space<hbm>> -> memref<632x128xf32, #tpu.memory_space<hbm>>
      %dma_start3A_60 = arith.constant 0 : i32
      %dma_start3A_61 = tpu.memref_slice %arg8[%mul3A_2, %dma_start3A_60] : memref<10112x128xf32, #tpu.memory_space<vmem_shared>> -> memref<632x128xf32, #tpu.memory_space<vmem_shared>>
      tpu.enqueue_dma source(%dma_start3A_61 : memref<632x128xf32, #tpu.memory_space<vmem_shared>>) target(%dma_start3A_59 : memref<632x128xf32, #tpu.memory_space<hbm>>) target_semaphore(%run_scoped3A : memref<!tpu.dma_semaphore, #tpu.memory_space<semaphore_mem>>)
      %dma_wait3A_62 = arith.constant 0 : i32
      %dma_wait3A_63 = tpu.memref_slice %arg7[%arg0, %mul3A_2, %dma_wait3A_62] : memref<2x10112x128xf32, #tpu.memory_space<hbm>> -> memref<1x632x128xf32, #tpu.memory_space<hbm>>
      %dma_wait3A_64 = tpu.memref_squeeze %dma_wait3A_63 : memref<1x632x128xf32, #tpu.memory_space<hbm>> -> memref<632x128xf32, #tpu.memory_space<hbm>>
      %dma_wait3A_65 = arith.constant 0 : i32
      %dma_wait3A_66 = tpu.memref_slice %arg8[%mul3A_2, %dma_wait3A_65] : memref<10112x128xf32, #tpu.memory_space<vmem_shared>> -> memref<632x128xf32, #tpu.memory_space<vmem_shared>>
      tpu.wait_dma2 semaphore(%run_scoped3A : memref<!tpu.dma_semaphore, #tpu.memory_space<semaphore_mem>>) src(%dma_wait3A_66 : memref<632x128xf32, #tpu.memory_space<vmem_shared>>) dst(%dma_wait3A_64 : memref<632x128xf32, #tpu.memory_space<hbm>>)
      tpu.yield
    }) : () -> ()
    return
  }
}

#map = affine_map<(d0, d1) -> (0, 0)>
#map1 = affine_map<(d0, d1) -> (0)>
#map2 = affine_map<(d0, d1) -> (0, 0, 0)>
module attributes {stable_mosaic.version = 14 : i64} {
  func.func @agg(%arg0: i32, %arg1: i32, %arg2: memref<10000x128xf32, #tpu.memory_space<hbm>>, %arg3: memref<322560x128xf32, #tpu.memory_space<hbm>>, %arg4: memref<322560xi32, #tpu.memory_space<hbm>>, %arg5: memref<322560xi32, #tpu.memory_space<hbm>>, %arg6: memref<10112x128xf32, #tpu.memory_space<hbm>>, %arg7: memref<2x10112x128xf32, #tpu.memory_space<hbm>>, %arg8: memref<10112x128xf32, #tpu.memory_space<vmem_shared>>, %arg9: memref<56x128xf32, #tpu.memory_space<vmem>>, %arg10: memref<56x128xf32, #tpu.memory_space<vmem>>, %arg11: memref<56x128xf32, #tpu.memory_space<vmem>>, %arg12: memref<56x128xf32, #tpu.memory_space<vmem>>, %arg13: memref<56x128xf32, #tpu.memory_space<vmem>>, %arg14: memref<56x128xf32, #tpu.memory_space<vmem>>, %arg15: memref<56xi32, #tpu.memory_space<vmem>>, %arg16: memref<56xi32, #tpu.memory_space<vmem>>, %arg17: memref<56xi32, #tpu.memory_space<vmem>>, %arg18: memref<56xi32, #tpu.memory_space<vmem>>, %arg19: memref<!tpu.dma_semaphore, #tpu.memory_space<semaphore_mem>>, %arg20: memref<!tpu.dma_semaphore, #tpu.memory_space<semaphore_mem>>, %arg21: memref<!tpu.dma_semaphore, #tpu.memory_space<semaphore_mem>>, %arg22: memref<!tpu.dma_semaphore, #tpu.memory_space<semaphore_mem>>, %arg23: memref<!tpu.dma_semaphore, #tpu.memory_space<semaphore_mem>>, %arg24: memref<!tpu.dma_semaphore, #tpu.memory_space<semaphore_mem>>, %arg25: memref<!tpu.dma_semaphore, #tpu.memory_space<semaphore_mem>>, %arg26: memref<!tpu.dma_semaphore, #tpu.memory_space<semaphore_mem>>, %arg27: memref<!tpu.dma_semaphore, #tpu.memory_space<semaphore_mem>>, %arg28: memref<!tpu.dma_semaphore, #tpu.memory_space<semaphore_mem>>) attributes {dimension_semantics = [#tpu.dimension_semantics<core_parallel>, #tpu.dimension_semantics<subcore_parallel>], iteration_bounds = array<i64: 2, 16>, scalar_prefetch = 0 : i64, scratch_operands = 21 : i64, tpu.core_type = #tpu.core_type<sc_vector_subcore>, window_params = [{transform_indices = #map}, {transform_indices = #map}, {transform_indices = #map1}, {transform_indices = #map1}, {transform_indices = #map}, {transform_indices = #map2}]} {
    %mul3A = arith.constant 16 : i32
    %mul3A_0 = arith.muli %arg0, %mul3A : i32
    %add3A = arith.addi %mul3A_0, %arg1 : i32
    %mul3A_1 = arith.constant 632 : i32
    %mul3A_2 = arith.muli %arg1, %mul3A_1 : i32
    %mul3A_3 = arith.constant 180 : i32
    %mul3A_4 = arith.muli %add3A, %mul3A_3 : i32
    "tpu.region"() ({
      %run_scoped3A = tpu.sem_alloc : memref<!tpu.dma_semaphore, #tpu.memory_space<semaphore_mem>>
      %dma_start3A_57 = arith.constant 0 : i32
      %dma_start3A_58 = tpu.memref_slice %arg8[%mul3A_2, %dma_start3A_57] : memref<10112x128xf32, #tpu.memory_space<vmem_shared>> -> memref<632x128xf32, #tpu.memory_space<vmem_shared>>
      %dma_start3A_59 = arith.constant 0 : i32
      %dma_start3A_60 = tpu.memref_slice %arg6[%mul3A_2, %dma_start3A_59] : memref<10112x128xf32, #tpu.memory_space<hbm>> -> memref<632x128xf32, #tpu.memory_space<hbm>>
      tpu.enqueue_dma source(%dma_start3A_60 : memref<632x128xf32, #tpu.memory_space<hbm>>) target(%dma_start3A_58 : memref<632x128xf32, #tpu.memory_space<vmem_shared>>) target_semaphore(%run_scoped3A : memref<!tpu.dma_semaphore, #tpu.memory_space<semaphore_mem>>)
      %dma_wait3A_61 = arith.constant 0 : i32
      %dma_wait3A_62 = tpu.memref_slice %arg8[%mul3A_2, %dma_wait3A_61] : memref<10112x128xf32, #tpu.memory_space<vmem_shared>> -> memref<632x128xf32, #tpu.memory_space<vmem_shared>>
      %dma_wait3A_63 = arith.constant 0 : i32
      %dma_wait3A_64 = tpu.memref_slice %arg6[%mul3A_2, %dma_wait3A_63] : memref<10112x128xf32, #tpu.memory_space<hbm>> -> memref<632x128xf32, #tpu.memory_space<hbm>>
      tpu.wait_dma2 semaphore(%run_scoped3A : memref<!tpu.dma_semaphore, #tpu.memory_space<semaphore_mem>>) src(%dma_wait3A_64 : memref<632x128xf32, #tpu.memory_space<hbm>>) dst(%dma_wait3A_62 : memref<632x128xf32, #tpu.memory_space<vmem_shared>>)
      tpu.yield
    }) : () -> ()
    %barrier3A = arith.constant 0 : index
    tpu.barrier barrier_id(%barrier3A)
    %add3A_5 = arith.constant 0 : i32
    %add3A_6 = arith.addi %mul3A_4, %add3A_5 : i32
    %mul3A_7 = arith.constant 56 : i32
    %mul3A_8 = arith.muli %add3A_6, %mul3A_7 : i32
    %dma_start3A = tpu.memref_slice %arg4[%mul3A_8] : memref<322560xi32, #tpu.memory_space<hbm>> -> memref<56xi32, #tpu.memory_space<hbm>>
    %dma_start3A_9 = tpu.memref_slice %arg4[%mul3A_8] : memref<322560xi32, #tpu.memory_space<hbm>> -> memref<56xi32, #tpu.memory_space<hbm>>
    tpu.enqueue_dma source(%dma_start3A_9 : memref<56xi32, #tpu.memory_space<hbm>>) target(%arg15 : memref<56xi32, #tpu.memory_space<vmem>>) target_semaphore(%arg25 : memref<!tpu.dma_semaphore, #tpu.memory_space<semaphore_mem>>)
    %add3A_10 = arith.constant 1 : i32
    %add3A_11 = arith.addi %mul3A_4, %add3A_10 : i32
    %mul3A_12 = arith.constant 56 : i32
    %mul3A_13 = arith.muli %add3A_11, %mul3A_12 : i32
    %dma_start3A_14 = tpu.memref_slice %arg4[%mul3A_13] : memref<322560xi32, #tpu.memory_space<hbm>> -> memref<56xi32, #tpu.memory_space<hbm>>
    %dma_start3A_15 = tpu.memref_slice %arg4[%mul3A_13] : memref<322560xi32, #tpu.memory_space<hbm>> -> memref<56xi32, #tpu.memory_space<hbm>>
    tpu.enqueue_dma source(%dma_start3A_15 : memref<56xi32, #tpu.memory_space<hbm>>) target(%arg16 : memref<56xi32, #tpu.memory_space<vmem>>) target_semaphore(%arg26 : memref<!tpu.dma_semaphore, #tpu.memory_space<semaphore_mem>>)
    %dma_wait3A = arith.constant 0 : i32
    %dma_wait3A_16 = tpu.memref_slice %arg4[%dma_wait3A] : memref<322560xi32, #tpu.memory_space<hbm>> -> memref<56xi32, #tpu.memory_space<hbm>>
    %dma_wait3A_17 = arith.constant 0 : i32
    %dma_wait3A_18 = tpu.memref_slice %arg4[%dma_wait3A_17] : memref<322560xi32, #tpu.memory_space<hbm>> -> memref<56xi32, #tpu.memory_space<hbm>>
    tpu.wait_dma2 semaphore(%arg25 : memref<!tpu.dma_semaphore, #tpu.memory_space<semaphore_mem>>) src(%dma_wait3A_18 : memref<56xi32, #tpu.memory_space<hbm>>) dst(%arg15 : memref<56xi32, #tpu.memory_space<vmem>>)
    %dma_start3A_19 = arith.constant 0 : i32
    %dma_start3A_20 = arith.constant 0 : i32
    %dma_start3A_21 = tpu.memref_slice %arg2[%dma_start3A_19, %dma_start3A_20] : memref<10000x128xf32, #tpu.memory_space<hbm>> -> memref<10000x128xf32, #tpu.memory_space<hbm>>
    tpu.enqueue_indirect_dma source(%dma_start3A_21 : memref<10000x128xf32, #tpu.memory_space<hbm>>) target(%arg9 : memref<56x128xf32, #tpu.memory_space<vmem>>) offsets(%arg15 : memref<56xi32, #tpu.memory_space<vmem>>) semaphore(%arg19 : memref<!tpu.dma_semaphore, #tpu.memory_space<semaphore_mem>>)
    %add3A_22 = arith.constant 0 : i32
    %add3A_23 = arith.addi %mul3A_4, %add3A_22 : i32
    %mul3A_24 = arith.constant 56 : i32
    %mul3A_25 = arith.muli %add3A_23, %mul3A_24 : i32
    %dma_start3A_26 = arith.constant 0 : i32
    %dma_start3A_27 = tpu.memref_slice %arg3[%mul3A_25, %dma_start3A_26] : memref<322560x128xf32, #tpu.memory_space<hbm>> -> memref<56x128xf32, #tpu.memory_space<hbm>>
    %dma_start3A_28 = arith.constant 0 : i32
    %dma_start3A_29 = tpu.memref_slice %arg3[%mul3A_25, %dma_start3A_28] : memref<322560x128xf32, #tpu.memory_space<hbm>> -> memref<56x128xf32, #tpu.memory_space<hbm>>
    tpu.enqueue_dma source(%dma_start3A_29 : memref<56x128xf32, #tpu.memory_space<hbm>>) target(%arg11 : memref<56x128xf32, #tpu.memory_space<vmem>>) target_semaphore(%arg21 : memref<!tpu.dma_semaphore, #tpu.memory_space<semaphore_mem>>)
    %dma_wait3A_30 = arith.constant 0 : i32
    %dma_wait3A_31 = tpu.memref_slice %arg4[%dma_wait3A_30] : memref<322560xi32, #tpu.memory_space<hbm>> -> memref<56xi32, #tpu.memory_space<hbm>>
    %dma_wait3A_32 = arith.constant 0 : i32
    %dma_wait3A_33 = tpu.memref_slice %arg4[%dma_wait3A_32] : memref<322560xi32, #tpu.memory_space<hbm>> -> memref<56xi32, #tpu.memory_space<hbm>>
    tpu.wait_dma2 semaphore(%arg26 : memref<!tpu.dma_semaphore, #tpu.memory_space<semaphore_mem>>) src(%dma_wait3A_33 : memref<56xi32, #tpu.memory_space<hbm>>) dst(%arg16 : memref<56xi32, #tpu.memory_space<vmem>>)
    %dma_start3A_34 = arith.constant 0 : i32
    %dma_start3A_35 = arith.constant 0 : i32
    %dma_start3A_36 = tpu.memref_slice %arg2[%dma_start3A_34, %dma_start3A_35] : memref<10000x128xf32, #tpu.memory_space<hbm>> -> memref<10000x128xf32, #tpu.memory_space<hbm>>
    tpu.enqueue_indirect_dma source(%dma_start3A_36 : memref<10000x128xf32, #tpu.memory_space<hbm>>) target(%arg10 : memref<56x128xf32, #tpu.memory_space<vmem>>) offsets(%arg16 : memref<56xi32, #tpu.memory_space<vmem>>) semaphore(%arg20 : memref<!tpu.dma_semaphore, #tpu.memory_space<semaphore_mem>>)
    %add3A_37 = arith.constant 1 : i32
    %add3A_38 = arith.addi %mul3A_4, %add3A_37 : i32
    %mul3A_39 = arith.constant 56 : i32
    %mul3A_40 = arith.muli %add3A_38, %mul3A_39 : i32
    %dma_start3A_41 = arith.constant 0 : i32
    %dma_start3A_42 = tpu.memref_slice %arg3[%mul3A_40, %dma_start3A_41] : memref<322560x128xf32, #tpu.memory_space<hbm>> -> memref<56x128xf32, #tpu.memory_space<hbm>>
    %dma_start3A_43 = arith.constant 0 : i32
    %dma_start3A_44 = tpu.memref_slice %arg3[%mul3A_40, %dma_start3A_43] : memref<322560x128xf32, #tpu.memory_space<hbm>> -> memref<56x128xf32, #tpu.memory_space<hbm>>
    tpu.enqueue_dma source(%dma_start3A_44 : memref<56x128xf32, #tpu.memory_space<hbm>>) target(%arg12 : memref<56x128xf32, #tpu.memory_space<vmem>>) target_semaphore(%arg22 : memref<!tpu.dma_semaphore, #tpu.memory_space<semaphore_mem>>)
    %scan3A = arith.constant 0 : i32
    %scan3A_45 = arith.constant 0 : i32
    %scan3A_46 = arith.constant 90 : i32
    %scan3A_47 = arith.addi %scan3A_45, %scan3A_46 : i32
    %scan3A_48 = arith.constant 1 : i32
    scf.for %scan3A_57 = %scan3A_45 to %scan3A_47 step %scan3A_48  : i32 {
      %mul3A_58 = arith.constant 2 : i32
      %mul3A_59 = arith.muli %mul3A_58, %scan3A_57 : i32
      %dma_wait3A_60 = arith.constant 0 : i32
      %dma_wait3A_61 = arith.constant 0 : i32
      %dma_wait3A_62 = tpu.memref_slice %arg2[%dma_wait3A_60, %dma_wait3A_61] : memref<10000x128xf32, #tpu.memory_space<hbm>> -> memref<10000x128xf32, #tpu.memory_space<hbm>>
      tpu.wait_indirect_dma semaphore(%arg19 : memref<!tpu.dma_semaphore, #tpu.memory_space<semaphore_mem>>) src(%dma_wait3A_62 : memref<10000x128xf32, #tpu.memory_space<hbm>>) dst(%arg9 : memref<56x128xf32, #tpu.memory_space<vmem>>)
      %dma_wait3A_63 = arith.constant 0 : i32
      %dma_wait3A_64 = arith.constant 0 : i32
      %dma_wait3A_65 = tpu.memref_slice %arg3[%dma_wait3A_63, %dma_wait3A_64] : memref<322560x128xf32, #tpu.memory_space<hbm>> -> memref<56x128xf32, #tpu.memory_space<hbm>>
      %dma_wait3A_66 = arith.constant 0 : i32
      %dma_wait3A_67 = arith.constant 0 : i32
      %dma_wait3A_68 = tpu.memref_slice %arg3[%dma_wait3A_66, %dma_wait3A_67] : memref<322560x128xf32, #tpu.memory_space<hbm>> -> memref<56x128xf32, #tpu.memory_space<hbm>>
      tpu.wait_dma2 semaphore(%arg21 : memref<!tpu.dma_semaphore, #tpu.memory_space<semaphore_mem>>) src(%dma_wait3A_68 : memref<56x128xf32, #tpu.memory_space<hbm>>) dst(%arg11 : memref<56x128xf32, #tpu.memory_space<vmem>>)
      %lt3A = arith.constant 89 : i32
      %lt3A_69 = arith.cmpi slt, %scan3A_57, %lt3A : i32
      %convert_element_type3A = arith.extui %lt3A_69 : i1 to i32
      %cond3A = arith.constant 0 : i32
      %cond3A_70 = arith.cmpi ne, %convert_element_type3A, %cond3A : i32
      scf.if %cond3A_70 {
        %add3A_144 = arith.constant 2 : i32
        %add3A_145 = arith.addi %mul3A_59, %add3A_144 : i32
        %add3A_146 = arith.addi %mul3A_4, %add3A_145 : i32
        %mul3A_147 = arith.constant 56 : i32
        %mul3A_148 = arith.muli %add3A_146, %mul3A_147 : i32
        %dma_start3A_149 = tpu.memref_slice %arg4[%mul3A_148] : memref<322560xi32, #tpu.memory_space<hbm>> -> memref<56xi32, #tpu.memory_space<hbm>>
        %dma_start3A_150 = tpu.memref_slice %arg4[%mul3A_148] : memref<322560xi32, #tpu.memory_space<hbm>> -> memref<56xi32, #tpu.memory_space<hbm>>
        tpu.enqueue_dma source(%dma_start3A_150 : memref<56xi32, #tpu.memory_space<hbm>>) target(%arg15 : memref<56xi32, #tpu.memory_space<vmem>>) target_semaphore(%arg25 : memref<!tpu.dma_semaphore, #tpu.memory_space<semaphore_mem>>)
      } else {
      }
      %gt3A = arith.constant 0 : i32
      %gt3A_71 = arith.cmpi sgt, %scan3A_57, %gt3A : i32
      %convert_element_type3A_72 = arith.extui %gt3A_71 : i1 to i32
      %cond3A_73 = arith.constant 0 : i32
      %cond3A_74 = arith.cmpi ne, %convert_element_type3A_72, %cond3A_73 : i32
      scf.if %cond3A_74 {
        %dma_wait3A_144 = arith.constant 0 : i32
        %dma_wait3A_145 = arith.constant 0 : i32
        %dma_wait3A_146 = tpu.memref_slice %arg8[%dma_wait3A_144, %dma_wait3A_145] : memref<10112x128xf32, #tpu.memory_space<vmem_shared>> -> memref<10112x128xf32, #tpu.memory_space<vmem_shared>>
        tpu.wait_indirect_dma semaphore(%arg23 : memref<!tpu.dma_semaphore, #tpu.memory_space<semaphore_mem>>) src(%arg13 : memref<56x128xf32, #tpu.memory_space<vmem>>) dst(%dma_wait3A_146 : memref<10112x128xf32, #tpu.memory_space<vmem_shared>>)
      } else {
      }
      %add3A_75 = arith.addi %mul3A_4, %mul3A_59 : i32
      %mul3A_76 = arith.constant 56 : i32
      %mul3A_77 = arith.muli %add3A_75, %mul3A_76 : i32
      %dma_start3A_78 = tpu.memref_slice %arg5[%mul3A_77] : memref<322560xi32, #tpu.memory_space<hbm>> -> memref<56xi32, #tpu.memory_space<hbm>>
      %dma_start3A_79 = tpu.memref_slice %arg5[%mul3A_77] : memref<322560xi32, #tpu.memory_space<hbm>> -> memref<56xi32, #tpu.memory_space<hbm>>
      tpu.enqueue_dma source(%dma_start3A_79 : memref<56xi32, #tpu.memory_space<hbm>>) target(%arg17 : memref<56xi32, #tpu.memory_space<vmem>>) target_semaphore(%arg27 : memref<!tpu.dma_semaphore, #tpu.memory_space<semaphore_mem>>)
      %scan3A_80 = arith.constant 0 : i32
      %scan3A_81 = arith.constant 0 : i32
      %scan3A_82 = arith.constant 56 : i32
      %scan3A_83 = arith.addi %scan3A_81, %scan3A_82 : i32
      %scan3A_84 = arith.constant 1 : i32
      scf.for %scan3A_144 = %scan3A_81 to %scan3A_83 step %scan3A_84  : i32 {
        %get3A = arith.index_cast %scan3A_144 : i32 to index
        %get3A_145 = arith.constant 0 : index
        %get3A_146 = tpu.vector_load %arg9[%get3A, %get3A_145] {strides = array<i32>} : memref<56x128xf32, #tpu.memory_space<vmem>>, vector<1x16xf32>,
        %get3A_147 = vector.shape_cast %get3A_146 : vector<1x16xf32> to vector<16xf32>
        %get3A_148 = arith.index_cast %scan3A_144 : i32 to index
        %get3A_149 = arith.constant 0 : index
        %get3A_150 = tpu.vector_load %arg11[%get3A_148, %get3A_149] {strides = array<i32>} : memref<56x128xf32, #tpu.memory_space<vmem>>, vector<1x16xf32>,
        %get3A_151 = vector.shape_cast %get3A_150 : vector<1x16xf32> to vector<16xf32>
        %add3A_152 = arith.addf %get3A_147, %get3A_151 : vector<16xf32>
        %max3A = arith.constant 0.000000e+00 : f32
        %max3A_153 = vector.broadcast %max3A : f32 to vector<16xf32>
        %max3A_154 = arith.maximumf %add3A_152, %max3A_153 : vector<16xf32>
        %swap3A = arith.index_cast %scan3A_144 : i32 to index
        %swap3A_155 = arith.constant 0 : index
        %swap3A_156 = tpu.vector_load %arg13[%swap3A, %swap3A_155] {strides = array<i32>} : memref<56x128xf32, #tpu.memory_space<vmem>>, vector<1x16xf32>,
        %swap3A_157 = vector.shape_cast %swap3A_156 : vector<1x16xf32> to vector<16xf32>
        %swap3A_158 = vector.shape_cast %max3A_154 : vector<16xf32> to vector<1x16xf32>
        tpu.vector_store %arg13[%swap3A, %swap3A_155], %swap3A_158 {strides = array<i32>} : memref<56x128xf32, #tpu.memory_space<vmem>>, vector<1x16xf32>,
        %get3A_159 = arith.index_cast %scan3A_144 : i32 to index
        %get3A_160 = arith.constant 16 : index
        %get3A_161 = tpu.vector_load %arg9[%get3A_159, %get3A_160] {strides = array<i32>} : memref<56x128xf32, #tpu.memory_space<vmem>>, vector<1x16xf32>,
        %get3A_162 = vector.shape_cast %get3A_161 : vector<1x16xf32> to vector<16xf32>
        %get3A_163 = arith.index_cast %scan3A_144 : i32 to index
        %get3A_164 = arith.constant 16 : index
        %get3A_165 = tpu.vector_load %arg11[%get3A_163, %get3A_164] {strides = array<i32>} : memref<56x128xf32, #tpu.memory_space<vmem>>, vector<1x16xf32>,
        %get3A_166 = vector.shape_cast %get3A_165 : vector<1x16xf32> to vector<16xf32>
        %add3A_167 = arith.addf %get3A_162, %get3A_166 : vector<16xf32>
        %max3A_168 = arith.constant 0.000000e+00 : f32
        %max3A_169 = vector.broadcast %max3A_168 : f32 to vector<16xf32>
        %max3A_170 = arith.maximumf %add3A_167, %max3A_169 : vector<16xf32>
        %swap3A_171 = arith.index_cast %scan3A_144 : i32 to index
        %swap3A_172 = arith.constant 16 : index
        %swap3A_173 = tpu.vector_load %arg13[%swap3A_171, %swap3A_172] {strides = array<i32>} : memref<56x128xf32, #tpu.memory_space<vmem>>, vector<1x16xf32>,
        %swap3A_174 = vector.shape_cast %swap3A_173 : vector<1x16xf32> to vector<16xf32>
        %swap3A_175 = vector.shape_cast %max3A_170 : vector<16xf32> to vector<1x16xf32>
        tpu.vector_store %arg13[%swap3A_171, %swap3A_172], %swap3A_175 {strides = array<i32>} : memref<56x128xf32, #tpu.memory_space<vmem>>, vector<1x16xf32>,
        %get3A_176 = arith.index_cast %scan3A_144 : i32 to index
        %get3A_177 = arith.constant 32 : index
        %get3A_178 = tpu.vector_load %arg9[%get3A_176, %get3A_177] {strides = array<i32>} : memref<56x128xf32, #tpu.memory_space<vmem>>, vector<1x16xf32>,
        %get3A_179 = vector.shape_cast %get3A_178 : vector<1x16xf32> to vector<16xf32>
        %get3A_180 = arith.index_cast %scan3A_144 : i32 to index
        %get3A_181 = arith.constant 32 : index
        %get3A_182 = tpu.vector_load %arg11[%get3A_180, %get3A_181] {strides = array<i32>} : memref<56x128xf32, #tpu.memory_space<vmem>>, vector<1x16xf32>,
        %get3A_183 = vector.shape_cast %get3A_182 : vector<1x16xf32> to vector<16xf32>
        %add3A_184 = arith.addf %get3A_179, %get3A_183 : vector<16xf32>
        %max3A_185 = arith.constant 0.000000e+00 : f32
        %max3A_186 = vector.broadcast %max3A_185 : f32 to vector<16xf32>
        %max3A_187 = arith.maximumf %add3A_184, %max3A_186 : vector<16xf32>
        %swap3A_188 = arith.index_cast %scan3A_144 : i32 to index
        %swap3A_189 = arith.constant 32 : index
        %swap3A_190 = tpu.vector_load %arg13[%swap3A_188, %swap3A_189] {strides = array<i32>} : memref<56x128xf32, #tpu.memory_space<vmem>>, vector<1x16xf32>,
        %swap3A_191 = vector.shape_cast %swap3A_190 : vector<1x16xf32> to vector<16xf32>
        %swap3A_192 = vector.shape_cast %max3A_187 : vector<16xf32> to vector<1x16xf32>
        tpu.vector_store %arg13[%swap3A_188, %swap3A_189], %swap3A_192 {strides = array<i32>} : memref<56x128xf32, #tpu.memory_space<vmem>>, vector<1x16xf32>,
        %get3A_193 = arith.index_cast %scan3A_144 : i32 to index
        %get3A_194 = arith.constant 48 : index
        %get3A_195 = tpu.vector_load %arg9[%get3A_193, %get3A_194] {strides = array<i32>} : memref<56x128xf32, #tpu.memory_space<vmem>>, vector<1x16xf32>,
        %get3A_196 = vector.shape_cast %get3A_195 : vector<1x16xf32> to vector<16xf32>
        %get3A_197 = arith.index_cast %scan3A_144 : i32 to index
        %get3A_198 = arith.constant 48 : index
        %get3A_199 = tpu.vector_load %arg11[%get3A_197, %get3A_198] {strides = array<i32>} : memref<56x128xf32, #tpu.memory_space<vmem>>, vector<1x16xf32>,
        %get3A_200 = vector.shape_cast %get3A_199 : vector<1x16xf32> to vector<16xf32>
        %add3A_201 = arith.addf %get3A_196, %get3A_200 : vector<16xf32>
        %max3A_202 = arith.constant 0.000000e+00 : f32
        %max3A_203 = vector.broadcast %max3A_202 : f32 to vector<16xf32>
        %max3A_204 = arith.maximumf %add3A_201, %max3A_203 : vector<16xf32>
        %swap3A_205 = arith.index_cast %scan3A_144 : i32 to index
        %swap3A_206 = arith.constant 48 : index
        %swap3A_207 = tpu.vector_load %arg13[%swap3A_205, %swap3A_206] {strides = array<i32>} : memref<56x128xf32, #tpu.memory_space<vmem>>, vector<1x16xf32>,
        %swap3A_208 = vector.shape_cast %swap3A_207 : vector<1x16xf32> to vector<16xf32>
        %swap3A_209 = vector.shape_cast %max3A_204 : vector<16xf32> to vector<1x16xf32>
        tpu.vector_store %arg13[%swap3A_205, %swap3A_206], %swap3A_209 {strides = array<i32>} : memref<56x128xf32, #tpu.memory_space<vmem>>, vector<1x16xf32>,
        %get3A_210 = arith.index_cast %scan3A_144 : i32 to index
        %get3A_211 = arith.constant 64 : index
        %get3A_212 = tpu.vector_load %arg9[%get3A_210, %get3A_211] {strides = array<i32>} : memref<56x128xf32, #tpu.memory_space<vmem>>, vector<1x16xf32>,
        %get3A_213 = vector.shape_cast %get3A_212 : vector<1x16xf32> to vector<16xf32>
        %get3A_214 = arith.index_cast %scan3A_144 : i32 to index
        %get3A_215 = arith.constant 64 : index
        %get3A_216 = tpu.vector_load %arg11[%get3A_214, %get3A_215] {strides = array<i32>} : memref<56x128xf32, #tpu.memory_space<vmem>>, vector<1x16xf32>,
        %get3A_217 = vector.shape_cast %get3A_216 : vector<1x16xf32> to vector<16xf32>
        %add3A_218 = arith.addf %get3A_213, %get3A_217 : vector<16xf32>
        %max3A_219 = arith.constant 0.000000e+00 : f32
        %max3A_220 = vector.broadcast %max3A_219 : f32 to vector<16xf32>
        %max3A_221 = arith.maximumf %add3A_218, %max3A_220 : vector<16xf32>
        %swap3A_222 = arith.index_cast %scan3A_144 : i32 to index
        %swap3A_223 = arith.constant 64 : index
        %swap3A_224 = tpu.vector_load %arg13[%swap3A_222, %swap3A_223] {strides = array<i32>} : memref<56x128xf32, #tpu.memory_space<vmem>>, vector<1x16xf32>,
        %swap3A_225 = vector.shape_cast %swap3A_224 : vector<1x16xf32> to vector<16xf32>
        %swap3A_226 = vector.shape_cast %max3A_221 : vector<16xf32> to vector<1x16xf32>
        tpu.vector_store %arg13[%swap3A_222, %swap3A_223], %swap3A_226 {strides = array<i32>} : memref<56x128xf32, #tpu.memory_space<vmem>>, vector<1x16xf32>,
        %get3A_227 = arith.index_cast %scan3A_144 : i32 to index
        %get3A_228 = arith.constant 80 : index
        %get3A_229 = tpu.vector_load %arg9[%get3A_227, %get3A_228] {strides = array<i32>} : memref<56x128xf32, #tpu.memory_space<vmem>>, vector<1x16xf32>,
        %get3A_230 = vector.shape_cast %get3A_229 : vector<1x16xf32> to vector<16xf32>
        %get3A_231 = arith.index_cast %scan3A_144 : i32 to index
        %get3A_232 = arith.constant 80 : index
        %get3A_233 = tpu.vector_load %arg11[%get3A_231, %get3A_232] {strides = array<i32>} : memref<56x128xf32, #tpu.memory_space<vmem>>, vector<1x16xf32>,
        %get3A_234 = vector.shape_cast %get3A_233 : vector<1x16xf32> to vector<16xf32>
        %add3A_235 = arith.addf %get3A_230, %get3A_234 : vector<16xf32>
        %max3A_236 = arith.constant 0.000000e+00 : f32
        %max3A_237 = vector.broadcast %max3A_236 : f32 to vector<16xf32>
        %max3A_238 = arith.maximumf %add3A_235, %max3A_237 : vector<16xf32>
        %swap3A_239 = arith.index_cast %scan3A_144 : i32 to index
        %swap3A_240 = arith.constant 80 : index
        %swap3A_241 = tpu.vector_load %arg13[%swap3A_239, %swap3A_240] {strides = array<i32>} : memref<56x128xf32, #tpu.memory_space<vmem>>, vector<1x16xf32>,
        %swap3A_242 = vector.shape_cast %swap3A_241 : vector<1x16xf32> to vector<16xf32>
        %swap3A_243 = vector.shape_cast %max3A_238 : vector<16xf32> to vector<1x16xf32>
        tpu.vector_store %arg13[%swap3A_239, %swap3A_240], %swap3A_243 {strides = array<i32>} : memref<56x128xf32, #tpu.memory_space<vmem>>, vector<1x16xf32>,
        %get3A_244 = arith.index_cast %scan3A_144 : i32 to index
        %get3A_245 = arith.constant 96 : index
        %get3A_246 = tpu.vector_load %arg9[%get3A_244, %get3A_245] {strides = array<i32>} : memref<56x128xf32, #tpu.memory_space<vmem>>, vector<1x16xf32>,
        %get3A_247 = vector.shape_cast %get3A_246 : vector<1x16xf32> to vector<16xf32>
        %get3A_248 = arith.index_cast %scan3A_144 : i32 to index
        %get3A_249 = arith.constant 96 : index
        %get3A_250 = tpu.vector_load %arg11[%get3A_248, %get3A_249] {strides = array<i32>} : memref<56x128xf32, #tpu.memory_space<vmem>>, vector<1x16xf32>,
        %get3A_251 = vector.shape_cast %get3A_250 : vector<1x16xf32> to vector<16xf32>
        %add3A_252 = arith.addf %get3A_247, %get3A_251 : vector<16xf32>
        %max3A_253 = arith.constant 0.000000e+00 : f32
        %max3A_254 = vector.broadcast %max3A_253 : f32 to vector<16xf32>
        %max3A_255 = arith.maximumf %add3A_252, %max3A_254 : vector<16xf32>
        %swap3A_256 = arith.index_cast %scan3A_144 : i32 to index
        %swap3A_257 = arith.constant 96 : index
        %swap3A_258 = tpu.vector_load %arg13[%swap3A_256, %swap3A_257] {strides = array<i32>} : memref<56x128xf32, #tpu.memory_space<vmem>>, vector<1x16xf32>,
        %swap3A_259 = vector.shape_cast %swap3A_258 : vector<1x16xf32> to vector<16xf32>
        %swap3A_260 = vector.shape_cast %max3A_255 : vector<16xf32> to vector<1x16xf32>
        tpu.vector_store %arg13[%swap3A_256, %swap3A_257], %swap3A_260 {strides = array<i32>} : memref<56x128xf32, #tpu.memory_space<vmem>>, vector<1x16xf32>,
        %get3A_261 = arith.index_cast %scan3A_144 : i32 to index
        %get3A_262 = arith.constant 112 : index
        %get3A_263 = tpu.vector_load %arg9[%get3A_261, %get3A_262] {strides = array<i32>} : memref<56x128xf32, #tpu.memory_space<vmem>>, vector<1x16xf32>,
        %get3A_264 = vector.shape_cast %get3A_263 : vector<1x16xf32> to vector<16xf32>
        %get3A_265 = arith.index_cast %scan3A_144 : i32 to index
        %get3A_266 = arith.constant 112 : index
        %get3A_267 = tpu.vector_load %arg11[%get3A_265, %get3A_266] {strides = array<i32>} : memref<56x128xf32, #tpu.memory_space<vmem>>, vector<1x16xf32>,
        %get3A_268 = vector.shape_cast %get3A_267 : vector<1x16xf32> to vector<16xf32>
        %add3A_269 = arith.addf %get3A_264, %get3A_268 : vector<16xf32>
        %max3A_270 = arith.constant 0.000000e+00 : f32
        %max3A_271 = vector.broadcast %max3A_270 : f32 to vector<16xf32>
        %max3A_272 = arith.maximumf %add3A_269, %max3A_271 : vector<16xf32>
        %swap3A_273 = arith.index_cast %scan3A_144 : i32 to index
        %swap3A_274 = arith.constant 112 : index
        %swap3A_275 = tpu.vector_load %arg13[%swap3A_273, %swap3A_274] {strides = array<i32>} : memref<56x128xf32, #tpu.memory_space<vmem>>, vector<1x16xf32>,
        %swap3A_276 = vector.shape_cast %swap3A_275 : vector<1x16xf32> to vector<16xf32>
        %swap3A_277 = vector.shape_cast %max3A_272 : vector<16xf32> to vector<1x16xf32>
        tpu.vector_store %arg13[%swap3A_273, %swap3A_274], %swap3A_277 {strides = array<i32>} : memref<56x128xf32, #tpu.memory_space<vmem>>, vector<1x16xf32>,
      }
      %scan3A_85 = arith.constant 56 : i32
      %dma_wait3A_86 = arith.constant 0 : i32
      %dma_wait3A_87 = tpu.memref_slice %arg5[%dma_wait3A_86] : memref<322560xi32, #tpu.memory_space<hbm>> -> memref<56xi32, #tpu.memory_space<hbm>>
      %dma_wait3A_88 = arith.constant 0 : i32
      %dma_wait3A_89 = tpu.memref_slice %arg5[%dma_wait3A_88] : memref<322560xi32, #tpu.memory_space<hbm>> -> memref<56xi32, #tpu.memory_space<hbm>>
      tpu.wait_dma2 semaphore(%arg27 : memref<!tpu.dma_semaphore, #tpu.memory_space<semaphore_mem>>) src(%dma_wait3A_89 : memref<56xi32, #tpu.memory_space<hbm>>) dst(%arg17 : memref<56xi32, #tpu.memory_space<vmem>>)
      %dma_start3A_90 = arith.constant 0 : i32
      %dma_start3A_91 = arith.constant 0 : i32
      %dma_start3A_92 = tpu.memref_slice %arg8[%dma_start3A_90, %dma_start3A_91] : memref<10112x128xf32, #tpu.memory_space<vmem_shared>> -> memref<10112x128xf32, #tpu.memory_space<vmem_shared>>
      tpu.enqueue_indirect_dma source(%arg13 : memref<56x128xf32, #tpu.memory_space<vmem>>) target(%dma_start3A_92 : memref<10112x128xf32, #tpu.memory_space<vmem_shared>>) offsets(%arg17 : memref<56xi32, #tpu.memory_space<vmem>>) semaphore(%arg23 : memref<!tpu.dma_semaphore, #tpu.memory_space<semaphore_mem>>) {add = true}
      %lt3A_93 = arith.constant 89 : i32
      %lt3A_94 = arith.cmpi slt, %scan3A_57, %lt3A_93 : i32
      %convert_element_type3A_95 = arith.extui %lt3A_94 : i1 to i32
      %cond3A_96 = arith.constant 0 : i32
      %cond3A_97 = arith.cmpi ne, %convert_element_type3A_95, %cond3A_96 : i32
      scf.if %cond3A_97 {
        %dma_wait3A_144 = arith.constant 0 : i32
        %dma_wait3A_145 = tpu.memref_slice %arg4[%dma_wait3A_144] : memref<322560xi32, #tpu.memory_space<hbm>> -> memref<56xi32, #tpu.memory_space<hbm>>
        %dma_wait3A_146 = arith.constant 0 : i32
        %dma_wait3A_147 = tpu.memref_slice %arg4[%dma_wait3A_146] : memref<322560xi32, #tpu.memory_space<hbm>> -> memref<56xi32, #tpu.memory_space<hbm>>
        tpu.wait_dma2 semaphore(%arg25 : memref<!tpu.dma_semaphore, #tpu.memory_space<semaphore_mem>>) src(%dma_wait3A_147 : memref<56xi32, #tpu.memory_space<hbm>>) dst(%arg15 : memref<56xi32, #tpu.memory_space<vmem>>)
        %add3A_148 = arith.constant 2 : i32
        %add3A_149 = arith.addi %mul3A_59, %add3A_148 : i32
        %dma_start3A_150 = arith.constant 0 : i32
        %dma_start3A_151 = arith.constant 0 : i32
        %dma_start3A_152 = tpu.memref_slice %arg2[%dma_start3A_150, %dma_start3A_151] : memref<10000x128xf32, #tpu.memory_space<hbm>> -> memref<10000x128xf32, #tpu.memory_space<hbm>>
        tpu.enqueue_indirect_dma source(%dma_start3A_152 : memref<10000x128xf32, #tpu.memory_space<hbm>>) target(%arg9 : memref<56x128xf32, #tpu.memory_space<vmem>>) offsets(%arg15 : memref<56xi32, #tpu.memory_space<vmem>>) semaphore(%arg19 : memref<!tpu.dma_semaphore, #tpu.memory_space<semaphore_mem>>)
        %add3A_153 = arith.addi %mul3A_4, %add3A_149 : i32
        %mul3A_154 = arith.constant 56 : i32
        %mul3A_155 = arith.muli %add3A_153, %mul3A_154 : i32
        %dma_start3A_156 = arith.constant 0 : i32
        %dma_start3A_157 = tpu.memref_slice %arg3[%mul3A_155, %dma_start3A_156] : memref<322560x128xf32, #tpu.memory_space<hbm>> -> memref<56x128xf32, #tpu.memory_space<hbm>>
        %dma_start3A_158 = arith.constant 0 : i32
        %dma_start3A_159 = tpu.memref_slice %arg3[%mul3A_155, %dma_start3A_158] : memref<322560x128xf32, #tpu.memory_space<hbm>> -> memref<56x128xf32, #tpu.memory_space<hbm>>
        tpu.enqueue_dma source(%dma_start3A_159 : memref<56x128xf32, #tpu.memory_space<hbm>>) target(%arg11 : memref<56x128xf32, #tpu.memory_space<vmem>>) target_semaphore(%arg21 : memref<!tpu.dma_semaphore, #tpu.memory_space<semaphore_mem>>)
      } else {
      }
      %mul3A_98 = arith.constant 2 : i32
      %mul3A_99 = arith.muli %mul3A_98, %scan3A_57 : i32
      %add3A_100 = arith.constant 1 : i32
      %add3A_101 = arith.addi %mul3A_99, %add3A_100 : i32
      %dma_wait3A_102 = arith.constant 0 : i32
      %dma_wait3A_103 = arith.constant 0 : i32
      %dma_wait3A_104 = tpu.memref_slice %arg2[%dma_wait3A_102, %dma_wait3A_103] : memref<10000x128xf32, #tpu.memory_space<hbm>> -> memref<10000x128xf32, #tpu.memory_space<hbm>>
      tpu.wait_indirect_dma semaphore(%arg20 : memref<!tpu.dma_semaphore, #tpu.memory_space<semaphore_mem>>) src(%dma_wait3A_104 : memref<10000x128xf32, #tpu.memory_space<hbm>>) dst(%arg10 : memref<56x128xf32, #tpu.memory_space<vmem>>)
      %dma_wait3A_105 = arith.constant 0 : i32
      %dma_wait3A_106 = arith.constant 0 : i32
      %dma_wait3A_107 = tpu.memref_slice %arg3[%dma_wait3A_105, %dma_wait3A_106] : memref<322560x128xf32, #tpu.memory_space<hbm>> -> memref<56x128xf32, #tpu.memory_space<hbm>>
      %dma_wait3A_108 = arith.constant 0 : i32
      %dma_wait3A_109 = arith.constant 0 : i32
      %dma_wait3A_110 = tpu.memref_slice %arg3[%dma_wait3A_108, %dma_wait3A_109] : memref<322560x128xf32, #tpu.memory_space<hbm>> -> memref<56x128xf32, #tpu.memory_space<hbm>>
      tpu.wait_dma2 semaphore(%arg22 : memref<!tpu.dma_semaphore, #tpu.memory_space<semaphore_mem>>) src(%dma_wait3A_110 : memref<56x128xf32, #tpu.memory_space<hbm>>) dst(%arg12 : memref<56x128xf32, #tpu.memory_space<vmem>>)
      %lt3A_111 = arith.constant 89 : i32
      %lt3A_112 = arith.cmpi slt, %scan3A_57, %lt3A_111 : i32
      %convert_element_type3A_113 = arith.extui %lt3A_112 : i1 to i32
      %cond3A_114 = arith.constant 0 : i32
      %cond3A_115 = arith.cmpi ne, %convert_element_type3A_113, %cond3A_114 : i32
      scf.if %cond3A_115 {
        %add3A_144 = arith.constant 2 : i32
        %add3A_145 = arith.addi %add3A_101, %add3A_144 : i32
        %add3A_146 = arith.addi %mul3A_4, %add3A_145 : i32
        %mul3A_147 = arith.constant 56 : i32
        %mul3A_148 = arith.muli %add3A_146, %mul3A_147 : i32
        %dma_start3A_149 = tpu.memref_slice %arg4[%mul3A_148] : memref<322560xi32, #tpu.memory_space<hbm>> -> memref<56xi32, #tpu.memory_space<hbm>>
        %dma_start3A_150 = tpu.memref_slice %arg4[%mul3A_148] : memref<322560xi32, #tpu.memory_space<hbm>> -> memref<56xi32, #tpu.memory_space<hbm>>
        tpu.enqueue_dma source(%dma_start3A_150 : memref<56xi32, #tpu.memory_space<hbm>>) target(%arg16 : memref<56xi32, #tpu.memory_space<vmem>>) target_semaphore(%arg26 : memref<!tpu.dma_semaphore, #tpu.memory_space<semaphore_mem>>)
      } else {
      }
      %gt3A_116 = arith.constant 0 : i32
      %gt3A_117 = arith.cmpi sgt, %scan3A_57, %gt3A_116 : i32
      %convert_element_type3A_118 = arith.extui %gt3A_117 : i1 to i32
      %cond3A_119 = arith.constant 0 : i32
      %cond3A_120 = arith.cmpi ne, %convert_element_type3A_118, %cond3A_119 : i32
      scf.if %cond3A_120 {
        %dma_wait3A_144 = arith.constant 0 : i32
        %dma_wait3A_145 = arith.constant 0 : i32
        %dma_wait3A_146 = tpu.memref_slice %arg8[%dma_wait3A_144, %dma_wait3A_145] : memref<10112x128xf32, #tpu.memory_space<vmem_shared>> -> memref<10112x128xf32, #tpu.memory_space<vmem_shared>>
        tpu.wait_indirect_dma semaphore(%arg24 : memref<!tpu.dma_semaphore, #tpu.memory_space<semaphore_mem>>) src(%arg14 : memref<56x128xf32, #tpu.memory_space<vmem>>) dst(%dma_wait3A_146 : memref<10112x128xf32, #tpu.memory_space<vmem_shared>>)
      } else {
      }
      %add3A_121 = arith.addi %mul3A_4, %add3A_101 : i32
      %mul3A_122 = arith.constant 56 : i32
      %mul3A_123 = arith.muli %add3A_121, %mul3A_122 : i32
      %dma_start3A_124 = tpu.memref_slice %arg5[%mul3A_123] : memref<322560xi32, #tpu.memory_space<hbm>> -> memref<56xi32, #tpu.memory_space<hbm>>
      %dma_start3A_125 = tpu.memref_slice %arg5[%mul3A_123] : memref<322560xi32, #tpu.memory_space<hbm>> -> memref<56xi32, #tpu.memory_space<hbm>>
      tpu.enqueue_dma source(%dma_start3A_125 : memref<56xi32, #tpu.memory_space<hbm>>) target(%arg18 : memref<56xi32, #tpu.memory_space<vmem>>) target_semaphore(%arg28 : memref<!tpu.dma_semaphore, #tpu.memory_space<semaphore_mem>>)
      %scan3A_126 = arith.constant 0 : i32
      %scan3A_127 = arith.constant 0 : i32
      %scan3A_128 = arith.constant 56 : i32
      %scan3A_129 = arith.addi %scan3A_127, %scan3A_128 : i32
      %scan3A_130 = arith.constant 1 : i32
      scf.for %scan3A_144 = %scan3A_127 to %scan3A_129 step %scan3A_130  : i32 {
        %get3A = arith.index_cast %scan3A_144 : i32 to index
        %get3A_145 = arith.constant 0 : index
        %get3A_146 = tpu.vector_load %arg10[%get3A, %get3A_145] {strides = array<i32>} : memref<56x128xf32, #tpu.memory_space<vmem>>, vector<1x16xf32>,
        %get3A_147 = vector.shape_cast %get3A_146 : vector<1x16xf32> to vector<16xf32>
        %get3A_148 = arith.index_cast %scan3A_144 : i32 to index
        %get3A_149 = arith.constant 0 : index
        %get3A_150 = tpu.vector_load %arg12[%get3A_148, %get3A_149] {strides = array<i32>} : memref<56x128xf32, #tpu.memory_space<vmem>>, vector<1x16xf32>,
        %get3A_151 = vector.shape_cast %get3A_150 : vector<1x16xf32> to vector<16xf32>
        %add3A_152 = arith.addf %get3A_147, %get3A_151 : vector<16xf32>
        %max3A = arith.constant 0.000000e+00 : f32
        %max3A_153 = vector.broadcast %max3A : f32 to vector<16xf32>
        %max3A_154 = arith.maximumf %add3A_152, %max3A_153 : vector<16xf32>
        %swap3A = arith.index_cast %scan3A_144 : i32 to index
        %swap3A_155 = arith.constant 0 : index
        %swap3A_156 = tpu.vector_load %arg14[%swap3A, %swap3A_155] {strides = array<i32>} : memref<56x128xf32, #tpu.memory_space<vmem>>, vector<1x16xf32>,
        %swap3A_157 = vector.shape_cast %swap3A_156 : vector<1x16xf32> to vector<16xf32>
        %swap3A_158 = vector.shape_cast %max3A_154 : vector<16xf32> to vector<1x16xf32>
        tpu.vector_store %arg14[%swap3A, %swap3A_155], %swap3A_158 {strides = array<i32>} : memref<56x128xf32, #tpu.memory_space<vmem>>, vector<1x16xf32>,
        %get3A_159 = arith.index_cast %scan3A_144 : i32 to index
        %get3A_160 = arith.constant 16 : index
        %get3A_161 = tpu.vector_load %arg10[%get3A_159, %get3A_160] {strides = array<i32>} : memref<56x128xf32, #tpu.memory_space<vmem>>, vector<1x16xf32>,
        %get3A_162 = vector.shape_cast %get3A_161 : vector<1x16xf32> to vector<16xf32>
        %get3A_163 = arith.index_cast %scan3A_144 : i32 to index
        %get3A_164 = arith.constant 16 : index
        %get3A_165 = tpu.vector_load %arg12[%get3A_163, %get3A_164] {strides = array<i32>} : memref<56x128xf32, #tpu.memory_space<vmem>>, vector<1x16xf32>,
        %get3A_166 = vector.shape_cast %get3A_165 : vector<1x16xf32> to vector<16xf32>
        %add3A_167 = arith.addf %get3A_162, %get3A_166 : vector<16xf32>
        %max3A_168 = arith.constant 0.000000e+00 : f32
        %max3A_169 = vector.broadcast %max3A_168 : f32 to vector<16xf32>
        %max3A_170 = arith.maximumf %add3A_167, %max3A_169 : vector<16xf32>
        %swap3A_171 = arith.index_cast %scan3A_144 : i32 to index
        %swap3A_172 = arith.constant 16 : index
        %swap3A_173 = tpu.vector_load %arg14[%swap3A_171, %swap3A_172] {strides = array<i32>} : memref<56x128xf32, #tpu.memory_space<vmem>>, vector<1x16xf32>,
        %swap3A_174 = vector.shape_cast %swap3A_173 : vector<1x16xf32> to vector<16xf32>
        %swap3A_175 = vector.shape_cast %max3A_170 : vector<16xf32> to vector<1x16xf32>
        tpu.vector_store %arg14[%swap3A_171, %swap3A_172], %swap3A_175 {strides = array<i32>} : memref<56x128xf32, #tpu.memory_space<vmem>>, vector<1x16xf32>,
        %get3A_176 = arith.index_cast %scan3A_144 : i32 to index
        %get3A_177 = arith.constant 32 : index
        %get3A_178 = tpu.vector_load %arg10[%get3A_176, %get3A_177] {strides = array<i32>} : memref<56x128xf32, #tpu.memory_space<vmem>>, vector<1x16xf32>,
        %get3A_179 = vector.shape_cast %get3A_178 : vector<1x16xf32> to vector<16xf32>
        %get3A_180 = arith.index_cast %scan3A_144 : i32 to index
        %get3A_181 = arith.constant 32 : index
        %get3A_182 = tpu.vector_load %arg12[%get3A_180, %get3A_181] {strides = array<i32>} : memref<56x128xf32, #tpu.memory_space<vmem>>, vector<1x16xf32>,
        %get3A_183 = vector.shape_cast %get3A_182 : vector<1x16xf32> to vector<16xf32>
        %add3A_184 = arith.addf %get3A_179, %get3A_183 : vector<16xf32>
        %max3A_185 = arith.constant 0.000000e+00 : f32
        %max3A_186 = vector.broadcast %max3A_185 : f32 to vector<16xf32>
        %max3A_187 = arith.maximumf %add3A_184, %max3A_186 : vector<16xf32>
        %swap3A_188 = arith.index_cast %scan3A_144 : i32 to index
        %swap3A_189 = arith.constant 32 : index
        %swap3A_190 = tpu.vector_load %arg14[%swap3A_188, %swap3A_189] {strides = array<i32>} : memref<56x128xf32, #tpu.memory_space<vmem>>, vector<1x16xf32>,
        %swap3A_191 = vector.shape_cast %swap3A_190 : vector<1x16xf32> to vector<16xf32>
        %swap3A_192 = vector.shape_cast %max3A_187 : vector<16xf32> to vector<1x16xf32>
        tpu.vector_store %arg14[%swap3A_188, %swap3A_189], %swap3A_192 {strides = array<i32>} : memref<56x128xf32, #tpu.memory_space<vmem>>, vector<1x16xf32>,
        %get3A_193 = arith.index_cast %scan3A_144 : i32 to index
        %get3A_194 = arith.constant 48 : index
        %get3A_195 = tpu.vector_load %arg10[%get3A_193, %get3A_194] {strides = array<i32>} : memref<56x128xf32, #tpu.memory_space<vmem>>, vector<1x16xf32>,
        %get3A_196 = vector.shape_cast %get3A_195 : vector<1x16xf32> to vector<16xf32>
        %get3A_197 = arith.index_cast %scan3A_144 : i32 to index
        %get3A_198 = arith.constant 48 : index
        %get3A_199 = tpu.vector_load %arg12[%get3A_197, %get3A_198] {strides = array<i32>} : memref<56x128xf32, #tpu.memory_space<vmem>>, vector<1x16xf32>,
        %get3A_200 = vector.shape_cast %get3A_199 : vector<1x16xf32> to vector<16xf32>
        %add3A_201 = arith.addf %get3A_196, %get3A_200 : vector<16xf32>
        %max3A_202 = arith.constant 0.000000e+00 : f32
        %max3A_203 = vector.broadcast %max3A_202 : f32 to vector<16xf32>
        %max3A_204 = arith.maximumf %add3A_201, %max3A_203 : vector<16xf32>
        %swap3A_205 = arith.index_cast %scan3A_144 : i32 to index
        %swap3A_206 = arith.constant 48 : index
        %swap3A_207 = tpu.vector_load %arg14[%swap3A_205, %swap3A_206] {strides = array<i32>} : memref<56x128xf32, #tpu.memory_space<vmem>>, vector<1x16xf32>,
        %swap3A_208 = vector.shape_cast %swap3A_207 : vector<1x16xf32> to vector<16xf32>
        %swap3A_209 = vector.shape_cast %max3A_204 : vector<16xf32> to vector<1x16xf32>
        tpu.vector_store %arg14[%swap3A_205, %swap3A_206], %swap3A_209 {strides = array<i32>} : memref<56x128xf32, #tpu.memory_space<vmem>>, vector<1x16xf32>,
        %get3A_210 = arith.index_cast %scan3A_144 : i32 to index
        %get3A_211 = arith.constant 64 : index
        %get3A_212 = tpu.vector_load %arg10[%get3A_210, %get3A_211] {strides = array<i32>} : memref<56x128xf32, #tpu.memory_space<vmem>>, vector<1x16xf32>,
        %get3A_213 = vector.shape_cast %get3A_212 : vector<1x16xf32> to vector<16xf32>
        %get3A_214 = arith.index_cast %scan3A_144 : i32 to index
        %get3A_215 = arith.constant 64 : index
        %get3A_216 = tpu.vector_load %arg12[%get3A_214, %get3A_215] {strides = array<i32>} : memref<56x128xf32, #tpu.memory_space<vmem>>, vector<1x16xf32>,
        %get3A_217 = vector.shape_cast %get3A_216 : vector<1x16xf32> to vector<16xf32>
        %add3A_218 = arith.addf %get3A_213, %get3A_217 : vector<16xf32>
        %max3A_219 = arith.constant 0.000000e+00 : f32
        %max3A_220 = vector.broadcast %max3A_219 : f32 to vector<16xf32>
        %max3A_221 = arith.maximumf %add3A_218, %max3A_220 : vector<16xf32>
        %swap3A_222 = arith.index_cast %scan3A_144 : i32 to index
        %swap3A_223 = arith.constant 64 : index
        %swap3A_224 = tpu.vector_load %arg14[%swap3A_222, %swap3A_223] {strides = array<i32>} : memref<56x128xf32, #tpu.memory_space<vmem>>, vector<1x16xf32>,
        %swap3A_225 = vector.shape_cast %swap3A_224 : vector<1x16xf32> to vector<16xf32>
        %swap3A_226 = vector.shape_cast %max3A_221 : vector<16xf32> to vector<1x16xf32>
        tpu.vector_store %arg14[%swap3A_222, %swap3A_223], %swap3A_226 {strides = array<i32>} : memref<56x128xf32, #tpu.memory_space<vmem>>, vector<1x16xf32>,
        %get3A_227 = arith.index_cast %scan3A_144 : i32 to index
        %get3A_228 = arith.constant 80 : index
        %get3A_229 = tpu.vector_load %arg10[%get3A_227, %get3A_228] {strides = array<i32>} : memref<56x128xf32, #tpu.memory_space<vmem>>, vector<1x16xf32>,
        %get3A_230 = vector.shape_cast %get3A_229 : vector<1x16xf32> to vector<16xf32>
        %get3A_231 = arith.index_cast %scan3A_144 : i32 to index
        %get3A_232 = arith.constant 80 : index
        %get3A_233 = tpu.vector_load %arg12[%get3A_231, %get3A_232] {strides = array<i32>} : memref<56x128xf32, #tpu.memory_space<vmem>>, vector<1x16xf32>,
        %get3A_234 = vector.shape_cast %get3A_233 : vector<1x16xf32> to vector<16xf32>
        %add3A_235 = arith.addf %get3A_230, %get3A_234 : vector<16xf32>
        %max3A_236 = arith.constant 0.000000e+00 : f32
        %max3A_237 = vector.broadcast %max3A_236 : f32 to vector<16xf32>
        %max3A_238 = arith.maximumf %add3A_235, %max3A_237 : vector<16xf32>
        %swap3A_239 = arith.index_cast %scan3A_144 : i32 to index
        %swap3A_240 = arith.constant 80 : index
        %swap3A_241 = tpu.vector_load %arg14[%swap3A_239, %swap3A_240] {strides = array<i32>} : memref<56x128xf32, #tpu.memory_space<vmem>>, vector<1x16xf32>,
        %swap3A_242 = vector.shape_cast %swap3A_241 : vector<1x16xf32> to vector<16xf32>
        %swap3A_243 = vector.shape_cast %max3A_238 : vector<16xf32> to vector<1x16xf32>
        tpu.vector_store %arg14[%swap3A_239, %swap3A_240], %swap3A_243 {strides = array<i32>} : memref<56x128xf32, #tpu.memory_space<vmem>>, vector<1x16xf32>,
        %get3A_244 = arith.index_cast %scan3A_144 : i32 to index
        %get3A_245 = arith.constant 96 : index
        %get3A_246 = tpu.vector_load %arg10[%get3A_244, %get3A_245] {strides = array<i32>} : memref<56x128xf32, #tpu.memory_space<vmem>>, vector<1x16xf32>,
        %get3A_247 = vector.shape_cast %get3A_246 : vector<1x16xf32> to vector<16xf32>
        %get3A_248 = arith.index_cast %scan3A_144 : i32 to index
        %get3A_249 = arith.constant 96 : index
        %get3A_250 = tpu.vector_load %arg12[%get3A_248, %get3A_249] {strides = array<i32>} : memref<56x128xf32, #tpu.memory_space<vmem>>, vector<1x16xf32>,
        %get3A_251 = vector.shape_cast %get3A_250 : vector<1x16xf32> to vector<16xf32>
        %add3A_252 = arith.addf %get3A_247, %get3A_251 : vector<16xf32>
        %max3A_253 = arith.constant 0.000000e+00 : f32
        %max3A_254 = vector.broadcast %max3A_253 : f32 to vector<16xf32>
        %max3A_255 = arith.maximumf %add3A_252, %max3A_254 : vector<16xf32>
        %swap3A_256 = arith.index_cast %scan3A_144 : i32 to index
        %swap3A_257 = arith.constant 96 : index
        %swap3A_258 = tpu.vector_load %arg14[%swap3A_256, %swap3A_257] {strides = array<i32>} : memref<56x128xf32, #tpu.memory_space<vmem>>, vector<1x16xf32>,
        %swap3A_259 = vector.shape_cast %swap3A_258 : vector<1x16xf32> to vector<16xf32>
        %swap3A_260 = vector.shape_cast %max3A_255 : vector<16xf32> to vector<1x16xf32>
        tpu.vector_store %arg14[%swap3A_256, %swap3A_257], %swap3A_260 {strides = array<i32>} : memref<56x128xf32, #tpu.memory_space<vmem>>, vector<1x16xf32>,
        %get3A_261 = arith.index_cast %scan3A_144 : i32 to index
        %get3A_262 = arith.constant 112 : index
        %get3A_263 = tpu.vector_load %arg10[%get3A_261, %get3A_262] {strides = array<i32>} : memref<56x128xf32, #tpu.memory_space<vmem>>, vector<1x16xf32>,
        %get3A_264 = vector.shape_cast %get3A_263 : vector<1x16xf32> to vector<16xf32>
        %get3A_265 = arith.index_cast %scan3A_144 : i32 to index
        %get3A_266 = arith.constant 112 : index
        %get3A_267 = tpu.vector_load %arg12[%get3A_265, %get3A_266] {strides = array<i32>} : memref<56x128xf32, #tpu.memory_space<vmem>>, vector<1x16xf32>,
        %get3A_268 = vector.shape_cast %get3A_267 : vector<1x16xf32> to vector<16xf32>
        %add3A_269 = arith.addf %get3A_264, %get3A_268 : vector<16xf32>
        %max3A_270 = arith.constant 0.000000e+00 : f32
        %max3A_271 = vector.broadcast %max3A_270 : f32 to vector<16xf32>
        %max3A_272 = arith.maximumf %add3A_269, %max3A_271 : vector<16xf32>
        %swap3A_273 = arith.index_cast %scan3A_144 : i32 to index
        %swap3A_274 = arith.constant 112 : index
        %swap3A_275 = tpu.vector_load %arg14[%swap3A_273, %swap3A_274] {strides = array<i32>} : memref<56x128xf32, #tpu.memory_space<vmem>>, vector<1x16xf32>,
        %swap3A_276 = vector.shape_cast %swap3A_275 : vector<1x16xf32> to vector<16xf32>
        %swap3A_277 = vector.shape_cast %max3A_272 : vector<16xf32> to vector<1x16xf32>
        tpu.vector_store %arg14[%swap3A_273, %swap3A_274], %swap3A_277 {strides = array<i32>} : memref<56x128xf32, #tpu.memory_space<vmem>>, vector<1x16xf32>,
      }
      %scan3A_131 = arith.constant 56 : i32
      %dma_wait3A_132 = arith.constant 0 : i32
      %dma_wait3A_133 = tpu.memref_slice %arg5[%dma_wait3A_132] : memref<322560xi32, #tpu.memory_space<hbm>> -> memref<56xi32, #tpu.memory_space<hbm>>
      %dma_wait3A_134 = arith.constant 0 : i32
      %dma_wait3A_135 = tpu.memref_slice %arg5[%dma_wait3A_134] : memref<322560xi32, #tpu.memory_space<hbm>> -> memref<56xi32, #tpu.memory_space<hbm>>
      tpu.wait_dma2 semaphore(%arg28 : memref<!tpu.dma_semaphore, #tpu.memory_space<semaphore_mem>>) src(%dma_wait3A_135 : memref<56xi32, #tpu.memory_space<hbm>>) dst(%arg18 : memref<56xi32, #tpu.memory_space<vmem>>)
      %dma_start3A_136 = arith.constant 0 : i32
      %dma_start3A_137 = arith.constant 0 : i32
      %dma_start3A_138 = tpu.memref_slice %arg8[%dma_start3A_136, %dma_start3A_137] : memref<10112x128xf32, #tpu.memory_space<vmem_shared>> -> memref<10112x128xf32, #tpu.memory_space<vmem_shared>>
      tpu.enqueue_indirect_dma source(%arg14 : memref<56x128xf32, #tpu.memory_space<vmem>>) target(%dma_start3A_138 : memref<10112x128xf32, #tpu.memory_space<vmem_shared>>) offsets(%arg18 : memref<56xi32, #tpu.memory_space<vmem>>) semaphore(%arg24 : memref<!tpu.dma_semaphore, #tpu.memory_space<semaphore_mem>>) {add = true}
      %lt3A_139 = arith.constant 89 : i32
      %lt3A_140 = arith.cmpi slt, %scan3A_57, %lt3A_139 : i32
      %convert_element_type3A_141 = arith.extui %lt3A_140 : i1 to i32
      %cond3A_142 = arith.constant 0 : i32
      %cond3A_143 = arith.cmpi ne, %convert_element_type3A_141, %cond3A_142 : i32
      scf.if %cond3A_143 {
        %dma_wait3A_144 = arith.constant 0 : i32
        %dma_wait3A_145 = tpu.memref_slice %arg4[%dma_wait3A_144] : memref<322560xi32, #tpu.memory_space<hbm>> -> memref<56xi32, #tpu.memory_space<hbm>>
        %dma_wait3A_146 = arith.constant 0 : i32
        %dma_wait3A_147 = tpu.memref_slice %arg4[%dma_wait3A_146] : memref<322560xi32, #tpu.memory_space<hbm>> -> memref<56xi32, #tpu.memory_space<hbm>>
        tpu.wait_dma2 semaphore(%arg26 : memref<!tpu.dma_semaphore, #tpu.memory_space<semaphore_mem>>) src(%dma_wait3A_147 : memref<56xi32, #tpu.memory_space<hbm>>) dst(%arg16 : memref<56xi32, #tpu.memory_space<vmem>>)
        %add3A_148 = arith.constant 2 : i32
        %add3A_149 = arith.addi %add3A_101, %add3A_148 : i32
        %dma_start3A_150 = arith.constant 0 : i32
        %dma_start3A_151 = arith.constant 0 : i32
        %dma_start3A_152 = tpu.memref_slice %arg2[%dma_start3A_150, %dma_start3A_151] : memref<10000x128xf32, #tpu.memory_space<hbm>> -> memref<10000x128xf32, #tpu.memory_space<hbm>>
        tpu.enqueue_indirect_dma source(%dma_start3A_152 : memref<10000x128xf32, #tpu.memory_space<hbm>>) target(%arg10 : memref<56x128xf32, #tpu.memory_space<vmem>>) offsets(%arg16 : memref<56xi32, #tpu.memory_space<vmem>>) semaphore(%arg20 : memref<!tpu.dma_semaphore, #tpu.memory_space<semaphore_mem>>)
        %add3A_153 = arith.addi %mul3A_4, %add3A_149 : i32
        %mul3A_154 = arith.constant 56 : i32
        %mul3A_155 = arith.muli %add3A_153, %mul3A_154 : i32
        %dma_start3A_156 = arith.constant 0 : i32
        %dma_start3A_157 = tpu.memref_slice %arg3[%mul3A_155, %dma_start3A_156] : memref<322560x128xf32, #tpu.memory_space<hbm>> -> memref<56x128xf32, #tpu.memory_space<hbm>>
        %dma_start3A_158 = arith.constant 0 : i32
        %dma_start3A_159 = tpu.memref_slice %arg3[%mul3A_155, %dma_start3A_158] : memref<322560x128xf32, #tpu.memory_space<hbm>> -> memref<56x128xf32, #tpu.memory_space<hbm>>
        tpu.enqueue_dma source(%dma_start3A_159 : memref<56x128xf32, #tpu.memory_space<hbm>>) target(%arg12 : memref<56x128xf32, #tpu.memory_space<vmem>>) target_semaphore(%arg22 : memref<!tpu.dma_semaphore, #tpu.memory_space<semaphore_mem>>)
      } else {
      }
    }
    %scan3A_49 = arith.constant 90 : i32
    %dma_wait3A_50 = arith.constant 0 : i32
    %dma_wait3A_51 = arith.constant 0 : i32
    %dma_wait3A_52 = tpu.memref_slice %arg8[%dma_wait3A_50, %dma_wait3A_51] : memref<10112x128xf32, #tpu.memory_space<vmem_shared>> -> memref<10112x128xf32, #tpu.memory_space<vmem_shared>>
    tpu.wait_indirect_dma semaphore(%arg23 : memref<!tpu.dma_semaphore, #tpu.memory_space<semaphore_mem>>) src(%arg13 : memref<56x128xf32, #tpu.memory_space<vmem>>) dst(%dma_wait3A_52 : memref<10112x128xf32, #tpu.memory_space<vmem_shared>>)
    %dma_wait3A_53 = arith.constant 0 : i32
    %dma_wait3A_54 = arith.constant 0 : i32
    %dma_wait3A_55 = tpu.memref_slice %arg8[%dma_wait3A_53, %dma_wait3A_54] : memref<10112x128xf32, #tpu.memory_space<vmem_shared>> -> memref<10112x128xf32, #tpu.memory_space<vmem_shared>>
    tpu.wait_indirect_dma semaphore(%arg24 : memref<!tpu.dma_semaphore, #tpu.memory_space<semaphore_mem>>) src(%arg14 : memref<56x128xf32, #tpu.memory_space<vmem>>) dst(%dma_wait3A_55 : memref<10112x128xf32, #tpu.memory_space<vmem_shared>>)
    %barrier3A_56 = arith.constant 0 : index
    tpu.barrier barrier_id(%barrier3A_56)
    "tpu.region"() ({
      %run_scoped3A = tpu.sem_alloc : memref<!tpu.dma_semaphore, #tpu.memory_space<semaphore_mem>>
      %dma_start3A_57 = arith.constant 0 : i32
      %dma_start3A_58 = tpu.memref_slice %arg7[%arg0, %mul3A_2, %dma_start3A_57] : memref<2x10112x128xf32, #tpu.memory_space<hbm>> -> memref<1x632x128xf32, #tpu.memory_space<hbm>>
      %dma_start3A_59 = tpu.memref_squeeze %dma_start3A_58 : memref<1x632x128xf32, #tpu.memory_space<hbm>> -> memref<632x128xf32, #tpu.memory_space<hbm>>
      %dma_start3A_60 = arith.constant 0 : i32
      %dma_start3A_61 = tpu.memref_slice %arg8[%mul3A_2, %dma_start3A_60] : memref<10112x128xf32, #tpu.memory_space<vmem_shared>> -> memref<632x128xf32, #tpu.memory_space<vmem_shared>>
      tpu.enqueue_dma source(%dma_start3A_61 : memref<632x128xf32, #tpu.memory_space<vmem_shared>>) target(%dma_start3A_59 : memref<632x128xf32, #tpu.memory_space<hbm>>) target_semaphore(%run_scoped3A : memref<!tpu.dma_semaphore, #tpu.memory_space<semaphore_mem>>)
      %dma_wait3A_62 = arith.constant 0 : i32
      %dma_wait3A_63 = tpu.memref_slice %arg7[%arg0, %mul3A_2, %dma_wait3A_62] : memref<2x10112x128xf32, #tpu.memory_space<hbm>> -> memref<1x632x128xf32, #tpu.memory_space<hbm>>
      %dma_wait3A_64 = tpu.memref_squeeze %dma_wait3A_63 : memref<1x632x128xf32, #tpu.memory_space<hbm>> -> memref<632x128xf32, #tpu.memory_space<hbm>>
      %dma_wait3A_65 = arith.constant 0 : i32
      %dma_wait3A_66 = tpu.memref_slice %arg8[%mul3A_2, %dma_wait3A_65] : memref<10112x128xf32, #tpu.memory_space<vmem_shared>> -> memref<632x128xf32, #tpu.memory_space<vmem_shared>>
      tpu.wait_dma2 semaphore(%run_scoped3A : memref<!tpu.dma_semaphore, #tpu.memory_space<semaphore_mem>>) src(%dma_wait3A_66 : memref<632x128xf32, #tpu.memory_space<vmem_shared>>) dst(%dma_wait3A_64 : memref<632x128xf32, #tpu.memory_space<hbm>>)
      tpu.yield
    }) : () -> ()
    return
  }
}

#map = affine_map<(d0, d1) -> (0, 0)>
#map1 = affine_map<(d0, d1) -> (0)>
#map2 = affine_map<(d0, d1) -> (0, 0, 0)>
module attributes {stable_mosaic.version = 14 : i64} {
  func.func @agg(%arg0: i32, %arg1: i32, %arg2: memref<10000x128xf32, #tpu.memory_space<hbm>>, %arg3: memref<322560x128xf32, #tpu.memory_space<hbm>>, %arg4: memref<322560xi32, #tpu.memory_space<hbm>>, %arg5: memref<322560xi32, #tpu.memory_space<hbm>>, %arg6: memref<10112x128xf32, #tpu.memory_space<hbm>>, %arg7: memref<2x10112x128xf32, #tpu.memory_space<hbm>>, %arg8: memref<10112x128xf32, #tpu.memory_space<vmem_shared>>, %arg9: memref<56x128xf32, #tpu.memory_space<vmem>>, %arg10: memref<56x128xf32, #tpu.memory_space<vmem>>, %arg11: memref<56x128xf32, #tpu.memory_space<vmem>>, %arg12: memref<56x128xf32, #tpu.memory_space<vmem>>, %arg13: memref<56x128xf32, #tpu.memory_space<vmem>>, %arg14: memref<56x128xf32, #tpu.memory_space<vmem>>, %arg15: memref<56xi32, #tpu.memory_space<vmem>>, %arg16: memref<56xi32, #tpu.memory_space<vmem>>, %arg17: memref<56xi32, #tpu.memory_space<vmem>>, %arg18: memref<56xi32, #tpu.memory_space<vmem>>, %arg19: memref<!tpu.dma_semaphore, #tpu.memory_space<semaphore_mem>>, %arg20: memref<!tpu.dma_semaphore, #tpu.memory_space<semaphore_mem>>, %arg21: memref<!tpu.dma_semaphore, #tpu.memory_space<semaphore_mem>>, %arg22: memref<!tpu.dma_semaphore, #tpu.memory_space<semaphore_mem>>, %arg23: memref<!tpu.dma_semaphore, #tpu.memory_space<semaphore_mem>>, %arg24: memref<!tpu.dma_semaphore, #tpu.memory_space<semaphore_mem>>, %arg25: memref<!tpu.dma_semaphore, #tpu.memory_space<semaphore_mem>>, %arg26: memref<!tpu.dma_semaphore, #tpu.memory_space<semaphore_mem>>, %arg27: memref<!tpu.dma_semaphore, #tpu.memory_space<semaphore_mem>>, %arg28: memref<!tpu.dma_semaphore, #tpu.memory_space<semaphore_mem>>) attributes {dimension_semantics = [#tpu.dimension_semantics<core_parallel>, #tpu.dimension_semantics<subcore_parallel>], iteration_bounds = array<i64: 2, 16>, scalar_prefetch = 0 : i64, scratch_operands = 21 : i64, tpu.core_type = #tpu.core_type<sc_vector_subcore>, window_params = [{transform_indices = #map}, {transform_indices = #map}, {transform_indices = #map1}, {transform_indices = #map1}, {transform_indices = #map}, {transform_indices = #map2}]} {
    %mul3A = arith.constant 16 : i32
    %mul3A_0 = arith.muli %arg0, %mul3A : i32
    %add3A = arith.addi %mul3A_0, %arg1 : i32
    %mul3A_1 = arith.constant 632 : i32
    %mul3A_2 = arith.muli %arg1, %mul3A_1 : i32
    %mul3A_3 = arith.constant 180 : i32
    %mul3A_4 = arith.muli %add3A, %mul3A_3 : i32
    "tpu.region"() ({
      %run_scoped3A = tpu.sem_alloc : memref<!tpu.dma_semaphore, #tpu.memory_space<semaphore_mem>>
      %dma_start3A_57 = arith.constant 0 : i32
      %dma_start3A_58 = tpu.memref_slice %arg8[%mul3A_2, %dma_start3A_57] : memref<10112x128xf32, #tpu.memory_space<vmem_shared>> -> memref<632x128xf32, #tpu.memory_space<vmem_shared>>
      %dma_start3A_59 = arith.constant 0 : i32
      %dma_start3A_60 = tpu.memref_slice %arg6[%mul3A_2, %dma_start3A_59] : memref<10112x128xf32, #tpu.memory_space<hbm>> -> memref<632x128xf32, #tpu.memory_space<hbm>>
      tpu.enqueue_dma source(%dma_start3A_60 : memref<632x128xf32, #tpu.memory_space<hbm>>) target(%dma_start3A_58 : memref<632x128xf32, #tpu.memory_space<vmem_shared>>) target_semaphore(%run_scoped3A : memref<!tpu.dma_semaphore, #tpu.memory_space<semaphore_mem>>)
      %dma_wait3A_61 = arith.constant 0 : i32
      %dma_wait3A_62 = tpu.memref_slice %arg8[%mul3A_2, %dma_wait3A_61] : memref<10112x128xf32, #tpu.memory_space<vmem_shared>> -> memref<632x128xf32, #tpu.memory_space<vmem_shared>>
      %dma_wait3A_63 = arith.constant 0 : i32
      %dma_wait3A_64 = tpu.memref_slice %arg6[%mul3A_2, %dma_wait3A_63] : memref<10112x128xf32, #tpu.memory_space<hbm>> -> memref<632x128xf32, #tpu.memory_space<hbm>>
      tpu.wait_dma2 semaphore(%run_scoped3A : memref<!tpu.dma_semaphore, #tpu.memory_space<semaphore_mem>>) src(%dma_wait3A_64 : memref<632x128xf32, #tpu.memory_space<hbm>>) dst(%dma_wait3A_62 : memref<632x128xf32, #tpu.memory_space<vmem_shared>>)
      tpu.yield
    }) : () -> ()
    %barrier3A = arith.constant 0 : index
    tpu.barrier barrier_id(%barrier3A)
    %add3A_5 = arith.constant 0 : i32
    %add3A_6 = arith.addi %mul3A_4, %add3A_5 : i32
    %mul3A_7 = arith.constant 56 : i32
    %mul3A_8 = arith.muli %add3A_6, %mul3A_7 : i32
    %dma_start3A = tpu.memref_slice %arg4[%mul3A_8] : memref<322560xi32, #tpu.memory_space<hbm>> -> memref<56xi32, #tpu.memory_space<hbm>>
    %dma_start3A_9 = tpu.memref_slice %arg4[%mul3A_8] : memref<322560xi32, #tpu.memory_space<hbm>> -> memref<56xi32, #tpu.memory_space<hbm>>
    tpu.enqueue_dma source(%dma_start3A_9 : memref<56xi32, #tpu.memory_space<hbm>>) target(%arg15 : memref<56xi32, #tpu.memory_space<vmem>>) target_semaphore(%arg25 : memref<!tpu.dma_semaphore, #tpu.memory_space<semaphore_mem>>)
    %add3A_10 = arith.constant 1 : i32
    %add3A_11 = arith.addi %mul3A_4, %add3A_10 : i32
    %mul3A_12 = arith.constant 56 : i32
    %mul3A_13 = arith.muli %add3A_11, %mul3A_12 : i32
    %dma_start3A_14 = tpu.memref_slice %arg4[%mul3A_13] : memref<322560xi32, #tpu.memory_space<hbm>> -> memref<56xi32, #tpu.memory_space<hbm>>
    %dma_start3A_15 = tpu.memref_slice %arg4[%mul3A_13] : memref<322560xi32, #tpu.memory_space<hbm>> -> memref<56xi32, #tpu.memory_space<hbm>>
    tpu.enqueue_dma source(%dma_start3A_15 : memref<56xi32, #tpu.memory_space<hbm>>) target(%arg16 : memref<56xi32, #tpu.memory_space<vmem>>) target_semaphore(%arg26 : memref<!tpu.dma_semaphore, #tpu.memory_space<semaphore_mem>>)
    %dma_wait3A = arith.constant 0 : i32
    %dma_wait3A_16 = tpu.memref_slice %arg4[%dma_wait3A] : memref<322560xi32, #tpu.memory_space<hbm>> -> memref<56xi32, #tpu.memory_space<hbm>>
    %dma_wait3A_17 = arith.constant 0 : i32
    %dma_wait3A_18 = tpu.memref_slice %arg4[%dma_wait3A_17] : memref<322560xi32, #tpu.memory_space<hbm>> -> memref<56xi32, #tpu.memory_space<hbm>>
    tpu.wait_dma2 semaphore(%arg25 : memref<!tpu.dma_semaphore, #tpu.memory_space<semaphore_mem>>) src(%dma_wait3A_18 : memref<56xi32, #tpu.memory_space<hbm>>) dst(%arg15 : memref<56xi32, #tpu.memory_space<vmem>>)
    %dma_start3A_19 = arith.constant 0 : i32
    %dma_start3A_20 = arith.constant 0 : i32
    %dma_start3A_21 = tpu.memref_slice %arg2[%dma_start3A_19, %dma_start3A_20] : memref<10000x128xf32, #tpu.memory_space<hbm>> -> memref<10000x128xf32, #tpu.memory_space<hbm>>
    tpu.enqueue_indirect_dma source(%dma_start3A_21 : memref<10000x128xf32, #tpu.memory_space<hbm>>) target(%arg9 : memref<56x128xf32, #tpu.memory_space<vmem>>) offsets(%arg15 : memref<56xi32, #tpu.memory_space<vmem>>) semaphore(%arg19 : memref<!tpu.dma_semaphore, #tpu.memory_space<semaphore_mem>>)
    %add3A_22 = arith.constant 0 : i32
    %add3A_23 = arith.addi %mul3A_4, %add3A_22 : i32
    %mul3A_24 = arith.constant 56 : i32
    %mul3A_25 = arith.muli %add3A_23, %mul3A_24 : i32
    %dma_start3A_26 = arith.constant 0 : i32
    %dma_start3A_27 = tpu.memref_slice %arg3[%mul3A_25, %dma_start3A_26] : memref<322560x128xf32, #tpu.memory_space<hbm>> -> memref<56x128xf32, #tpu.memory_space<hbm>>
    %dma_start3A_28 = arith.constant 0 : i32
    %dma_start3A_29 = tpu.memref_slice %arg3[%mul3A_25, %dma_start3A_28] : memref<322560x128xf32, #tpu.memory_space<hbm>> -> memref<56x128xf32, #tpu.memory_space<hbm>>
    tpu.enqueue_dma source(%dma_start3A_29 : memref<56x128xf32, #tpu.memory_space<hbm>>) target(%arg11 : memref<56x128xf32, #tpu.memory_space<vmem>>) target_semaphore(%arg21 : memref<!tpu.dma_semaphore, #tpu.memory_space<semaphore_mem>>)
    %dma_wait3A_30 = arith.constant 0 : i32
    %dma_wait3A_31 = tpu.memref_slice %arg4[%dma_wait3A_30] : memref<322560xi32, #tpu.memory_space<hbm>> -> memref<56xi32, #tpu.memory_space<hbm>>
    %dma_wait3A_32 = arith.constant 0 : i32
    %dma_wait3A_33 = tpu.memref_slice %arg4[%dma_wait3A_32] : memref<322560xi32, #tpu.memory_space<hbm>> -> memref<56xi32, #tpu.memory_space<hbm>>
    tpu.wait_dma2 semaphore(%arg26 : memref<!tpu.dma_semaphore, #tpu.memory_space<semaphore_mem>>) src(%dma_wait3A_33 : memref<56xi32, #tpu.memory_space<hbm>>) dst(%arg16 : memref<56xi32, #tpu.memory_space<vmem>>)
    %dma_start3A_34 = arith.constant 0 : i32
    %dma_start3A_35 = arith.constant 0 : i32
    %dma_start3A_36 = tpu.memref_slice %arg2[%dma_start3A_34, %dma_start3A_35] : memref<10000x128xf32, #tpu.memory_space<hbm>> -> memref<10000x128xf32, #tpu.memory_space<hbm>>
    tpu.enqueue_indirect_dma source(%dma_start3A_36 : memref<10000x128xf32, #tpu.memory_space<hbm>>) target(%arg10 : memref<56x128xf32, #tpu.memory_space<vmem>>) offsets(%arg16 : memref<56xi32, #tpu.memory_space<vmem>>) semaphore(%arg20 : memref<!tpu.dma_semaphore, #tpu.memory_space<semaphore_mem>>)
    %add3A_37 = arith.constant 1 : i32
    %add3A_38 = arith.addi %mul3A_4, %add3A_37 : i32
    %mul3A_39 = arith.constant 56 : i32
    %mul3A_40 = arith.muli %add3A_38, %mul3A_39 : i32
    %dma_start3A_41 = arith.constant 0 : i32
    %dma_start3A_42 = tpu.memref_slice %arg3[%mul3A_40, %dma_start3A_41] : memref<322560x128xf32, #tpu.memory_space<hbm>> -> memref<56x128xf32, #tpu.memory_space<hbm>>
    %dma_start3A_43 = arith.constant 0 : i32
    %dma_start3A_44 = tpu.memref_slice %arg3[%mul3A_40, %dma_start3A_43] : memref<322560x128xf32, #tpu.memory_space<hbm>> -> memref<56x128xf32, #tpu.memory_space<hbm>>
    tpu.enqueue_dma source(%dma_start3A_44 : memref<56x128xf32, #tpu.memory_space<hbm>>) target(%arg12 : memref<56x128xf32, #tpu.memory_space<vmem>>) target_semaphore(%arg22 : memref<!tpu.dma_semaphore, #tpu.memory_space<semaphore_mem>>)
    %scan3A = arith.constant 0 : i32
    %scan3A_45 = arith.constant 0 : i32
    %scan3A_46 = arith.constant 90 : i32
    %scan3A_47 = arith.addi %scan3A_45, %scan3A_46 : i32
    %scan3A_48 = arith.constant 1 : i32
    scf.for %scan3A_57 = %scan3A_45 to %scan3A_47 step %scan3A_48  : i32 {
      %mul3A_58 = arith.constant 2 : i32
      %mul3A_59 = arith.muli %mul3A_58, %scan3A_57 : i32
      %dma_wait3A_60 = arith.constant 0 : i32
      %dma_wait3A_61 = arith.constant 0 : i32
      %dma_wait3A_62 = tpu.memref_slice %arg2[%dma_wait3A_60, %dma_wait3A_61] : memref<10000x128xf32, #tpu.memory_space<hbm>> -> memref<10000x128xf32, #tpu.memory_space<hbm>>
      tpu.wait_indirect_dma semaphore(%arg19 : memref<!tpu.dma_semaphore, #tpu.memory_space<semaphore_mem>>) src(%dma_wait3A_62 : memref<10000x128xf32, #tpu.memory_space<hbm>>) dst(%arg9 : memref<56x128xf32, #tpu.memory_space<vmem>>)
      %dma_wait3A_63 = arith.constant 0 : i32
      %dma_wait3A_64 = arith.constant 0 : i32
      %dma_wait3A_65 = tpu.memref_slice %arg3[%dma_wait3A_63, %dma_wait3A_64] : memref<322560x128xf32, #tpu.memory_space<hbm>> -> memref<56x128xf32, #tpu.memory_space<hbm>>
      %dma_wait3A_66 = arith.constant 0 : i32
      %dma_wait3A_67 = arith.constant 0 : i32
      %dma_wait3A_68 = tpu.memref_slice %arg3[%dma_wait3A_66, %dma_wait3A_67] : memref<322560x128xf32, #tpu.memory_space<hbm>> -> memref<56x128xf32, #tpu.memory_space<hbm>>
      tpu.wait_dma2 semaphore(%arg21 : memref<!tpu.dma_semaphore, #tpu.memory_space<semaphore_mem>>) src(%dma_wait3A_68 : memref<56x128xf32, #tpu.memory_space<hbm>>) dst(%arg11 : memref<56x128xf32, #tpu.memory_space<vmem>>)
      %lt3A = arith.constant 89 : i32
      %lt3A_69 = arith.cmpi slt, %scan3A_57, %lt3A : i32
      %convert_element_type3A = arith.extui %lt3A_69 : i1 to i32
      %cond3A = arith.constant 0 : i32
      %cond3A_70 = arith.cmpi ne, %convert_element_type3A, %cond3A : i32
      scf.if %cond3A_70 {
        %add3A_144 = arith.constant 2 : i32
        %add3A_145 = arith.addi %mul3A_59, %add3A_144 : i32
        %add3A_146 = arith.addi %mul3A_4, %add3A_145 : i32
        %mul3A_147 = arith.constant 56 : i32
        %mul3A_148 = arith.muli %add3A_146, %mul3A_147 : i32
        %dma_start3A_149 = tpu.memref_slice %arg4[%mul3A_148] : memref<322560xi32, #tpu.memory_space<hbm>> -> memref<56xi32, #tpu.memory_space<hbm>>
        %dma_start3A_150 = tpu.memref_slice %arg4[%mul3A_148] : memref<322560xi32, #tpu.memory_space<hbm>> -> memref<56xi32, #tpu.memory_space<hbm>>
        tpu.enqueue_dma source(%dma_start3A_150 : memref<56xi32, #tpu.memory_space<hbm>>) target(%arg15 : memref<56xi32, #tpu.memory_space<vmem>>) target_semaphore(%arg25 : memref<!tpu.dma_semaphore, #tpu.memory_space<semaphore_mem>>)
      } else {
      }
      %gt3A = arith.constant 0 : i32
      %gt3A_71 = arith.cmpi sgt, %scan3A_57, %gt3A : i32
      %convert_element_type3A_72 = arith.extui %gt3A_71 : i1 to i32
      %cond3A_73 = arith.constant 0 : i32
      %cond3A_74 = arith.cmpi ne, %convert_element_type3A_72, %cond3A_73 : i32
      scf.if %cond3A_74 {
        %dma_wait3A_144 = arith.constant 0 : i32
        %dma_wait3A_145 = arith.constant 0 : i32
        %dma_wait3A_146 = tpu.memref_slice %arg8[%dma_wait3A_144, %dma_wait3A_145] : memref<10112x128xf32, #tpu.memory_space<vmem_shared>> -> memref<10112x128xf32, #tpu.memory_space<vmem_shared>>
        tpu.wait_indirect_dma semaphore(%arg23 : memref<!tpu.dma_semaphore, #tpu.memory_space<semaphore_mem>>) src(%arg13 : memref<56x128xf32, #tpu.memory_space<vmem>>) dst(%dma_wait3A_146 : memref<10112x128xf32, #tpu.memory_space<vmem_shared>>)
      } else {
      }
      %add3A_75 = arith.addi %mul3A_4, %mul3A_59 : i32
      %mul3A_76 = arith.constant 56 : i32
      %mul3A_77 = arith.muli %add3A_75, %mul3A_76 : i32
      %dma_start3A_78 = tpu.memref_slice %arg5[%mul3A_77] : memref<322560xi32, #tpu.memory_space<hbm>> -> memref<56xi32, #tpu.memory_space<hbm>>
      %dma_start3A_79 = tpu.memref_slice %arg5[%mul3A_77] : memref<322560xi32, #tpu.memory_space<hbm>> -> memref<56xi32, #tpu.memory_space<hbm>>
      tpu.enqueue_dma source(%dma_start3A_79 : memref<56xi32, #tpu.memory_space<hbm>>) target(%arg17 : memref<56xi32, #tpu.memory_space<vmem>>) target_semaphore(%arg27 : memref<!tpu.dma_semaphore, #tpu.memory_space<semaphore_mem>>)
      %scan3A_80 = arith.constant 0 : i32
      %scan3A_81 = arith.constant 0 : i32
      %scan3A_82 = arith.constant 56 : i32
      %scan3A_83 = arith.addi %scan3A_81, %scan3A_82 : i32
      %scan3A_84 = arith.constant 1 : i32
      scf.for %scan3A_144 = %scan3A_81 to %scan3A_83 step %scan3A_84  : i32 {
        %get3A = arith.index_cast %scan3A_144 : i32 to index
        %get3A_145 = arith.constant 0 : index
        %get3A_146 = tpu.vector_load %arg9[%get3A, %get3A_145] {strides = array<i32>} : memref<56x128xf32, #tpu.memory_space<vmem>>, vector<1x16xf32>,
        %get3A_147 = vector.shape_cast %get3A_146 : vector<1x16xf32> to vector<16xf32>
        %get3A_148 = arith.index_cast %scan3A_144 : i32 to index
        %get3A_149 = arith.constant 0 : index
        %get3A_150 = tpu.vector_load %arg11[%get3A_148, %get3A_149] {strides = array<i32>} : memref<56x128xf32, #tpu.memory_space<vmem>>, vector<1x16xf32>,
        %get3A_151 = vector.shape_cast %get3A_150 : vector<1x16xf32> to vector<16xf32>
        %add3A_152 = arith.addf %get3A_147, %get3A_151 : vector<16xf32>
        %max3A = arith.constant 0.000000e+00 : f32
        %max3A_153 = vector.broadcast %max3A : f32 to vector<16xf32>
        %max3A_154 = arith.maximumf %add3A_152, %max3A_153 : vector<16xf32>
        %swap3A = arith.index_cast %scan3A_144 : i32 to index
        %swap3A_155 = arith.constant 0 : index
        %swap3A_156 = tpu.vector_load %arg13[%swap3A, %swap3A_155] {strides = array<i32>} : memref<56x128xf32, #tpu.memory_space<vmem>>, vector<1x16xf32>,
        %swap3A_157 = vector.shape_cast %swap3A_156 : vector<1x16xf32> to vector<16xf32>
        %swap3A_158 = vector.shape_cast %max3A_154 : vector<16xf32> to vector<1x16xf32>
        tpu.vector_store %arg13[%swap3A, %swap3A_155], %swap3A_158 {strides = array<i32>} : memref<56x128xf32, #tpu.memory_space<vmem>>, vector<1x16xf32>,
        %get3A_159 = arith.index_cast %scan3A_144 : i32 to index
        %get3A_160 = arith.constant 16 : index
        %get3A_161 = tpu.vector_load %arg9[%get3A_159, %get3A_160] {strides = array<i32>} : memref<56x128xf32, #tpu.memory_space<vmem>>, vector<1x16xf32>,
        %get3A_162 = vector.shape_cast %get3A_161 : vector<1x16xf32> to vector<16xf32>
        %get3A_163 = arith.index_cast %scan3A_144 : i32 to index
        %get3A_164 = arith.constant 16 : index
        %get3A_165 = tpu.vector_load %arg11[%get3A_163, %get3A_164] {strides = array<i32>} : memref<56x128xf32, #tpu.memory_space<vmem>>, vector<1x16xf32>,
        %get3A_166 = vector.shape_cast %get3A_165 : vector<1x16xf32> to vector<16xf32>
        %add3A_167 = arith.addf %get3A_162, %get3A_166 : vector<16xf32>
        %max3A_168 = arith.constant 0.000000e+00 : f32
        %max3A_169 = vector.broadcast %max3A_168 : f32 to vector<16xf32>
        %max3A_170 = arith.maximumf %add3A_167, %max3A_169 : vector<16xf32>
        %swap3A_171 = arith.index_cast %scan3A_144 : i32 to index
        %swap3A_172 = arith.constant 16 : index
        %swap3A_173 = tpu.vector_load %arg13[%swap3A_171, %swap3A_172] {strides = array<i32>} : memref<56x128xf32, #tpu.memory_space<vmem>>, vector<1x16xf32>,
        %swap3A_174 = vector.shape_cast %swap3A_173 : vector<1x16xf32> to vector<16xf32>
        %swap3A_175 = vector.shape_cast %max3A_170 : vector<16xf32> to vector<1x16xf32>
        tpu.vector_store %arg13[%swap3A_171, %swap3A_172], %swap3A_175 {strides = array<i32>} : memref<56x128xf32, #tpu.memory_space<vmem>>, vector<1x16xf32>,
        %get3A_176 = arith.index_cast %scan3A_144 : i32 to index
        %get3A_177 = arith.constant 32 : index
        %get3A_178 = tpu.vector_load %arg9[%get3A_176, %get3A_177] {strides = array<i32>} : memref<56x128xf32, #tpu.memory_space<vmem>>, vector<1x16xf32>,
        %get3A_179 = vector.shape_cast %get3A_178 : vector<1x16xf32> to vector<16xf32>
        %get3A_180 = arith.index_cast %scan3A_144 : i32 to index
        %get3A_181 = arith.constant 32 : index
        %get3A_182 = tpu.vector_load %arg11[%get3A_180, %get3A_181] {strides = array<i32>} : memref<56x128xf32, #tpu.memory_space<vmem>>, vector<1x16xf32>,
        %get3A_183 = vector.shape_cast %get3A_182 : vector<1x16xf32> to vector<16xf32>
        %add3A_184 = arith.addf %get3A_179, %get3A_183 : vector<16xf32>
        %max3A_185 = arith.constant 0.000000e+00 : f32
        %max3A_186 = vector.broadcast %max3A_185 : f32 to vector<16xf32>
        %max3A_187 = arith.maximumf %add3A_184, %max3A_186 : vector<16xf32>
        %swap3A_188 = arith.index_cast %scan3A_144 : i32 to index
        %swap3A_189 = arith.constant 32 : index
        %swap3A_190 = tpu.vector_load %arg13[%swap3A_188, %swap3A_189] {strides = array<i32>} : memref<56x128xf32, #tpu.memory_space<vmem>>, vector<1x16xf32>,
        %swap3A_191 = vector.shape_cast %swap3A_190 : vector<1x16xf32> to vector<16xf32>
        %swap3A_192 = vector.shape_cast %max3A_187 : vector<16xf32> to vector<1x16xf32>
        tpu.vector_store %arg13[%swap3A_188, %swap3A_189], %swap3A_192 {strides = array<i32>} : memref<56x128xf32, #tpu.memory_space<vmem>>, vector<1x16xf32>,
        %get3A_193 = arith.index_cast %scan3A_144 : i32 to index
        %get3A_194 = arith.constant 48 : index
        %get3A_195 = tpu.vector_load %arg9[%get3A_193, %get3A_194] {strides = array<i32>} : memref<56x128xf32, #tpu.memory_space<vmem>>, vector<1x16xf32>,
        %get3A_196 = vector.shape_cast %get3A_195 : vector<1x16xf32> to vector<16xf32>
        %get3A_197 = arith.index_cast %scan3A_144 : i32 to index
        %get3A_198 = arith.constant 48 : index
        %get3A_199 = tpu.vector_load %arg11[%get3A_197, %get3A_198] {strides = array<i32>} : memref<56x128xf32, #tpu.memory_space<vmem>>, vector<1x16xf32>,
        %get3A_200 = vector.shape_cast %get3A_199 : vector<1x16xf32> to vector<16xf32>
        %add3A_201 = arith.addf %get3A_196, %get3A_200 : vector<16xf32>
        %max3A_202 = arith.constant 0.000000e+00 : f32
        %max3A_203 = vector.broadcast %max3A_202 : f32 to vector<16xf32>
        %max3A_204 = arith.maximumf %add3A_201, %max3A_203 : vector<16xf32>
        %swap3A_205 = arith.index_cast %scan3A_144 : i32 to index
        %swap3A_206 = arith.constant 48 : index
        %swap3A_207 = tpu.vector_load %arg13[%swap3A_205, %swap3A_206] {strides = array<i32>} : memref<56x128xf32, #tpu.memory_space<vmem>>, vector<1x16xf32>,
        %swap3A_208 = vector.shape_cast %swap3A_207 : vector<1x16xf32> to vector<16xf32>
        %swap3A_209 = vector.shape_cast %max3A_204 : vector<16xf32> to vector<1x16xf32>
        tpu.vector_store %arg13[%swap3A_205, %swap3A_206], %swap3A_209 {strides = array<i32>} : memref<56x128xf32, #tpu.memory_space<vmem>>, vector<1x16xf32>,
        %get3A_210 = arith.index_cast %scan3A_144 : i32 to index
        %get3A_211 = arith.constant 64 : index
        %get3A_212 = tpu.vector_load %arg9[%get3A_210, %get3A_211] {strides = array<i32>} : memref<56x128xf32, #tpu.memory_space<vmem>>, vector<1x16xf32>,
        %get3A_213 = vector.shape_cast %get3A_212 : vector<1x16xf32> to vector<16xf32>
        %get3A_214 = arith.index_cast %scan3A_144 : i32 to index
        %get3A_215 = arith.constant 64 : index
        %get3A_216 = tpu.vector_load %arg11[%get3A_214, %get3A_215] {strides = array<i32>} : memref<56x128xf32, #tpu.memory_space<vmem>>, vector<1x16xf32>,
        %get3A_217 = vector.shape_cast %get3A_216 : vector<1x16xf32> to vector<16xf32>
        %add3A_218 = arith.addf %get3A_213, %get3A_217 : vector<16xf32>
        %max3A_219 = arith.constant 0.000000e+00 : f32
        %max3A_220 = vector.broadcast %max3A_219 : f32 to vector<16xf32>
        %max3A_221 = arith.maximumf %add3A_218, %max3A_220 : vector<16xf32>
        %swap3A_222 = arith.index_cast %scan3A_144 : i32 to index
        %swap3A_223 = arith.constant 64 : index
        %swap3A_224 = tpu.vector_load %arg13[%swap3A_222, %swap3A_223] {strides = array<i32>} : memref<56x128xf32, #tpu.memory_space<vmem>>, vector<1x16xf32>,
        %swap3A_225 = vector.shape_cast %swap3A_224 : vector<1x16xf32> to vector<16xf32>
        %swap3A_226 = vector.shape_cast %max3A_221 : vector<16xf32> to vector<1x16xf32>
        tpu.vector_store %arg13[%swap3A_222, %swap3A_223], %swap3A_226 {strides = array<i32>} : memref<56x128xf32, #tpu.memory_space<vmem>>, vector<1x16xf32>,
        %get3A_227 = arith.index_cast %scan3A_144 : i32 to index
        %get3A_228 = arith.constant 80 : index
        %get3A_229 = tpu.vector_load %arg9[%get3A_227, %get3A_228] {strides = array<i32>} : memref<56x128xf32, #tpu.memory_space<vmem>>, vector<1x16xf32>,
        %get3A_230 = vector.shape_cast %get3A_229 : vector<1x16xf32> to vector<16xf32>
        %get3A_231 = arith.index_cast %scan3A_144 : i32 to index
        %get3A_232 = arith.constant 80 : index
        %get3A_233 = tpu.vector_load %arg11[%get3A_231, %get3A_232] {strides = array<i32>} : memref<56x128xf32, #tpu.memory_space<vmem>>, vector<1x16xf32>,
        %get3A_234 = vector.shape_cast %get3A_233 : vector<1x16xf32> to vector<16xf32>
        %add3A_235 = arith.addf %get3A_230, %get3A_234 : vector<16xf32>
        %max3A_236 = arith.constant 0.000000e+00 : f32
        %max3A_237 = vector.broadcast %max3A_236 : f32 to vector<16xf32>
        %max3A_238 = arith.maximumf %add3A_235, %max3A_237 : vector<16xf32>
        %swap3A_239 = arith.index_cast %scan3A_144 : i32 to index
        %swap3A_240 = arith.constant 80 : index
        %swap3A_241 = tpu.vector_load %arg13[%swap3A_239, %swap3A_240] {strides = array<i32>} : memref<56x128xf32, #tpu.memory_space<vmem>>, vector<1x16xf32>,
        %swap3A_242 = vector.shape_cast %swap3A_241 : vector<1x16xf32> to vector<16xf32>
        %swap3A_243 = vector.shape_cast %max3A_238 : vector<16xf32> to vector<1x16xf32>
        tpu.vector_store %arg13[%swap3A_239, %swap3A_240], %swap3A_243 {strides = array<i32>} : memref<56x128xf32, #tpu.memory_space<vmem>>, vector<1x16xf32>,
        %get3A_244 = arith.index_cast %scan3A_144 : i32 to index
        %get3A_245 = arith.constant 96 : index
        %get3A_246 = tpu.vector_load %arg9[%get3A_244, %get3A_245] {strides = array<i32>} : memref<56x128xf32, #tpu.memory_space<vmem>>, vector<1x16xf32>,
        %get3A_247 = vector.shape_cast %get3A_246 : vector<1x16xf32> to vector<16xf32>
        %get3A_248 = arith.index_cast %scan3A_144 : i32 to index
        %get3A_249 = arith.constant 96 : index
        %get3A_250 = tpu.vector_load %arg11[%get3A_248, %get3A_249] {strides = array<i32>} : memref<56x128xf32, #tpu.memory_space<vmem>>, vector<1x16xf32>,
        %get3A_251 = vector.shape_cast %get3A_250 : vector<1x16xf32> to vector<16xf32>
        %add3A_252 = arith.addf %get3A_247, %get3A_251 : vector<16xf32>
        %max3A_253 = arith.constant 0.000000e+00 : f32
        %max3A_254 = vector.broadcast %max3A_253 : f32 to vector<16xf32>
        %max3A_255 = arith.maximumf %add3A_252, %max3A_254 : vector<16xf32>
        %swap3A_256 = arith.index_cast %scan3A_144 : i32 to index
        %swap3A_257 = arith.constant 96 : index
        %swap3A_258 = tpu.vector_load %arg13[%swap3A_256, %swap3A_257] {strides = array<i32>} : memref<56x128xf32, #tpu.memory_space<vmem>>, vector<1x16xf32>,
        %swap3A_259 = vector.shape_cast %swap3A_258 : vector<1x16xf32> to vector<16xf32>
        %swap3A_260 = vector.shape_cast %max3A_255 : vector<16xf32> to vector<1x16xf32>
        tpu.vector_store %arg13[%swap3A_256, %swap3A_257], %swap3A_260 {strides = array<i32>} : memref<56x128xf32, #tpu.memory_space<vmem>>, vector<1x16xf32>,
        %get3A_261 = arith.index_cast %scan3A_144 : i32 to index
        %get3A_262 = arith.constant 112 : index
        %get3A_263 = tpu.vector_load %arg9[%get3A_261, %get3A_262] {strides = array<i32>} : memref<56x128xf32, #tpu.memory_space<vmem>>, vector<1x16xf32>,
        %get3A_264 = vector.shape_cast %get3A_263 : vector<1x16xf32> to vector<16xf32>
        %get3A_265 = arith.index_cast %scan3A_144 : i32 to index
        %get3A_266 = arith.constant 112 : index
        %get3A_267 = tpu.vector_load %arg11[%get3A_265, %get3A_266] {strides = array<i32>} : memref<56x128xf32, #tpu.memory_space<vmem>>, vector<1x16xf32>,
        %get3A_268 = vector.shape_cast %get3A_267 : vector<1x16xf32> to vector<16xf32>
        %add3A_269 = arith.addf %get3A_264, %get3A_268 : vector<16xf32>
        %max3A_270 = arith.constant 0.000000e+00 : f32
        %max3A_271 = vector.broadcast %max3A_270 : f32 to vector<16xf32>
        %max3A_272 = arith.maximumf %add3A_269, %max3A_271 : vector<16xf32>
        %swap3A_273 = arith.index_cast %scan3A_144 : i32 to index
        %swap3A_274 = arith.constant 112 : index
        %swap3A_275 = tpu.vector_load %arg13[%swap3A_273, %swap3A_274] {strides = array<i32>} : memref<56x128xf32, #tpu.memory_space<vmem>>, vector<1x16xf32>,
        %swap3A_276 = vector.shape_cast %swap3A_275 : vector<1x16xf32> to vector<16xf32>
        %swap3A_277 = vector.shape_cast %max3A_272 : vector<16xf32> to vector<1x16xf32>
        tpu.vector_store %arg13[%swap3A_273, %swap3A_274], %swap3A_277 {strides = array<i32>} : memref<56x128xf32, #tpu.memory_space<vmem>>, vector<1x16xf32>,
      }
      %scan3A_85 = arith.constant 56 : i32
      %dma_wait3A_86 = arith.constant 0 : i32
      %dma_wait3A_87 = tpu.memref_slice %arg5[%dma_wait3A_86] : memref<322560xi32, #tpu.memory_space<hbm>> -> memref<56xi32, #tpu.memory_space<hbm>>
      %dma_wait3A_88 = arith.constant 0 : i32
      %dma_wait3A_89 = tpu.memref_slice %arg5[%dma_wait3A_88] : memref<322560xi32, #tpu.memory_space<hbm>> -> memref<56xi32, #tpu.memory_space<hbm>>
      tpu.wait_dma2 semaphore(%arg27 : memref<!tpu.dma_semaphore, #tpu.memory_space<semaphore_mem>>) src(%dma_wait3A_89 : memref<56xi32, #tpu.memory_space<hbm>>) dst(%arg17 : memref<56xi32, #tpu.memory_space<vmem>>)
      %dma_start3A_90 = arith.constant 0 : i32
      %dma_start3A_91 = arith.constant 0 : i32
      %dma_start3A_92 = tpu.memref_slice %arg8[%dma_start3A_90, %dma_start3A_91] : memref<10112x128xf32, #tpu.memory_space<vmem_shared>> -> memref<10112x128xf32, #tpu.memory_space<vmem_shared>>
      tpu.enqueue_indirect_dma source(%arg13 : memref<56x128xf32, #tpu.memory_space<vmem>>) target(%dma_start3A_92 : memref<10112x128xf32, #tpu.memory_space<vmem_shared>>) offsets(%arg17 : memref<56xi32, #tpu.memory_space<vmem>>) semaphore(%arg23 : memref<!tpu.dma_semaphore, #tpu.memory_space<semaphore_mem>>) {add = true}
      %lt3A_93 = arith.constant 89 : i32
      %lt3A_94 = arith.cmpi slt, %scan3A_57, %lt3A_93 : i32
      %convert_element_type3A_95 = arith.extui %lt3A_94 : i1 to i32
      %cond3A_96 = arith.constant 0 : i32
      %cond3A_97 = arith.cmpi ne, %convert_element_type3A_95, %cond3A_96 : i32
      scf.if %cond3A_97 {
        %dma_wait3A_144 = arith.constant 0 : i32
        %dma_wait3A_145 = tpu.memref_slice %arg4[%dma_wait3A_144] : memref<322560xi32, #tpu.memory_space<hbm>> -> memref<56xi32, #tpu.memory_space<hbm>>
        %dma_wait3A_146 = arith.constant 0 : i32
        %dma_wait3A_147 = tpu.memref_slice %arg4[%dma_wait3A_146] : memref<322560xi32, #tpu.memory_space<hbm>> -> memref<56xi32, #tpu.memory_space<hbm>>
        tpu.wait_dma2 semaphore(%arg25 : memref<!tpu.dma_semaphore, #tpu.memory_space<semaphore_mem>>) src(%dma_wait3A_147 : memref<56xi32, #tpu.memory_space<hbm>>) dst(%arg15 : memref<56xi32, #tpu.memory_space<vmem>>)
        %add3A_148 = arith.constant 2 : i32
        %add3A_149 = arith.addi %mul3A_59, %add3A_148 : i32
        %dma_start3A_150 = arith.constant 0 : i32
        %dma_start3A_151 = arith.constant 0 : i32
        %dma_start3A_152 = tpu.memref_slice %arg2[%dma_start3A_150, %dma_start3A_151] : memref<10000x128xf32, #tpu.memory_space<hbm>> -> memref<10000x128xf32, #tpu.memory_space<hbm>>
        tpu.enqueue_indirect_dma source(%dma_start3A_152 : memref<10000x128xf32, #tpu.memory_space<hbm>>) target(%arg9 : memref<56x128xf32, #tpu.memory_space<vmem>>) offsets(%arg15 : memref<56xi32, #tpu.memory_space<vmem>>) semaphore(%arg19 : memref<!tpu.dma_semaphore, #tpu.memory_space<semaphore_mem>>)
        %add3A_153 = arith.addi %mul3A_4, %add3A_149 : i32
        %mul3A_154 = arith.constant 56 : i32
        %mul3A_155 = arith.muli %add3A_153, %mul3A_154 : i32
        %dma_start3A_156 = arith.constant 0 : i32
        %dma_start3A_157 = tpu.memref_slice %arg3[%mul3A_155, %dma_start3A_156] : memref<322560x128xf32, #tpu.memory_space<hbm>> -> memref<56x128xf32, #tpu.memory_space<hbm>>
        %dma_start3A_158 = arith.constant 0 : i32
        %dma_start3A_159 = tpu.memref_slice %arg3[%mul3A_155, %dma_start3A_158] : memref<322560x128xf32, #tpu.memory_space<hbm>> -> memref<56x128xf32, #tpu.memory_space<hbm>>
        tpu.enqueue_dma source(%dma_start3A_159 : memref<56x128xf32, #tpu.memory_space<hbm>>) target(%arg11 : memref<56x128xf32, #tpu.memory_space<vmem>>) target_semaphore(%arg21 : memref<!tpu.dma_semaphore, #tpu.memory_space<semaphore_mem>>)
      } else {
      }
      %mul3A_98 = arith.constant 2 : i32
      %mul3A_99 = arith.muli %mul3A_98, %scan3A_57 : i32
      %add3A_100 = arith.constant 1 : i32
      %add3A_101 = arith.addi %mul3A_99, %add3A_100 : i32
      %dma_wait3A_102 = arith.constant 0 : i32
      %dma_wait3A_103 = arith.constant 0 : i32
      %dma_wait3A_104 = tpu.memref_slice %arg2[%dma_wait3A_102, %dma_wait3A_103] : memref<10000x128xf32, #tpu.memory_space<hbm>> -> memref<10000x128xf32, #tpu.memory_space<hbm>>
      tpu.wait_indirect_dma semaphore(%arg20 : memref<!tpu.dma_semaphore, #tpu.memory_space<semaphore_mem>>) src(%dma_wait3A_104 : memref<10000x128xf32, #tpu.memory_space<hbm>>) dst(%arg10 : memref<56x128xf32, #tpu.memory_space<vmem>>)
      %dma_wait3A_105 = arith.constant 0 : i32
      %dma_wait3A_106 = arith.constant 0 : i32
      %dma_wait3A_107 = tpu.memref_slice %arg3[%dma_wait3A_105, %dma_wait3A_106] : memref<322560x128xf32, #tpu.memory_space<hbm>> -> memref<56x128xf32, #tpu.memory_space<hbm>>
      %dma_wait3A_108 = arith.constant 0 : i32
      %dma_wait3A_109 = arith.constant 0 : i32
      %dma_wait3A_110 = tpu.memref_slice %arg3[%dma_wait3A_108, %dma_wait3A_109] : memref<322560x128xf32, #tpu.memory_space<hbm>> -> memref<56x128xf32, #tpu.memory_space<hbm>>
      tpu.wait_dma2 semaphore(%arg22 : memref<!tpu.dma_semaphore, #tpu.memory_space<semaphore_mem>>) src(%dma_wait3A_110 : memref<56x128xf32, #tpu.memory_space<hbm>>) dst(%arg12 : memref<56x128xf32, #tpu.memory_space<vmem>>)
      %lt3A_111 = arith.constant 89 : i32
      %lt3A_112 = arith.cmpi slt, %scan3A_57, %lt3A_111 : i32
      %convert_element_type3A_113 = arith.extui %lt3A_112 : i1 to i32
      %cond3A_114 = arith.constant 0 : i32
      %cond3A_115 = arith.cmpi ne, %convert_element_type3A_113, %cond3A_114 : i32
      scf.if %cond3A_115 {
        %add3A_144 = arith.constant 2 : i32
        %add3A_145 = arith.addi %add3A_101, %add3A_144 : i32
        %add3A_146 = arith.addi %mul3A_4, %add3A_145 : i32
        %mul3A_147 = arith.constant 56 : i32
        %mul3A_148 = arith.muli %add3A_146, %mul3A_147 : i32
        %dma_start3A_149 = tpu.memref_slice %arg4[%mul3A_148] : memref<322560xi32, #tpu.memory_space<hbm>> -> memref<56xi32, #tpu.memory_space<hbm>>
        %dma_start3A_150 = tpu.memref_slice %arg4[%mul3A_148] : memref<322560xi32, #tpu.memory_space<hbm>> -> memref<56xi32, #tpu.memory_space<hbm>>
        tpu.enqueue_dma source(%dma_start3A_150 : memref<56xi32, #tpu.memory_space<hbm>>) target(%arg16 : memref<56xi32, #tpu.memory_space<vmem>>) target_semaphore(%arg26 : memref<!tpu.dma_semaphore, #tpu.memory_space<semaphore_mem>>)
      } else {
      }
      %gt3A_116 = arith.constant 0 : i32
      %gt3A_117 = arith.cmpi sgt, %scan3A_57, %gt3A_116 : i32
      %convert_element_type3A_118 = arith.extui %gt3A_117 : i1 to i32
      %cond3A_119 = arith.constant 0 : i32
      %cond3A_120 = arith.cmpi ne, %convert_element_type3A_118, %cond3A_119 : i32
      scf.if %cond3A_120 {
        %dma_wait3A_144 = arith.constant 0 : i32
        %dma_wait3A_145 = arith.constant 0 : i32
        %dma_wait3A_146 = tpu.memref_slice %arg8[%dma_wait3A_144, %dma_wait3A_145] : memref<10112x128xf32, #tpu.memory_space<vmem_shared>> -> memref<10112x128xf32, #tpu.memory_space<vmem_shared>>
        tpu.wait_indirect_dma semaphore(%arg24 : memref<!tpu.dma_semaphore, #tpu.memory_space<semaphore_mem>>) src(%arg14 : memref<56x128xf32, #tpu.memory_space<vmem>>) dst(%dma_wait3A_146 : memref<10112x128xf32, #tpu.memory_space<vmem_shared>>)
      } else {
      }
      %add3A_121 = arith.addi %mul3A_4, %add3A_101 : i32
      %mul3A_122 = arith.constant 56 : i32
      %mul3A_123 = arith.muli %add3A_121, %mul3A_122 : i32
      %dma_start3A_124 = tpu.memref_slice %arg5[%mul3A_123] : memref<322560xi32, #tpu.memory_space<hbm>> -> memref<56xi32, #tpu.memory_space<hbm>>
      %dma_start3A_125 = tpu.memref_slice %arg5[%mul3A_123] : memref<322560xi32, #tpu.memory_space<hbm>> -> memref<56xi32, #tpu.memory_space<hbm>>
      tpu.enqueue_dma source(%dma_start3A_125 : memref<56xi32, #tpu.memory_space<hbm>>) target(%arg18 : memref<56xi32, #tpu.memory_space<vmem>>) target_semaphore(%arg28 : memref<!tpu.dma_semaphore, #tpu.memory_space<semaphore_mem>>)
      %scan3A_126 = arith.constant 0 : i32
      %scan3A_127 = arith.constant 0 : i32
      %scan3A_128 = arith.constant 56 : i32
      %scan3A_129 = arith.addi %scan3A_127, %scan3A_128 : i32
      %scan3A_130 = arith.constant 1 : i32
      scf.for %scan3A_144 = %scan3A_127 to %scan3A_129 step %scan3A_130  : i32 {
        %get3A = arith.index_cast %scan3A_144 : i32 to index
        %get3A_145 = arith.constant 0 : index
        %get3A_146 = tpu.vector_load %arg10[%get3A, %get3A_145] {strides = array<i32>} : memref<56x128xf32, #tpu.memory_space<vmem>>, vector<1x16xf32>,
        %get3A_147 = vector.shape_cast %get3A_146 : vector<1x16xf32> to vector<16xf32>
        %get3A_148 = arith.index_cast %scan3A_144 : i32 to index
        %get3A_149 = arith.constant 0 : index
        %get3A_150 = tpu.vector_load %arg12[%get3A_148, %get3A_149] {strides = array<i32>} : memref<56x128xf32, #tpu.memory_space<vmem>>, vector<1x16xf32>,
        %get3A_151 = vector.shape_cast %get3A_150 : vector<1x16xf32> to vector<16xf32>
        %add3A_152 = arith.addf %get3A_147, %get3A_151 : vector<16xf32>
        %max3A = arith.constant 0.000000e+00 : f32
        %max3A_153 = vector.broadcast %max3A : f32 to vector<16xf32>
        %max3A_154 = arith.maximumf %add3A_152, %max3A_153 : vector<16xf32>
        %swap3A = arith.index_cast %scan3A_144 : i32 to index
        %swap3A_155 = arith.constant 0 : index
        %swap3A_156 = tpu.vector_load %arg14[%swap3A, %swap3A_155] {strides = array<i32>} : memref<56x128xf32, #tpu.memory_space<vmem>>, vector<1x16xf32>,
        %swap3A_157 = vector.shape_cast %swap3A_156 : vector<1x16xf32> to vector<16xf32>
        %swap3A_158 = vector.shape_cast %max3A_154 : vector<16xf32> to vector<1x16xf32>
        tpu.vector_store %arg14[%swap3A, %swap3A_155], %swap3A_158 {strides = array<i32>} : memref<56x128xf32, #tpu.memory_space<vmem>>, vector<1x16xf32>,
        %get3A_159 = arith.index_cast %scan3A_144 : i32 to index
        %get3A_160 = arith.constant 16 : index
        %get3A_161 = tpu.vector_load %arg10[%get3A_159, %get3A_160] {strides = array<i32>} : memref<56x128xf32, #tpu.memory_space<vmem>>, vector<1x16xf32>,
        %get3A_162 = vector.shape_cast %get3A_161 : vector<1x16xf32> to vector<16xf32>
        %get3A_163 = arith.index_cast %scan3A_144 : i32 to index
        %get3A_164 = arith.constant 16 : index
        %get3A_165 = tpu.vector_load %arg12[%get3A_163, %get3A_164] {strides = array<i32>} : memref<56x128xf32, #tpu.memory_space<vmem>>, vector<1x16xf32>,
        %get3A_166 = vector.shape_cast %get3A_165 : vector<1x16xf32> to vector<16xf32>
        %add3A_167 = arith.addf %get3A_162, %get3A_166 : vector<16xf32>
        %max3A_168 = arith.constant 0.000000e+00 : f32
        %max3A_169 = vector.broadcast %max3A_168 : f32 to vector<16xf32>
        %max3A_170 = arith.maximumf %add3A_167, %max3A_169 : vector<16xf32>
        %swap3A_171 = arith.index_cast %scan3A_144 : i32 to index
        %swap3A_172 = arith.constant 16 : index
        %swap3A_173 = tpu.vector_load %arg14[%swap3A_171, %swap3A_172] {strides = array<i32>} : memref<56x128xf32, #tpu.memory_space<vmem>>, vector<1x16xf32>,
        %swap3A_174 = vector.shape_cast %swap3A_173 : vector<1x16xf32> to vector<16xf32>
        %swap3A_175 = vector.shape_cast %max3A_170 : vector<16xf32> to vector<1x16xf32>
        tpu.vector_store %arg14[%swap3A_171, %swap3A_172], %swap3A_175 {strides = array<i32>} : memref<56x128xf32, #tpu.memory_space<vmem>>, vector<1x16xf32>,
        %get3A_176 = arith.index_cast %scan3A_144 : i32 to index
        %get3A_177 = arith.constant 32 : index
        %get3A_178 = tpu.vector_load %arg10[%get3A_176, %get3A_177] {strides = array<i32>} : memref<56x128xf32, #tpu.memory_space<vmem>>, vector<1x16xf32>,
        %get3A_179 = vector.shape_cast %get3A_178 : vector<1x16xf32> to vector<16xf32>
        %get3A_180 = arith.index_cast %scan3A_144 : i32 to index
        %get3A_181 = arith.constant 32 : index
        %get3A_182 = tpu.vector_load %arg12[%get3A_180, %get3A_181] {strides = array<i32>} : memref<56x128xf32, #tpu.memory_space<vmem>>, vector<1x16xf32>,
        %get3A_183 = vector.shape_cast %get3A_182 : vector<1x16xf32> to vector<16xf32>
        %add3A_184 = arith.addf %get3A_179, %get3A_183 : vector<16xf32>
        %max3A_185 = arith.constant 0.000000e+00 : f32
        %max3A_186 = vector.broadcast %max3A_185 : f32 to vector<16xf32>
        %max3A_187 = arith.maximumf %add3A_184, %max3A_186 : vector<16xf32>
        %swap3A_188 = arith.index_cast %scan3A_144 : i32 to index
        %swap3A_189 = arith.constant 32 : index
        %swap3A_190 = tpu.vector_load %arg14[%swap3A_188, %swap3A_189] {strides = array<i32>} : memref<56x128xf32, #tpu.memory_space<vmem>>, vector<1x16xf32>,
        %swap3A_191 = vector.shape_cast %swap3A_190 : vector<1x16xf32> to vector<16xf32>
        %swap3A_192 = vector.shape_cast %max3A_187 : vector<16xf32> to vector<1x16xf32>
        tpu.vector_store %arg14[%swap3A_188, %swap3A_189], %swap3A_192 {strides = array<i32>} : memref<56x128xf32, #tpu.memory_space<vmem>>, vector<1x16xf32>,
        %get3A_193 = arith.index_cast %scan3A_144 : i32 to index
        %get3A_194 = arith.constant 48 : index
        %get3A_195 = tpu.vector_load %arg10[%get3A_193, %get3A_194] {strides = array<i32>} : memref<56x128xf32, #tpu.memory_space<vmem>>, vector<1x16xf32>,
        %get3A_196 = vector.shape_cast %get3A_195 : vector<1x16xf32> to vector<16xf32>
        %get3A_197 = arith.index_cast %scan3A_144 : i32 to index
        %get3A_198 = arith.constant 48 : index
        %get3A_199 = tpu.vector_load %arg12[%get3A_197, %get3A_198] {strides = array<i32>} : memref<56x128xf32, #tpu.memory_space<vmem>>, vector<1x16xf32>,
        %get3A_200 = vector.shape_cast %get3A_199 : vector<1x16xf32> to vector<16xf32>
        %add3A_201 = arith.addf %get3A_196, %get3A_200 : vector<16xf32>
        %max3A_202 = arith.constant 0.000000e+00 : f32
        %max3A_203 = vector.broadcast %max3A_202 : f32 to vector<16xf32>
        %max3A_204 = arith.maximumf %add3A_201, %max3A_203 : vector<16xf32>
        %swap3A_205 = arith.index_cast %scan3A_144 : i32 to index
        %swap3A_206 = arith.constant 48 : index
        %swap3A_207 = tpu.vector_load %arg14[%swap3A_205, %swap3A_206] {strides = array<i32>} : memref<56x128xf32, #tpu.memory_space<vmem>>, vector<1x16xf32>,
        %swap3A_208 = vector.shape_cast %swap3A_207 : vector<1x16xf32> to vector<16xf32>
        %swap3A_209 = vector.shape_cast %max3A_204 : vector<16xf32> to vector<1x16xf32>
        tpu.vector_store %arg14[%swap3A_205, %swap3A_206], %swap3A_209 {strides = array<i32>} : memref<56x128xf32, #tpu.memory_space<vmem>>, vector<1x16xf32>,
        %get3A_210 = arith.index_cast %scan3A_144 : i32 to index
        %get3A_211 = arith.constant 64 : index
        %get3A_212 = tpu.vector_load %arg10[%get3A_210, %get3A_211] {strides = array<i32>} : memref<56x128xf32, #tpu.memory_space<vmem>>, vector<1x16xf32>,
        %get3A_213 = vector.shape_cast %get3A_212 : vector<1x16xf32> to vector<16xf32>
        %get3A_214 = arith.index_cast %scan3A_144 : i32 to index
        %get3A_215 = arith.constant 64 : index
        %get3A_216 = tpu.vector_load %arg12[%get3A_214, %get3A_215] {strides = array<i32>} : memref<56x128xf32, #tpu.memory_space<vmem>>, vector<1x16xf32>,
        %get3A_217 = vector.shape_cast %get3A_216 : vector<1x16xf32> to vector<16xf32>
        %add3A_218 = arith.addf %get3A_213, %get3A_217 : vector<16xf32>
        %max3A_219 = arith.constant 0.000000e+00 : f32
        %max3A_220 = vector.broadcast %max3A_219 : f32 to vector<16xf32>
        %max3A_221 = arith.maximumf %add3A_218, %max3A_220 : vector<16xf32>
        %swap3A_222 = arith.index_cast %scan3A_144 : i32 to index
        %swap3A_223 = arith.constant 64 : index
        %swap3A_224 = tpu.vector_load %arg14[%swap3A_222, %swap3A_223] {strides = array<i32>} : memref<56x128xf32, #tpu.memory_space<vmem>>, vector<1x16xf32>,
        %swap3A_225 = vector.shape_cast %swap3A_224 : vector<1x16xf32> to vector<16xf32>
        %swap3A_226 = vector.shape_cast %max3A_221 : vector<16xf32> to vector<1x16xf32>
        tpu.vector_store %arg14[%swap3A_222, %swap3A_223], %swap3A_226 {strides = array<i32>} : memref<56x128xf32, #tpu.memory_space<vmem>>, vector<1x16xf32>,
        %get3A_227 = arith.index_cast %scan3A_144 : i32 to index
        %get3A_228 = arith.constant 80 : index
        %get3A_229 = tpu.vector_load %arg10[%get3A_227, %get3A_228] {strides = array<i32>} : memref<56x128xf32, #tpu.memory_space<vmem>>, vector<1x16xf32>,
        %get3A_230 = vector.shape_cast %get3A_229 : vector<1x16xf32> to vector<16xf32>
        %get3A_231 = arith.index_cast %scan3A_144 : i32 to index
        %get3A_232 = arith.constant 80 : index
        %get3A_233 = tpu.vector_load %arg12[%get3A_231, %get3A_232] {strides = array<i32>} : memref<56x128xf32, #tpu.memory_space<vmem>>, vector<1x16xf32>,
        %get3A_234 = vector.shape_cast %get3A_233 : vector<1x16xf32> to vector<16xf32>
        %add3A_235 = arith.addf %get3A_230, %get3A_234 : vector<16xf32>
        %max3A_236 = arith.constant 0.000000e+00 : f32
        %max3A_237 = vector.broadcast %max3A_236 : f32 to vector<16xf32>
        %max3A_238 = arith.maximumf %add3A_235, %max3A_237 : vector<16xf32>
        %swap3A_239 = arith.index_cast %scan3A_144 : i32 to index
        %swap3A_240 = arith.constant 80 : index
        %swap3A_241 = tpu.vector_load %arg14[%swap3A_239, %swap3A_240] {strides = array<i32>} : memref<56x128xf32, #tpu.memory_space<vmem>>, vector<1x16xf32>,
        %swap3A_242 = vector.shape_cast %swap3A_241 : vector<1x16xf32> to vector<16xf32>
        %swap3A_243 = vector.shape_cast %max3A_238 : vector<16xf32> to vector<1x16xf32>
        tpu.vector_store %arg14[%swap3A_239, %swap3A_240], %swap3A_243 {strides = array<i32>} : memref<56x128xf32, #tpu.memory_space<vmem>>, vector<1x16xf32>,
        %get3A_244 = arith.index_cast %scan3A_144 : i32 to index
        %get3A_245 = arith.constant 96 : index
        %get3A_246 = tpu.vector_load %arg10[%get3A_244, %get3A_245] {strides = array<i32>} : memref<56x128xf32, #tpu.memory_space<vmem>>, vector<1x16xf32>,
        %get3A_247 = vector.shape_cast %get3A_246 : vector<1x16xf32> to vector<16xf32>
        %get3A_248 = arith.index_cast %scan3A_144 : i32 to index
        %get3A_249 = arith.constant 96 : index
        %get3A_250 = tpu.vector_load %arg12[%get3A_248, %get3A_249] {strides = array<i32>} : memref<56x128xf32, #tpu.memory_space<vmem>>, vector<1x16xf32>,
        %get3A_251 = vector.shape_cast %get3A_250 : vector<1x16xf32> to vector<16xf32>
        %add3A_252 = arith.addf %get3A_247, %get3A_251 : vector<16xf32>
        %max3A_253 = arith.constant 0.000000e+00 : f32
        %max3A_254 = vector.broadcast %max3A_253 : f32 to vector<16xf32>
        %max3A_255 = arith.maximumf %add3A_252, %max3A_254 : vector<16xf32>
        %swap3A_256 = arith.index_cast %scan3A_144 : i32 to index
        %swap3A_257 = arith.constant 96 : index
        %swap3A_258 = tpu.vector_load %arg14[%swap3A_256, %swap3A_257] {strides = array<i32>} : memref<56x128xf32, #tpu.memory_space<vmem>>, vector<1x16xf32>,
        %swap3A_259 = vector.shape_cast %swap3A_258 : vector<1x16xf32> to vector<16xf32>
        %swap3A_260 = vector.shape_cast %max3A_255 : vector<16xf32> to vector<1x16xf32>
        tpu.vector_store %arg14[%swap3A_256, %swap3A_257], %swap3A_260 {strides = array<i32>} : memref<56x128xf32, #tpu.memory_space<vmem>>, vector<1x16xf32>,
        %get3A_261 = arith.index_cast %scan3A_144 : i32 to index
        %get3A_262 = arith.constant 112 : index
        %get3A_263 = tpu.vector_load %arg10[%get3A_261, %get3A_262] {strides = array<i32>} : memref<56x128xf32, #tpu.memory_space<vmem>>, vector<1x16xf32>,
        %get3A_264 = vector.shape_cast %get3A_263 : vector<1x16xf32> to vector<16xf32>
        %get3A_265 = arith.index_cast %scan3A_144 : i32 to index
        %get3A_266 = arith.constant 112 : index
        %get3A_267 = tpu.vector_load %arg12[%get3A_265, %get3A_266] {strides = array<i32>} : memref<56x128xf32, #tpu.memory_space<vmem>>, vector<1x16xf32>,
        %get3A_268 = vector.shape_cast %get3A_267 : vector<1x16xf32> to vector<16xf32>
        %add3A_269 = arith.addf %get3A_264, %get3A_268 : vector<16xf32>
        %max3A_270 = arith.constant 0.000000e+00 : f32
        %max3A_271 = vector.broadcast %max3A_270 : f32 to vector<16xf32>
        %max3A_272 = arith.maximumf %add3A_269, %max3A_271 : vector<16xf32>
        %swap3A_273 = arith.index_cast %scan3A_144 : i32 to index
        %swap3A_274 = arith.constant 112 : index
        %swap3A_275 = tpu.vector_load %arg14[%swap3A_273, %swap3A_274] {strides = array<i32>} : memref<56x128xf32, #tpu.memory_space<vmem>>, vector<1x16xf32>,
        %swap3A_276 = vector.shape_cast %swap3A_275 : vector<1x16xf32> to vector<16xf32>
        %swap3A_277 = vector.shape_cast %max3A_272 : vector<16xf32> to vector<1x16xf32>
        tpu.vector_store %arg14[%swap3A_273, %swap3A_274], %swap3A_277 {strides = array<i32>} : memref<56x128xf32, #tpu.memory_space<vmem>>, vector<1x16xf32>,
      }
      %scan3A_131 = arith.constant 56 : i32
      %dma_wait3A_132 = arith.constant 0 : i32
      %dma_wait3A_133 = tpu.memref_slice %arg5[%dma_wait3A_132] : memref<322560xi32, #tpu.memory_space<hbm>> -> memref<56xi32, #tpu.memory_space<hbm>>
      %dma_wait3A_134 = arith.constant 0 : i32
      %dma_wait3A_135 = tpu.memref_slice %arg5[%dma_wait3A_134] : memref<322560xi32, #tpu.memory_space<hbm>> -> memref<56xi32, #tpu.memory_space<hbm>>
      tpu.wait_dma2 semaphore(%arg28 : memref<!tpu.dma_semaphore, #tpu.memory_space<semaphore_mem>>) src(%dma_wait3A_135 : memref<56xi32, #tpu.memory_space<hbm>>) dst(%arg18 : memref<56xi32, #tpu.memory_space<vmem>>)
      %dma_start3A_136 = arith.constant 0 : i32
      %dma_start3A_137 = arith.constant 0 : i32
      %dma_start3A_138 = tpu.memref_slice %arg8[%dma_start3A_136, %dma_start3A_137] : memref<10112x128xf32, #tpu.memory_space<vmem_shared>> -> memref<10112x128xf32, #tpu.memory_space<vmem_shared>>
      tpu.enqueue_indirect_dma source(%arg14 : memref<56x128xf32, #tpu.memory_space<vmem>>) target(%dma_start3A_138 : memref<10112x128xf32, #tpu.memory_space<vmem_shared>>) offsets(%arg18 : memref<56xi32, #tpu.memory_space<vmem>>) semaphore(%arg24 : memref<!tpu.dma_semaphore, #tpu.memory_space<semaphore_mem>>) {add = true}
      %lt3A_139 = arith.constant 89 : i32
      %lt3A_140 = arith.cmpi slt, %scan3A_57, %lt3A_139 : i32
      %convert_element_type3A_141 = arith.extui %lt3A_140 : i1 to i32
      %cond3A_142 = arith.constant 0 : i32
      %cond3A_143 = arith.cmpi ne, %convert_element_type3A_141, %cond3A_142 : i32
      scf.if %cond3A_143 {
        %dma_wait3A_144 = arith.constant 0 : i32
        %dma_wait3A_145 = tpu.memref_slice %arg4[%dma_wait3A_144] : memref<322560xi32, #tpu.memory_space<hbm>> -> memref<56xi32, #tpu.memory_space<hbm>>
        %dma_wait3A_146 = arith.constant 0 : i32
        %dma_wait3A_147 = tpu.memref_slice %arg4[%dma_wait3A_146] : memref<322560xi32, #tpu.memory_space<hbm>> -> memref<56xi32, #tpu.memory_space<hbm>>
        tpu.wait_dma2 semaphore(%arg26 : memref<!tpu.dma_semaphore, #tpu.memory_space<semaphore_mem>>) src(%dma_wait3A_147 : memref<56xi32, #tpu.memory_space<hbm>>) dst(%arg16 : memref<56xi32, #tpu.memory_space<vmem>>)
        %add3A_148 = arith.constant 2 : i32
        %add3A_149 = arith.addi %add3A_101, %add3A_148 : i32
        %dma_start3A_150 = arith.constant 0 : i32
        %dma_start3A_151 = arith.constant 0 : i32
        %dma_start3A_152 = tpu.memref_slice %arg2[%dma_start3A_150, %dma_start3A_151] : memref<10000x128xf32, #tpu.memory_space<hbm>> -> memref<10000x128xf32, #tpu.memory_space<hbm>>
        tpu.enqueue_indirect_dma source(%dma_start3A_152 : memref<10000x128xf32, #tpu.memory_space<hbm>>) target(%arg10 : memref<56x128xf32, #tpu.memory_space<vmem>>) offsets(%arg16 : memref<56xi32, #tpu.memory_space<vmem>>) semaphore(%arg20 : memref<!tpu.dma_semaphore, #tpu.memory_space<semaphore_mem>>)
        %add3A_153 = arith.addi %mul3A_4, %add3A_149 : i32
        %mul3A_154 = arith.constant 56 : i32
        %mul3A_155 = arith.muli %add3A_153, %mul3A_154 : i32
        %dma_start3A_156 = arith.constant 0 : i32
        %dma_start3A_157 = tpu.memref_slice %arg3[%mul3A_155, %dma_start3A_156] : memref<322560x128xf32, #tpu.memory_space<hbm>> -> memref<56x128xf32, #tpu.memory_space<hbm>>
        %dma_start3A_158 = arith.constant 0 : i32
        %dma_start3A_159 = tpu.memref_slice %arg3[%mul3A_155, %dma_start3A_158] : memref<322560x128xf32, #tpu.memory_space<hbm>> -> memref<56x128xf32, #tpu.memory_space<hbm>>
        tpu.enqueue_dma source(%dma_start3A_159 : memref<56x128xf32, #tpu.memory_space<hbm>>) target(%arg12 : memref<56x128xf32, #tpu.memory_space<vmem>>) target_semaphore(%arg22 : memref<!tpu.dma_semaphore, #tpu.memory_space<semaphore_mem>>)
      } else {
      }
    }
    %scan3A_49 = arith.constant 90 : i32
    %dma_wait3A_50 = arith.constant 0 : i32
    %dma_wait3A_51 = arith.constant 0 : i32
    %dma_wait3A_52 = tpu.memref_slice %arg8[%dma_wait3A_50, %dma_wait3A_51] : memref<10112x128xf32, #tpu.memory_space<vmem_shared>> -> memref<10112x128xf32, #tpu.memory_space<vmem_shared>>
    tpu.wait_indirect_dma semaphore(%arg23 : memref<!tpu.dma_semaphore, #tpu.memory_space<semaphore_mem>>) src(%arg13 : memref<56x128xf32, #tpu.memory_space<vmem>>) dst(%dma_wait3A_52 : memref<10112x128xf32, #tpu.memory_space<vmem_shared>>)
    %dma_wait3A_53 = arith.constant 0 : i32
    %dma_wait3A_54 = arith.constant 0 : i32
    %dma_wait3A_55 = tpu.memref_slice %arg8[%dma_wait3A_53, %dma_wait3A_54] : memref<10112x128xf32, #tpu.memory_space<vmem_shared>> -> memref<10112x128xf32, #tpu.memory_space<vmem_shared>>
    tpu.wait_indirect_dma semaphore(%arg24 : memref<!tpu.dma_semaphore, #tpu.memory_space<semaphore_mem>>) src(%arg14 : memref<56x128xf32, #tpu.memory_space<vmem>>) dst(%dma_wait3A_55 : memref<10112x128xf32, #tpu.memory_space<vmem_shared>>)
    %barrier3A_56 = arith.constant 0 : index
    tpu.barrier barrier_id(%barrier3A_56)
    "tpu.region"() ({
      %run_scoped3A = tpu.sem_alloc : memref<!tpu.dma_semaphore, #tpu.memory_space<semaphore_mem>>
      %dma_start3A_57 = arith.constant 0 : i32
      %dma_start3A_58 = tpu.memref_slice %arg7[%arg0, %mul3A_2, %dma_start3A_57] : memref<2x10112x128xf32, #tpu.memory_space<hbm>> -> memref<1x632x128xf32, #tpu.memory_space<hbm>>
      %dma_start3A_59 = tpu.memref_squeeze %dma_start3A_58 : memref<1x632x128xf32, #tpu.memory_space<hbm>> -> memref<632x128xf32, #tpu.memory_space<hbm>>
      %dma_start3A_60 = arith.constant 0 : i32
      %dma_start3A_61 = tpu.memref_slice %arg8[%mul3A_2, %dma_start3A_60] : memref<10112x128xf32, #tpu.memory_space<vmem_shared>> -> memref<632x128xf32, #tpu.memory_space<vmem_shared>>
      tpu.enqueue_dma source(%dma_start3A_61 : memref<632x128xf32, #tpu.memory_space<vmem_shared>>) target(%dma_start3A_59 : memref<632x128xf32, #tpu.memory_space<hbm>>) target_semaphore(%run_scoped3A : memref<!tpu.dma_semaphore, #tpu.memory_space<semaphore_mem>>)
      %dma_wait3A_62 = arith.constant 0 : i32
      %dma_wait3A_63 = tpu.memref_slice %arg7[%arg0, %mul3A_2, %dma_wait3A_62] : memref<2x10112x128xf32, #tpu.memory_space<hbm>> -> memref<1x632x128xf32, #tpu.memory_space<hbm>>
      %dma_wait3A_64 = tpu.memref_squeeze %dma_wait3A_63 : memref<1x632x128xf32, #tpu.memory_space<hbm>> -> memref<632x128xf32, #tpu.memory_space<hbm>>
      %dma_wait3A_65 = arith.constant 0 : i32
      %dma_wait3A_66 = tpu.memref_slice %arg8[%mul3A_2, %dma_wait3A_65] : memref<10112x128xf32, #tpu.memory_space<vmem_shared>> -> memref<632x128xf32, #tpu.memory_space<vmem_shared>>
      tpu.wait_dma2 semaphore(%run_scoped3A : memref<!tpu.dma_semaphore, #tpu.memory_space<semaphore_mem>>) src(%dma_wait3A_66 : memref<632x128xf32, #tpu.memory_space<vmem_shared>>) dst(%dma_wait3A_64 : memref<632x128xf32, #tpu.memory_space<hbm>>)
      tpu.yield
    }) : () -> ()
    return
  }
}

#map = affine_map<(d0, d1) -> (0, 0)>
#map1 = affine_map<(d0, d1) -> (0)>
#map2 = affine_map<(d0, d1) -> (0, 0, 0)>
module attributes {stable_mosaic.version = 14 : i64} {
  func.func @agg(%arg0: i32, %arg1: i32, %arg2: memref<10000x128xf32, #tpu.memory_space<hbm>>, %arg3: memref<322560x128xf32, #tpu.memory_space<hbm>>, %arg4: memref<322560xi32, #tpu.memory_space<hbm>>, %arg5: memref<322560xi32, #tpu.memory_space<hbm>>, %arg6: memref<10112x128xf32, #tpu.memory_space<hbm>>, %arg7: memref<2x10112x128xf32, #tpu.memory_space<hbm>>, %arg8: memref<10112x128xf32, #tpu.memory_space<vmem_shared>>, %arg9: memref<56x128xf32, #tpu.memory_space<vmem>>, %arg10: memref<56x128xf32, #tpu.memory_space<vmem>>, %arg11: memref<56x128xf32, #tpu.memory_space<vmem>>, %arg12: memref<56x128xf32, #tpu.memory_space<vmem>>, %arg13: memref<56x128xf32, #tpu.memory_space<vmem>>, %arg14: memref<56x128xf32, #tpu.memory_space<vmem>>, %arg15: memref<56xi32, #tpu.memory_space<vmem>>, %arg16: memref<56xi32, #tpu.memory_space<vmem>>, %arg17: memref<56xi32, #tpu.memory_space<vmem>>, %arg18: memref<56xi32, #tpu.memory_space<vmem>>, %arg19: memref<!tpu.dma_semaphore, #tpu.memory_space<semaphore_mem>>, %arg20: memref<!tpu.dma_semaphore, #tpu.memory_space<semaphore_mem>>, %arg21: memref<!tpu.dma_semaphore, #tpu.memory_space<semaphore_mem>>, %arg22: memref<!tpu.dma_semaphore, #tpu.memory_space<semaphore_mem>>, %arg23: memref<!tpu.dma_semaphore, #tpu.memory_space<semaphore_mem>>, %arg24: memref<!tpu.dma_semaphore, #tpu.memory_space<semaphore_mem>>, %arg25: memref<!tpu.dma_semaphore, #tpu.memory_space<semaphore_mem>>, %arg26: memref<!tpu.dma_semaphore, #tpu.memory_space<semaphore_mem>>, %arg27: memref<!tpu.dma_semaphore, #tpu.memory_space<semaphore_mem>>, %arg28: memref<!tpu.dma_semaphore, #tpu.memory_space<semaphore_mem>>) attributes {dimension_semantics = [#tpu.dimension_semantics<core_parallel>, #tpu.dimension_semantics<subcore_parallel>], iteration_bounds = array<i64: 2, 16>, scalar_prefetch = 0 : i64, scratch_operands = 21 : i64, tpu.core_type = #tpu.core_type<sc_vector_subcore>, window_params = [{transform_indices = #map}, {transform_indices = #map}, {transform_indices = #map1}, {transform_indices = #map1}, {transform_indices = #map}, {transform_indices = #map2}]} {
    %mul3A = arith.constant 16 : i32
    %mul3A_0 = arith.muli %arg0, %mul3A : i32
    %add3A = arith.addi %mul3A_0, %arg1 : i32
    %mul3A_1 = arith.constant 632 : i32
    %mul3A_2 = arith.muli %arg1, %mul3A_1 : i32
    %mul3A_3 = arith.constant 180 : i32
    %mul3A_4 = arith.muli %add3A, %mul3A_3 : i32
    "tpu.region"() ({
      %run_scoped3A = tpu.sem_alloc : memref<!tpu.dma_semaphore, #tpu.memory_space<semaphore_mem>>
      %dma_start3A_57 = arith.constant 0 : i32
      %dma_start3A_58 = tpu.memref_slice %arg8[%mul3A_2, %dma_start3A_57] : memref<10112x128xf32, #tpu.memory_space<vmem_shared>> -> memref<632x128xf32, #tpu.memory_space<vmem_shared>>
      %dma_start3A_59 = arith.constant 0 : i32
      %dma_start3A_60 = tpu.memref_slice %arg6[%mul3A_2, %dma_start3A_59] : memref<10112x128xf32, #tpu.memory_space<hbm>> -> memref<632x128xf32, #tpu.memory_space<hbm>>
      tpu.enqueue_dma source(%dma_start3A_60 : memref<632x128xf32, #tpu.memory_space<hbm>>) target(%dma_start3A_58 : memref<632x128xf32, #tpu.memory_space<vmem_shared>>) target_semaphore(%run_scoped3A : memref<!tpu.dma_semaphore, #tpu.memory_space<semaphore_mem>>)
      %dma_wait3A_61 = arith.constant 0 : i32
      %dma_wait3A_62 = tpu.memref_slice %arg8[%mul3A_2, %dma_wait3A_61] : memref<10112x128xf32, #tpu.memory_space<vmem_shared>> -> memref<632x128xf32, #tpu.memory_space<vmem_shared>>
      %dma_wait3A_63 = arith.constant 0 : i32
      %dma_wait3A_64 = tpu.memref_slice %arg6[%mul3A_2, %dma_wait3A_63] : memref<10112x128xf32, #tpu.memory_space<hbm>> -> memref<632x128xf32, #tpu.memory_space<hbm>>
      tpu.wait_dma2 semaphore(%run_scoped3A : memref<!tpu.dma_semaphore, #tpu.memory_space<semaphore_mem>>) src(%dma_wait3A_64 : memref<632x128xf32, #tpu.memory_space<hbm>>) dst(%dma_wait3A_62 : memref<632x128xf32, #tpu.memory_space<vmem_shared>>)
      tpu.yield
    }) : () -> ()
    %barrier3A = arith.constant 0 : index
    tpu.barrier barrier_id(%barrier3A)
    %add3A_5 = arith.constant 0 : i32
    %add3A_6 = arith.addi %mul3A_4, %add3A_5 : i32
    %mul3A_7 = arith.constant 56 : i32
    %mul3A_8 = arith.muli %add3A_6, %mul3A_7 : i32
    %dma_start3A = tpu.memref_slice %arg4[%mul3A_8] : memref<322560xi32, #tpu.memory_space<hbm>> -> memref<56xi32, #tpu.memory_space<hbm>>
    %dma_start3A_9 = tpu.memref_slice %arg4[%mul3A_8] : memref<322560xi32, #tpu.memory_space<hbm>> -> memref<56xi32, #tpu.memory_space<hbm>>
    tpu.enqueue_dma source(%dma_start3A_9 : memref<56xi32, #tpu.memory_space<hbm>>) target(%arg15 : memref<56xi32, #tpu.memory_space<vmem>>) target_semaphore(%arg25 : memref<!tpu.dma_semaphore, #tpu.memory_space<semaphore_mem>>)
    %add3A_10 = arith.constant 1 : i32
    %add3A_11 = arith.addi %mul3A_4, %add3A_10 : i32
    %mul3A_12 = arith.constant 56 : i32
    %mul3A_13 = arith.muli %add3A_11, %mul3A_12 : i32
    %dma_start3A_14 = tpu.memref_slice %arg4[%mul3A_13] : memref<322560xi32, #tpu.memory_space<hbm>> -> memref<56xi32, #tpu.memory_space<hbm>>
    %dma_start3A_15 = tpu.memref_slice %arg4[%mul3A_13] : memref<322560xi32, #tpu.memory_space<hbm>> -> memref<56xi32, #tpu.memory_space<hbm>>
    tpu.enqueue_dma source(%dma_start3A_15 : memref<56xi32, #tpu.memory_space<hbm>>) target(%arg16 : memref<56xi32, #tpu.memory_space<vmem>>) target_semaphore(%arg26 : memref<!tpu.dma_semaphore, #tpu.memory_space<semaphore_mem>>)
    %dma_wait3A = arith.constant 0 : i32
    %dma_wait3A_16 = tpu.memref_slice %arg4[%dma_wait3A] : memref<322560xi32, #tpu.memory_space<hbm>> -> memref<56xi32, #tpu.memory_space<hbm>>
    %dma_wait3A_17 = arith.constant 0 : i32
    %dma_wait3A_18 = tpu.memref_slice %arg4[%dma_wait3A_17] : memref<322560xi32, #tpu.memory_space<hbm>> -> memref<56xi32, #tpu.memory_space<hbm>>
    tpu.wait_dma2 semaphore(%arg25 : memref<!tpu.dma_semaphore, #tpu.memory_space<semaphore_mem>>) src(%dma_wait3A_18 : memref<56xi32, #tpu.memory_space<hbm>>) dst(%arg15 : memref<56xi32, #tpu.memory_space<vmem>>)
    %dma_start3A_19 = arith.constant 0 : i32
    %dma_start3A_20 = arith.constant 0 : i32
    %dma_start3A_21 = tpu.memref_slice %arg2[%dma_start3A_19, %dma_start3A_20] : memref<10000x128xf32, #tpu.memory_space<hbm>> -> memref<10000x128xf32, #tpu.memory_space<hbm>>
    tpu.enqueue_indirect_dma source(%dma_start3A_21 : memref<10000x128xf32, #tpu.memory_space<hbm>>) target(%arg9 : memref<56x128xf32, #tpu.memory_space<vmem>>) offsets(%arg15 : memref<56xi32, #tpu.memory_space<vmem>>) semaphore(%arg19 : memref<!tpu.dma_semaphore, #tpu.memory_space<semaphore_mem>>)
    %add3A_22 = arith.constant 0 : i32
    %add3A_23 = arith.addi %mul3A_4, %add3A_22 : i32
    %mul3A_24 = arith.constant 56 : i32
    %mul3A_25 = arith.muli %add3A_23, %mul3A_24 : i32
    %dma_start3A_26 = arith.constant 0 : i32
    %dma_start3A_27 = tpu.memref_slice %arg3[%mul3A_25, %dma_start3A_26] : memref<322560x128xf32, #tpu.memory_space<hbm>> -> memref<56x128xf32, #tpu.memory_space<hbm>>
    %dma_start3A_28 = arith.constant 0 : i32
    %dma_start3A_29 = tpu.memref_slice %arg3[%mul3A_25, %dma_start3A_28] : memref<322560x128xf32, #tpu.memory_space<hbm>> -> memref<56x128xf32, #tpu.memory_space<hbm>>
    tpu.enqueue_dma source(%dma_start3A_29 : memref<56x128xf32, #tpu.memory_space<hbm>>) target(%arg11 : memref<56x128xf32, #tpu.memory_space<vmem>>) target_semaphore(%arg21 : memref<!tpu.dma_semaphore, #tpu.memory_space<semaphore_mem>>)
    %dma_wait3A_30 = arith.constant 0 : i32
    %dma_wait3A_31 = tpu.memref_slice %arg4[%dma_wait3A_30] : memref<322560xi32, #tpu.memory_space<hbm>> -> memref<56xi32, #tpu.memory_space<hbm>>
    %dma_wait3A_32 = arith.constant 0 : i32
    %dma_wait3A_33 = tpu.memref_slice %arg4[%dma_wait3A_32] : memref<322560xi32, #tpu.memory_space<hbm>> -> memref<56xi32, #tpu.memory_space<hbm>>
    tpu.wait_dma2 semaphore(%arg26 : memref<!tpu.dma_semaphore, #tpu.memory_space<semaphore_mem>>) src(%dma_wait3A_33 : memref<56xi32, #tpu.memory_space<hbm>>) dst(%arg16 : memref<56xi32, #tpu.memory_space<vmem>>)
    %dma_start3A_34 = arith.constant 0 : i32
    %dma_start3A_35 = arith.constant 0 : i32
    %dma_start3A_36 = tpu.memref_slice %arg2[%dma_start3A_34, %dma_start3A_35] : memref<10000x128xf32, #tpu.memory_space<hbm>> -> memref<10000x128xf32, #tpu.memory_space<hbm>>
    tpu.enqueue_indirect_dma source(%dma_start3A_36 : memref<10000x128xf32, #tpu.memory_space<hbm>>) target(%arg10 : memref<56x128xf32, #tpu.memory_space<vmem>>) offsets(%arg16 : memref<56xi32, #tpu.memory_space<vmem>>) semaphore(%arg20 : memref<!tpu.dma_semaphore, #tpu.memory_space<semaphore_mem>>)
    %add3A_37 = arith.constant 1 : i32
    %add3A_38 = arith.addi %mul3A_4, %add3A_37 : i32
    %mul3A_39 = arith.constant 56 : i32
    %mul3A_40 = arith.muli %add3A_38, %mul3A_39 : i32
    %dma_start3A_41 = arith.constant 0 : i32
    %dma_start3A_42 = tpu.memref_slice %arg3[%mul3A_40, %dma_start3A_41] : memref<322560x128xf32, #tpu.memory_space<hbm>> -> memref<56x128xf32, #tpu.memory_space<hbm>>
    %dma_start3A_43 = arith.constant 0 : i32
    %dma_start3A_44 = tpu.memref_slice %arg3[%mul3A_40, %dma_start3A_43] : memref<322560x128xf32, #tpu.memory_space<hbm>> -> memref<56x128xf32, #tpu.memory_space<hbm>>
    tpu.enqueue_dma source(%dma_start3A_44 : memref<56x128xf32, #tpu.memory_space<hbm>>) target(%arg12 : memref<56x128xf32, #tpu.memory_space<vmem>>) target_semaphore(%arg22 : memref<!tpu.dma_semaphore, #tpu.memory_space<semaphore_mem>>)
    %scan3A = arith.constant 0 : i32
    %scan3A_45 = arith.constant 0 : i32
    %scan3A_46 = arith.constant 90 : i32
    %scan3A_47 = arith.addi %scan3A_45, %scan3A_46 : i32
    %scan3A_48 = arith.constant 1 : i32
    scf.for %scan3A_57 = %scan3A_45 to %scan3A_47 step %scan3A_48  : i32 {
      %mul3A_58 = arith.constant 2 : i32
      %mul3A_59 = arith.muli %mul3A_58, %scan3A_57 : i32
      %dma_wait3A_60 = arith.constant 0 : i32
      %dma_wait3A_61 = arith.constant 0 : i32
      %dma_wait3A_62 = tpu.memref_slice %arg2[%dma_wait3A_60, %dma_wait3A_61] : memref<10000x128xf32, #tpu.memory_space<hbm>> -> memref<10000x128xf32, #tpu.memory_space<hbm>>
      tpu.wait_indirect_dma semaphore(%arg19 : memref<!tpu.dma_semaphore, #tpu.memory_space<semaphore_mem>>) src(%dma_wait3A_62 : memref<10000x128xf32, #tpu.memory_space<hbm>>) dst(%arg9 : memref<56x128xf32, #tpu.memory_space<vmem>>)
      %dma_wait3A_63 = arith.constant 0 : i32
      %dma_wait3A_64 = arith.constant 0 : i32
      %dma_wait3A_65 = tpu.memref_slice %arg3[%dma_wait3A_63, %dma_wait3A_64] : memref<322560x128xf32, #tpu.memory_space<hbm>> -> memref<56x128xf32, #tpu.memory_space<hbm>>
      %dma_wait3A_66 = arith.constant 0 : i32
      %dma_wait3A_67 = arith.constant 0 : i32
      %dma_wait3A_68 = tpu.memref_slice %arg3[%dma_wait3A_66, %dma_wait3A_67] : memref<322560x128xf32, #tpu.memory_space<hbm>> -> memref<56x128xf32, #tpu.memory_space<hbm>>
      tpu.wait_dma2 semaphore(%arg21 : memref<!tpu.dma_semaphore, #tpu.memory_space<semaphore_mem>>) src(%dma_wait3A_68 : memref<56x128xf32, #tpu.memory_space<hbm>>) dst(%arg11 : memref<56x128xf32, #tpu.memory_space<vmem>>)
      %lt3A = arith.constant 89 : i32
      %lt3A_69 = arith.cmpi slt, %scan3A_57, %lt3A : i32
      %convert_element_type3A = arith.extui %lt3A_69 : i1 to i32
      %cond3A = arith.constant 0 : i32
      %cond3A_70 = arith.cmpi ne, %convert_element_type3A, %cond3A : i32
      scf.if %cond3A_70 {
        %add3A_144 = arith.constant 2 : i32
        %add3A_145 = arith.addi %mul3A_59, %add3A_144 : i32
        %add3A_146 = arith.addi %mul3A_4, %add3A_145 : i32
        %mul3A_147 = arith.constant 56 : i32
        %mul3A_148 = arith.muli %add3A_146, %mul3A_147 : i32
        %dma_start3A_149 = tpu.memref_slice %arg4[%mul3A_148] : memref<322560xi32, #tpu.memory_space<hbm>> -> memref<56xi32, #tpu.memory_space<hbm>>
        %dma_start3A_150 = tpu.memref_slice %arg4[%mul3A_148] : memref<322560xi32, #tpu.memory_space<hbm>> -> memref<56xi32, #tpu.memory_space<hbm>>
        tpu.enqueue_dma source(%dma_start3A_150 : memref<56xi32, #tpu.memory_space<hbm>>) target(%arg15 : memref<56xi32, #tpu.memory_space<vmem>>) target_semaphore(%arg25 : memref<!tpu.dma_semaphore, #tpu.memory_space<semaphore_mem>>)
      } else {
      }
      %gt3A = arith.constant 0 : i32
      %gt3A_71 = arith.cmpi sgt, %scan3A_57, %gt3A : i32
      %convert_element_type3A_72 = arith.extui %gt3A_71 : i1 to i32
      %cond3A_73 = arith.constant 0 : i32
      %cond3A_74 = arith.cmpi ne, %convert_element_type3A_72, %cond3A_73 : i32
      scf.if %cond3A_74 {
        %dma_wait3A_144 = arith.constant 0 : i32
        %dma_wait3A_145 = arith.constant 0 : i32
        %dma_wait3A_146 = tpu.memref_slice %arg8[%dma_wait3A_144, %dma_wait3A_145] : memref<10112x128xf32, #tpu.memory_space<vmem_shared>> -> memref<10112x128xf32, #tpu.memory_space<vmem_shared>>
        tpu.wait_indirect_dma semaphore(%arg23 : memref<!tpu.dma_semaphore, #tpu.memory_space<semaphore_mem>>) src(%arg13 : memref<56x128xf32, #tpu.memory_space<vmem>>) dst(%dma_wait3A_146 : memref<10112x128xf32, #tpu.memory_space<vmem_shared>>)
      } else {
      }
      %add3A_75 = arith.addi %mul3A_4, %mul3A_59 : i32
      %mul3A_76 = arith.constant 56 : i32
      %mul3A_77 = arith.muli %add3A_75, %mul3A_76 : i32
      %dma_start3A_78 = tpu.memref_slice %arg5[%mul3A_77] : memref<322560xi32, #tpu.memory_space<hbm>> -> memref<56xi32, #tpu.memory_space<hbm>>
      %dma_start3A_79 = tpu.memref_slice %arg5[%mul3A_77] : memref<322560xi32, #tpu.memory_space<hbm>> -> memref<56xi32, #tpu.memory_space<hbm>>
      tpu.enqueue_dma source(%dma_start3A_79 : memref<56xi32, #tpu.memory_space<hbm>>) target(%arg17 : memref<56xi32, #tpu.memory_space<vmem>>) target_semaphore(%arg27 : memref<!tpu.dma_semaphore, #tpu.memory_space<semaphore_mem>>)
      %scan3A_80 = arith.constant 0 : i32
      %scan3A_81 = arith.constant 0 : i32
      %scan3A_82 = arith.constant 56 : i32
      %scan3A_83 = arith.addi %scan3A_81, %scan3A_82 : i32
      %scan3A_84 = arith.constant 1 : i32
      scf.for %scan3A_144 = %scan3A_81 to %scan3A_83 step %scan3A_84  : i32 {
        %get3A = arith.index_cast %scan3A_144 : i32 to index
        %get3A_145 = arith.constant 0 : index
        %get3A_146 = tpu.vector_load %arg9[%get3A, %get3A_145] {strides = array<i32>} : memref<56x128xf32, #tpu.memory_space<vmem>>, vector<1x16xf32>,
        %get3A_147 = vector.shape_cast %get3A_146 : vector<1x16xf32> to vector<16xf32>
        %get3A_148 = arith.index_cast %scan3A_144 : i32 to index
        %get3A_149 = arith.constant 0 : index
        %get3A_150 = tpu.vector_load %arg11[%get3A_148, %get3A_149] {strides = array<i32>} : memref<56x128xf32, #tpu.memory_space<vmem>>, vector<1x16xf32>,
        %get3A_151 = vector.shape_cast %get3A_150 : vector<1x16xf32> to vector<16xf32>
        %add3A_152 = arith.addf %get3A_147, %get3A_151 : vector<16xf32>
        %max3A = arith.constant 0.000000e+00 : f32
        %max3A_153 = vector.broadcast %max3A : f32 to vector<16xf32>
        %max3A_154 = arith.maximumf %add3A_152, %max3A_153 : vector<16xf32>
        %swap3A = arith.index_cast %scan3A_144 : i32 to index
        %swap3A_155 = arith.constant 0 : index
        %swap3A_156 = tpu.vector_load %arg13[%swap3A, %swap3A_155] {strides = array<i32>} : memref<56x128xf32, #tpu.memory_space<vmem>>, vector<1x16xf32>,
        %swap3A_157 = vector.shape_cast %swap3A_156 : vector<1x16xf32> to vector<16xf32>
        %swap3A_158 = vector.shape_cast %max3A_154 : vector<16xf32> to vector<1x16xf32>
        tpu.vector_store %arg13[%swap3A, %swap3A_155], %swap3A_158 {strides = array<i32>} : memref<56x128xf32, #tpu.memory_space<vmem>>, vector<1x16xf32>,
        %get3A_159 = arith.index_cast %scan3A_144 : i32 to index
        %get3A_160 = arith.constant 16 : index
        %get3A_161 = tpu.vector_load %arg9[%get3A_159, %get3A_160] {strides = array<i32>} : memref<56x128xf32, #tpu.memory_space<vmem>>, vector<1x16xf32>,
        %get3A_162 = vector.shape_cast %get3A_161 : vector<1x16xf32> to vector<16xf32>
        %get3A_163 = arith.index_cast %scan3A_144 : i32 to index
        %get3A_164 = arith.constant 16 : index
        %get3A_165 = tpu.vector_load %arg11[%get3A_163, %get3A_164] {strides = array<i32>} : memref<56x128xf32, #tpu.memory_space<vmem>>, vector<1x16xf32>,
        %get3A_166 = vector.shape_cast %get3A_165 : vector<1x16xf32> to vector<16xf32>
        %add3A_167 = arith.addf %get3A_162, %get3A_166 : vector<16xf32>
        %max3A_168 = arith.constant 0.000000e+00 : f32
        %max3A_169 = vector.broadcast %max3A_168 : f32 to vector<16xf32>
        %max3A_170 = arith.maximumf %add3A_167, %max3A_169 : vector<16xf32>
        %swap3A_171 = arith.index_cast %scan3A_144 : i32 to index
        %swap3A_172 = arith.constant 16 : index
        %swap3A_173 = tpu.vector_load %arg13[%swap3A_171, %swap3A_172] {strides = array<i32>} : memref<56x128xf32, #tpu.memory_space<vmem>>, vector<1x16xf32>,
        %swap3A_174 = vector.shape_cast %swap3A_173 : vector<1x16xf32> to vector<16xf32>
        %swap3A_175 = vector.shape_cast %max3A_170 : vector<16xf32> to vector<1x16xf32>
        tpu.vector_store %arg13[%swap3A_171, %swap3A_172], %swap3A_175 {strides = array<i32>} : memref<56x128xf32, #tpu.memory_space<vmem>>, vector<1x16xf32>,
        %get3A_176 = arith.index_cast %scan3A_144 : i32 to index
        %get3A_177 = arith.constant 32 : index
        %get3A_178 = tpu.vector_load %arg9[%get3A_176, %get3A_177] {strides = array<i32>} : memref<56x128xf32, #tpu.memory_space<vmem>>, vector<1x16xf32>,
        %get3A_179 = vector.shape_cast %get3A_178 : vector<1x16xf32> to vector<16xf32>
        %get3A_180 = arith.index_cast %scan3A_144 : i32 to index
        %get3A_181 = arith.constant 32 : index
        %get3A_182 = tpu.vector_load %arg11[%get3A_180, %get3A_181] {strides = array<i32>} : memref<56x128xf32, #tpu.memory_space<vmem>>, vector<1x16xf32>,
        %get3A_183 = vector.shape_cast %get3A_182 : vector<1x16xf32> to vector<16xf32>
        %add3A_184 = arith.addf %get3A_179, %get3A_183 : vector<16xf32>
        %max3A_185 = arith.constant 0.000000e+00 : f32
        %max3A_186 = vector.broadcast %max3A_185 : f32 to vector<16xf32>
        %max3A_187 = arith.maximumf %add3A_184, %max3A_186 : vector<16xf32>
        %swap3A_188 = arith.index_cast %scan3A_144 : i32 to index
        %swap3A_189 = arith.constant 32 : index
        %swap3A_190 = tpu.vector_load %arg13[%swap3A_188, %swap3A_189] {strides = array<i32>} : memref<56x128xf32, #tpu.memory_space<vmem>>, vector<1x16xf32>,
        %swap3A_191 = vector.shape_cast %swap3A_190 : vector<1x16xf32> to vector<16xf32>
        %swap3A_192 = vector.shape_cast %max3A_187 : vector<16xf32> to vector<1x16xf32>
        tpu.vector_store %arg13[%swap3A_188, %swap3A_189], %swap3A_192 {strides = array<i32>} : memref<56x128xf32, #tpu.memory_space<vmem>>, vector<1x16xf32>,
        %get3A_193 = arith.index_cast %scan3A_144 : i32 to index
        %get3A_194 = arith.constant 48 : index
        %get3A_195 = tpu.vector_load %arg9[%get3A_193, %get3A_194] {strides = array<i32>} : memref<56x128xf32, #tpu.memory_space<vmem>>, vector<1x16xf32>,
        %get3A_196 = vector.shape_cast %get3A_195 : vector<1x16xf32> to vector<16xf32>
        %get3A_197 = arith.index_cast %scan3A_144 : i32 to index
        %get3A_198 = arith.constant 48 : index
        %get3A_199 = tpu.vector_load %arg11[%get3A_197, %get3A_198] {strides = array<i32>} : memref<56x128xf32, #tpu.memory_space<vmem>>, vector<1x16xf32>,
        %get3A_200 = vector.shape_cast %get3A_199 : vector<1x16xf32> to vector<16xf32>
        %add3A_201 = arith.addf %get3A_196, %get3A_200 : vector<16xf32>
        %max3A_202 = arith.constant 0.000000e+00 : f32
        %max3A_203 = vector.broadcast %max3A_202 : f32 to vector<16xf32>
        %max3A_204 = arith.maximumf %add3A_201, %max3A_203 : vector<16xf32>
        %swap3A_205 = arith.index_cast %scan3A_144 : i32 to index
        %swap3A_206 = arith.constant 48 : index
        %swap3A_207 = tpu.vector_load %arg13[%swap3A_205, %swap3A_206] {strides = array<i32>} : memref<56x128xf32, #tpu.memory_space<vmem>>, vector<1x16xf32>,
        %swap3A_208 = vector.shape_cast %swap3A_207 : vector<1x16xf32> to vector<16xf32>
        %swap3A_209 = vector.shape_cast %max3A_204 : vector<16xf32> to vector<1x16xf32>
        tpu.vector_store %arg13[%swap3A_205, %swap3A_206], %swap3A_209 {strides = array<i32>} : memref<56x128xf32, #tpu.memory_space<vmem>>, vector<1x16xf32>,
        %get3A_210 = arith.index_cast %scan3A_144 : i32 to index
        %get3A_211 = arith.constant 64 : index
        %get3A_212 = tpu.vector_load %arg9[%get3A_210, %get3A_211] {strides = array<i32>} : memref<56x128xf32, #tpu.memory_space<vmem>>, vector<1x16xf32>,
        %get3A_213 = vector.shape_cast %get3A_212 : vector<1x16xf32> to vector<16xf32>
        %get3A_214 = arith.index_cast %scan3A_144 : i32 to index
        %get3A_215 = arith.constant 64 : index
        %get3A_216 = tpu.vector_load %arg11[%get3A_214, %get3A_215] {strides = array<i32>} : memref<56x128xf32, #tpu.memory_space<vmem>>, vector<1x16xf32>,
        %get3A_217 = vector.shape_cast %get3A_216 : vector<1x16xf32> to vector<16xf32>
        %add3A_218 = arith.addf %get3A_213, %get3A_217 : vector<16xf32>
        %max3A_219 = arith.constant 0.000000e+00 : f32
        %max3A_220 = vector.broadcast %max3A_219 : f32 to vector<16xf32>
        %max3A_221 = arith.maximumf %add3A_218, %max3A_220 : vector<16xf32>
        %swap3A_222 = arith.index_cast %scan3A_144 : i32 to index
        %swap3A_223 = arith.constant 64 : index
        %swap3A_224 = tpu.vector_load %arg13[%swap3A_222, %swap3A_223] {strides = array<i32>} : memref<56x128xf32, #tpu.memory_space<vmem>>, vector<1x16xf32>,
        %swap3A_225 = vector.shape_cast %swap3A_224 : vector<1x16xf32> to vector<16xf32>
        %swap3A_226 = vector.shape_cast %max3A_221 : vector<16xf32> to vector<1x16xf32>
        tpu.vector_store %arg13[%swap3A_222, %swap3A_223], %swap3A_226 {strides = array<i32>} : memref<56x128xf32, #tpu.memory_space<vmem>>, vector<1x16xf32>,
        %get3A_227 = arith.index_cast %scan3A_144 : i32 to index
        %get3A_228 = arith.constant 80 : index
        %get3A_229 = tpu.vector_load %arg9[%get3A_227, %get3A_228] {strides = array<i32>} : memref<56x128xf32, #tpu.memory_space<vmem>>, vector<1x16xf32>,
        %get3A_230 = vector.shape_cast %get3A_229 : vector<1x16xf32> to vector<16xf32>
        %get3A_231 = arith.index_cast %scan3A_144 : i32 to index
        %get3A_232 = arith.constant 80 : index
        %get3A_233 = tpu.vector_load %arg11[%get3A_231, %get3A_232] {strides = array<i32>} : memref<56x128xf32, #tpu.memory_space<vmem>>, vector<1x16xf32>,
        %get3A_234 = vector.shape_cast %get3A_233 : vector<1x16xf32> to vector<16xf32>
        %add3A_235 = arith.addf %get3A_230, %get3A_234 : vector<16xf32>
        %max3A_236 = arith.constant 0.000000e+00 : f32
        %max3A_237 = vector.broadcast %max3A_236 : f32 to vector<16xf32>
        %max3A_238 = arith.maximumf %add3A_235, %max3A_237 : vector<16xf32>
        %swap3A_239 = arith.index_cast %scan3A_144 : i32 to index
        %swap3A_240 = arith.constant 80 : index
        %swap3A_241 = tpu.vector_load %arg13[%swap3A_239, %swap3A_240] {strides = array<i32>} : memref<56x128xf32, #tpu.memory_space<vmem>>, vector<1x16xf32>,
        %swap3A_242 = vector.shape_cast %swap3A_241 : vector<1x16xf32> to vector<16xf32>
        %swap3A_243 = vector.shape_cast %max3A_238 : vector<16xf32> to vector<1x16xf32>
        tpu.vector_store %arg13[%swap3A_239, %swap3A_240], %swap3A_243 {strides = array<i32>} : memref<56x128xf32, #tpu.memory_space<vmem>>, vector<1x16xf32>,
        %get3A_244 = arith.index_cast %scan3A_144 : i32 to index
        %get3A_245 = arith.constant 96 : index
        %get3A_246 = tpu.vector_load %arg9[%get3A_244, %get3A_245] {strides = array<i32>} : memref<56x128xf32, #tpu.memory_space<vmem>>, vector<1x16xf32>,
        %get3A_247 = vector.shape_cast %get3A_246 : vector<1x16xf32> to vector<16xf32>
        %get3A_248 = arith.index_cast %scan3A_144 : i32 to index
        %get3A_249 = arith.constant 96 : index
        %get3A_250 = tpu.vector_load %arg11[%get3A_248, %get3A_249] {strides = array<i32>} : memref<56x128xf32, #tpu.memory_space<vmem>>, vector<1x16xf32>,
        %get3A_251 = vector.shape_cast %get3A_250 : vector<1x16xf32> to vector<16xf32>
        %add3A_252 = arith.addf %get3A_247, %get3A_251 : vector<16xf32>
        %max3A_253 = arith.constant 0.000000e+00 : f32
        %max3A_254 = vector.broadcast %max3A_253 : f32 to vector<16xf32>
        %max3A_255 = arith.maximumf %add3A_252, %max3A_254 : vector<16xf32>
        %swap3A_256 = arith.index_cast %scan3A_144 : i32 to index
        %swap3A_257 = arith.constant 96 : index
        %swap3A_258 = tpu.vector_load %arg13[%swap3A_256, %swap3A_257] {strides = array<i32>} : memref<56x128xf32, #tpu.memory_space<vmem>>, vector<1x16xf32>,
        %swap3A_259 = vector.shape_cast %swap3A_258 : vector<1x16xf32> to vector<16xf32>
        %swap3A_260 = vector.shape_cast %max3A_255 : vector<16xf32> to vector<1x16xf32>
        tpu.vector_store %arg13[%swap3A_256, %swap3A_257], %swap3A_260 {strides = array<i32>} : memref<56x128xf32, #tpu.memory_space<vmem>>, vector<1x16xf32>,
        %get3A_261 = arith.index_cast %scan3A_144 : i32 to index
        %get3A_262 = arith.constant 112 : index
        %get3A_263 = tpu.vector_load %arg9[%get3A_261, %get3A_262] {strides = array<i32>} : memref<56x128xf32, #tpu.memory_space<vmem>>, vector<1x16xf32>,
        %get3A_264 = vector.shape_cast %get3A_263 : vector<1x16xf32> to vector<16xf32>
        %get3A_265 = arith.index_cast %scan3A_144 : i32 to index
        %get3A_266 = arith.constant 112 : index
        %get3A_267 = tpu.vector_load %arg11[%get3A_265, %get3A_266] {strides = array<i32>} : memref<56x128xf32, #tpu.memory_space<vmem>>, vector<1x16xf32>,
        %get3A_268 = vector.shape_cast %get3A_267 : vector<1x16xf32> to vector<16xf32>
        %add3A_269 = arith.addf %get3A_264, %get3A_268 : vector<16xf32>
        %max3A_270 = arith.constant 0.000000e+00 : f32
        %max3A_271 = vector.broadcast %max3A_270 : f32 to vector<16xf32>
        %max3A_272 = arith.maximumf %add3A_269, %max3A_271 : vector<16xf32>
        %swap3A_273 = arith.index_cast %scan3A_144 : i32 to index
        %swap3A_274 = arith.constant 112 : index
        %swap3A_275 = tpu.vector_load %arg13[%swap3A_273, %swap3A_274] {strides = array<i32>} : memref<56x128xf32, #tpu.memory_space<vmem>>, vector<1x16xf32>,
        %swap3A_276 = vector.shape_cast %swap3A_275 : vector<1x16xf32> to vector<16xf32>
        %swap3A_277 = vector.shape_cast %max3A_272 : vector<16xf32> to vector<1x16xf32>
        tpu.vector_store %arg13[%swap3A_273, %swap3A_274], %swap3A_277 {strides = array<i32>} : memref<56x128xf32, #tpu.memory_space<vmem>>, vector<1x16xf32>,
      }
      %scan3A_85 = arith.constant 56 : i32
      %dma_wait3A_86 = arith.constant 0 : i32
      %dma_wait3A_87 = tpu.memref_slice %arg5[%dma_wait3A_86] : memref<322560xi32, #tpu.memory_space<hbm>> -> memref<56xi32, #tpu.memory_space<hbm>>
      %dma_wait3A_88 = arith.constant 0 : i32
      %dma_wait3A_89 = tpu.memref_slice %arg5[%dma_wait3A_88] : memref<322560xi32, #tpu.memory_space<hbm>> -> memref<56xi32, #tpu.memory_space<hbm>>
      tpu.wait_dma2 semaphore(%arg27 : memref<!tpu.dma_semaphore, #tpu.memory_space<semaphore_mem>>) src(%dma_wait3A_89 : memref<56xi32, #tpu.memory_space<hbm>>) dst(%arg17 : memref<56xi32, #tpu.memory_space<vmem>>)
      %dma_start3A_90 = arith.constant 0 : i32
      %dma_start3A_91 = arith.constant 0 : i32
      %dma_start3A_92 = tpu.memref_slice %arg8[%dma_start3A_90, %dma_start3A_91] : memref<10112x128xf32, #tpu.memory_space<vmem_shared>> -> memref<10112x128xf32, #tpu.memory_space<vmem_shared>>
      tpu.enqueue_indirect_dma source(%arg13 : memref<56x128xf32, #tpu.memory_space<vmem>>) target(%dma_start3A_92 : memref<10112x128xf32, #tpu.memory_space<vmem_shared>>) offsets(%arg17 : memref<56xi32, #tpu.memory_space<vmem>>) semaphore(%arg23 : memref<!tpu.dma_semaphore, #tpu.memory_space<semaphore_mem>>) {add = true}
      %lt3A_93 = arith.constant 89 : i32
      %lt3A_94 = arith.cmpi slt, %scan3A_57, %lt3A_93 : i32
      %convert_element_type3A_95 = arith.extui %lt3A_94 : i1 to i32
      %cond3A_96 = arith.constant 0 : i32
      %cond3A_97 = arith.cmpi ne, %convert_element_type3A_95, %cond3A_96 : i32
      scf.if %cond3A_97 {
        %dma_wait3A_144 = arith.constant 0 : i32
        %dma_wait3A_145 = tpu.memref_slice %arg4[%dma_wait3A_144] : memref<322560xi32, #tpu.memory_space<hbm>> -> memref<56xi32, #tpu.memory_space<hbm>>
        %dma_wait3A_146 = arith.constant 0 : i32
        %dma_wait3A_147 = tpu.memref_slice %arg4[%dma_wait3A_146] : memref<322560xi32, #tpu.memory_space<hbm>> -> memref<56xi32, #tpu.memory_space<hbm>>
        tpu.wait_dma2 semaphore(%arg25 : memref<!tpu.dma_semaphore, #tpu.memory_space<semaphore_mem>>) src(%dma_wait3A_147 : memref<56xi32, #tpu.memory_space<hbm>>) dst(%arg15 : memref<56xi32, #tpu.memory_space<vmem>>)
        %add3A_148 = arith.constant 2 : i32
        %add3A_149 = arith.addi %mul3A_59, %add3A_148 : i32
        %dma_start3A_150 = arith.constant 0 : i32
        %dma_start3A_151 = arith.constant 0 : i32
        %dma_start3A_152 = tpu.memref_slice %arg2[%dma_start3A_150, %dma_start3A_151] : memref<10000x128xf32, #tpu.memory_space<hbm>> -> memref<10000x128xf32, #tpu.memory_space<hbm>>
        tpu.enqueue_indirect_dma source(%dma_start3A_152 : memref<10000x128xf32, #tpu.memory_space<hbm>>) target(%arg9 : memref<56x128xf32, #tpu.memory_space<vmem>>) offsets(%arg15 : memref<56xi32, #tpu.memory_space<vmem>>) semaphore(%arg19 : memref<!tpu.dma_semaphore, #tpu.memory_space<semaphore_mem>>)
        %add3A_153 = arith.addi %mul3A_4, %add3A_149 : i32
        %mul3A_154 = arith.constant 56 : i32
        %mul3A_155 = arith.muli %add3A_153, %mul3A_154 : i32
        %dma_start3A_156 = arith.constant 0 : i32
        %dma_start3A_157 = tpu.memref_slice %arg3[%mul3A_155, %dma_start3A_156] : memref<322560x128xf32, #tpu.memory_space<hbm>> -> memref<56x128xf32, #tpu.memory_space<hbm>>
        %dma_start3A_158 = arith.constant 0 : i32
        %dma_start3A_159 = tpu.memref_slice %arg3[%mul3A_155, %dma_start3A_158] : memref<322560x128xf32, #tpu.memory_space<hbm>> -> memref<56x128xf32, #tpu.memory_space<hbm>>
        tpu.enqueue_dma source(%dma_start3A_159 : memref<56x128xf32, #tpu.memory_space<hbm>>) target(%arg11 : memref<56x128xf32, #tpu.memory_space<vmem>>) target_semaphore(%arg21 : memref<!tpu.dma_semaphore, #tpu.memory_space<semaphore_mem>>)
      } else {
      }
      %mul3A_98 = arith.constant 2 : i32
      %mul3A_99 = arith.muli %mul3A_98, %scan3A_57 : i32
      %add3A_100 = arith.constant 1 : i32
      %add3A_101 = arith.addi %mul3A_99, %add3A_100 : i32
      %dma_wait3A_102 = arith.constant 0 : i32
      %dma_wait3A_103 = arith.constant 0 : i32
      %dma_wait3A_104 = tpu.memref_slice %arg2[%dma_wait3A_102, %dma_wait3A_103] : memref<10000x128xf32, #tpu.memory_space<hbm>> -> memref<10000x128xf32, #tpu.memory_space<hbm>>
      tpu.wait_indirect_dma semaphore(%arg20 : memref<!tpu.dma_semaphore, #tpu.memory_space<semaphore_mem>>) src(%dma_wait3A_104 : memref<10000x128xf32, #tpu.memory_space<hbm>>) dst(%arg10 : memref<56x128xf32, #tpu.memory_space<vmem>>)
      %dma_wait3A_105 = arith.constant 0 : i32
      %dma_wait3A_106 = arith.constant 0 : i32
      %dma_wait3A_107 = tpu.memref_slice %arg3[%dma_wait3A_105, %dma_wait3A_106] : memref<322560x128xf32, #tpu.memory_space<hbm>> -> memref<56x128xf32, #tpu.memory_space<hbm>>
      %dma_wait3A_108 = arith.constant 0 : i32
      %dma_wait3A_109 = arith.constant 0 : i32
      %dma_wait3A_110 = tpu.memref_slice %arg3[%dma_wait3A_108, %dma_wait3A_109] : memref<322560x128xf32, #tpu.memory_space<hbm>> -> memref<56x128xf32, #tpu.memory_space<hbm>>
      tpu.wait_dma2 semaphore(%arg22 : memref<!tpu.dma_semaphore, #tpu.memory_space<semaphore_mem>>) src(%dma_wait3A_110 : memref<56x128xf32, #tpu.memory_space<hbm>>) dst(%arg12 : memref<56x128xf32, #tpu.memory_space<vmem>>)
      %lt3A_111 = arith.constant 89 : i32
      %lt3A_112 = arith.cmpi slt, %scan3A_57, %lt3A_111 : i32
      %convert_element_type3A_113 = arith.extui %lt3A_112 : i1 to i32
      %cond3A_114 = arith.constant 0 : i32
      %cond3A_115 = arith.cmpi ne, %convert_element_type3A_113, %cond3A_114 : i32
      scf.if %cond3A_115 {
        %add3A_144 = arith.constant 2 : i32
        %add3A_145 = arith.addi %add3A_101, %add3A_144 : i32
        %add3A_146 = arith.addi %mul3A_4, %add3A_145 : i32
        %mul3A_147 = arith.constant 56 : i32
        %mul3A_148 = arith.muli %add3A_146, %mul3A_147 : i32
        %dma_start3A_149 = tpu.memref_slice %arg4[%mul3A_148] : memref<322560xi32, #tpu.memory_space<hbm>> -> memref<56xi32, #tpu.memory_space<hbm>>
        %dma_start3A_150 = tpu.memref_slice %arg4[%mul3A_148] : memref<322560xi32, #tpu.memory_space<hbm>> -> memref<56xi32, #tpu.memory_space<hbm>>
        tpu.enqueue_dma source(%dma_start3A_150 : memref<56xi32, #tpu.memory_space<hbm>>) target(%arg16 : memref<56xi32, #tpu.memory_space<vmem>>) target_semaphore(%arg26 : memref<!tpu.dma_semaphore, #tpu.memory_space<semaphore_mem>>)
      } else {
      }
      %gt3A_116 = arith.constant 0 : i32
      %gt3A_117 = arith.cmpi sgt, %scan3A_57, %gt3A_116 : i32
      %convert_element_type3A_118 = arith.extui %gt3A_117 : i1 to i32
      %cond3A_119 = arith.constant 0 : i32
      %cond3A_120 = arith.cmpi ne, %convert_element_type3A_118, %cond3A_119 : i32
      scf.if %cond3A_120 {
        %dma_wait3A_144 = arith.constant 0 : i32
        %dma_wait3A_145 = arith.constant 0 : i32
        %dma_wait3A_146 = tpu.memref_slice %arg8[%dma_wait3A_144, %dma_wait3A_145] : memref<10112x128xf32, #tpu.memory_space<vmem_shared>> -> memref<10112x128xf32, #tpu.memory_space<vmem_shared>>
        tpu.wait_indirect_dma semaphore(%arg24 : memref<!tpu.dma_semaphore, #tpu.memory_space<semaphore_mem>>) src(%arg14 : memref<56x128xf32, #tpu.memory_space<vmem>>) dst(%dma_wait3A_146 : memref<10112x128xf32, #tpu.memory_space<vmem_shared>>)
      } else {
      }
      %add3A_121 = arith.addi %mul3A_4, %add3A_101 : i32
      %mul3A_122 = arith.constant 56 : i32
      %mul3A_123 = arith.muli %add3A_121, %mul3A_122 : i32
      %dma_start3A_124 = tpu.memref_slice %arg5[%mul3A_123] : memref<322560xi32, #tpu.memory_space<hbm>> -> memref<56xi32, #tpu.memory_space<hbm>>
      %dma_start3A_125 = tpu.memref_slice %arg5[%mul3A_123] : memref<322560xi32, #tpu.memory_space<hbm>> -> memref<56xi32, #tpu.memory_space<hbm>>
      tpu.enqueue_dma source(%dma_start3A_125 : memref<56xi32, #tpu.memory_space<hbm>>) target(%arg18 : memref<56xi32, #tpu.memory_space<vmem>>) target_semaphore(%arg28 : memref<!tpu.dma_semaphore, #tpu.memory_space<semaphore_mem>>)
      %scan3A_126 = arith.constant 0 : i32
      %scan3A_127 = arith.constant 0 : i32
      %scan3A_128 = arith.constant 56 : i32
      %scan3A_129 = arith.addi %scan3A_127, %scan3A_128 : i32
      %scan3A_130 = arith.constant 1 : i32
      scf.for %scan3A_144 = %scan3A_127 to %scan3A_129 step %scan3A_130  : i32 {
        %get3A = arith.index_cast %scan3A_144 : i32 to index
        %get3A_145 = arith.constant 0 : index
        %get3A_146 = tpu.vector_load %arg10[%get3A, %get3A_145] {strides = array<i32>} : memref<56x128xf32, #tpu.memory_space<vmem>>, vector<1x16xf32>,
        %get3A_147 = vector.shape_cast %get3A_146 : vector<1x16xf32> to vector<16xf32>
        %get3A_148 = arith.index_cast %scan3A_144 : i32 to index
        %get3A_149 = arith.constant 0 : index
        %get3A_150 = tpu.vector_load %arg12[%get3A_148, %get3A_149] {strides = array<i32>} : memref<56x128xf32, #tpu.memory_space<vmem>>, vector<1x16xf32>,
        %get3A_151 = vector.shape_cast %get3A_150 : vector<1x16xf32> to vector<16xf32>
        %add3A_152 = arith.addf %get3A_147, %get3A_151 : vector<16xf32>
        %max3A = arith.constant 0.000000e+00 : f32
        %max3A_153 = vector.broadcast %max3A : f32 to vector<16xf32>
        %max3A_154 = arith.maximumf %add3A_152, %max3A_153 : vector<16xf32>
        %swap3A = arith.index_cast %scan3A_144 : i32 to index
        %swap3A_155 = arith.constant 0 : index
        %swap3A_156 = tpu.vector_load %arg14[%swap3A, %swap3A_155] {strides = array<i32>} : memref<56x128xf32, #tpu.memory_space<vmem>>, vector<1x16xf32>,
        %swap3A_157 = vector.shape_cast %swap3A_156 : vector<1x16xf32> to vector<16xf32>
        %swap3A_158 = vector.shape_cast %max3A_154 : vector<16xf32> to vector<1x16xf32>
        tpu.vector_store %arg14[%swap3A, %swap3A_155], %swap3A_158 {strides = array<i32>} : memref<56x128xf32, #tpu.memory_space<vmem>>, vector<1x16xf32>,
        %get3A_159 = arith.index_cast %scan3A_144 : i32 to index
        %get3A_160 = arith.constant 16 : index
        %get3A_161 = tpu.vector_load %arg10[%get3A_159, %get3A_160] {strides = array<i32>} : memref<56x128xf32, #tpu.memory_space<vmem>>, vector<1x16xf32>,
        %get3A_162 = vector.shape_cast %get3A_161 : vector<1x16xf32> to vector<16xf32>
        %get3A_163 = arith.index_cast %scan3A_144 : i32 to index
        %get3A_164 = arith.constant 16 : index
        %get3A_165 = tpu.vector_load %arg12[%get3A_163, %get3A_164] {strides = array<i32>} : memref<56x128xf32, #tpu.memory_space<vmem>>, vector<1x16xf32>,
        %get3A_166 = vector.shape_cast %get3A_165 : vector<1x16xf32> to vector<16xf32>
        %add3A_167 = arith.addf %get3A_162, %get3A_166 : vector<16xf32>
        %max3A_168 = arith.constant 0.000000e+00 : f32
        %max3A_169 = vector.broadcast %max3A_168 : f32 to vector<16xf32>
        %max3A_170 = arith.maximumf %add3A_167, %max3A_169 : vector<16xf32>
        %swap3A_171 = arith.index_cast %scan3A_144 : i32 to index
        %swap3A_172 = arith.constant 16 : index
        %swap3A_173 = tpu.vector_load %arg14[%swap3A_171, %swap3A_172] {strides = array<i32>} : memref<56x128xf32, #tpu.memory_space<vmem>>, vector<1x16xf32>,
        %swap3A_174 = vector.shape_cast %swap3A_173 : vector<1x16xf32> to vector<16xf32>
        %swap3A_175 = vector.shape_cast %max3A_170 : vector<16xf32> to vector<1x16xf32>
        tpu.vector_store %arg14[%swap3A_171, %swap3A_172], %swap3A_175 {strides = array<i32>} : memref<56x128xf32, #tpu.memory_space<vmem>>, vector<1x16xf32>,
        %get3A_176 = arith.index_cast %scan3A_144 : i32 to index
        %get3A_177 = arith.constant 32 : index
        %get3A_178 = tpu.vector_load %arg10[%get3A_176, %get3A_177] {strides = array<i32>} : memref<56x128xf32, #tpu.memory_space<vmem>>, vector<1x16xf32>,
        %get3A_179 = vector.shape_cast %get3A_178 : vector<1x16xf32> to vector<16xf32>
        %get3A_180 = arith.index_cast %scan3A_144 : i32 to index
        %get3A_181 = arith.constant 32 : index
        %get3A_182 = tpu.vector_load %arg12[%get3A_180, %get3A_181] {strides = array<i32>} : memref<56x128xf32, #tpu.memory_space<vmem>>, vector<1x16xf32>,
        %get3A_183 = vector.shape_cast %get3A_182 : vector<1x16xf32> to vector<16xf32>
        %add3A_184 = arith.addf %get3A_179, %get3A_183 : vector<16xf32>
        %max3A_185 = arith.constant 0.000000e+00 : f32
        %max3A_186 = vector.broadcast %max3A_185 : f32 to vector<16xf32>
        %max3A_187 = arith.maximumf %add3A_184, %max3A_186 : vector<16xf32>
        %swap3A_188 = arith.index_cast %scan3A_144 : i32 to index
        %swap3A_189 = arith.constant 32 : index
        %swap3A_190 = tpu.vector_load %arg14[%swap3A_188, %swap3A_189] {strides = array<i32>} : memref<56x128xf32, #tpu.memory_space<vmem>>, vector<1x16xf32>,
        %swap3A_191 = vector.shape_cast %swap3A_190 : vector<1x16xf32> to vector<16xf32>
        %swap3A_192 = vector.shape_cast %max3A_187 : vector<16xf32> to vector<1x16xf32>
        tpu.vector_store %arg14[%swap3A_188, %swap3A_189], %swap3A_192 {strides = array<i32>} : memref<56x128xf32, #tpu.memory_space<vmem>>, vector<1x16xf32>,
        %get3A_193 = arith.index_cast %scan3A_144 : i32 to index
        %get3A_194 = arith.constant 48 : index
        %get3A_195 = tpu.vector_load %arg10[%get3A_193, %get3A_194] {strides = array<i32>} : memref<56x128xf32, #tpu.memory_space<vmem>>, vector<1x16xf32>,
        %get3A_196 = vector.shape_cast %get3A_195 : vector<1x16xf32> to vector<16xf32>
        %get3A_197 = arith.index_cast %scan3A_144 : i32 to index
        %get3A_198 = arith.constant 48 : index
        %get3A_199 = tpu.vector_load %arg12[%get3A_197, %get3A_198] {strides = array<i32>} : memref<56x128xf32, #tpu.memory_space<vmem>>, vector<1x16xf32>,
        %get3A_200 = vector.shape_cast %get3A_199 : vector<1x16xf32> to vector<16xf32>
        %add3A_201 = arith.addf %get3A_196, %get3A_200 : vector<16xf32>
        %max3A_202 = arith.constant 0.000000e+00 : f32
        %max3A_203 = vector.broadcast %max3A_202 : f32 to vector<16xf32>
        %max3A_204 = arith.maximumf %add3A_201, %max3A_203 : vector<16xf32>
        %swap3A_205 = arith.index_cast %scan3A_144 : i32 to index
        %swap3A_206 = arith.constant 48 : index
        %swap3A_207 = tpu.vector_load %arg14[%swap3A_205, %swap3A_206] {strides = array<i32>} : memref<56x128xf32, #tpu.memory_space<vmem>>, vector<1x16xf32>,
        %swap3A_208 = vector.shape_cast %swap3A_207 : vector<1x16xf32> to vector<16xf32>
        %swap3A_209 = vector.shape_cast %max3A_204 : vector<16xf32> to vector<1x16xf32>
        tpu.vector_store %arg14[%swap3A_205, %swap3A_206], %swap3A_209 {strides = array<i32>} : memref<56x128xf32, #tpu.memory_space<vmem>>, vector<1x16xf32>,
        %get3A_210 = arith.index_cast %scan3A_144 : i32 to index
        %get3A_211 = arith.constant 64 : index
        %get3A_212 = tpu.vector_load %arg10[%get3A_210, %get3A_211] {strides = array<i32>} : memref<56x128xf32, #tpu.memory_space<vmem>>, vector<1x16xf32>,
        %get3A_213 = vector.shape_cast %get3A_212 : vector<1x16xf32> to vector<16xf32>
        %get3A_214 = arith.index_cast %scan3A_144 : i32 to index
        %get3A_215 = arith.constant 64 : index
        %get3A_216 = tpu.vector_load %arg12[%get3A_214, %get3A_215] {strides = array<i32>} : memref<56x128xf32, #tpu.memory_space<vmem>>, vector<1x16xf32>,
        %get3A_217 = vector.shape_cast %get3A_216 : vector<1x16xf32> to vector<16xf32>
        %add3A_218 = arith.addf %get3A_213, %get3A_217 : vector<16xf32>
        %max3A_219 = arith.constant 0.000000e+00 : f32
        %max3A_220 = vector.broadcast %max3A_219 : f32 to vector<16xf32>
        %max3A_221 = arith.maximumf %add3A_218, %max3A_220 : vector<16xf32>
        %swap3A_222 = arith.index_cast %scan3A_144 : i32 to index
        %swap3A_223 = arith.constant 64 : index
        %swap3A_224 = tpu.vector_load %arg14[%swap3A_222, %swap3A_223] {strides = array<i32>} : memref<56x128xf32, #tpu.memory_space<vmem>>, vector<1x16xf32>,
        %swap3A_225 = vector.shape_cast %swap3A_224 : vector<1x16xf32> to vector<16xf32>
        %swap3A_226 = vector.shape_cast %max3A_221 : vector<16xf32> to vector<1x16xf32>
        tpu.vector_store %arg14[%swap3A_222, %swap3A_223], %swap3A_226 {strides = array<i32>} : memref<56x128xf32, #tpu.memory_space<vmem>>, vector<1x16xf32>,
        %get3A_227 = arith.index_cast %scan3A_144 : i32 to index
        %get3A_228 = arith.constant 80 : index
        %get3A_229 = tpu.vector_load %arg10[%get3A_227, %get3A_228] {strides = array<i32>} : memref<56x128xf32, #tpu.memory_space<vmem>>, vector<1x16xf32>,
        %get3A_230 = vector.shape_cast %get3A_229 : vector<1x16xf32> to vector<16xf32>
        %get3A_231 = arith.index_cast %scan3A_144 : i32 to index
        %get3A_232 = arith.constant 80 : index
        %get3A_233 = tpu.vector_load %arg12[%get3A_231, %get3A_232] {strides = array<i32>} : memref<56x128xf32, #tpu.memory_space<vmem>>, vector<1x16xf32>,
        %get3A_234 = vector.shape_cast %get3A_233 : vector<1x16xf32> to vector<16xf32>
        %add3A_235 = arith.addf %get3A_230, %get3A_234 : vector<16xf32>
        %max3A_236 = arith.constant 0.000000e+00 : f32
        %max3A_237 = vector.broadcast %max3A_236 : f32 to vector<16xf32>
        %max3A_238 = arith.maximumf %add3A_235, %max3A_237 : vector<16xf32>
        %swap3A_239 = arith.index_cast %scan3A_144 : i32 to index
        %swap3A_240 = arith.constant 80 : index
        %swap3A_241 = tpu.vector_load %arg14[%swap3A_239, %swap3A_240] {strides = array<i32>} : memref<56x128xf32, #tpu.memory_space<vmem>>, vector<1x16xf32>,
        %swap3A_242 = vector.shape_cast %swap3A_241 : vector<1x16xf32> to vector<16xf32>
        %swap3A_243 = vector.shape_cast %max3A_238 : vector<16xf32> to vector<1x16xf32>
        tpu.vector_store %arg14[%swap3A_239, %swap3A_240], %swap3A_243 {strides = array<i32>} : memref<56x128xf32, #tpu.memory_space<vmem>>, vector<1x16xf32>,
        %get3A_244 = arith.index_cast %scan3A_144 : i32 to index
        %get3A_245 = arith.constant 96 : index
        %get3A_246 = tpu.vector_load %arg10[%get3A_244, %get3A_245] {strides = array<i32>} : memref<56x128xf32, #tpu.memory_space<vmem>>, vector<1x16xf32>,
        %get3A_247 = vector.shape_cast %get3A_246 : vector<1x16xf32> to vector<16xf32>
        %get3A_248 = arith.index_cast %scan3A_144 : i32 to index
        %get3A_249 = arith.constant 96 : index
        %get3A_250 = tpu.vector_load %arg12[%get3A_248, %get3A_249] {strides = array<i32>} : memref<56x128xf32, #tpu.memory_space<vmem>>, vector<1x16xf32>,
        %get3A_251 = vector.shape_cast %get3A_250 : vector<1x16xf32> to vector<16xf32>
        %add3A_252 = arith.addf %get3A_247, %get3A_251 : vector<16xf32>
        %max3A_253 = arith.constant 0.000000e+00 : f32
        %max3A_254 = vector.broadcast %max3A_253 : f32 to vector<16xf32>
        %max3A_255 = arith.maximumf %add3A_252, %max3A_254 : vector<16xf32>
        %swap3A_256 = arith.index_cast %scan3A_144 : i32 to index
        %swap3A_257 = arith.constant 96 : index
        %swap3A_258 = tpu.vector_load %arg14[%swap3A_256, %swap3A_257] {strides = array<i32>} : memref<56x128xf32, #tpu.memory_space<vmem>>, vector<1x16xf32>,
        %swap3A_259 = vector.shape_cast %swap3A_258 : vector<1x16xf32> to vector<16xf32>
        %swap3A_260 = vector.shape_cast %max3A_255 : vector<16xf32> to vector<1x16xf32>
        tpu.vector_store %arg14[%swap3A_256, %swap3A_257], %swap3A_260 {strides = array<i32>} : memref<56x128xf32, #tpu.memory_space<vmem>>, vector<1x16xf32>,
        %get3A_261 = arith.index_cast %scan3A_144 : i32 to index
        %get3A_262 = arith.constant 112 : index
        %get3A_263 = tpu.vector_load %arg10[%get3A_261, %get3A_262] {strides = array<i32>} : memref<56x128xf32, #tpu.memory_space<vmem>>, vector<1x16xf32>,
        %get3A_264 = vector.shape_cast %get3A_263 : vector<1x16xf32> to vector<16xf32>
        %get3A_265 = arith.index_cast %scan3A_144 : i32 to index
        %get3A_266 = arith.constant 112 : index
        %get3A_267 = tpu.vector_load %arg12[%get3A_265, %get3A_266] {strides = array<i32>} : memref<56x128xf32, #tpu.memory_space<vmem>>, vector<1x16xf32>,
        %get3A_268 = vector.shape_cast %get3A_267 : vector<1x16xf32> to vector<16xf32>
        %add3A_269 = arith.addf %get3A_264, %get3A_268 : vector<16xf32>
        %max3A_270 = arith.constant 0.000000e+00 : f32
        %max3A_271 = vector.broadcast %max3A_270 : f32 to vector<16xf32>
        %max3A_272 = arith.maximumf %add3A_269, %max3A_271 : vector<16xf32>
        %swap3A_273 = arith.index_cast %scan3A_144 : i32 to index
        %swap3A_274 = arith.constant 112 : index
        %swap3A_275 = tpu.vector_load %arg14[%swap3A_273, %swap3A_274] {strides = array<i32>} : memref<56x128xf32, #tpu.memory_space<vmem>>, vector<1x16xf32>,
        %swap3A_276 = vector.shape_cast %swap3A_275 : vector<1x16xf32> to vector<16xf32>
        %swap3A_277 = vector.shape_cast %max3A_272 : vector<16xf32> to vector<1x16xf32>
        tpu.vector_store %arg14[%swap3A_273, %swap3A_274], %swap3A_277 {strides = array<i32>} : memref<56x128xf32, #tpu.memory_space<vmem>>, vector<1x16xf32>,
      }
      %scan3A_131 = arith.constant 56 : i32
      %dma_wait3A_132 = arith.constant 0 : i32
      %dma_wait3A_133 = tpu.memref_slice %arg5[%dma_wait3A_132] : memref<322560xi32, #tpu.memory_space<hbm>> -> memref<56xi32, #tpu.memory_space<hbm>>
      %dma_wait3A_134 = arith.constant 0 : i32
      %dma_wait3A_135 = tpu.memref_slice %arg5[%dma_wait3A_134] : memref<322560xi32, #tpu.memory_space<hbm>> -> memref<56xi32, #tpu.memory_space<hbm>>
      tpu.wait_dma2 semaphore(%arg28 : memref<!tpu.dma_semaphore, #tpu.memory_space<semaphore_mem>>) src(%dma_wait3A_135 : memref<56xi32, #tpu.memory_space<hbm>>) dst(%arg18 : memref<56xi32, #tpu.memory_space<vmem>>)
      %dma_start3A_136 = arith.constant 0 : i32
      %dma_start3A_137 = arith.constant 0 : i32
      %dma_start3A_138 = tpu.memref_slice %arg8[%dma_start3A_136, %dma_start3A_137] : memref<10112x128xf32, #tpu.memory_space<vmem_shared>> -> memref<10112x128xf32, #tpu.memory_space<vmem_shared>>
      tpu.enqueue_indirect_dma source(%arg14 : memref<56x128xf32, #tpu.memory_space<vmem>>) target(%dma_start3A_138 : memref<10112x128xf32, #tpu.memory_space<vmem_shared>>) offsets(%arg18 : memref<56xi32, #tpu.memory_space<vmem>>) semaphore(%arg24 : memref<!tpu.dma_semaphore, #tpu.memory_space<semaphore_mem>>) {add = true}
      %lt3A_139 = arith.constant 89 : i32
      %lt3A_140 = arith.cmpi slt, %scan3A_57, %lt3A_139 : i32
      %convert_element_type3A_141 = arith.extui %lt3A_140 : i1 to i32
      %cond3A_142 = arith.constant 0 : i32
      %cond3A_143 = arith.cmpi ne, %convert_element_type3A_141, %cond3A_142 : i32
      scf.if %cond3A_143 {
        %dma_wait3A_144 = arith.constant 0 : i32
        %dma_wait3A_145 = tpu.memref_slice %arg4[%dma_wait3A_144] : memref<322560xi32, #tpu.memory_space<hbm>> -> memref<56xi32, #tpu.memory_space<hbm>>
        %dma_wait3A_146 = arith.constant 0 : i32
        %dma_wait3A_147 = tpu.memref_slice %arg4[%dma_wait3A_146] : memref<322560xi32, #tpu.memory_space<hbm>> -> memref<56xi32, #tpu.memory_space<hbm>>
        tpu.wait_dma2 semaphore(%arg26 : memref<!tpu.dma_semaphore, #tpu.memory_space<semaphore_mem>>) src(%dma_wait3A_147 : memref<56xi32, #tpu.memory_space<hbm>>) dst(%arg16 : memref<56xi32, #tpu.memory_space<vmem>>)
        %add3A_148 = arith.constant 2 : i32
        %add3A_149 = arith.addi %add3A_101, %add3A_148 : i32
        %dma_start3A_150 = arith.constant 0 : i32
        %dma_start3A_151 = arith.constant 0 : i32
        %dma_start3A_152 = tpu.memref_slice %arg2[%dma_start3A_150, %dma_start3A_151] : memref<10000x128xf32, #tpu.memory_space<hbm>> -> memref<10000x128xf32, #tpu.memory_space<hbm>>
        tpu.enqueue_indirect_dma source(%dma_start3A_152 : memref<10000x128xf32, #tpu.memory_space<hbm>>) target(%arg10 : memref<56x128xf32, #tpu.memory_space<vmem>>) offsets(%arg16 : memref<56xi32, #tpu.memory_space<vmem>>) semaphore(%arg20 : memref<!tpu.dma_semaphore, #tpu.memory_space<semaphore_mem>>)
        %add3A_153 = arith.addi %mul3A_4, %add3A_149 : i32
        %mul3A_154 = arith.constant 56 : i32
        %mul3A_155 = arith.muli %add3A_153, %mul3A_154 : i32
        %dma_start3A_156 = arith.constant 0 : i32
        %dma_start3A_157 = tpu.memref_slice %arg3[%mul3A_155, %dma_start3A_156] : memref<322560x128xf32, #tpu.memory_space<hbm>> -> memref<56x128xf32, #tpu.memory_space<hbm>>
        %dma_start3A_158 = arith.constant 0 : i32
        %dma_start3A_159 = tpu.memref_slice %arg3[%mul3A_155, %dma_start3A_158] : memref<322560x128xf32, #tpu.memory_space<hbm>> -> memref<56x128xf32, #tpu.memory_space<hbm>>
        tpu.enqueue_dma source(%dma_start3A_159 : memref<56x128xf32, #tpu.memory_space<hbm>>) target(%arg12 : memref<56x128xf32, #tpu.memory_space<vmem>>) target_semaphore(%arg22 : memref<!tpu.dma_semaphore, #tpu.memory_space<semaphore_mem>>)
      } else {
      }
    }
    %scan3A_49 = arith.constant 90 : i32
    %dma_wait3A_50 = arith.constant 0 : i32
    %dma_wait3A_51 = arith.constant 0 : i32
    %dma_wait3A_52 = tpu.memref_slice %arg8[%dma_wait3A_50, %dma_wait3A_51] : memref<10112x128xf32, #tpu.memory_space<vmem_shared>> -> memref<10112x128xf32, #tpu.memory_space<vmem_shared>>
    tpu.wait_indirect_dma semaphore(%arg23 : memref<!tpu.dma_semaphore, #tpu.memory_space<semaphore_mem>>) src(%arg13 : memref<56x128xf32, #tpu.memory_space<vmem>>) dst(%dma_wait3A_52 : memref<10112x128xf32, #tpu.memory_space<vmem_shared>>)
    %dma_wait3A_53 = arith.constant 0 : i32
    %dma_wait3A_54 = arith.constant 0 : i32
    %dma_wait3A_55 = tpu.memref_slice %arg8[%dma_wait3A_53, %dma_wait3A_54] : memref<10112x128xf32, #tpu.memory_space<vmem_shared>> -> memref<10112x128xf32, #tpu.memory_space<vmem_shared>>
    tpu.wait_indirect_dma semaphore(%arg24 : memref<!tpu.dma_semaphore, #tpu.memory_space<semaphore_mem>>) src(%arg14 : memref<56x128xf32, #tpu.memory_space<vmem>>) dst(%dma_wait3A_55 : memref<10112x128xf32, #tpu.memory_space<vmem_shared>>)
    %barrier3A_56 = arith.constant 0 : index
    tpu.barrier barrier_id(%barrier3A_56)
    "tpu.region"() ({
      %run_scoped3A = tpu.sem_alloc : memref<!tpu.dma_semaphore, #tpu.memory_space<semaphore_mem>>
      %dma_start3A_57 = arith.constant 0 : i32
      %dma_start3A_58 = tpu.memref_slice %arg7[%arg0, %mul3A_2, %dma_start3A_57] : memref<2x10112x128xf32, #tpu.memory_space<hbm>> -> memref<1x632x128xf32, #tpu.memory_space<hbm>>
      %dma_start3A_59 = tpu.memref_squeeze %dma_start3A_58 : memref<1x632x128xf32, #tpu.memory_space<hbm>> -> memref<632x128xf32, #tpu.memory_space<hbm>>
      %dma_start3A_60 = arith.constant 0 : i32
      %dma_start3A_61 = tpu.memref_slice %arg8[%mul3A_2, %dma_start3A_60] : memref<10112x128xf32, #tpu.memory_space<vmem_shared>> -> memref<632x128xf32, #tpu.memory_space<vmem_shared>>
      tpu.enqueue_dma source(%dma_start3A_61 : memref<632x128xf32, #tpu.memory_space<vmem_shared>>) target(%dma_start3A_59 : memref<632x128xf32, #tpu.memory_space<hbm>>) target_semaphore(%run_scoped3A : memref<!tpu.dma_semaphore, #tpu.memory_space<semaphore_mem>>)
      %dma_wait3A_62 = arith.constant 0 : i32
      %dma_wait3A_63 = tpu.memref_slice %arg7[%arg0, %mul3A_2, %dma_wait3A_62] : memref<2x10112x128xf32, #tpu.memory_space<hbm>> -> memref<1x632x128xf32, #tpu.memory_space<hbm>>
      %dma_wait3A_64 = tpu.memref_squeeze %dma_wait3A_63 : memref<1x632x128xf32, #tpu.memory_space<hbm>> -> memref<632x128xf32, #tpu.memory_space<hbm>>
      %dma_wait3A_65 = arith.constant 0 : i32
      %dma_wait3A_66 = tpu.memref_slice %arg8[%mul3A_2, %dma_wait3A_65] : memref<10112x128xf32, #tpu.memory_space<vmem_shared>> -> memref<632x128xf32, #tpu.memory_space<vmem_shared>>
      tpu.wait_dma2 semaphore(%run_scoped3A : memref<!tpu.dma_semaphore, #tpu.memory_space<semaphore_mem>>) src(%dma_wait3A_66 : memref<632x128xf32, #tpu.memory_space<vmem_shared>>) dst(%dma_wait3A_64 : memref<632x128xf32, #tpu.memory_space<hbm>>)
      tpu.yield
    }) : () -> ()
    return
  }
}

module attributes {stable_mosaic.version = 14 : i64} {
  func.func @body(%arg0: i32, %arg1: memref<3584x16xf32, #tpu.memory_space<vmem>>, %arg2: memref<16x128xf32, #tpu.memory_space<vmem>>, %arg3: memref<1x128xf32, #tpu.memory_space<vmem>>, %arg4: memref<3584x128xf32, #tpu.memory_space<vmem>>) attributes {dimension_semantics = [#tpu.dimension_semantics<arbitrary>], iteration_bounds = array<i64: 90>, scalar_prefetch = 0 : i64, scratch_operands = 0 : i64, tpu.core_type = #tpu.core_type<tc>, window_params = [{transform_indices = @transform_0, window_bounds = array<i64: 3584, 16>}, {pipeline_mode = #tpu.pipeline_mode<synchronous>, transform_indices = @transform_1, window_bounds = array<i64: 16, 128>}, {pipeline_mode = #tpu.pipeline_mode<synchronous>, transform_indices = @transform_2, window_bounds = array<i64: 1, 128>}, {transform_indices = @transform_3, window_bounds = array<i64: 3584, 128>}]} {
    %get3A = arith.constant 0 : index
    %get3A_0 = arith.constant 0 : index
    %get3A_1 = vector.load %arg1[%get3A, %get3A_0] : memref<3584x16xf32, #tpu.memory_space<vmem>>, vector<3584x16xf32>
    %get3A_2 = arith.constant 0 : index
    %get3A_3 = arith.constant 0 : index
    %get3A_4 = vector.load %arg2[%get3A_2, %get3A_3] : memref<16x128xf32, #tpu.memory_space<vmem>>, vector<16x128xf32>
    %dot_general3A = arith.constant dense<0.000000e+00> : vector<3584x128xf32>
    %dot_general3A_5 = tpu.matmul %get3A_1, %get3A_4, %dot_general3A {dimension_numbers = #tpu.dot_dimension_numbers<[1], [0], [0], [1], [0, 0, 1, 1], [], []>, transpose_lhs_hint = false} : vector<3584x16xf32>, vector<16x128xf32>, vector<3584x128xf32> -> vector<3584x128xf32>
    %get3A_6 = arith.constant 0 : index
    %get3A_7 = arith.constant 0 : index
    %get3A_8 = vector.load %arg3[%get3A_6, %get3A_7] : memref<1x128xf32, #tpu.memory_space<vmem>>, vector<1x128xf32>
    %add3A = vector.broadcast %get3A_8 : vector<1x128xf32> to vector<3584x128xf32>
    %add3A_9 = arith.addf %dot_general3A_5, %add3A : vector<3584x128xf32>
    %swap3A = arith.constant 0 : index
    %swap3A_10 = arith.constant 0 : index
    %swap3A_11 = vector.load %arg4[%swap3A, %swap3A_10] : memref<3584x128xf32, #tpu.memory_space<vmem>>, vector<3584x128xf32>
    tpu.vector_store %arg4[%swap3A, %swap3A_10], %add3A_9 {strides = array<i32>} : memref<3584x128xf32, #tpu.memory_space<vmem>>, vector<3584x128xf32>,
    return
  }
  func.func @transform_0(%arg0: i32) -> (i32, i32) {
    %c0_i32 = arith.constant 0 : i32
    %c0_i32_0 = arith.constant 0 : i32
    return %arg0, %c0_i32 : i32, i32
  }
  func.func @transform_1(%arg0: i32) -> (i32, i32) {
    %c0_i32 = arith.constant 0 : i32
    %c0_i32_0 = arith.constant 0 : i32
    %c0_i32_1 = arith.constant 0 : i32
    return %c0_i32, %c0_i32_0 : i32, i32
  }
  func.func @transform_2(%arg0: i32) -> (i32, i32) {
    %c0_i32 = arith.constant 0 : i32
    %c0_i32_0 = arith.constant 0 : i32
    %c0_i32_1 = arith.constant 0 : i32
    return %c0_i32, %c0_i32_0 : i32, i32
  }
  func.func @transform_3(%arg0: i32) -> (i32, i32) {
    %c0_i32 = arith.constant 0 : i32
    %c0_i32_0 = arith.constant 0 : i32
    return %arg0, %c0_i32 : i32, i32
  }
}

module attributes {stable_mosaic.version = 14 : i64} {
  func.func @body(%arg0: i32, %arg1: memref<1000x128xf32, #tpu.memory_space<vmem>>, %arg2: memref<128x128xf32, #tpu.memory_space<vmem>>, %arg3: memref<1x128xf32, #tpu.memory_space<vmem>>, %arg4: memref<1000x128xf32, #tpu.memory_space<vmem>>) attributes {dimension_semantics = [#tpu.dimension_semantics<arbitrary>], iteration_bounds = array<i64: 10>, scalar_prefetch = 0 : i64, scratch_operands = 0 : i64, tpu.core_type = #tpu.core_type<tc>, window_params = [{transform_indices = @transform_0, window_bounds = array<i64: 1000, 128>}, {pipeline_mode = #tpu.pipeline_mode<synchronous>, transform_indices = @transform_1, window_bounds = array<i64: 128, 128>}, {pipeline_mode = #tpu.pipeline_mode<synchronous>, transform_indices = @transform_2, window_bounds = array<i64: 1, 128>}, {transform_indices = @transform_3, window_bounds = array<i64: 1000, 128>}]} {
    %get3A = arith.constant 0 : index
    %get3A_0 = arith.constant 0 : index
    %get3A_1 = vector.load %arg1[%get3A, %get3A_0] : memref<1000x128xf32, #tpu.memory_space<vmem>>, vector<1000x128xf32>
    %get3A_2 = arith.constant 0 : index
    %get3A_3 = arith.constant 0 : index
    %get3A_4 = vector.load %arg2[%get3A_2, %get3A_3] : memref<128x128xf32, #tpu.memory_space<vmem>>, vector<128x128xf32>
    %dot_general3A = arith.constant dense<0.000000e+00> : vector<1000x128xf32>
    %dot_general3A_5 = tpu.matmul %get3A_1, %get3A_4, %dot_general3A {dimension_numbers = #tpu.dot_dimension_numbers<[1], [0], [0], [1], [0, 0, 1, 1], [], []>, transpose_lhs_hint = false} : vector<1000x128xf32>, vector<128x128xf32>, vector<1000x128xf32> -> vector<1000x128xf32>
    %get3A_6 = arith.constant 0 : index
    %get3A_7 = arith.constant 0 : index
    %get3A_8 = vector.load %arg3[%get3A_6, %get3A_7] : memref<1x128xf32, #tpu.memory_space<vmem>>, vector<1x128xf32>
    %add3A = vector.broadcast %get3A_8 : vector<1x128xf32> to vector<1000x128xf32>
    %add3A_9 = arith.addf %dot_general3A_5, %add3A : vector<1000x128xf32>
    %swap3A = arith.constant 0 : index
    %swap3A_10 = arith.constant 0 : index
    %swap3A_11 = vector.load %arg4[%swap3A, %swap3A_10] : memref<1000x128xf32, #tpu.memory_space<vmem>>, vector<1000x128xf32>
    tpu.vector_store %arg4[%swap3A, %swap3A_10], %add3A_9 {strides = array<i32>} : memref<1000x128xf32, #tpu.memory_space<vmem>>, vector<1000x128xf32>,
    return
  }
  func.func @transform_0(%arg0: i32) -> (i32, i32) {
    %c0_i32 = arith.constant 0 : i32
    %c0_i32_0 = arith.constant 0 : i32
    return %arg0, %c0_i32 : i32, i32
  }
  func.func @transform_1(%arg0: i32) -> (i32, i32) {
    %c0_i32 = arith.constant 0 : i32
    %c0_i32_0 = arith.constant 0 : i32
    %c0_i32_1 = arith.constant 0 : i32
    return %c0_i32, %c0_i32_0 : i32, i32
  }
  func.func @transform_2(%arg0: i32) -> (i32, i32) {
    %c0_i32 = arith.constant 0 : i32
    %c0_i32_0 = arith.constant 0 : i32
    %c0_i32_1 = arith.constant 0 : i32
    return %c0_i32, %c0_i32_0 : i32, i32
  }
  func.func @transform_3(%arg0: i32) -> (i32, i32) {
    %c0_i32 = arith.constant 0 : i32
    %c0_i32_0 = arith.constant 0 : i32
    return %arg0, %c0_i32 : i32, i32
  }
}

module attributes {stable_mosaic.version = 14 : i64} {
  func.func @body(%arg0: i32, %arg1: memref<1000x128xf32, #tpu.memory_space<vmem>>, %arg2: memref<1x1000x128xf32, #tpu.memory_space<vmem>>, %arg3: memref<1x1000x128xf32, #tpu.memory_space<vmem>>, %arg4: memref<128x128xf32, #tpu.memory_space<vmem>>, %arg5: memref<1x128xf32, #tpu.memory_space<vmem>>, %arg6: memref<128x128xf32, #tpu.memory_space<vmem>>, %arg7: memref<1x128xf32, #tpu.memory_space<vmem>>, %arg8: memref<1000x128xf32, #tpu.memory_space<vmem>>, %arg9: memref<8x128xf32, #tpu.memory_space<vmem>>) attributes {dimension_semantics = [#tpu.dimension_semantics<arbitrary>], iteration_bounds = array<i64: 10>, scalar_prefetch = 0 : i64, scratch_operands = 0 : i64, tpu.core_type = #tpu.core_type<tc>, window_params = [{transform_indices = @transform_0, window_bounds = array<i64: 1000, 128>}, {transform_indices = @transform_1, window_bounds = array<i64: 1, 1000, 128>}, {transform_indices = @transform_2, window_bounds = array<i64: 1, 1000, 128>}, {pipeline_mode = #tpu.pipeline_mode<synchronous>, transform_indices = @transform_3, window_bounds = array<i64: 128, 128>}, {pipeline_mode = #tpu.pipeline_mode<synchronous>, transform_indices = @transform_4, window_bounds = array<i64: 1, 128>}, {pipeline_mode = #tpu.pipeline_mode<synchronous>, transform_indices = @transform_5, window_bounds = array<i64: 128, 128>}, {pipeline_mode = #tpu.pipeline_mode<synchronous>, transform_indices = @transform_6, window_bounds = array<i64: 1, 128>}, {transform_indices = @transform_7, window_bounds = array<i64: 1000, 128>}, {pipeline_mode = #tpu.pipeline_mode<synchronous>, transform_indices = @transform_8, window_bounds = array<i64: 8, 128>}]} {
    %get3A = arith.constant 0 : index
    %get3A_0 = arith.constant 0 : index
    %get3A_1 = vector.load %arg1[%get3A, %get3A_0] : memref<1000x128xf32, #tpu.memory_space<vmem>>, vector<1000x128xf32>
    %get3A_2 = arith.constant 0 : index
    %get3A_3 = arith.constant 0 : index
    %get3A_4 = arith.constant 0 : index
    %get3A_5 = vector.load %arg2[%get3A_2, %get3A_3, %get3A_4] : memref<1x1000x128xf32, #tpu.memory_space<vmem>>, vector<1x1000x128xf32>
    %get3A_6 = vector.shape_cast %get3A_5 : vector<1x1000x128xf32> to vector<1000x128xf32>
    %add3A = arith.addf %get3A_1, %get3A_6 : vector<1000x128xf32>
    %get3A_7 = arith.constant 0 : index
    %get3A_8 = arith.constant 0 : index
    %get3A_9 = arith.constant 0 : index
    %get3A_10 = vector.load %arg3[%get3A_7, %get3A_8, %get3A_9] : memref<1x1000x128xf32, #tpu.memory_space<vmem>>, vector<1x1000x128xf32>
    %get3A_11 = vector.shape_cast %get3A_10 : vector<1x1000x128xf32> to vector<1000x128xf32>
    %add3A_12 = arith.addf %add3A, %get3A_11 : vector<1000x128xf32>
    %get3A_13 = arith.constant 0 : index
    %get3A_14 = arith.constant 0 : index
    %get3A_15 = vector.load %arg4[%get3A_13, %get3A_14] : memref<128x128xf32, #tpu.memory_space<vmem>>, vector<128x128xf32>
    %dot_general3A = arith.constant dense<0.000000e+00> : vector<1000x128xf32>
    %dot_general3A_16 = tpu.matmul %add3A_12, %get3A_15, %dot_general3A {dimension_numbers = #tpu.dot_dimension_numbers<[1], [0], [0], [1], [0, 0, 1, 1], [], []>, transpose_lhs_hint = false} : vector<1000x128xf32>, vector<128x128xf32>, vector<1000x128xf32> -> vector<1000x128xf32>
    %get3A_17 = arith.constant 0 : index
    %get3A_18 = arith.constant 0 : index
    %get3A_19 = vector.load %arg5[%get3A_17, %get3A_18] : memref<1x128xf32, #tpu.memory_space<vmem>>, vector<1x128xf32>
    %add3A_20 = vector.broadcast %get3A_19 : vector<1x128xf32> to vector<1000x128xf32>
    %add3A_21 = arith.addf %dot_general3A_16, %add3A_20 : vector<1000x128xf32>
    %max3A = arith.constant 0.000000e+00 : f32
    %max3A_22 = vector.broadcast %max3A : f32 to vector<1000x128xf32>
    %max3A_23 = arith.maximumf %add3A_21, %max3A_22 : vector<1000x128xf32>
    %get3A_24 = arith.constant 0 : index
    %get3A_25 = arith.constant 0 : index
    %get3A_26 = vector.load %arg6[%get3A_24, %get3A_25] : memref<128x128xf32, #tpu.memory_space<vmem>>, vector<128x128xf32>
    %dot_general3A_27 = arith.constant dense<0.000000e+00> : vector<1000x128xf32>
    %dot_general3A_28 = tpu.matmul %max3A_23, %get3A_26, %dot_general3A_27 {dimension_numbers = #tpu.dot_dimension_numbers<[1], [0], [0], [1], [0, 0, 1, 1], [], []>, transpose_lhs_hint = false} : vector<1000x128xf32>, vector<128x128xf32>, vector<1000x128xf32> -> vector<1000x128xf32>
    %get3A_29 = arith.constant 0 : index
    %get3A_30 = arith.constant 0 : index
    %get3A_31 = vector.load %arg7[%get3A_29, %get3A_30] : memref<1x128xf32, #tpu.memory_space<vmem>>, vector<1x128xf32>
    %add3A_32 = vector.broadcast %get3A_31 : vector<1x128xf32> to vector<1000x128xf32>
    %add3A_33 = arith.addf %dot_general3A_28, %add3A_32 : vector<1000x128xf32>
    %swap3A = arith.constant 0 : index
    %swap3A_34 = arith.constant 0 : index
    %swap3A_35 = vector.load %arg8[%swap3A, %swap3A_34] : memref<1000x128xf32, #tpu.memory_space<vmem>>, vector<1000x128xf32>
    tpu.vector_store %arg8[%swap3A, %swap3A_34], %add3A_33 {strides = array<i32>} : memref<1000x128xf32, #tpu.memory_space<vmem>>, vector<1000x128xf32>,
    %reduce_sum3A = arith.constant dense<0.000000e+00> : vector<128xf32>
    %reduce_sum3A_36 = vector.multi_reduction <add>, %add3A_33, %reduce_sum3A [0] : vector<1000x128xf32> to vector<128xf32>
    %broadcast_in_dim3A = vector.shape_cast %reduce_sum3A_36 : vector<128xf32> to vector<1x128xf32>
    %mul3A = arith.mulf %add3A_33, %add3A_33 : vector<1000x128xf32>
    %reduce_sum3A_37 = arith.constant dense<0.000000e+00> : vector<128xf32>
    %reduce_sum3A_38 = vector.multi_reduction <add>, %mul3A, %reduce_sum3A_37 [0] : vector<1000x128xf32> to vector<128xf32>
    %broadcast_in_dim3A_39 = vector.shape_cast %reduce_sum3A_38 : vector<128xf32> to vector<1x128xf32>
    %broadcast_in_dim3A_40 = arith.constant 0.000000e+00 : f32
    %broadcast_in_dim3A_41 = vector.broadcast %broadcast_in_dim3A_40 : f32 to vector<6x128xf32>
    %concatenate3A = tpu.concatenate %broadcast_in_dim3A, %broadcast_in_dim3A_39, %broadcast_in_dim3A_41 in 0 : vector<1x128xf32>, vector<1x128xf32>, vector<6x128xf32> -> vector<8x128xf32>
    %eq3A = arith.constant 0 : i32
    %eq3A_42 = arith.cmpi eq, %arg0, %eq3A : i32
    %convert_element_type3A = arith.extui %eq3A_42 : i1 to i32
    %cond3A = arith.constant 0 : i32
    %cond3A_43 = arith.cmpi ne, %convert_element_type3A, %cond3A : i32
    scf.if %cond3A_43 {
      %swap3A_48 = arith.constant 0 : index
      %swap3A_49 = arith.constant 0 : index
      %swap3A_50 = vector.load %arg9[%swap3A_48, %swap3A_49] : memref<8x128xf32, #tpu.memory_space<vmem>>, vector<8x128xf32>
      tpu.vector_store %arg9[%swap3A_48, %swap3A_49], %concatenate3A {strides = array<i32>} : memref<8x128xf32, #tpu.memory_space<vmem>>, vector<8x128xf32>,
    } else {
    }
    %ne3A = arith.constant 0 : i32
    %ne3A_44 = arith.cmpi ne, %arg0, %ne3A : i32
    %convert_element_type3A_45 = arith.extui %ne3A_44 : i1 to i32
    %cond3A_46 = arith.constant 0 : i32
    %cond3A_47 = arith.cmpi ne, %convert_element_type3A_45, %cond3A_46 : i32
    scf.if %cond3A_47 {
      %get3A_48 = arith.constant 0 : index
      %get3A_49 = arith.constant 0 : index
      %get3A_50 = vector.load %arg9[%get3A_48, %get3A_49] : memref<8x128xf32, #tpu.memory_space<vmem>>, vector<8x128xf32>
      %add3A_51 = arith.addf %get3A_50, %concatenate3A : vector<8x128xf32>
      %swap3A_52 = arith.constant 0 : index
      %swap3A_53 = arith.constant 0 : index
      %swap3A_54 = vector.load %arg9[%swap3A_52, %swap3A_53] : memref<8x128xf32, #tpu.memory_space<vmem>>, vector<8x128xf32>
      tpu.vector_store %arg9[%swap3A_52, %swap3A_53], %add3A_51 {strides = array<i32>} : memref<8x128xf32, #tpu.memory_space<vmem>>, vector<8x128xf32>,
    } else {
    }
    return
  }
  func.func @transform_0(%arg0: i32) -> (i32, i32) {
    %c0_i32 = arith.constant 0 : i32
    %c0_i32_0 = arith.constant 0 : i32
    return %arg0, %c0_i32 : i32, i32
  }
  func.func @transform_1(%arg0: i32) -> (i32, i32, i32) {
    %c0_i32 = arith.constant 0 : i32
    %c0_i32_0 = arith.constant 0 : i32
    %c0_i32_1 = arith.constant 0 : i32
    return %c0_i32, %arg0, %c0_i32_0 : i32, i32, i32
  }
  func.func @transform_2(%arg0: i32) -> (i32, i32, i32) {
    %c1_i32 = arith.constant 1 : i32
    %c0_i32 = arith.constant 0 : i32
    %c0_i32_0 = arith.constant 0 : i32
    return %c1_i32, %arg0, %c0_i32 : i32, i32, i32
  }
  func.func @transform_3(%arg0: i32) -> (i32, i32) {
    %c0_i32 = arith.constant 0 : i32
    %c0_i32_0 = arith.constant 0 : i32
    %c0_i32_1 = arith.constant 0 : i32
    return %c0_i32, %c0_i32_0 : i32, i32
  }
  func.func @transform_4(%arg0: i32) -> (i32, i32) {
    %c0_i32 = arith.constant 0 : i32
    %c0_i32_0 = arith.constant 0 : i32
    %c0_i32_1 = arith.constant 0 : i32
    return %c0_i32, %c0_i32_0 : i32, i32
  }
  func.func @transform_5(%arg0: i32) -> (i32, i32) {
    %c0_i32 = arith.constant 0 : i32
    %c0_i32_0 = arith.constant 0 : i32
    %c0_i32_1 = arith.constant 0 : i32
    return %c0_i32, %c0_i32_0 : i32, i32
  }
  func.func @transform_6(%arg0: i32) -> (i32, i32) {
    %c0_i32 = arith.constant 0 : i32
    %c0_i32_0 = arith.constant 0 : i32
    %c0_i32_1 = arith.constant 0 : i32
    return %c0_i32, %c0_i32_0 : i32, i32
  }
  func.func @transform_7(%arg0: i32) -> (i32, i32) {
    %c0_i32 = arith.constant 0 : i32
    %c0_i32_0 = arith.constant 0 : i32
    return %arg0, %c0_i32 : i32, i32
  }
  func.func @transform_8(%arg0: i32) -> (i32, i32) {
    %c0_i32 = arith.constant 0 : i32
    %c0_i32_0 = arith.constant 0 : i32
    %c0_i32_1 = arith.constant 0 : i32
    return %c0_i32, %c0_i32_0 : i32, i32
  }
}

module attributes {stable_mosaic.version = 14 : i64} {
  func.func @body(%arg0: i32, %arg1: memref<1000x128xf32, #tpu.memory_space<vmem>>, %arg2: memref<8x128xf32, #tpu.memory_space<vmem>>, %arg3: memref<1x128xf32, #tpu.memory_space<vmem>>, %arg4: memref<1x128xf32, #tpu.memory_space<vmem>>, %arg5: memref<1000x128xf32, #tpu.memory_space<vmem>>) attributes {dimension_semantics = [#tpu.dimension_semantics<arbitrary>], iteration_bounds = array<i64: 10>, scalar_prefetch = 0 : i64, scratch_operands = 0 : i64, tpu.core_type = #tpu.core_type<tc>, window_params = [{transform_indices = @transform_0, window_bounds = array<i64: 1000, 128>}, {pipeline_mode = #tpu.pipeline_mode<synchronous>, transform_indices = @transform_1, window_bounds = array<i64: 8, 128>}, {pipeline_mode = #tpu.pipeline_mode<synchronous>, transform_indices = @transform_2, window_bounds = array<i64: 1, 128>}, {pipeline_mode = #tpu.pipeline_mode<synchronous>, transform_indices = @transform_3, window_bounds = array<i64: 1, 128>}, {transform_indices = @transform_4, window_bounds = array<i64: 1000, 128>}]} {
    %get3A = arith.constant 0 : index
    %get3A_0 = arith.constant 0 : index
    %get3A_1 = vector.load %arg2[%get3A, %get3A_0] : memref<8x128xf32, #tpu.memory_space<vmem>>, vector<1x128xf32>
    %get3A_2 = vector.shape_cast %get3A_1 : vector<1x128xf32> to vector<128xf32>
    %mul3A = arith.constant 9.99999974E-5 : f32
    %mul3A_3 = vector.broadcast %mul3A : f32 to vector<128xf32>
    %mul3A_4 = arith.mulf %get3A_2, %mul3A_3 : vector<128xf32>
    %get3A_5 = arith.constant 1 : index
    %get3A_6 = arith.constant 0 : index
    %get3A_7 = vector.load %arg2[%get3A_5, %get3A_6] : memref<8x128xf32, #tpu.memory_space<vmem>>, vector<1x128xf32>
    %get3A_8 = vector.shape_cast %get3A_7 : vector<1x128xf32> to vector<128xf32>
    %mul3A_9 = arith.constant 9.99999974E-5 : f32
    %mul3A_10 = vector.broadcast %mul3A_9 : f32 to vector<128xf32>
    %mul3A_11 = arith.mulf %get3A_8, %mul3A_10 : vector<128xf32>
    %mul3A_12 = arith.mulf %mul3A_4, %mul3A_4 : vector<128xf32>
    %sub3A = arith.subf %mul3A_11, %mul3A_12 : vector<128xf32>
    %get3A_13 = arith.constant 0 : index
    %get3A_14 = arith.constant 0 : index
    %get3A_15 = vector.load %arg3[%get3A_13, %get3A_14] : memref<1x128xf32, #tpu.memory_space<vmem>>, vector<1x128xf32>
    %add3A = arith.constant 9.99999974E-6 : f32
    %add3A_16 = vector.broadcast %add3A : f32 to vector<128xf32>
    %add3A_17 = arith.addf %sub3A, %add3A_16 : vector<128xf32>
    %rsqrt3A = math.rsqrt %add3A_17 : vector<128xf32>
    %broadcast_in_dim3A = vector.shape_cast %rsqrt3A : vector<128xf32> to vector<1x128xf32>
    %mul3A_18 = arith.mulf %get3A_15, %broadcast_in_dim3A : vector<1x128xf32>
    %get3A_19 = arith.constant 0 : index
    %get3A_20 = arith.constant 0 : index
    %get3A_21 = vector.load %arg1[%get3A_19, %get3A_20] : memref<1000x128xf32, #tpu.memory_space<vmem>>, vector<1000x128xf32>
    %broadcast_in_dim3A_22 = vector.shape_cast %mul3A_4 : vector<128xf32> to vector<1x128xf32>
    %sub3A_23 = vector.broadcast %broadcast_in_dim3A_22 : vector<1x128xf32> to vector<1000x128xf32>
    %sub3A_24 = arith.subf %get3A_21, %sub3A_23 : vector<1000x128xf32>
    %mul3A_25 = vector.broadcast %mul3A_18 : vector<1x128xf32> to vector<1000x128xf32>
    %mul3A_26 = arith.mulf %sub3A_24, %mul3A_25 : vector<1000x128xf32>
    %get3A_27 = arith.constant 0 : index
    %get3A_28 = arith.constant 0 : index
    %get3A_29 = vector.load %arg4[%get3A_27, %get3A_28] : memref<1x128xf32, #tpu.memory_space<vmem>>, vector<1x128xf32>
    %add3A_30 = vector.broadcast %get3A_29 : vector<1x128xf32> to vector<1000x128xf32>
    %add3A_31 = arith.addf %mul3A_26, %add3A_30 : vector<1000x128xf32>
    %max3A = arith.constant 0.000000e+00 : f32
    %max3A_32 = vector.broadcast %max3A : f32 to vector<1000x128xf32>
    %max3A_33 = arith.maximumf %add3A_31, %max3A_32 : vector<1000x128xf32>
    %swap3A = arith.constant 0 : index
    %swap3A_34 = arith.constant 0 : index
    %swap3A_35 = vector.load %arg5[%swap3A, %swap3A_34] : memref<1000x128xf32, #tpu.memory_space<vmem>>, vector<1000x128xf32>
    tpu.vector_store %arg5[%swap3A, %swap3A_34], %max3A_33 {strides = array<i32>} : memref<1000x128xf32, #tpu.memory_space<vmem>>, vector<1000x128xf32>,
    return
  }
  func.func @transform_0(%arg0: i32) -> (i32, i32) {
    %c0_i32 = arith.constant 0 : i32
    %c0_i32_0 = arith.constant 0 : i32
    return %arg0, %c0_i32 : i32, i32
  }
  func.func @transform_1(%arg0: i32) -> (i32, i32) {
    %c0_i32 = arith.constant 0 : i32
    %c0_i32_0 = arith.constant 0 : i32
    %c0_i32_1 = arith.constant 0 : i32
    return %c0_i32, %c0_i32_0 : i32, i32
  }
  func.func @transform_2(%arg0: i32) -> (i32, i32) {
    %c0_i32 = arith.constant 0 : i32
    %c0_i32_0 = arith.constant 0 : i32
    %c0_i32_1 = arith.constant 0 : i32
    return %c0_i32, %c0_i32_0 : i32, i32
  }
  func.func @transform_3(%arg0: i32) -> (i32, i32) {
    %c0_i32 = arith.constant 0 : i32
    %c0_i32_0 = arith.constant 0 : i32
    %c0_i32_1 = arith.constant 0 : i32
    return %c0_i32, %c0_i32_0 : i32, i32
  }
  func.func @transform_4(%arg0: i32) -> (i32, i32) {
    %c0_i32 = arith.constant 0 : i32
    %c0_i32_0 = arith.constant 0 : i32
    return %arg0, %c0_i32 : i32, i32
  }
}

module attributes {stable_mosaic.version = 14 : i64} {
  func.func @body(%arg0: i32, %arg1: memref<64x128xf32, #tpu.memory_space<vmem>>, %arg2: memref<128x128xf32, #tpu.memory_space<vmem>>, %arg3: memref<1x128xf32, #tpu.memory_space<vmem>>, %arg4: memref<128x128xf32, #tpu.memory_space<vmem>>, %arg5: memref<1x128xf32, #tpu.memory_space<vmem>>, %arg6: memref<64x128xf32, #tpu.memory_space<vmem>>) attributes {dimension_semantics = [#tpu.dimension_semantics<arbitrary>], iteration_bounds = array<i64: 1>, scalar_prefetch = 0 : i64, scratch_operands = 0 : i64, tpu.core_type = #tpu.core_type<tc>, window_params = [{pipeline_mode = #tpu.pipeline_mode<synchronous>, transform_indices = @transform_0, window_bounds = array<i64: 64, 128>}, {pipeline_mode = #tpu.pipeline_mode<synchronous>, transform_indices = @transform_1, window_bounds = array<i64: 128, 128>}, {pipeline_mode = #tpu.pipeline_mode<synchronous>, transform_indices = @transform_2, window_bounds = array<i64: 1, 128>}, {pipeline_mode = #tpu.pipeline_mode<synchronous>, transform_indices = @transform_3, window_bounds = array<i64: 128, 128>}, {pipeline_mode = #tpu.pipeline_mode<synchronous>, transform_indices = @transform_4, window_bounds = array<i64: 1, 128>}, {pipeline_mode = #tpu.pipeline_mode<synchronous>, transform_indices = @transform_5, window_bounds = array<i64: 64, 128>}]} {
    %get3A = arith.constant 0 : index
    %get3A_0 = arith.constant 0 : index
    %get3A_1 = vector.load %arg1[%get3A, %get3A_0] : memref<64x128xf32, #tpu.memory_space<vmem>>, vector<64x128xf32>
    %get3A_2 = arith.constant 0 : index
    %get3A_3 = arith.constant 0 : index
    %get3A_4 = vector.load %arg2[%get3A_2, %get3A_3] : memref<128x128xf32, #tpu.memory_space<vmem>>, vector<128x128xf32>
    %dot_general3A = arith.constant dense<0.000000e+00> : vector<64x128xf32>
    %dot_general3A_5 = tpu.matmul %get3A_1, %get3A_4, %dot_general3A {dimension_numbers = #tpu.dot_dimension_numbers<[1], [0], [0], [1], [0, 0, 1, 1], [], []>, transpose_lhs_hint = false} : vector<64x128xf32>, vector<128x128xf32>, vector<64x128xf32> -> vector<64x128xf32>
    %get3A_6 = arith.constant 0 : index
    %get3A_7 = arith.constant 0 : index
    %get3A_8 = vector.load %arg3[%get3A_6, %get3A_7] : memref<1x128xf32, #tpu.memory_space<vmem>>, vector<1x128xf32>
    %add3A = vector.broadcast %get3A_8 : vector<1x128xf32> to vector<64x128xf32>
    %add3A_9 = arith.addf %dot_general3A_5, %add3A : vector<64x128xf32>
    %max3A = arith.constant 0.000000e+00 : f32
    %max3A_10 = vector.broadcast %max3A : f32 to vector<64x128xf32>
    %max3A_11 = arith.maximumf %add3A_9, %max3A_10 : vector<64x128xf32>
    %get3A_12 = arith.constant 0 : index
    %get3A_13 = arith.constant 0 : index
    %get3A_14 = vector.load %arg4[%get3A_12, %get3A_13] : memref<128x128xf32, #tpu.memory_space<vmem>>, vector<128x128xf32>
    %dot_general3A_15 = arith.constant dense<0.000000e+00> : vector<64x128xf32>
    %dot_general3A_16 = tpu.matmul %max3A_11, %get3A_14, %dot_general3A_15 {dimension_numbers = #tpu.dot_dimension_numbers<[1], [0], [0], [1], [0, 0, 1, 1], [], []>, transpose_lhs_hint = false} : vector<64x128xf32>, vector<128x128xf32>, vector<64x128xf32> -> vector<64x128xf32>
    %get3A_17 = arith.constant 0 : index
    %get3A_18 = arith.constant 0 : index
    %get3A_19 = vector.load %arg5[%get3A_17, %get3A_18] : memref<1x128xf32, #tpu.memory_space<vmem>>, vector<1x128xf32>
    %add3A_20 = vector.broadcast %get3A_19 : vector<1x128xf32> to vector<64x128xf32>
    %add3A_21 = arith.addf %dot_general3A_16, %add3A_20 : vector<64x128xf32>
    %swap3A = arith.constant 0 : index
    %swap3A_22 = arith.constant 0 : index
    %swap3A_23 = vector.load %arg6[%swap3A, %swap3A_22] : memref<64x128xf32, #tpu.memory_space<vmem>>, vector<64x128xf32>
    tpu.vector_store %arg6[%swap3A, %swap3A_22], %add3A_21 {strides = array<i32>} : memref<64x128xf32, #tpu.memory_space<vmem>>, vector<64x128xf32>,
    return
  }
  func.func @transform_0(%arg0: i32) -> (i32, i32) {
    %c0_i32 = arith.constant 0 : i32
    %c0_i32_0 = arith.constant 0 : i32
    %c0_i32_1 = arith.constant 0 : i32
    return %c0_i32, %c0_i32_0 : i32, i32
  }
  func.func @transform_1(%arg0: i32) -> (i32, i32) {
    %c0_i32 = arith.constant 0 : i32
    %c0_i32_0 = arith.constant 0 : i32
    %c0_i32_1 = arith.constant 0 : i32
    return %c0_i32, %c0_i32_0 : i32, i32
  }
  func.func @transform_2(%arg0: i32) -> (i32, i32) {
    %c0_i32 = arith.constant 0 : i32
    %c0_i32_0 = arith.constant 0 : i32
    %c0_i32_1 = arith.constant 0 : i32
    return %c0_i32, %c0_i32_0 : i32, i32
  }
  func.func @transform_3(%arg0: i32) -> (i32, i32) {
    %c0_i32 = arith.constant 0 : i32
    %c0_i32_0 = arith.constant 0 : i32
    %c0_i32_1 = arith.constant 0 : i32
    return %c0_i32, %c0_i32_0 : i32, i32
  }
  func.func @transform_4(%arg0: i32) -> (i32, i32) {
    %c0_i32 = arith.constant 0 : i32
    %c0_i32_0 = arith.constant 0 : i32
    %c0_i32_1 = arith.constant 0 : i32
    return %c0_i32, %c0_i32_0 : i32, i32
  }
  func.func @transform_5(%arg0: i32) -> (i32, i32) {
    %c0_i32 = arith.constant 0 : i32
    %c0_i32_0 = arith.constant 0 : i32
    %c0_i32_1 = arith.constant 0 : i32
    return %c0_i32, %c0_i32_0 : i32, i32
  }
}

module attributes {stable_mosaic.version = 14 : i64} {
  func.func @body(%arg0: i32, %arg1: memref<1000x128xf32, #tpu.memory_space<vmem>>, %arg2: memref<1x1x1000xi32, #tpu.memory_space<vmem>>, %arg3: memref<64x128xf32, #tpu.memory_space<vmem>>) attributes {dimension_semantics = [#tpu.dimension_semantics<arbitrary>], iteration_bounds = array<i64: 10>, scalar_prefetch = 0 : i64, scratch_operands = 0 : i64, tpu.core_type = #tpu.core_type<tc>, window_params = [{transform_indices = @transform_0, window_bounds = array<i64: 1000, 128>}, {transform_indices = @transform_1, window_bounds = array<i64: 1, 1, 1000>}, {pipeline_mode = #tpu.pipeline_mode<synchronous>, transform_indices = @transform_2, window_bounds = array<i64: 64, 128>}]} {
    %get3A = arith.constant 0 : index
    %get3A_0 = arith.constant 0 : index
    %get3A_1 = arith.constant 0 : index
    %get3A_2 = vector.load %arg2[%get3A, %get3A_0, %get3A_1] : memref<1x1x1000xi32, #tpu.memory_space<vmem>>, vector<1x1x1000xi32>
    %get3A_3 = vector.shape_cast %get3A_2 : vector<1x1x1000xi32> to vector<1000xi32>
    %broadcast_in_dim3A = vector.shape_cast %get3A_3 : vector<1000xi32> to vector<1000x1xi32>
    %iota3A = tpu.iota {dimensions = array<i32: 1>} : vector<1000x64xi32>
    %eq3A = vector.broadcast %broadcast_in_dim3A : vector<1000x1xi32> to vector<1000x64xi32>
    %eq3A_4 = arith.cmpi eq, %eq3A, %iota3A : vector<1000x64xi32>
    %convert_element_type3A = arith.extui %eq3A_4 : vector<1000x64xi1> to vector<1000x64xi32>
    %convert_element_type3A_5 = arith.sitofp %convert_element_type3A : vector<1000x64xi32> to vector<1000x64xf32>
    %get3A_6 = arith.constant 0 : index
    %get3A_7 = arith.constant 0 : index
    %get3A_8 = vector.load %arg1[%get3A_6, %get3A_7] : memref<1000x128xf32, #tpu.memory_space<vmem>>, vector<1000x128xf32>
    %dot_general3A = arith.constant dense<0.000000e+00> : vector<64x128xf32>
    %dot_general3A_9 = tpu.matmul %convert_element_type3A_5, %get3A_8, %dot_general3A {dimension_numbers = #tpu.dot_dimension_numbers<[0], [0], [1], [1], [0, 1, 1, 1], [], []>, transpose_lhs_hint = false} : vector<1000x64xf32>, vector<1000x128xf32>, vector<64x128xf32> -> vector<64x128xf32>
    %eq3A_10 = arith.constant 0 : i32
    %eq3A_11 = arith.cmpi eq, %arg0, %eq3A_10 : i32
    %convert_element_type3A_12 = arith.extui %eq3A_11 : i1 to i32
    %cond3A = arith.constant 0 : i32
    %cond3A_13 = arith.cmpi ne, %convert_element_type3A_12, %cond3A : i32
    scf.if %cond3A_13 {
      %swap3A = arith.constant 0 : index
      %swap3A_18 = arith.constant 0 : index
      %swap3A_19 = vector.load %arg3[%swap3A, %swap3A_18] : memref<64x128xf32, #tpu.memory_space<vmem>>, vector<64x128xf32>
      tpu.vector_store %arg3[%swap3A, %swap3A_18], %dot_general3A_9 {strides = array<i32>} : memref<64x128xf32, #tpu.memory_space<vmem>>, vector<64x128xf32>,
    } else {
    }
    %ne3A = arith.constant 0 : i32
    %ne3A_14 = arith.cmpi ne, %arg0, %ne3A : i32
    %convert_element_type3A_15 = arith.extui %ne3A_14 : i1 to i32
    %cond3A_16 = arith.constant 0 : i32
    %cond3A_17 = arith.cmpi ne, %convert_element_type3A_15, %cond3A_16 : i32
    scf.if %cond3A_17 {
      %get3A_18 = arith.constant 0 : index
      %get3A_19 = arith.constant 0 : index
      %get3A_20 = vector.load %arg3[%get3A_18, %get3A_19] : memref<64x128xf32, #tpu.memory_space<vmem>>, vector<64x128xf32>
      %add3A = arith.addf %get3A_20, %dot_general3A_9 : vector<64x128xf32>
      %swap3A = arith.constant 0 : index
      %swap3A_21 = arith.constant 0 : index
      %swap3A_22 = vector.load %arg3[%swap3A, %swap3A_21] : memref<64x128xf32, #tpu.memory_space<vmem>>, vector<64x128xf32>
      tpu.vector_store %arg3[%swap3A, %swap3A_21], %add3A {strides = array<i32>} : memref<64x128xf32, #tpu.memory_space<vmem>>, vector<64x128xf32>,
    } else {
    }
    return
  }
  func.func @transform_0(%arg0: i32) -> (i32, i32) {
    %c0_i32 = arith.constant 0 : i32
    %c0_i32_0 = arith.constant 0 : i32
    return %arg0, %c0_i32 : i32, i32
  }
  func.func @transform_1(%arg0: i32) -> (i32, i32, i32) {
    %c0_i32 = arith.constant 0 : i32
    %c0_i32_0 = arith.constant 0 : i32
    %c0_i32_1 = arith.constant 0 : i32
    return %arg0, %c0_i32, %c0_i32_0 : i32, i32, i32
  }
  func.func @transform_2(%arg0: i32) -> (i32, i32) {
    %c0_i32 = arith.constant 0 : i32
    %c0_i32_0 = arith.constant 0 : i32
    %c0_i32_1 = arith.constant 0 : i32
    return %c0_i32, %c0_i32_0 : i32, i32
  }
}

</mosaic_0001>

<sc_bundles>
// kernel: kernel.25.cloned.1.call-start
scs
__scs_entry_jumppad:
0x0: {  	(pc) =	sbr.rel $0x88, $3  }
0x1: {  	(tag) =	ssettag $0x0;
	lr =	simm.s32 $0x1  }
0x2: {  	[smem:$0x3F8F] =	sst lr;
	_ =	strace $0xD0000000  }
0x3: {  	_ = 	snop  }
0x4: {  	_ = 	snop  }
0x5: {  	_ = 	snop  }
0x6: {  	_ = 	snop  }
0x7: {  	_ = 	snop  }
__scs_overlays_trampoline_lowered:
0x8: {  	[smem:$0x3F9E] =	sst s0  }
0x9: {  	[smem:$0x3F9F] =	sst s1  }
0xa: {  	[smem:$0x3FA0] =	sst s2  }
0xb: {  	[smem:$0x3FA1] =	sst s3  }
0xc: {  	[smem:$0x3FA2] =	sst s4  }
0xd: {  	[smem:$0x3FA3] =	sst s5  }
0xe: {  	[smem:$0x3FA4] =	sst s6  }
0xf: {  	[smem:$0x3FA5] =	sst s7  }
0x10: {  	[smem:$0x3FA6] =	sst s8  }
0x11: {  	[smem:$0x3FA7] =	sst s9;
	s0 =	simm.s32 @!p0 $0x0  }
0x12: {  	s1 =	sld [smem:$0x3F8D];
	s0 =	simm.s32 @p0 $0x1  }
0x13: {  	[smem:$0x3FA8] =	sst s0;
	s0 =	simm.s32 @!p1 $0x0  }
0x14: {  	s2 =	sld [smem:$0x3F8C];
	s0 =	simm.s32 @p1 $0x1  }
0x15: {  	[smem:$0x3FA9] =	sst s0;
	s0 =	simm.s32 @!p2 $0x0  }
0x16: {  	s3 =	sld [smem:$0x3FDB];
	s0 =	simm.s32 @p2 $0x1  }
0x17: {  	s4 =	simm.s32 $0x1BF5;
	[smem:$0x3FAB] =	sst s0  }
0x18: {  	s0 =	sld [smem:$0x3F8E];
	_ =	swait.ge [sflag:s4], $0x0  }
0x19: {  	s7 =	sld [smem:$0x3F8F]  }
0x1a: {  	s8 =	sadd.s32 $0xFFFFE003, lr  }
0x1b: {  	s9 =	sadd.s32 $0xFFFFFEF7, lr;
	s5 =	simm.s32 $0xFFFFFFFF;
	p2 =	slt.u32 s8, $0xFFFFF086  }
0x1c: {  	p1 =	slt.u32 s9, $0xF7A;
	s5 =	simm.s32 @!p2 $0x0  }
0x1d: {  	s5 =	simm.s32 @p1 $0x1;
	p0 =	seq.s32 s7, s2  }
0x1e: {  	s7 =	smul.u32 @!p0 $0xF7A, s2;
	p2 =	seq.s32 @!p0 s5, $0x0  }
0x1f: {  	s9 =	smul.u32 $0xF7A, s1;
	s8 =	simm.s32 @!p0 $0x1BF5;
	p2 =	por !p2, p0  }
0x20: {  	[sflag:s8] =	ssyncset.s32 @!p0 $0xFFFFF086;
	s6 =	sadd.s32 @!p0 s3, s7;
	s7 =	simm.s32 @!p0 $0x108  }
0x21: {  	s3 =	sadd.s32 s3, s9;
	s6 =	sadd.s32 @!p0 $0x88, s6;
	s7 =	simm.s32 @p2 $0x1082  }
0x22: {  	[simem:s7], [sflag:s8] =	dma.local @!p0 [hbm:s6], $0xF7A  }
0x23: {  	s9 =	sor.u32 $0xD0000000, s2;
	s6 =	simm.s32 $0x108;
	_ =	swait.ge @!p0 [sflag:s8], $0x0  }
0x24: {  	s3 =	sadd.s32 $0x88, s3;
	s6 =	simm.s32 @!p1 $0x1082;
	[sflag:s4] =	ssyncset.s32 $0xFFFFF086  }
0x25: {  	[simem:s6], [sflag:s4] =	dma.local [hbm:s3], $0xF7A  }
0x26: {  	[smem:$0x3F8F] =	sst s1;
	(tag) =	ssettag s2;
	_ =	strace s9  }
0x27: {  	s1 =	sld [smem:$0x3F9F]  }
0x28: {  	s2 =	sld [smem:$0x3FA0]  }
0x29: {  	s4 =	sld [smem:$0x3FA2]  }
0x2a: {  	p0 =	seq.s32 s5, $0x0;
	s5 =	sld [smem:$0x3FA3]  }
0x2b: {  	s6 =	sld [smem:$0x3FA4]  }
0x2c: {  	s7 =	sld [smem:$0x3FA5]  }
0x2d: {  	s3 =	simm.s32 $0x108;
	s8 =	sld [smem:$0x3FA6]  }
0x2e: {  	s3 =	simm.s32 @!p0 $0x1082;
	s9 =	sld [smem:$0x3FA7]  }
0x2f: {  	lr =	sadd.s32 s0, s3;
	s0 =	sld [smem:$0x3F9E]  }
0x30: {  	s3 =	sld [smem:$0x3FA1]  }
0x31: {  	[smem:$0x3FAA] =	sst s10  }
0x32: {  	s10 =	sld [smem:$0x3FA8];
	_ =	sdelay $0x3  }
0x33: {  	p0 =	seq.s32 s10, $0x1;
	s10 =	sld [smem:$0x3FAA];
	_ =	sdelay $0x3  }
0x34: {  	[smem:$0x3FAA] =	sst s10  }
0x35: {  	s10 =	sld [smem:$0x3FA9];
	_ =	sdelay $0x3  }
0x36: {  	p1 =	seq.s32 s10, $0x1;
	s10 =	sld [smem:$0x3FAA];
	_ =	sdelay $0x3  }
0x37: {  	[smem:$0x3FAA] =	sst s10  }
0x38: {  	s10 =	sld [smem:$0x3FAB]  }
0x39: {  	_ = 	snop;
	(pc) =	sbr.ind lr, $3  }
0x3a: {  	_ = 	snop  }
0x3b: {  	_ = 	snop  }
0x3c: {  	p2 =	seq.s32 s10, $0x1;
	s10 =	sld [smem:$0x3FAA]  }
0x3d: {  	_ =	shalt  }
0x3e: {  	_ =	shalt  }
0x3f: {  	_ =	shalt  }
0x40: {  	_ =	shalt  }
0x41: {  	_ =	shalt  }
0x42: {  	_ =	shalt  }
0x43: {  	_ =	shalt  }
0x44: {  	_ =	shalt  }
0x45: {  	_ =	shalt  }
0x46: {  	_ =	shalt  }
0x47: {  	_ =	shalt  }
0x48: {  	_ =	shalt  }
0x49: {  	_ =	shalt  }
0x4a: {  	_ =	shalt  }
0x4b: {  	_ =	shalt  }
0x4c: {  	_ =	shalt  }
0x4d: {  	_ =	shalt  }
0x4e: {  	_ =	shalt  }
0x4f: {  	_ =	shalt  }
0x50: {  	_ =	shalt  }
0x51: {  	_ =	shalt  }
0x52: {  	_ =	shalt  }
0x53: {  	_ =	shalt  }
0x54: {  	_ =	shalt  }
0x55: {  	_ =	shalt  }
0x56: {  	_ =	shalt  }
0x57: {  	_ =	shalt  }
0x58: {  	_ =	shalt  }
0x59: {  	_ =	shalt  }
0x5a: {  	_ =	shalt  }
0x5b: {  	_ =	shalt  }
0x5c: {  	_ =	shalt  }
0x5d: {  	_ =	shalt  }
0x5e: {  	_ =	shalt  }
0x5f: {  	_ =	shalt  }
0x60: {  	_ =	shalt  }
0x61: {  	_ =	shalt  }
0x62: {  	_ =	shalt  }
0x63: {  	_ =	shalt  }
0x64: {  	_ =	shalt  }
0x65: {  	_ =	shalt  }
0x66: {  	_ =	shalt  }
0x67: {  	_ =	shalt  }
0x68: {  	_ =	shalt  }
0x69: {  	_ =	shalt  }
0x6a: {  	_ =	shalt  }
0x6b: {  	_ =	shalt  }
0x6c: {  	_ =	shalt  }
0x6d: {  	_ =	shalt  }
0x6e: {  	_ =	shalt  }
0x6f: {  	_ =	shalt  }
0x70: {  	_ =	shalt  }
0x71: {  	_ =	shalt  }
0x72: {  	_ =	shalt  }
0x73: {  	_ =	shalt  }
0x74: {  	_ =	shalt  }
0x75: {  	_ =	shalt  }
0x76: {  	_ =	shalt  }
0x77: {  	_ =	shalt  }
0x78: {  	_ =	shalt  }
0x79: {  	_ =	shalt  }
0x7a: {  	_ =	shalt  }
0x7b: {  	_ =	shalt  }
0x7c: {  	_ =	shalt  }
0x7d: {  	_ =	shalt  }
0x7e: {  	_ =	shalt  }
0x7f: {  	_ =	shalt  }
0x80: {  	_ =	shalt  }
0x81: {  	_ =	shalt  }
0x82: {  	_ =	shalt  }
0x83: {  	_ =	shalt  }
0x84: {  	_ =	shalt  }
0x85: {  	_ =	shalt  }
0x86: {  	_ =	shalt  }
0x87: {  	_ =	shalt  }
.Lfunc_end0:
.L_simem_size_0:
called_computation_lowered:
.L_overlay_start_0:
0x88: {  	s2 =	sld [smem:$0x3FD9]  }
0x89: {  	s3 =	sld [smem:$0x3FFE];
	_ =	sdelay $0x1  }
0x8a: {  	s1 =	srdreg.scid  }
0x8b: {  	s0 =	sand.u32 $0x1, s1  }
0x8c: {  	s16 =	sshll.u32 s0, $0xA;
	s2 =	sadd.s32 s3, s2  }
0x8d: {  	s2 =	sadd.s32 s2, s16  }
0x8e: {  	[smem:$0x3FB6] =	sst s2  }
0x8f: {  	_ = 	snop  }
0x90: {  	(tm) =	ssettm $0x1  }
0x91: {  	s17 =	sld [smem:$0x3FFB];
	_ =	sdelay $0x3  }
0x92: {  	_ =	strace s17  }
0x93: {  	s2 =	sld [smem:$0x3FFC];
	_ =	sdelay $0x3  }
0x94: {  	_ =	strace s2  }
0x95: {  	s2 =	sld [smem:$0x3FFD];
	_ =	sdelay $0x3  }
0x96: {  	_ =	strace s2  }
0x97: {  	_ =	strace $0x8FFFFFFF  }
0x98: {  	s18 =	sld [smem:$0x3FDB];
	_ =	sdelay $0x1  }
0x99: {  	s19 =	simm.s32 $_scs_section_size  }
0x9a: {  	s4 =	simm.s32 $_size__tile_overlayer_lowered;
	s5 =	simm.s32 $_tile_overlayer_lowered  }
0x9b: {  	s22 =	simm.s32 $0x1BFF;
	s21 =	sshll.u32 s5, $0x1;
	s2 =	sadd.s32 s19, s18  }
0x9c: {  	s6 =	simm.s32 $0x0;
	s20 =	sshll.u32 s4, $0x1;
	s4 =	sadd.s32 s21, s2  }
0x9d: {  	[timem:s6], [sflag:s22] =	dma.local [hbm:s4], s20  }
0x9e: {  	_ =	swait.ge [sflag:s22], s20  }
0x9f: {  	s3 =	ssub.s32 $0x0, s20;
	[sflag:s22] =	ssyncset.done $0x0  }
0xa0: {  	[sflag:s22] =	ssyncadd.s32 s3;
	_ =	sdelay $0x1  }
0xa1: {  	s23 =	simm.s32 $0x1B8B  }
0xa2: {  	_ =	swait.ge [sflag:s23], $0x1  }
0xa3: {  	[sflag:s23] =	ssyncset.done $0x0  }
0xa4: {  	s25 =	simm.s32 $0x1B8E;
	s24 =	sld [smem:$0x3FFE];
	[sflag:s23] =	ssyncadd.s32 $0xFFFFFFFF  }
0xa5: {  	s26 =	simm.s32 $execute0_lowered;
	[smem:$0x3FD2] =	sst s25  }
0xa6: {  	s4 =	sshll.u32 s26, $0x1;
	_ =	strace $0x80000046;
	[dreg:$0x1] =	wrdreg $0xFFFFFFFF  }
0xa7: {  	s28 =	simm.s32 $_size_execute0_lowered;
	s2 =	sadd.s32 s2, s4;
	[dreg:$0x0] =	wrdreg $0x0  }
0xa8: {  	s4 =	sshll.u32 s28, $0x1;
	[dreg:$0x2] =	wrdreg s2  }
0xa9: {  	[dreg:$0x3] =	wrdreg s4  }
0xaa: {  	[dreg:$0x4] =	wrdreg $0xC0  }
0xab: {  	_ =	task [dreg:s6], $0x5FFFF  }
0xac: {  	[dreg:$0x1] =	wrdreg $0xFFFFFFFF  }
0xad: {  	[dreg:$0x0] =	wrdreg $0x60  }
0xae: {  	[dreg:$0x2] =	wrdreg s24  }
0xaf: {  	[dreg:$0x3] =	wrdreg $0x0  }
0xb0: {  	[dreg:$0x4] =	wrdreg $0x9  }
0xb1: {  	_ =	task.clear_ibuf [dreg:s6], $0x5FFFF;
	_ =	strace $0x90000046  }
0xb2: {  	s29 =	simm.s32 $0x9;
	_ =	strace $0x80000048  }
0xb3: {  	_ =	swait.ge [sflag:s29], $0x1  }
0xb4: {  	[sflag:s29] =	ssyncadd.s32 $0xFFFFFFFF  }
0xb5: {  	_ =	strace $0x90000048  }
0xb6: {  	_ =	sfence  }
0xb7: {  	s30 =	sld [smem:$0x0];
	_ =	sdelay $0x2  }
0xb8: {  	s31 =	sshll.u32 s1, $0xD;
	s1 =	sshrl.u32 s1, $0x2  }
0xb9: {  	s3 =	sand.u32 $0x4000, s31;
	s1 =	sadd.s32 s1, s30  }
0xba: {  	s0 =	sor.u32 s3, s0;
	s1 =	sshll.u32 s1, $0x11  }
0xbb: {  	s0 =	sor.u32 s1, s0  }
0xbc: {  	s0 =	sadd.s32 $0x8F2B, s0  }
0xbd: {  	[sflag:s0] =	ssyncadd.remote.s32 $0x1  }
0xbe: {  	_ =	sfence.sel $0xFFFF  }
0xbf: {  	[dreg:$0x0] =	wrdreg $0xFFFFFFFF;
	(pc) =	sbr.abs _section_cstart, $3  }
0xc0: {  	[dreg:$0x1] =	wrdreg $0xFFFFFFFF  }
0xc1: {  	_ =	task.clear_ibuf [dreg:s6], $0x2FFFF;
	_ =	strace $0x9FFFFFFF  }
0xc2: {  	(tm) =	ssettm $0x7FFFFFFF  }
0xc3: {  	_ =	shalt  }
tec
execute0_lowered:
.L_overlay_start_1:
0x0: {  	(tag) =	ssettag $0x1  }
0x1: {  	s0 =	rddreg [dreg:$0x0]  }
0x2: {  	s2 =	rddreg [dreg:$0x1];
	s3 =	simm.s32 $0x0;
	s13 =	stileid.u32  }
0x3: {  	s1 =	srdreg.scid;
	s29 =	simm.s32 $0x8;
	s30 =	simm.s32 $0x15800  }
0x4: {  	s31 =	simm.s32 $0x19000;
	s28 =	simm.s32 $0x9;
	s14 =	simm.s32 $0x5  }
0x5: {  	[smem:$0x7FF] =	sst s3;
	s8 =	smul.u32 $0x13C00, s13;
	s1 =	sand.u32 $0x1, s1  }
0x6: {  	s4 =	sadd.s32 $0x1EA00, s0;
	s5 =	sadd.s32 $0x9D9C00, s0;
	s6 =	sadd.s32 $0x14C00, s0  }
0x7: {  	s7 =	sadd.s32 $0xAE00, s0;
	s11 =	smul.u32 $0x4F000, s13;
	s20 =	sshll.u32 s13, $0x6  }
0x8: {  	_ =	strace $0x80000047;
	s9 =	smul.u32 $0x13C000, s1;
	s17 =	sshll.u32 s1, $0x4  }
0x9: {  	s1 =	ssub.s32 $0x2, s1;
	s19 =	sor.u32 $0x1C0B, s20;
	s10 =	sshrl.u32 s8, $0x3  }
0xa: {  	s12 =	sshrl.u32 s1, $0x1;
	s11 =	sshrl.u32 s11, $0x2;
	[dreg:$0x4] =	wrdreg s19  }
0xb: {  	s10 =	sadd.s32 s10, s0;
	s8 =	sadd.s32 s8, s9;
	s9 =	sor.u32 s13, s17  }
0xc: {  	s1 =	ssub.s32 s1, s12;
	s11 =	sadd.s32 s11, s2;
	s13 =	simm.s32 $0x1C800  }
0xd: {  	s8 =	sshrl.u32 s8, $0x3;
	s18 =	smul.u32 $0x2760, s9;
	s10 =	sadd.s32 $0x45C00, s10  }
0xe: {  	s21 =	smul.u32 $0x4EC, s9;
	s26 =	smax.u32 s1, $0x1;
	s20 =	sshrl.u32 s11, $0x3  }
0xf: {  	s1 =	simm.s32 $0x3;
	s11 =	simm.s32 $0x1E580;
	[dreg:$0x3] =	wrdreg s10  }
0x10: {  	s0 =	sadd.s32 s8, s0;
	s8 =	smul.u32 $0xB4, s9;
	[dreg:$0xa] =	wrdreg s26  }
0x11: {  	s9 =	smul.u32 $0x27600, s9;
	s26 =	simm.s32 $0x1E500;
	[dreg:$0xb] =	wrdreg s20  }
0x12: {  	s22 =	sadd.s32 $0x38, s18;
	s23 =	sadd.s32 s6, s21;
	s0 =	sadd.s32 $0x6D400, s0  }
0x13: {  	s21 =	simm.s32 $0xB;
	s18 =	simm.s32 $0x0;
	[dreg:$0x5] =	wrdreg s23  }
0x14: {  	s24 =	sshrl.u32 s22, $0x3;
	s10 =	sshll.u32 s22, $0x4;
	s9 =	sadd.s32 s5, s9  }
.Ltmp0:
0x15: {  	s15 =	sor.u32 $0x2, s8;
	s16 =	sor.u32 $0x3, s8;
	(pc) =	sbr.rel .LBB2_1-.Ltmp0, $4  }
0x16: {  	s17 =	sor.u32 $0x1, s8;
	[dreg:$0x9] =	wrdreg s0;
	s23 =	simm.s32 $0x1E480  }
0x17: {  	s0 =	simm.s32 $0x1;
	s12 =	sadd.s32 s6, s24;
	[dreg:$0x7] =	wrdreg s9  }
0x18: {  	s25 =	sadd.s32 s5, s10;
	s9 =	simm.s32 $0x1AC00;
	[dreg:$0x6] =	wrdreg s12  }
0x19: {  	[dreg:$0x8] =	wrdreg s25;
	s25 =	simm.s32 $0x38;
	s12 =	simm.s32 $0xA  }
.LBB2_11:
0x1a: {  	_ =	swait.ge [sflag:s14], $0x1C00  }
0x1b: {  	[sflag:s14] =	ssyncset.done $0x0  }
0x1c: {  	s10 =	simm.s32 $0x6;
	[sflag:s14] =	ssyncadd.s32 $0xFFFFE400  }
0x1d: {  	_ =	swait.ge [sflag:s10], $0x1C00  }
0x1e: {  	[sflag:s10] =	ssyncset.done $0x0  }
0x1f: {  	[sflag:s10] =	ssyncadd.s32 $0xFFFFE400  }
0x20: {  	[bflag:$0x0] =	sbarrier.arrive $0xFFFF  }
0x21: {  	s19 =	rddreg [dreg:$0x4]  }
0x22: {  	s22 =	rddreg [dreg:$0x9]  }
0x23: {  	s21 =	simm.s32 $0xB;
	s20 =	rddreg [dreg:$0xb]  }
0x24: {  	[hbm:s22], [sflag:s19] =	dma.local [spmem:s20], $0x2780  }
0x25: {  	_ =	swait.ge [sflag:s21], $0x2780  }
0x26: {  	s18 =	sadd.s32 $0x1, s18;
	s24 =	rddreg [dreg:$0xa]  }
0x27: {  	p0 =	sne.s32 s18, s24  }
.Ltmp1:
0x28: {  	_ = 	snop;
	(pc) =	sbr.rel @!p0 .LBB2_12-.Ltmp1, $3  }
0x29: {  	_ =	sdelay $0x1  }
0x2a: {  	[sflag:s21] =	ssyncset.done $0x0  }
0x2b: {  	[sflag:s21] =	ssyncadd.s32 $0xFFFFD880  }
.LBB2_1:
0x2c: {  	s10 =	rddreg [dreg:$0x3]  }
0x2d: {  	[spmem:s20], [sflag:s19] =	dma.local [hbm:s10], $0x2780  }
0x2e: {  	_ =	swait.ge [sflag:s21], $0x2780  }
0x2f: {  	[sflag:s21] =	ssyncset.done $0x0  }
0x30: {  	[sflag:s21] =	ssyncadd.s32 $0xFFFFD880  }
0x31: {  	[bflag:$0x0] =	sbarrier.arrive $0xFFFF  }
0x32: {  	s21 =	simm.s32 $0x1E400;
	s20 =	rddreg [dreg:$0x5]  }
0x33: {  	[tilespmem:s21], [sflag:$0x7] =	stream.linear.gather [hbm4b:s20+s3], $0x38, $0x38;
	[tilespmem:$0x1E600] =	vst v63  }
0x34: {  	s24 =	simm.s32 $0x7;
	s22 =	rddreg [dreg:$0x6]  }
0x35: {  	[tilespmem:s23], [sflag:$0x8] =	stream.linear.gather [hbm4b:s22+s3], $0x38, $0x38;
	[tilespmem:$0x1E600] =	vst v63  }
0x36: {  	_ =	swait.ge [sflag:s24], $0x38  }
0x37: {  	[sflag:s24] =	ssyncset.done $0x0  }
0x38: {  	s20 =	simm.s32 $0x13C00;
	[sflag:s24] =	ssyncadd.s32 $0xFFFFFFC8  }
0x39: {  	[tilespmem:s20], [sflag:$0x1] =	stream.indirect.gather [hbm4b:s4+s25], $0x80, s21, s25, $0xb8;
	[tilespmem:$0x1E600] =	vst v63  }
0x3a: {  	s22 =	simm.s32 $0x17400;
	s21 =	rddreg [dreg:$0x7]  }
0x3b: {  	[tilespmem:s22], [sflag:$0x3] =	stream.linear.gather [hbm4b:s21+s3], $0x1C00, $0x38;
	[tilespmem:$0x1E600] =	vst v63  }
0x3c: {  	_ =	swait.ge [sflag:s29], $0x38  }
0x3d: {  	[sflag:s29] =	ssyncset.done $0x0  }
0x3e: {  	[sflag:s29] =	ssyncadd.s32 $0xFFFFFFC8  }
0x3f: {  	[tilespmem:s30], [sflag:$0x2] =	stream.indirect.gather [hbm4b:s4+s25], $0x80, s23, s25, $0xb8;
	[tilespmem:$0x1E600] =	vst v63  }
0x40: {  	s19 =	simm.s32 $0x0;
	s24 =	rddreg [dreg:$0x8]  }
0x41: {  	[tilespmem:s31], [sflag:$0x4] =	stream.linear.gather [hbm4b:s24+s3], $0x1C00, $0x38;
	[tilespmem:$0x1E600] =	vst v63  }
.LBB2_2:
0x42: {  	p0 =	seq.s32 s19, $0x59  }
0x43: {  	_ =	swait.ge [sflag:s0], $0x1C00;
	p1 =	seq.s32 @!p0 s19, $0x0  }
0x44: {  	s24 =	sshll.u32 s19, $0x1;
	[sflag:s0] =	ssyncset.done $0x0;
	p1 =	por p0, !p1  }
.Ltmp2:
0x45: {  	s22 =	sadd.s32 @!p0 s24, s15;
	[sflag:s0] =	ssyncadd.s32 $0xFFFFE400;
	(pc) =	sbr.rel @!p1 .LBB2_3-.Ltmp2, $4  }
0x46: {  	s10 =	smul.u32 @!p0 $0x7, s22;
	_ =	swait.ge [sflag:s1], $0x1C00  }
0x47: {  	s20 =	simm.s32 @!p0 $0x0;
	[sflag:s1] =	ssyncset.done $0x0  }
0x48: {  	s21 =	simm.s32 @!p0 $0x1E400;
	s10 =	sadd.s32 @!p0 s6, s10;
	[sflag:s1] =	ssyncadd.s32 $0xFFFFE400  }
0x49: {  	[tilespmem:s21], [sflag:$0x7] =	stream.linear.gather @!p0 [hbm4b:s10+s20], $0x38, $0x38;
	[tilespmem:$0x1E600] =	vst v63  }
.Ltmp3:
0x4a: {  	(pc) =	sbr.rel .LBB2_5-.Ltmp3, $4  }
0x4b: {  	_ = 	snop  }
0x4c: {  	_ =	swait.ge [sflag:s14], $0x1C00  }
0x4d: {  	[sflag:s14] =	ssyncset.done $0x0  }
0x4e: {  	p1 =	por $0x0, $0x0;
	[sflag:s14] =	ssyncadd.s32 $0xFFFFE400  }
.LBB2_3:
0x4f: {  	p1 =	por @!p0 $0x1, $0x1  }
.LBB2_5:
0x50: {  	s10 =	sadd.s32 s8, s24  }
0x51: {  	s10 =	smul.u32 $0x7, s10;
	_ =	sdelay $0x1  }
0x52: {  	s20 =	simm.s32 $0x0;
	s10 =	sadd.s32 s7, s10  }
0x53: {  	[tilespmem:s26], [sflag:$0x9] =	stream.linear.gather [hbm4b:s10+s20], $0x38, $0x38;
	[tilespmem:$0x1E600] =	vst v63  }
0x54: {  	s10 =	simm.s32 $0x0  }
0x55: {  	v0 =	vld [tilespmem:s10+$0x13C70]  }
0x56: {  	v1 =	vld [tilespmem:s10+$0x17470]  }
0x57: {  	v2 =	vld [tilespmem:s10+$0x13C00]  }
0x58: {  	v3 =	vld [tilespmem:s10+$0x17400]  }
0x59: {  	v4 =	vld [tilespmem:s10+$0x13C10]  }
0x5a: {  	v5 =	vld [tilespmem:s10+$0x17410]  }
0x5b: {  	v6 =	vld [tilespmem:s10+$0x13C20]  }
0x5c: {  	v0 =	vadd.f32 v1, v0;
	v1 =	vld [tilespmem:s10+$0x17420]  }
0x5d: {  	v7 =	vld [tilespmem:s10+$0x13C30]  }
0x5e: {  	v8 =	vld [tilespmem:s10+$0x17430];
	v2 =	vadd.f32 v3, v2  }
0x5f: {  	v9 =	vld [tilespmem:s10+$0x13C40];
	v0 =	vmax.f32 v0, $0.0e+00  }
0x60: {  	[tilespmem:s10+$0x1AC70] =	vst v0;
	v0 =	vmax.f32 v2, $0.0e+00;
	v2 =	vadd.f32 v5, v4;
	v5 =	vld [tilespmem:s10+$0x17440]  }
0x61: {  	v3 =	vld [tilespmem:s10+$0x17450];
	v1 =	vadd.f32 v1, v6  }
0x62: {  	[tilespmem:s10+$0x1AC00] =	vst v0;
	v0 =	vld [tilespmem:s10+$0x13C50];
	v2 =	vmax.f32 v2, $0.0e+00  }
0x63: {  	v4 =	vld [tilespmem:s10+$0x17460];
	v6 =	vadd.f32 v8, v7;
	[tilespmem:s10+$0x1AC10] =	vst v2;
	v2 =	vmax.f32 v1, $0.0e+00  }
0x64: {  	s20 =	simm.s32 $0x80;
	v1 =	vld [tilespmem:s10+$0x13C60];
	[tilespmem:s10+$0x1AC20] =	vst v2  }
0x65: {  	s21 =	simm.s32 $0x400;
	v6 =	vmax.f32 v6, $0.0e+00;
	v5 =	vadd.f32 v5, v9;
	v2 =	vld [tilespmem:s20+$0x13C70]  }
.LBB2_6:
0x66: {  	p2 =	sne.s32 s21, $0x6E00;
	v7 =	vld [tilespmem:s20+$0x17470];
	[tilespmem:s10+$0x1AC30] =	vst v6  }
0x67: {  	v6 =	vld [tilespmem:s20+$0x13C00];
	v5 =	vmax.f32 v5, $0.0e+00;
	v0 =	vadd.f32 v3, v0  }
0x68: {  	v3 =	vld [tilespmem:s20+$0x17400];
	[tilespmem:s10+$0x1AC40] =	vst v5  }
0x69: {  	v5 =	vld [tilespmem:s20+$0x13C10];
	v0 =	vmax.f32 v0, $0.0e+00;
	v1 =	vadd.f32 v4, v1  }
0x6a: {  	v4 =	vld [tilespmem:s20+$0x17410];
	[tilespmem:s10+$0x1AC50] =	vst v0  }
0x6b: {  	v0 =	vld [tilespmem:s20+$0x13C20];
	v2 =	vadd.f32 v7, v2;
	v1 =	vmax.f32 v1, $0.0e+00  }
0x6c: {  	v7 =	vld [tilespmem:s20+$0x17420];
	[tilespmem:s10+$0x1AC60] =	vst v1;
	s10 =	smov.u32 s20  }
0x6d: {  	v1 =	vadd.f32 v3, v6;
	v6 =	vld [tilespmem:s10+$0x13C30];
	v2 =	vmax.f32 v2, $0.0e+00  }
0x6e: {  	v8 =	vld [tilespmem:s10+$0x17430];
	[tilespmem:s10+$0x1AC70] =	vst v2  }
0x6f: {  	v1 =	vmax.f32 v1, $0.0e+00;
	v2 =	vadd.f32 v4, v5;
	v5 =	vld [tilespmem:s10+$0x13C40]  }
0x70: {  	[tilespmem:s10+$0x1AC00] =	vst v1;
	v9 =	vld [tilespmem:s10+$0x17440]  }
.Ltmp4:
0x71: {  	v1 =	vmax.f32 v2, $0.0e+00;
	v2 =	vadd.f32 v7, v0;
	v0 =	vld [tilespmem:s10+$0x13C50];
	(pc) =	sbr.rel @p2 .LBB2_6-.Ltmp4, $4  }
0x72: {  	[tilespmem:s10+$0x1AC10] =	vst v1;
	v3 =	vld [tilespmem:s10+$0x17450]  }
0x73: {  	v2 =	vmax.f32 v2, $0.0e+00;
	v6 =	vadd.f32 v8, v6;
	v1 =	vld [tilespmem:s10+$0x13C60]  }
0x74: {  	s20 =	sshra.s32 s21, $0x2;
	[tilespmem:s10+$0x1AC20] =	vst v2;
	v4 =	vld [tilespmem:s10+$0x17460]  }
0x75: {  	s21 =	sadd.s32 $0x200, s21;
	v2 =	vld [tilespmem:s20+$0x13C70];
	v6 =	vmax.f32 v6, $0.0e+00;
	v5 =	vadd.f32 v9, v5  }
0x76: {  	v7 =	vld [tilespmem:s20+$0x17470];
	[tilespmem:s10+$0x1AC30] =	vst v6  }
0x77: {  	v6 =	vld [tilespmem:s20+$0x13C00];
	v5 =	vmax.f32 v5, $0.0e+00;
	v0 =	vadd.f32 v3, v0  }
0x78: {  	v8 =	vld [tilespmem:s20+$0x17400];
	[tilespmem:s10+$0x1AC40] =	vst v5  }
0x79: {  	v3 =	vld [tilespmem:s20+$0x13C10];
	v0 =	vmax.f32 v0, $0.0e+00;
	v1 =	vadd.f32 v4, v1  }
0x7a: {  	v5 =	vld [tilespmem:s20+$0x17410];
	[tilespmem:s10+$0x1AC50] =	vst v0  }
0x7b: {  	v0 =	vld [tilespmem:s20+$0x13C20];
	v1 =	vmax.f32 v1, $0.0e+00  }
0x7c: {  	v4 =	vld [tilespmem:s20+$0x17420];
	v2 =	vadd.f32 v7, v2;
	[tilespmem:s10+$0x1AC60] =	vst v1  }
0x7d: {  	v6 =	vadd.f32 v8, v6;
	v1 =	vld [tilespmem:s20+$0x13C30]  }
0x7e: {  	v2 =	vmax.f32 v2, $0.0e+00;
	v7 =	vld [tilespmem:s20+$0x17430]  }
0x7f: {  	[tilespmem:s20+$0x1AC70] =	vst v2;
	v2 =	vmax.f32 v6, $0.0e+00;
	v6 =	vld [tilespmem:s20+$0x13C40]  }
0x80: {  	v3 =	vadd.f32 v5, v3;
	v5 =	vld [tilespmem:s20+$0x13C50]  }
0x81: {  	[tilespmem:s20+$0x1AC00] =	vst v2;
	v2 =	vld [tilespmem:s20+$0x17440];
	v0 =	vadd.f32 v4, v0  }
0x82: {  	v3 =	vmax.f32 v3, $0.0e+00;
	v4 =	vld [tilespmem:s20+$0x13C60]  }
0x83: {  	[tilespmem:s20+$0x1AC10] =	vst v3;
	v3 =	vld [tilespmem:s20+$0x17450];
	v0 =	vmax.f32 v0, $0.0e+00  }
0x84: {  	[tilespmem:s20+$0x1AC20] =	vst v0;
	v0 =	vld [tilespmem:s20+$0x17460];
	_ =	sdelay $0x1  }
0x85: {  	v1 =	vadd.f32 v7, v1  }
0x86: {  	v2 =	vadd.f32 v2, v6  }
0x87: {  	v1 =	vmax.f32 v1, $0.0e+00;
	v3 =	vadd.f32 v3, v5  }
0x88: {  	[tilespmem:s20+$0x1AC30] =	vst v1;
	v1 =	vmax.f32 v2, $0.0e+00;
	v0 =	vadd.f32 v0, v4  }
0x89: {  	[tilespmem:s20+$0x1AC40] =	vst v1;
	v1 =	vmax.f32 v3, $0.0e+00  }
0x8a: {  	[tilespmem:s20+$0x1AC50] =	vst v1;
	v0 =	vmax.f32 v0, $0.0e+00  }
0x8b: {  	[tilespmem:s20+$0x1AC60] =	vst v0  }
0x8c: {  	_ =	swait.ge [sflag:s28], $0x38  }
0x8d: {  	[sflag:s28] =	ssyncset.done $0x0  }
0x8e: {  	s10 =	simm.s32 @p0 $0x2;
	[sflag:s28] =	ssyncadd.s32 $0xFFFFFFC8  }
0x8f: {  	[spmem:s2] =	stream.indirect.scatter.add.f32 [tilespmem:s9], [sflag:$0x5], $0x80, s26, s25, $0xb8;
	[tilespmem:$0x1E600] =	vst v63  }
0x90: {  	_ =	swait.ge @p0 [sflag:s10], $0x1C00  }
0x91: {  	[sflag:s10] =	ssyncset.done @p0 $0x0  }
0x92: {  	[sflag:s10] =	ssyncadd.s32 @p0 $0xFFFFE400;
	s10 =	simm.s32 @p0 $0x4  }
0x93: {  	_ =	swait.ge @p0 [sflag:s10], $0x1C00  }
0x94: {  	[sflag:s10] =	ssyncset.done @p0 $0x0  }
0x95: {  	[sflag:s10] =	ssyncadd.s32 @p0 $0xFFFFE400;
	s10 =	simm.s32 @!p0 $0x7  }
0x96: {  	_ =	swait.ge @!p0 [sflag:s10], $0x38  }
0x97: {  	s21 =	simm.s32 @!p0 $0x13C00;
	s22 =	smul.u32 @!p0 $0x380, s22;
	[sflag:s10] =	ssyncset.done @!p0 $0x0  }
0x98: {  	s20 =	simm.s32 @!p0 $0x1E400;
	[sflag:s10] =	ssyncadd.s32 @!p0 $0xFFFFFFC8;
	s10 =	simm.s32 @!p0 $0x38  }
0x99: {  	[tilespmem:s21], [sflag:$0x1] =	stream.indirect.gather @!p0 [hbm4b:s4+s10], $0x80, s20, s10, $0xb8;
	[tilespmem:$0x1E600] =	vst v63  }
0x9a: {  	s10 =	sadd.s32 @!p0 s5, s22;
	s20 =	simm.s32 @!p0 $0x0;
	s21 =	simm.s32 @!p0 $0x17400  }
0x9b: {  	[tilespmem:s21], [sflag:$0x3] =	stream.linear.gather @!p0 [hbm4b:s10+s20], $0x1C00, $0x38;
	[tilespmem:$0x1E600] =	vst v63  }
0x9c: {  	s10 =	simm.s32 @!p0 $0x2  }
0x9d: {  	_ =	swait.ge @!p0 [sflag:s10], $0x1C00  }
0x9e: {  	[sflag:s10] =	ssyncset.done @!p0 $0x0  }
0x9f: {  	s21 =	sadd.s32 @!p0 s24, s16;
	[sflag:s10] =	ssyncadd.s32 @!p0 $0xFFFFE400;
	s10 =	simm.s32 @!p0 $0x4  }
0xa0: {  	s21 =	smul.u32 @!p0 $0x7, s21;
	_ =	swait.ge @!p0 [sflag:s10], $0x1C00  }
0xa1: {  	[sflag:s10] =	ssyncset.done @!p0 $0x0  }
0xa2: {  	[sflag:s10] =	ssyncadd.s32 @!p0 $0xFFFFE400;
	s10 =	sadd.s32 @!p0 s6, s21;
	s21 =	simm.s32 @!p0 $0x1E480  }
0xa3: {  	[tilespmem:s21], [sflag:$0x8] =	stream.linear.gather @!p0 [hbm4b:s10+s20], $0x38, $0x38;
	[tilespmem:$0x1E600] =	vst v63  }
0xa4: {  	s22 =	sadd.s32 s24, s17;
	s10 =	simm.s32 @!p1 $0x6  }
0xa5: {  	s20 =	smul.u32 $0x7, s22;
	_ =	swait.ge @!p1 [sflag:s10], $0x1C00  }
0xa6: {  	s22 =	simm.s32 $0x0;
	[sflag:s10] =	ssyncset.done @!p1 $0x0  }
0xa7: {  	s21 =	sadd.s32 s7, s20;
	[sflag:s10] =	ssyncadd.s32 @!p1 $0xFFFFE400;
	s10 =	simm.s32 $0x0  }
0xa8: {  	[tilespmem:s11], [sflag:$0xA] =	stream.linear.gather [hbm4b:s21+s22], $0x38, $0x38;
	[tilespmem:$0x1E600] =	vst v63  }
0xa9: {  	v0 =	vld [tilespmem:s10+$0x15870]  }
0xaa: {  	v1 =	vld [tilespmem:s10+$0x19070]  }
0xab: {  	v2 =	vld [tilespmem:s10+$0x15800]  }
0xac: {  	v3 =	vld [tilespmem:s10+$0x19000]  }
0xad: {  	v4 =	vld [tilespmem:s10+$0x15810]  }
0xae: {  	v5 =	vld [tilespmem:s10+$0x19010]  }
0xaf: {  	v6 =	vld [tilespmem:s10+$0x15820]  }
0xb0: {  	v0 =	vadd.f32 v1, v0;
	v1 =	vld [tilespmem:s10+$0x19020]  }
0xb1: {  	v7 =	vld [tilespmem:s10+$0x15830]  }
0xb2: {  	v8 =	vld [tilespmem:s10+$0x19030];
	v2 =	vadd.f32 v3, v2  }
0xb3: {  	v9 =	vld [tilespmem:s10+$0x15840];
	v0 =	vmax.f32 v0, $0.0e+00  }
0xb4: {  	[tilespmem:s10+$0x1C870] =	vst v0;
	v0 =	vmax.f32 v2, $0.0e+00;
	v2 =	vadd.f32 v5, v4;
	v5 =	vld [tilespmem:s10+$0x19040]  }
0xb5: {  	v3 =	vld [tilespmem:s10+$0x19050];
	v1 =	vadd.f32 v1, v6  }
0xb6: {  	[tilespmem:s10+$0x1C800] =	vst v0;
	v0 =	vld [tilespmem:s10+$0x15850];
	v2 =	vmax.f32 v2, $0.0e+00  }
0xb7: {  	v4 =	vld [tilespmem:s10+$0x19060];
	v6 =	vadd.f32 v8, v7;
	[tilespmem:s10+$0x1C810] =	vst v2;
	v2 =	vmax.f32 v1, $0.0e+00  }
0xb8: {  	s20 =	simm.s32 $0x80;
	v1 =	vld [tilespmem:s10+$0x15860];
	[tilespmem:s10+$0x1C820] =	vst v2  }
0xb9: {  	s21 =	simm.s32 $0x400;
	v6 =	vmax.f32 v6, $0.0e+00;
	v5 =	vadd.f32 v5, v9;
	v2 =	vld [tilespmem:s20+$0x15870]  }
.LBB2_8:
0xba: {  	p1 =	sne.s32 s21, $0x6E00;
	v7 =	vld [tilespmem:s20+$0x19070];
	[tilespmem:s10+$0x1C830] =	vst v6  }
0xbb: {  	v6 =	vld [tilespmem:s20+$0x15800];
	v5 =	vmax.f32 v5, $0.0e+00;
	v0 =	vadd.f32 v3, v0  }
0xbc: {  	v3 =	vld [tilespmem:s20+$0x19000];
	[tilespmem:s10+$0x1C840] =	vst v5  }
0xbd: {  	v5 =	vld [tilespmem:s20+$0x15810];
	v0 =	vmax.f32 v0, $0.0e+00;
	v1 =	vadd.f32 v4, v1  }
0xbe: {  	v4 =	vld [tilespmem:s20+$0x19010];
	[tilespmem:s10+$0x1C850] =	vst v0  }
0xbf: {  	v0 =	vld [tilespmem:s20+$0x15820];
	v2 =	vadd.f32 v7, v2;
	v1 =	vmax.f32 v1, $0.0e+00  }
0xc0: {  	v7 =	vld [tilespmem:s20+$0x19020];
	[tilespmem:s10+$0x1C860] =	vst v1;
	s10 =	smov.u32 s20  }
0xc1: {  	v1 =	vadd.f32 v3, v6;
	v6 =	vld [tilespmem:s10+$0x15830];
	v2 =	vmax.f32 v2, $0.0e+00  }
0xc2: {  	v8 =	vld [tilespmem:s10+$0x19030];
	[tilespmem:s10+$0x1C870] =	vst v2  }
0xc3: {  	v1 =	vmax.f32 v1, $0.0e+00;
	v2 =	vadd.f32 v4, v5;
	v5 =	vld [tilespmem:s10+$0x15840]  }
0xc4: {  	[tilespmem:s10+$0x1C800] =	vst v1;
	v9 =	vld [tilespmem:s10+$0x19040]  }
.Ltmp5:
0xc5: {  	v1 =	vmax.f32 v2, $0.0e+00;
	v2 =	vadd.f32 v7, v0;
	v0 =	vld [tilespmem:s10+$0x15850];
	(pc) =	sbr.rel @p1 .LBB2_8-.Ltmp5, $4  }
0xc6: {  	[tilespmem:s10+$0x1C810] =	vst v1;
	v3 =	vld [tilespmem:s10+$0x19050]  }
0xc7: {  	v2 =	vmax.f32 v2, $0.0e+00;
	v6 =	vadd.f32 v8, v6;
	v1 =	vld [tilespmem:s10+$0x15860]  }
0xc8: {  	s20 =	sshra.s32 s21, $0x2;
	[tilespmem:s10+$0x1C820] =	vst v2;
	v4 =	vld [tilespmem:s10+$0x19060]  }
0xc9: {  	s21 =	sadd.s32 $0x200, s21;
	v2 =	vld [tilespmem:s20+$0x15870];
	v6 =	vmax.f32 v6, $0.0e+00;
	v5 =	vadd.f32 v9, v5  }
0xca: {  	v7 =	vld [tilespmem:s20+$0x19070];
	[tilespmem:s10+$0x1C830] =	vst v6  }
0xcb: {  	v6 =	vld [tilespmem:s20+$0x15800];
	v5 =	vmax.f32 v5, $0.0e+00;
	v0 =	vadd.f32 v3, v0  }
0xcc: {  	v8 =	vld [tilespmem:s20+$0x19000];
	[tilespmem:s10+$0x1C840] =	vst v5  }
0xcd: {  	v52 =	vld [tilespmem:s20+$0x15810];
	v0 =	vmax.f32 v0, $0.0e+00;
	v1 =	vadd.f32 v4, v1  }
0xce: {  	v5 =	vld [tilespmem:s20+$0x19010];
	[tilespmem:s10+$0x1C850] =	vst v0  }
0xcf: {  	v0 =	vld [tilespmem:s20+$0x15820];
	v1 =	vmax.f32 v1, $0.0e+00  }
0xd0: {  	v53 =	vld [tilespmem:s20+$0x19020];
	[tilespmem:s10+$0x1C860] =	vst v1  }
0xd1: {  	v1 =	vld [tilespmem:s20+$0x15830]  }
0xd2: {  	v54 =	vld [tilespmem:s20+$0x19030]  }
0xd3: {  	v56 =	vld [tilespmem:s20+$0x15840]  }
0xd4: {  	v57 =	vld [tilespmem:s20+$0x19040]  }
0xd5: {  	v58 =	vld [tilespmem:s20+$0x15850]  }
0xd6: {  	v2 =	vadd.f32 v7, v2;
	v59 =	vld [tilespmem:s20+$0x19050]  }
0xd7: {  	v6 =	vadd.f32 v8, v6;
	v60 =	vld [tilespmem:s20+$0x15860]  }
0xd8: {  	v2 =	vmax.f32 v2, $0.0e+00;
	v61 =	vld [tilespmem:s20+$0x19060];
	v3 =	vadd.f32 v5, v52  }
0xd9: {  	[tilespmem:s20+$0x1C870] =	vst v2;
	v55 =	vmax.f32 v6, $0.0e+00;
	v0 =	vadd.f32 v53, v0  }
0xda: {  	[tilespmem:s20+$0x1C800] =	vst v55;
	v3 =	vmax.f32 v3, $0.0e+00;
	v1 =	vadd.f32 v54, v1  }
0xdb: {  	[tilespmem:s20+$0x1C810] =	vst v3;
	v0 =	vmax.f32 v0, $0.0e+00;
	v2 =	vadd.f32 v57, v56  }
0xdc: {  	v3 =	vadd.f32 v59, v58;
	[tilespmem:s20+$0x1C820] =	vst v0;
	v1 =	vmax.f32 v1, $0.0e+00  }
0xdd: {  	v0 =	vadd.f32 v61, v60;
	v62 =	vmax.f32 v2, $0.0e+00;
	[tilespmem:s20+$0x1C830] =	vst v1  }
0xde: {  	v63 =	vmax.f32 v3, $0.0e+00;
	[tilespmem:s20+$0x1C840] =	vst v62  }
0xdf: {  	[tilespmem:s20+$0x1C850] =	vst v63;
	v0 =	vmax.f32 v0, $0.0e+00  }
.Ltmp6:
0xe0: {  	[tilespmem:s20+$0x1C860] =	vst v0;
	(pc) =	sbr.rel @p0 .LBB2_11-.Ltmp6, $4  }
0xe1: {  	_ =	swait.ge [sflag:s12], $0x38  }
0xe2: {  	[sflag:s12] =	ssyncset.done $0x0  }
0xe3: {  	[sflag:s12] =	ssyncadd.s32 $0xFFFFFFC8  }
0xe4: {  	[spmem:s2] =	stream.indirect.scatter.add.f32 [tilespmem:s13], [sflag:$0x6], $0x80, s11, s25, $0xb8;
	[tilespmem:$0x1E600] =	vst v63  }
0xe5: {  	_ =	swait.ge [sflag:s29], $0x38  }
.Ltmp7:
0xe6: {  	s10 =	sadd.s32 s24, s16;
	[sflag:s29] =	ssyncset.done $0x0;
	(pc) =	sbr.rel .LBB2_2-.Ltmp7, $4  }
0xe7: {  	s10 =	smul.u32 $0x380, s10;
	[sflag:s29] =	ssyncadd.s32 $0xFFFFFFC8  }
0xe8: {  	[tilespmem:s30], [sflag:$0x2] =	stream.indirect.gather [hbm4b:s4+s25], $0x80, s23, s25, $0xb8;
	[tilespmem:$0x1E600] =	vst v63  }
0xe9: {  	s19 =	sadd.s32 $0x1, s19;
	s10 =	sadd.s32 s5, s10  }
0xea: {  	[tilespmem:s31], [sflag:$0x4] =	stream.linear.gather [hbm4b:s10+s3], $0x1C00, $0x38;
	[tilespmem:$0x1E600] =	vst v63  }
.LBB2_12:
0xeb: {  	_ =	sfence.sel $0x180000  }
0xec: {  	[bflag:$0x0] =	sbarrier.arrive $0xFFFF  }
0xed: {  	_ =	strace $0x90000047  }
0xee: {  	s0 =	stileid.u32;
	[bflag:$0x2] =	sbarrier.arrive $0xFFFF  }
0xef: {  	p0 =	sne.s32 s0, $0x0;
	s0 =	rddreg [dreg:$0x2]  }
0xf0: {  	s0 =	sadd.s32 @!p0 $0x100000, s0  }
0xf1: {  	[sflag:s0] =	ssyncadd.tile.s32 @!p0 $0x1;
	_ =	shalt  }
.Lfunc_end2:
_tile_overlayer_lowered:
.L_overlay_start_2:
0xf2: {  	(tag) =	ssettag $0x2  }
0xf3: {  	s0 =	rddreg [dreg:$0x0];
	s2 =	stileid.u32  }
0xf4: {  	s1 =	rddreg [dreg:$0x1];
	p0 =	sne.s32 s2, $0x0  }
0xf5: {  	s3 =	rddreg [dreg:$0x2];
	[bflag:$0x3] =	sbarrier.arrive $0xFFFF;
	s2 =	simm.s32 @!p0 $0x1C0B  }
0xf6: {  	[timem:s3], [sflag:s2] =	dma.local @!p0 [hbm:s0], s1  }
0xf7: {  	s0 =	simm.s32 @!p0 $0xB  }
0xf8: {  	_ =	swait.ge @!p0 [sflag:s0], s1  }
0xf9: {  	s1 =	ssub.s32 @!p0 $0x0, s1;
	[sflag:s0] =	ssyncset.done @!p0 $0x0  }
0xfa: {  	[sflag:s0] =	ssyncadd.s32 @!p0 s1  }
0xfb: {  	[bflag:$0x3] =	sbarrier.arrive $0xFFFF  }
0xfc: {  	_ =	shalt  }

// kernel: kernel.28.cloned.1.call-start
scs
__scs_entry_jumppad:
0x0: {  	(pc) =	sbr.rel $0x88, $3  }
0x1: {  	(tag) =	ssettag $0x0;
	lr =	simm.s32 $0x1  }
0x2: {  	[smem:$0x3F8F] =	sst lr;
	_ =	strace $0xD0000000  }
0x3: {  	_ = 	snop  }
0x4: {  	_ = 	snop  }
0x5: {  	_ = 	snop  }
0x6: {  	_ = 	snop  }
0x7: {  	_ = 	snop  }
__scs_overlays_trampoline_lowered:
0x8: {  	[smem:$0x3F9E] =	sst s0  }
0x9: {  	[smem:$0x3F9F] =	sst s1  }
0xa: {  	[smem:$0x3FA0] =	sst s2  }
0xb: {  	[smem:$0x3FA1] =	sst s3  }
0xc: {  	[smem:$0x3FA2] =	sst s4  }
0xd: {  	[smem:$0x3FA3] =	sst s5  }
0xe: {  	[smem:$0x3FA4] =	sst s6  }
0xf: {  	[smem:$0x3FA5] =	sst s7  }
0x10: {  	[smem:$0x3FA6] =	sst s8  }
0x11: {  	[smem:$0x3FA7] =	sst s9;
	s0 =	simm.s32 @!p0 $0x0  }
0x12: {  	s1 =	sld [smem:$0x3F8D];
	s0 =	simm.s32 @p0 $0x1  }
0x13: {  	[smem:$0x3FA8] =	sst s0;
	s0 =	simm.s32 @!p1 $0x0  }
0x14: {  	s2 =	sld [smem:$0x3F8C];
	s0 =	simm.s32 @p1 $0x1  }
0x15: {  	[smem:$0x3FA9] =	sst s0;
	s0 =	simm.s32 @!p2 $0x0  }
0x16: {  	s3 =	sld [smem:$0x3FDB];
	s0 =	simm.s32 @p2 $0x1  }
0x17: {  	s4 =	simm.s32 $0x1BF5;
	[smem:$0x3FAB] =	sst s0  }
0x18: {  	s0 =	sld [smem:$0x3F8E];
	_ =	swait.ge [sflag:s4], $0x0  }
0x19: {  	s7 =	sld [smem:$0x3F8F]  }
0x1a: {  	s8 =	sadd.s32 $0xFFFFE003, lr  }
0x1b: {  	s9 =	sadd.s32 $0xFFFFFEF7, lr;
	s5 =	simm.s32 $0xFFFFFFFF;
	p2 =	slt.u32 s8, $0xFFFFF086  }
0x1c: {  	p1 =	slt.u32 s9, $0xF7A;
	s5 =	simm.s32 @!p2 $0x0  }
0x1d: {  	s5 =	simm.s32 @p1 $0x1;
	p0 =	seq.s32 s7, s2  }
0x1e: {  	s7 =	smul.u32 @!p0 $0xF7A, s2;
	p2 =	seq.s32 @!p0 s5, $0x0  }
0x1f: {  	s9 =	smul.u32 $0xF7A, s1;
	s8 =	simm.s32 @!p0 $0x1BF5;
	p2 =	por !p2, p0  }
0x20: {  	[sflag:s8] =	ssyncset.s32 @!p0 $0xFFFFF086;
	s6 =	sadd.s32 @!p0 s3, s7;
	s7 =	simm.s32 @!p0 $0x108  }
0x21: {  	s3 =	sadd.s32 s3, s9;
	s6 =	sadd.s32 @!p0 $0x88, s6;
	s7 =	simm.s32 @p2 $0x1082  }
0x22: {  	[simem:s7], [sflag:s8] =	dma.local @!p0 [hbm:s6], $0xF7A  }
0x23: {  	s9 =	sor.u32 $0xD0000000, s2;
	s6 =	simm.s32 $0x108;
	_ =	swait.ge @!p0 [sflag:s8], $0x0  }
0x24: {  	s3 =	sadd.s32 $0x88, s3;
	s6 =	simm.s32 @!p1 $0x1082;
	[sflag:s4] =	ssyncset.s32 $0xFFFFF086  }
0x25: {  	[simem:s6], [sflag:s4] =	dma.local [hbm:s3], $0xF7A  }
0x26: {  	[smem:$0x3F8F] =	sst s1;
	(tag) =	ssettag s2;
	_ =	strace s9  }
0x27: {  	s1 =	sld [smem:$0x3F9F]  }
0x28: {  	s2 =	sld [smem:$0x3FA0]  }
0x29: {  	s4 =	sld [smem:$0x3FA2]  }
0x2a: {  	p0 =	seq.s32 s5, $0x0;
	s5 =	sld [smem:$0x3FA3]  }
0x2b: {  	s6 =	sld [smem:$0x3FA4]  }
0x2c: {  	s7 =	sld [smem:$0x3FA5]  }
0x2d: {  	s3 =	simm.s32 $0x108;
	s8 =	sld [smem:$0x3FA6]  }
0x2e: {  	s3 =	simm.s32 @!p0 $0x1082;
	s9 =	sld [smem:$0x3FA7]  }
0x2f: {  	lr =	sadd.s32 s0, s3;
	s0 =	sld [smem:$0x3F9E]  }
0x30: {  	s3 =	sld [smem:$0x3FA1]  }
0x31: {  	[smem:$0x3FAA] =	sst s10  }
0x32: {  	s10 =	sld [smem:$0x3FA8];
	_ =	sdelay $0x3  }
0x33: {  	p0 =	seq.s32 s10, $0x1;
	s10 =	sld [smem:$0x3FAA];
	_ =	sdelay $0x3  }
0x34: {  	[smem:$0x3FAA] =	sst s10  }
0x35: {  	s10 =	sld [smem:$0x3FA9];
	_ =	sdelay $0x3  }
0x36: {  	p1 =	seq.s32 s10, $0x1;
	s10 =	sld [smem:$0x3FAA];
	_ =	sdelay $0x3  }
0x37: {  	[smem:$0x3FAA] =	sst s10  }
0x38: {  	s10 =	sld [smem:$0x3FAB]  }
0x39: {  	_ = 	snop;
	(pc) =	sbr.ind lr, $3  }
0x3a: {  	_ = 	snop  }
0x3b: {  	_ = 	snop  }
0x3c: {  	p2 =	seq.s32 s10, $0x1;
	s10 =	sld [smem:$0x3FAA]  }
0x3d: {  	_ =	shalt  }
0x3e: {  	_ =	shalt  }
0x3f: {  	_ =	shalt  }
0x40: {  	_ =	shalt  }
0x41: {  	_ =	shalt  }
0x42: {  	_ =	shalt  }
0x43: {  	_ =	shalt  }
0x44: {  	_ =	shalt  }
0x45: {  	_ =	shalt  }
0x46: {  	_ =	shalt  }
0x47: {  	_ =	shalt  }
0x48: {  	_ =	shalt  }
0x49: {  	_ =	shalt  }
0x4a: {  	_ =	shalt  }
0x4b: {  	_ =	shalt  }
0x4c: {  	_ =	shalt  }
0x4d: {  	_ =	shalt  }
0x4e: {  	_ =	shalt  }
0x4f: {  	_ =	shalt  }
0x50: {  	_ =	shalt  }
0x51: {  	_ =	shalt  }
0x52: {  	_ =	shalt  }
0x53: {  	_ =	shalt  }
0x54: {  	_ =	shalt  }
0x55: {  	_ =	shalt  }
0x56: {  	_ =	shalt  }
0x57: {  	_ =	shalt  }
0x58: {  	_ =	shalt  }
0x59: {  	_ =	shalt  }
0x5a: {  	_ =	shalt  }
0x5b: {  	_ =	shalt  }
0x5c: {  	_ =	shalt  }
0x5d: {  	_ =	shalt  }
0x5e: {  	_ =	shalt  }
0x5f: {  	_ =	shalt  }
0x60: {  	_ =	shalt  }
0x61: {  	_ =	shalt  }
0x62: {  	_ =	shalt  }
0x63: {  	_ =	shalt  }
0x64: {  	_ =	shalt  }
0x65: {  	_ =	shalt  }
0x66: {  	_ =	shalt  }
0x67: {  	_ =	shalt  }
0x68: {  	_ =	shalt  }
0x69: {  	_ =	shalt  }
0x6a: {  	_ =	shalt  }
0x6b: {  	_ =	shalt  }
0x6c: {  	_ =	shalt  }
0x6d: {  	_ =	shalt  }
0x6e: {  	_ =	shalt  }
0x6f: {  	_ =	shalt  }
0x70: {  	_ =	shalt  }
0x71: {  	_ =	shalt  }
0x72: {  	_ =	shalt  }
0x73: {  	_ =	shalt  }
0x74: {  	_ =	shalt  }
0x75: {  	_ =	shalt  }
0x76: {  	_ =	shalt  }
0x77: {  	_ =	shalt  }
0x78: {  	_ =	shalt  }
0x79: {  	_ =	shalt  }
0x7a: {  	_ =	shalt  }
0x7b: {  	_ =	shalt  }
0x7c: {  	_ =	shalt  }
0x7d: {  	_ =	shalt  }
0x7e: {  	_ =	shalt  }
0x7f: {  	_ =	shalt  }
0x80: {  	_ =	shalt  }
0x81: {  	_ =	shalt  }
0x82: {  	_ =	shalt  }
0x83: {  	_ =	shalt  }
0x84: {  	_ =	shalt  }
0x85: {  	_ =	shalt  }
0x86: {  	_ =	shalt  }
0x87: {  	_ =	shalt  }
.Lfunc_end0:
.L_simem_size_0:
called_computation.1_lowered:
.L_overlay_start_0:
0x88: {  	s2 =	sld [smem:$0x3FD9]  }
0x89: {  	s3 =	sld [smem:$0x3FFE];
	_ =	sdelay $0x1  }
0x8a: {  	s1 =	srdreg.scid  }
0x8b: {  	s0 =	sand.u32 $0x1, s1  }
0x8c: {  	s16 =	sshll.u32 s0, $0xA;
	s2 =	sadd.s32 s3, s2  }
0x8d: {  	s2 =	sadd.s32 s2, s16  }
0x8e: {  	[smem:$0x3FB6] =	sst s2  }
0x8f: {  	_ = 	snop  }
0x90: {  	(tm) =	ssettm $0x1  }
0x91: {  	s17 =	sld [smem:$0x3FFB];
	_ =	sdelay $0x3  }
0x92: {  	_ =	strace s17  }
0x93: {  	s2 =	sld [smem:$0x3FFC];
	_ =	sdelay $0x3  }
0x94: {  	_ =	strace s2  }
0x95: {  	s2 =	sld [smem:$0x3FFD];
	_ =	sdelay $0x3  }
0x96: {  	_ =	strace s2  }
0x97: {  	_ =	strace $0x8FFFFFFF  }
0x98: {  	s18 =	sld [smem:$0x3FDB];
	_ =	sdelay $0x1  }
0x99: {  	s19 =	simm.s32 $_scs_section_size  }
0x9a: {  	s4 =	simm.s32 $_size__tile_overlayer_lowered;
	s5 =	simm.s32 $_tile_overlayer_lowered  }
0x9b: {  	s22 =	simm.s32 $0x1BFF;
	s21 =	sshll.u32 s5, $0x1;
	s2 =	sadd.s32 s19, s18  }
0x9c: {  	s6 =	simm.s32 $0x0;
	s20 =	sshll.u32 s4, $0x1;
	s4 =	sadd.s32 s21, s2  }
0x9d: {  	[timem:s6], [sflag:s22] =	dma.local [hbm:s4], s20  }
0x9e: {  	_ =	swait.ge [sflag:s22], s20  }
0x9f: {  	s3 =	ssub.s32 $0x0, s20;
	[sflag:s22] =	ssyncset.done $0x0  }
0xa0: {  	[sflag:s22] =	ssyncadd.s32 s3;
	_ =	sdelay $0x1  }
0xa1: {  	s23 =	simm.s32 $0x1B8B  }
0xa2: {  	_ =	swait.ge [sflag:s23], $0x1  }
0xa3: {  	[sflag:s23] =	ssyncset.done $0x0  }
0xa4: {  	s25 =	simm.s32 $0x1B8E;
	s24 =	sld [smem:$0x3FFE];
	[sflag:s23] =	ssyncadd.s32 $0xFFFFFFFF  }
0xa5: {  	s26 =	simm.s32 $execute0_lowered;
	[smem:$0x3FD2] =	sst s25  }
0xa6: {  	s4 =	sshll.u32 s26, $0x1;
	_ =	strace $0x80000049;
	[dreg:$0x1] =	wrdreg $0xFFFFFFFF  }
0xa7: {  	s28 =	simm.s32 $_size_execute0_lowered;
	s2 =	sadd.s32 s2, s4;
	[dreg:$0x0] =	wrdreg $0x0  }
0xa8: {  	s4 =	sshll.u32 s28, $0x1;
	[dreg:$0x2] =	wrdreg s2  }
0xa9: {  	[dreg:$0x3] =	wrdreg s4  }
0xaa: {  	[dreg:$0x4] =	wrdreg $0xC0  }
0xab: {  	_ =	task [dreg:s6], $0x5FFFF  }
0xac: {  	[dreg:$0x1] =	wrdreg $0xFFFFFFFF  }
0xad: {  	[dreg:$0x0] =	wrdreg $0x60  }
0xae: {  	[dreg:$0x2] =	wrdreg s24  }
0xaf: {  	[dreg:$0x3] =	wrdreg $0x0  }
0xb0: {  	[dreg:$0x4] =	wrdreg $0x9  }
0xb1: {  	_ =	task.clear_ibuf [dreg:s6], $0x5FFFF;
	_ =	strace $0x90000049  }
0xb2: {  	s29 =	simm.s32 $0x9;
	_ =	strace $0x8000004B  }
0xb3: {  	_ =	swait.ge [sflag:s29], $0x1  }
0xb4: {  	[sflag:s29] =	ssyncadd.s32 $0xFFFFFFFF  }
0xb5: {  	_ =	strace $0x9000004B  }
0xb6: {  	_ =	sfence  }
0xb7: {  	s30 =	sld [smem:$0x0];
	_ =	sdelay $0x2  }
0xb8: {  	s31 =	sshll.u32 s1, $0xD;
	s1 =	sshrl.u32 s1, $0x2  }
0xb9: {  	s3 =	sand.u32 $0x4000, s31;
	s1 =	sadd.s32 s1, s30  }
0xba: {  	s0 =	sor.u32 s3, s0;
	s1 =	sshll.u32 s1, $0x11  }
0xbb: {  	s0 =	sor.u32 s1, s0  }
0xbc: {  	s0 =	sadd.s32 $0x8F2B, s0  }
0xbd: {  	[sflag:s0] =	ssyncadd.remote.s32 $0x1  }
0xbe: {  	_ =	sfence.sel $0xFFFF  }
0xbf: {  	[dreg:$0x0] =	wrdreg $0xFFFFFFFF;
	(pc) =	sbr.abs _section_cstart, $3  }
0xc0: {  	[dreg:$0x1] =	wrdreg $0xFFFFFFFF  }
0xc1: {  	_ =	task.clear_ibuf [dreg:s6], $0x2FFFF;
	_ =	strace $0x9FFFFFFF  }
0xc2: {  	(tm) =	ssettm $0x7FFFFFFF  }
0xc3: {  	_ =	shalt  }
tec
execute0_lowered:
.L_overlay_start_1:
0x0: {  	(tag) =	ssettag $0x1  }
0x1: {  	s0 =	rddreg [dreg:$0x0]  }
0x2: {  	s2 =	rddreg [dreg:$0x1];
	s3 =	simm.s32 $0x0;
	s13 =	stileid.u32  }
0x3: {  	s1 =	srdreg.scid;
	s29 =	simm.s32 $0x8;
	s30 =	simm.s32 $0x15800  }
0x4: {  	s31 =	simm.s32 $0x19000;
	s28 =	simm.s32 $0x9;
	s14 =	simm.s32 $0x5  }
0x5: {  	[smem:$0x7FF] =	sst s3;
	s8 =	smul.u32 $0x13C00, s13;
	s1 =	sand.u32 $0x1, s1  }
0x6: {  	s4 =	sadd.s32 $0x1EA00, s0;
	s5 =	sadd.s32 $0xEC5C00, s0;
	s6 =	sadd.s32 $0x14C00, s0  }
0x7: {  	s7 =	sadd.s32 $0xAE00, s0;
	s11 =	smul.u32 $0x4F000, s13;
	s20 =	sshll.u32 s13, $0x6  }
0x8: {  	_ =	strace $0x8000004A;
	s9 =	smul.u32 $0x13C000, s1;
	s17 =	sshll.u32 s1, $0x4  }
0x9: {  	s1 =	ssub.s32 $0x2, s1;
	s19 =	sor.u32 $0x1C0B, s20;
	s10 =	sshrl.u32 s8, $0x3  }
0xa: {  	s12 =	sshrl.u32 s1, $0x1;
	s11 =	sshrl.u32 s11, $0x2;
	[dreg:$0x4] =	wrdreg s19  }
0xb: {  	s10 =	sadd.s32 s10, s0;
	s8 =	sadd.s32 s8, s9;
	s9 =	sor.u32 s13, s17  }
0xc: {  	s1 =	ssub.s32 s1, s12;
	s11 =	sadd.s32 s11, s2;
	s13 =	simm.s32 $0x1C800  }
0xd: {  	s8 =	sshrl.u32 s8, $0x3;
	s18 =	smul.u32 $0x2760, s9;
	s10 =	sadd.s32 $0x45C00, s10  }
0xe: {  	s21 =	smul.u32 $0x4EC, s9;
	s26 =	smax.u32 s1, $0x1;
	s20 =	sshrl.u32 s11, $0x3  }
0xf: {  	s1 =	simm.s32 $0x3;
	s11 =	simm.s32 $0x1E580;
	[dreg:$0x3] =	wrdreg s10  }
0x10: {  	s0 =	sadd.s32 s8, s0;
	s8 =	smul.u32 $0xB4, s9;
	[dreg:$0xa] =	wrdreg s26  }
0x11: {  	s9 =	smul.u32 $0x27600, s9;
	s26 =	simm.s32 $0x1E500;
	[dreg:$0xb] =	wrdreg s20  }
0x12: {  	s22 =	sadd.s32 $0x38, s18;
	s23 =	sadd.s32 s6, s21;
	s0 =	sadd.s32 $0x6D400, s0  }
0x13: {  	s21 =	simm.s32 $0xB;
	s18 =	simm.s32 $0x0;
	[dreg:$0x5] =	wrdreg s23  }
0x14: {  	s24 =	sshrl.u32 s22, $0x3;
	s10 =	sshll.u32 s22, $0x4;
	s9 =	sadd.s32 s5, s9  }
.Ltmp0:
0x15: {  	s15 =	sor.u32 $0x2, s8;
	s16 =	sor.u32 $0x3, s8;
	(pc) =	sbr.rel .LBB2_1-.Ltmp0, $4  }
0x16: {  	s17 =	sor.u32 $0x1, s8;
	[dreg:$0x9] =	wrdreg s0;
	s23 =	simm.s32 $0x1E480  }
0x17: {  	s0 =	simm.s32 $0x1;
	s12 =	sadd.s32 s6, s24;
	[dreg:$0x7] =	wrdreg s9  }
0x18: {  	s25 =	sadd.s32 s5, s10;
	s9 =	simm.s32 $0x1AC00;
	[dreg:$0x6] =	wrdreg s12  }
0x19: {  	[dreg:$0x8] =	wrdreg s25;
	s25 =	simm.s32 $0x38;
	s12 =	simm.s32 $0xA  }
.LBB2_11:
0x1a: {  	_ =	swait.ge [sflag:s14], $0x1C00  }
0x1b: {  	[sflag:s14] =	ssyncset.done $0x0  }
0x1c: {  	s10 =	simm.s32 $0x6;
	[sflag:s14] =	ssyncadd.s32 $0xFFFFE400  }
0x1d: {  	_ =	swait.ge [sflag:s10], $0x1C00  }
0x1e: {  	[sflag:s10] =	ssyncset.done $0x0  }
0x1f: {  	[sflag:s10] =	ssyncadd.s32 $0xFFFFE400  }
0x20: {  	[bflag:$0x0] =	sbarrier.arrive $0xFFFF  }
0x21: {  	s19 =	rddreg [dreg:$0x4]  }
0x22: {  	s22 =	rddreg [dreg:$0x9]  }
0x23: {  	s21 =	simm.s32 $0xB;
	s20 =	rddreg [dreg:$0xb]  }
0x24: {  	[hbm:s22], [sflag:s19] =	dma.local [spmem:s20], $0x2780  }
0x25: {  	_ =	swait.ge [sflag:s21], $0x2780  }
0x26: {  	s18 =	sadd.s32 $0x1, s18;
	s24 =	rddreg [dreg:$0xa]  }
0x27: {  	p0 =	sne.s32 s18, s24  }
.Ltmp1:
0x28: {  	_ = 	snop;
	(pc) =	sbr.rel @!p0 .LBB2_12-.Ltmp1, $3  }
0x29: {  	_ =	sdelay $0x1  }
0x2a: {  	[sflag:s21] =	ssyncset.done $0x0  }
0x2b: {  	[sflag:s21] =	ssyncadd.s32 $0xFFFFD880  }
.LBB2_1:
0x2c: {  	s10 =	rddreg [dreg:$0x3]  }
0x2d: {  	[spmem:s20], [sflag:s19] =	dma.local [hbm:s10], $0x2780  }
0x2e: {  	_ =	swait.ge [sflag:s21], $0x2780  }
0x2f: {  	[sflag:s21] =	ssyncset.done $0x0  }
0x30: {  	[sflag:s21] =	ssyncadd.s32 $0xFFFFD880  }
0x31: {  	[bflag:$0x0] =	sbarrier.arrive $0xFFFF  }
0x32: {  	s21 =	simm.s32 $0x1E400;
	s20 =	rddreg [dreg:$0x5]  }
0x33: {  	[tilespmem:s21], [sflag:$0x7] =	stream.linear.gather [hbm4b:s20+s3], $0x38, $0x38;
	[tilespmem:$0x1E600] =	vst v63  }
0x34: {  	s24 =	simm.s32 $0x7;
	s22 =	rddreg [dreg:$0x6]  }
0x35: {  	[tilespmem:s23], [sflag:$0x8] =	stream.linear.gather [hbm4b:s22+s3], $0x38, $0x38;
	[tilespmem:$0x1E600] =	vst v63  }
0x36: {  	_ =	swait.ge [sflag:s24], $0x38  }
0x37: {  	[sflag:s24] =	ssyncset.done $0x0  }
0x38: {  	s20 =	simm.s32 $0x13C00;
	[sflag:s24] =	ssyncadd.s32 $0xFFFFFFC8  }
0x39: {  	[tilespmem:s20], [sflag:$0x1] =	stream.indirect.gather [hbm4b:s4+s25], $0x80, s21, s25, $0xb8;
	[tilespmem:$0x1E600] =	vst v63  }
0x3a: {  	s22 =	simm.s32 $0x17400;
	s21 =	rddreg [dreg:$0x7]  }
0x3b: {  	[tilespmem:s22], [sflag:$0x3] =	stream.linear.gather [hbm4b:s21+s3], $0x1C00, $0x38;
	[tilespmem:$0x1E600] =	vst v63  }
0x3c: {  	_ =	swait.ge [sflag:s29], $0x38  }
0x3d: {  	[sflag:s29] =	ssyncset.done $0x0  }
0x3e: {  	[sflag:s29] =	ssyncadd.s32 $0xFFFFFFC8  }
0x3f: {  	[tilespmem:s30], [sflag:$0x2] =	stream.indirect.gather [hbm4b:s4+s25], $0x80, s23, s25, $0xb8;
	[tilespmem:$0x1E600] =	vst v63  }
0x40: {  	s19 =	simm.s32 $0x0;
	s24 =	rddreg [dreg:$0x8]  }
0x41: {  	[tilespmem:s31], [sflag:$0x4] =	stream.linear.gather [hbm4b:s24+s3], $0x1C00, $0x38;
	[tilespmem:$0x1E600] =	vst v63  }
.LBB2_2:
0x42: {  	p0 =	seq.s32 s19, $0x59  }
0x43: {  	_ =	swait.ge [sflag:s0], $0x1C00;
	p1 =	seq.s32 @!p0 s19, $0x0  }
0x44: {  	s24 =	sshll.u32 s19, $0x1;
	[sflag:s0] =	ssyncset.done $0x0;
	p1 =	por p0, !p1  }
.Ltmp2:
0x45: {  	s22 =	sadd.s32 @!p0 s24, s15;
	[sflag:s0] =	ssyncadd.s32 $0xFFFFE400;
	(pc) =	sbr.rel @!p1 .LBB2_3-.Ltmp2, $4  }
0x46: {  	s10 =	smul.u32 @!p0 $0x7, s22;
	_ =	swait.ge [sflag:s1], $0x1C00  }
0x47: {  	s20 =	simm.s32 @!p0 $0x0;
	[sflag:s1] =	ssyncset.done $0x0  }
0x48: {  	s21 =	simm.s32 @!p0 $0x1E400;
	s10 =	sadd.s32 @!p0 s6, s10;
	[sflag:s1] =	ssyncadd.s32 $0xFFFFE400  }
0x49: {  	[tilespmem:s21], [sflag:$0x7] =	stream.linear.gather @!p0 [hbm4b:s10+s20], $0x38, $0x38;
	[tilespmem:$0x1E600] =	vst v63  }
.Ltmp3:
0x4a: {  	(pc) =	sbr.rel .LBB2_5-.Ltmp3, $4  }
0x4b: {  	_ = 	snop  }
0x4c: {  	_ =	swait.ge [sflag:s14], $0x1C00  }
0x4d: {  	[sflag:s14] =	ssyncset.done $0x0  }
0x4e: {  	p1 =	por $0x0, $0x0;
	[sflag:s14] =	ssyncadd.s32 $0xFFFFE400  }
.LBB2_3:
0x4f: {  	p1 =	por @!p0 $0x1, $0x1  }
.LBB2_5:
0x50: {  	s10 =	sadd.s32 s8, s24  }
0x51: {  	s10 =	smul.u32 $0x7, s10;
	_ =	sdelay $0x1  }
0x52: {  	s20 =	simm.s32 $0x0;
	s10 =	sadd.s32 s7, s10  }
0x53: {  	[tilespmem:s26], [sflag:$0x9] =	stream.linear.gather [hbm4b:s10+s20], $0x38, $0x38;
	[tilespmem:$0x1E600] =	vst v63  }
0x54: {  	s10 =	simm.s32 $0x0  }
0x55: {  	v0 =	vld [tilespmem:s10+$0x13C70]  }
0x56: {  	v1 =	vld [tilespmem:s10+$0x17470]  }
0x57: {  	v2 =	vld [tilespmem:s10+$0x13C00]  }
0x58: {  	v3 =	vld [tilespmem:s10+$0x17400]  }
0x59: {  	v4 =	vld [tilespmem:s10+$0x13C10]  }
0x5a: {  	v5 =	vld [tilespmem:s10+$0x17410]  }
0x5b: {  	v6 =	vld [tilespmem:s10+$0x13C20]  }
0x5c: {  	v0 =	vadd.f32 v1, v0;
	v1 =	vld [tilespmem:s10+$0x17420]  }
0x5d: {  	v7 =	vld [tilespmem:s10+$0x13C30]  }
0x5e: {  	v8 =	vld [tilespmem:s10+$0x17430];
	v2 =	vadd.f32 v3, v2  }
0x5f: {  	v9 =	vld [tilespmem:s10+$0x13C40];
	v0 =	vmax.f32 v0, $0.0e+00  }
0x60: {  	[tilespmem:s10+$0x1AC70] =	vst v0;
	v0 =	vmax.f32 v2, $0.0e+00;
	v2 =	vadd.f32 v5, v4;
	v5 =	vld [tilespmem:s10+$0x17440]  }
0x61: {  	v3 =	vld [tilespmem:s10+$0x17450];
	v1 =	vadd.f32 v1, v6  }
0x62: {  	[tilespmem:s10+$0x1AC00] =	vst v0;
	v0 =	vld [tilespmem:s10+$0x13C50];
	v2 =	vmax.f32 v2, $0.0e+00  }
0x63: {  	v4 =	vld [tilespmem:s10+$0x17460];
	v6 =	vadd.f32 v8, v7;
	[tilespmem:s10+$0x1AC10] =	vst v2;
	v2 =	vmax.f32 v1, $0.0e+00  }
0x64: {  	s20 =	simm.s32 $0x80;
	v1 =	vld [tilespmem:s10+$0x13C60];
	[tilespmem:s10+$0x1AC20] =	vst v2  }
0x65: {  	s21 =	simm.s32 $0x400;
	v6 =	vmax.f32 v6, $0.0e+00;
	v5 =	vadd.f32 v5, v9;
	v2 =	vld [tilespmem:s20+$0x13C70]  }
.LBB2_6:
0x66: {  	p2 =	sne.s32 s21, $0x6E00;
	v7 =	vld [tilespmem:s20+$0x17470];
	[tilespmem:s10+$0x1AC30] =	vst v6  }
0x67: {  	v6 =	vld [tilespmem:s20+$0x13C00];
	v5 =	vmax.f32 v5, $0.0e+00;
	v0 =	vadd.f32 v3, v0  }
0x68: {  	v3 =	vld [tilespmem:s20+$0x17400];
	[tilespmem:s10+$0x1AC40] =	vst v5  }
0x69: {  	v5 =	vld [tilespmem:s20+$0x13C10];
	v0 =	vmax.f32 v0, $0.0e+00;
	v1 =	vadd.f32 v4, v1  }
0x6a: {  	v4 =	vld [tilespmem:s20+$0x17410];
	[tilespmem:s10+$0x1AC50] =	vst v0  }
0x6b: {  	v0 =	vld [tilespmem:s20+$0x13C20];
	v2 =	vadd.f32 v7, v2;
	v1 =	vmax.f32 v1, $0.0e+00  }
0x6c: {  	v7 =	vld [tilespmem:s20+$0x17420];
	[tilespmem:s10+$0x1AC60] =	vst v1;
	s10 =	smov.u32 s20  }
0x6d: {  	v1 =	vadd.f32 v3, v6;
	v6 =	vld [tilespmem:s10+$0x13C30];
	v2 =	vmax.f32 v2, $0.0e+00  }
0x6e: {  	v8 =	vld [tilespmem:s10+$0x17430];
	[tilespmem:s10+$0x1AC70] =	vst v2  }
0x6f: {  	v1 =	vmax.f32 v1, $0.0e+00;
	v2 =	vadd.f32 v4, v5;
	v5 =	vld [tilespmem:s10+$0x13C40]  }
0x70: {  	[tilespmem:s10+$0x1AC00] =	vst v1;
	v9 =	vld [tilespmem:s10+$0x17440]  }
.Ltmp4:
0x71: {  	v1 =	vmax.f32 v2, $0.0e+00;
	v2 =	vadd.f32 v7, v0;
	v0 =	vld [tilespmem:s10+$0x13C50];
	(pc) =	sbr.rel @p2 .LBB2_6-.Ltmp4, $4  }
0x72: {  	[tilespmem:s10+$0x1AC10] =	vst v1;
	v3 =	vld [tilespmem:s10+$0x17450]  }
0x73: {  	v2 =	vmax.f32 v2, $0.0e+00;
	v6 =	vadd.f32 v8, v6;
	v1 =	vld [tilespmem:s10+$0x13C60]  }
0x74: {  	s20 =	sshra.s32 s21, $0x2;
	[tilespmem:s10+$0x1AC20] =	vst v2;
	v4 =	vld [tilespmem:s10+$0x17460]  }
0x75: {  	s21 =	sadd.s32 $0x200, s21;
	v2 =	vld [tilespmem:s20+$0x13C70];
	v6 =	vmax.f32 v6, $0.0e+00;
	v5 =	vadd.f32 v9, v5  }
0x76: {  	v7 =	vld [tilespmem:s20+$0x17470];
	[tilespmem:s10+$0x1AC30] =	vst v6  }
0x77: {  	v6 =	vld [tilespmem:s20+$0x13C00];
	v5 =	vmax.f32 v5, $0.0e+00;
	v0 =	vadd.f32 v3, v0  }
0x78: {  	v8 =	vld [tilespmem:s20+$0x17400];
	[tilespmem:s10+$0x1AC40] =	vst v5  }
0x79: {  	v3 =	vld [tilespmem:s20+$0x13C10];
	v0 =	vmax.f32 v0, $0.0e+00;
	v1 =	vadd.f32 v4, v1  }
0x7a: {  	v5 =	vld [tilespmem:s20+$0x17410];
	[tilespmem:s10+$0x1AC50] =	vst v0  }
0x7b: {  	v0 =	vld [tilespmem:s20+$0x13C20];
	v1 =	vmax.f32 v1, $0.0e+00  }
0x7c: {  	v4 =	vld [tilespmem:s20+$0x17420];
	v2 =	vadd.f32 v7, v2;
	[tilespmem:s10+$0x1AC60] =	vst v1  }
0x7d: {  	v6 =	vadd.f32 v8, v6;
	v1 =	vld [tilespmem:s20+$0x13C30]  }
0x7e: {  	v2 =	vmax.f32 v2, $0.0e+00;
	v7 =	vld [tilespmem:s20+$0x17430]  }
0x7f: {  	[tilespmem:s20+$0x1AC70] =	vst v2;
	v2 =	vmax.f32 v6, $0.0e+00;
	v6 =	vld [tilespmem:s20+$0x13C40]  }
0x80: {  	v3 =	vadd.f32 v5, v3;
	v5 =	vld [tilespmem:s20+$0x13C50]  }
0x81: {  	[tilespmem:s20+$0x1AC00] =	vst v2;
	v2 =	vld [tilespmem:s20+$0x17440];
	v0 =	vadd.f32 v4, v0  }
0x82: {  	v3 =	vmax.f32 v3, $0.0e+00;
	v4 =	vld [tilespmem:s20+$0x13C60]  }
0x83: {  	[tilespmem:s20+$0x1AC10] =	vst v3;
	v3 =	vld [tilespmem:s20+$0x17450];
	v0 =	vmax.f32 v0, $0.0e+00  }
0x84: {  	[tilespmem:s20+$0x1AC20] =	vst v0;
	v0 =	vld [tilespmem:s20+$0x17460];
	_ =	sdelay $0x1  }
0x85: {  	v1 =	vadd.f32 v7, v1  }
0x86: {  	v2 =	vadd.f32 v2, v6  }
0x87: {  	v1 =	vmax.f32 v1, $0.0e+00;
	v3 =	vadd.f32 v3, v5  }
0x88: {  	[tilespmem:s20+$0x1AC30] =	vst v1;
	v1 =	vmax.f32 v2, $0.0e+00;
	v0 =	vadd.f32 v0, v4  }
0x89: {  	[tilespmem:s20+$0x1AC40] =	vst v1;
	v1 =	vmax.f32 v3, $0.0e+00  }
0x8a: {  	[tilespmem:s20+$0x1AC50] =	vst v1;
	v0 =	vmax.f32 v0, $0.0e+00  }
0x8b: {  	[tilespmem:s20+$0x1AC60] =	vst v0  }
0x8c: {  	_ =	swait.ge [sflag:s28], $0x38  }
0x8d: {  	[sflag:s28] =	ssyncset.done $0x0  }
0x8e: {  	s10 =	simm.s32 @p0 $0x2;
	[sflag:s28] =	ssyncadd.s32 $0xFFFFFFC8  }
0x8f: {  	[spmem:s2] =	stream.indirect.scatter.add.f32 [tilespmem:s9], [sflag:$0x5], $0x80, s26, s25, $0xb8;
	[tilespmem:$0x1E600] =	vst v63  }
0x90: {  	_ =	swait.ge @p0 [sflag:s10], $0x1C00  }
0x91: {  	[sflag:s10] =	ssyncset.done @p0 $0x0  }
0x92: {  	[sflag:s10] =	ssyncadd.s32 @p0 $0xFFFFE400;
	s10 =	simm.s32 @p0 $0x4  }
0x93: {  	_ =	swait.ge @p0 [sflag:s10], $0x1C00  }
0x94: {  	[sflag:s10] =	ssyncset.done @p0 $0x0  }
0x95: {  	[sflag:s10] =	ssyncadd.s32 @p0 $0xFFFFE400;
	s10 =	simm.s32 @!p0 $0x7  }
0x96: {  	_ =	swait.ge @!p0 [sflag:s10], $0x38  }
0x97: {  	s21 =	simm.s32 @!p0 $0x13C00;
	s22 =	smul.u32 @!p0 $0x380, s22;
	[sflag:s10] =	ssyncset.done @!p0 $0x0  }
0x98: {  	s20 =	simm.s32 @!p0 $0x1E400;
	[sflag:s10] =	ssyncadd.s32 @!p0 $0xFFFFFFC8;
	s10 =	simm.s32 @!p0 $0x38  }
0x99: {  	[tilespmem:s21], [sflag:$0x1] =	stream.indirect.gather @!p0 [hbm4b:s4+s10], $0x80, s20, s10, $0xb8;
	[tilespmem:$0x1E600] =	vst v63  }
0x9a: {  	s10 =	sadd.s32 @!p0 s5, s22;
	s20 =	simm.s32 @!p0 $0x0;
	s21 =	simm.s32 @!p0 $0x17400  }
0x9b: {  	[tilespmem:s21], [sflag:$0x3] =	stream.linear.gather @!p0 [hbm4b:s10+s20], $0x1C00, $0x38;
	[tilespmem:$0x1E600] =	vst v63  }
0x9c: {  	s10 =	simm.s32 @!p0 $0x2  }
0x9d: {  	_ =	swait.ge @!p0 [sflag:s10], $0x1C00  }
0x9e: {  	[sflag:s10] =	ssyncset.done @!p0 $0x0  }
0x9f: {  	s21 =	sadd.s32 @!p0 s24, s16;
	[sflag:s10] =	ssyncadd.s32 @!p0 $0xFFFFE400;
	s10 =	simm.s32 @!p0 $0x4  }
0xa0: {  	s21 =	smul.u32 @!p0 $0x7, s21;
	_ =	swait.ge @!p0 [sflag:s10], $0x1C00  }
0xa1: {  	[sflag:s10] =	ssyncset.done @!p0 $0x0  }
0xa2: {  	[sflag:s10] =	ssyncadd.s32 @!p0 $0xFFFFE400;
	s10 =	sadd.s32 @!p0 s6, s21;
	s21 =	simm.s32 @!p0 $0x1E480  }
0xa3: {  	[tilespmem:s21], [sflag:$0x8] =	stream.linear.gather @!p0 [hbm4b:s10+s20], $0x38, $0x38;
	[tilespmem:$0x1E600] =	vst v63  }
0xa4: {  	s22 =	sadd.s32 s24, s17;
	s10 =	simm.s32 @!p1 $0x6  }
0xa5: {  	s20 =	smul.u32 $0x7, s22;
	_ =	swait.ge @!p1 [sflag:s10], $0x1C00  }
0xa6: {  	s22 =	simm.s32 $0x0;
	[sflag:s10] =	ssyncset.done @!p1 $0x0  }
0xa7: {  	s21 =	sadd.s32 s7, s20;
	[sflag:s10] =	ssyncadd.s32 @!p1 $0xFFFFE400;
	s10 =	simm.s32 $0x0  }
0xa8: {  	[tilespmem:s11], [sflag:$0xA] =	stream.linear.gather [hbm4b:s21+s22], $0x38, $0x38;
	[tilespmem:$0x1E600] =	vst v63  }
0xa9: {  	v0 =	vld [tilespmem:s10+$0x15870]  }
0xaa: {  	v1 =	vld [tilespmem:s10+$0x19070]  }
0xab: {  	v2 =	vld [tilespmem:s10+$0x15800]  }
0xac: {  	v3 =	vld [tilespmem:s10+$0x19000]  }
0xad: {  	v4 =	vld [tilespmem:s10+$0x15810]  }
0xae: {  	v5 =	vld [tilespmem:s10+$0x19010]  }
0xaf: {  	v6 =	vld [tilespmem:s10+$0x15820]  }
0xb0: {  	v0 =	vadd.f32 v1, v0;
	v1 =	vld [tilespmem:s10+$0x19020]  }
0xb1: {  	v7 =	vld [tilespmem:s10+$0x15830]  }
0xb2: {  	v8 =	vld [tilespmem:s10+$0x19030];
	v2 =	vadd.f32 v3, v2  }
0xb3: {  	v9 =	vld [tilespmem:s10+$0x15840];
	v0 =	vmax.f32 v0, $0.0e+00  }
0xb4: {  	[tilespmem:s10+$0x1C870] =	vst v0;
	v0 =	vmax.f32 v2, $0.0e+00;
	v2 =	vadd.f32 v5, v4;
	v5 =	vld [tilespmem:s10+$0x19040]  }
0xb5: {  	v3 =	vld [tilespmem:s10+$0x19050];
	v1 =	vadd.f32 v1, v6  }
0xb6: {  	[tilespmem:s10+$0x1C800] =	vst v0;
	v0 =	vld [tilespmem:s10+$0x15850];
	v2 =	vmax.f32 v2, $0.0e+00  }
0xb7: {  	v4 =	vld [tilespmem:s10+$0x19060];
	v6 =	vadd.f32 v8, v7;
	[tilespmem:s10+$0x1C810] =	vst v2;
	v2 =	vmax.f32 v1, $0.0e+00  }
0xb8: {  	s20 =	simm.s32 $0x80;
	v1 =	vld [tilespmem:s10+$0x15860];
	[tilespmem:s10+$0x1C820] =	vst v2  }
0xb9: {  	s21 =	simm.s32 $0x400;
	v6 =	vmax.f32 v6, $0.0e+00;
	v5 =	vadd.f32 v5, v9;
	v2 =	vld [tilespmem:s20+$0x15870]  }
.LBB2_8:
0xba: {  	p1 =	sne.s32 s21, $0x6E00;
	v7 =	vld [tilespmem:s20+$0x19070];
	[tilespmem:s10+$0x1C830] =	vst v6  }
0xbb: {  	v6 =	vld [tilespmem:s20+$0x15800];
	v5 =	vmax.f32 v5, $0.0e+00;
	v0 =	vadd.f32 v3, v0  }
0xbc: {  	v3 =	vld [tilespmem:s20+$0x19000];
	[tilespmem:s10+$0x1C840] =	vst v5  }
0xbd: {  	v5 =	vld [tilespmem:s20+$0x15810];
	v0 =	vmax.f32 v0, $0.0e+00;
	v1 =	vadd.f32 v4, v1  }
0xbe: {  	v4 =	vld [tilespmem:s20+$0x19010];
	[tilespmem:s10+$0x1C850] =	vst v0  }
0xbf: {  	v0 =	vld [tilespmem:s20+$0x15820];
	v2 =	vadd.f32 v7, v2;
	v1 =	vmax.f32 v1, $0.0e+00  }
0xc0: {  	v7 =	vld [tilespmem:s20+$0x19020];
	[tilespmem:s10+$0x1C860] =	vst v1;
	s10 =	smov.u32 s20  }
0xc1: {  	v1 =	vadd.f32 v3, v6;
	v6 =	vld [tilespmem:s10+$0x15830];
	v2 =	vmax.f32 v2, $0.0e+00  }
0xc2: {  	v8 =	vld [tilespmem:s10+$0x19030];
	[tilespmem:s10+$0x1C870] =	vst v2  }
0xc3: {  	v1 =	vmax.f32 v1, $0.0e+00;
	v2 =	vadd.f32 v4, v5;
	v5 =	vld [tilespmem:s10+$0x15840]  }
0xc4: {  	[tilespmem:s10+$0x1C800] =	vst v1;
	v9 =	vld [tilespmem:s10+$0x19040]  }
.Ltmp5:
0xc5: {  	v1 =	vmax.f32 v2, $0.0e+00;
	v2 =	vadd.f32 v7, v0;
	v0 =	vld [tilespmem:s10+$0x15850];
	(pc) =	sbr.rel @p1 .LBB2_8-.Ltmp5, $4  }
0xc6: {  	[tilespmem:s10+$0x1C810] =	vst v1;
	v3 =	vld [tilespmem:s10+$0x19050]  }
0xc7: {  	v2 =	vmax.f32 v2, $0.0e+00;
	v6 =	vadd.f32 v8, v6;
	v1 =	vld [tilespmem:s10+$0x15860]  }
0xc8: {  	s20 =	sshra.s32 s21, $0x2;
	[tilespmem:s10+$0x1C820] =	vst v2;
	v4 =	vld [tilespmem:s10+$0x19060]  }
0xc9: {  	s21 =	sadd.s32 $0x200, s21;
	v2 =	vld [tilespmem:s20+$0x15870];
	v6 =	vmax.f32 v6, $0.0e+00;
	v5 =	vadd.f32 v9, v5  }
0xca: {  	v7 =	vld [tilespmem:s20+$0x19070];
	[tilespmem:s10+$0x1C830] =	vst v6  }
0xcb: {  	v6 =	vld [tilespmem:s20+$0x15800];
	v5 =	vmax.f32 v5, $0.0e+00;
	v0 =	vadd.f32 v3, v0  }
0xcc: {  	v8 =	vld [tilespmem:s20+$0x19000];
	[tilespmem:s10+$0x1C840] =	vst v5  }
0xcd: {  	v52 =	vld [tilespmem:s20+$0x15810];
	v0 =	vmax.f32 v0, $0.0e+00;
	v1 =	vadd.f32 v4, v1  }
0xce: {  	v5 =	vld [tilespmem:s20+$0x19010];
	[tilespmem:s10+$0x1C850] =	vst v0  }
0xcf: {  	v0 =	vld [tilespmem:s20+$0x15820];
	v1 =	vmax.f32 v1, $0.0e+00  }
0xd0: {  	v53 =	vld [tilespmem:s20+$0x19020];
	[tilespmem:s10+$0x1C860] =	vst v1  }
0xd1: {  	v1 =	vld [tilespmem:s20+$0x15830]  }
0xd2: {  	v54 =	vld [tilespmem:s20+$0x19030]  }
0xd3: {  	v56 =	vld [tilespmem:s20+$0x15840]  }
0xd4: {  	v57 =	vld [tilespmem:s20+$0x19040]  }
0xd5: {  	v58 =	vld [tilespmem:s20+$0x15850]  }
0xd6: {  	v2 =	vadd.f32 v7, v2;
	v59 =	vld [tilespmem:s20+$0x19050]  }
0xd7: {  	v6 =	vadd.f32 v8, v6;
	v60 =	vld [tilespmem:s20+$0x15860]  }
0xd8: {  	v2 =	vmax.f32 v2, $0.0e+00;
	v61 =	vld [tilespmem:s20+$0x19060];
	v3 =	vadd.f32 v5, v52  }
0xd9: {  	[tilespmem:s20+$0x1C870] =	vst v2;
	v55 =	vmax.f32 v6, $0.0e+00;
	v0 =	vadd.f32 v53, v0  }
0xda: {  	[tilespmem:s20+$0x1C800] =	vst v55;
	v3 =	vmax.f32 v3, $0.0e+00;
	v1 =	vadd.f32 v54, v1  }
0xdb: {  	[tilespmem:s20+$0x1C810] =	vst v3;
	v0 =	vmax.f32 v0, $0.0e+00;
	v2 =	vadd.f32 v57, v56  }
0xdc: {  	v3 =	vadd.f32 v59, v58;
	[tilespmem:s20+$0x1C820] =	vst v0;
	v1 =	vmax.f32 v1, $0.0e+00  }
0xdd: {  	v0 =	vadd.f32 v61, v60;
	v62 =	vmax.f32 v2, $0.0e+00;
	[tilespmem:s20+$0x1C830] =	vst v1  }
0xde: {  	v63 =	vmax.f32 v3, $0.0e+00;
	[tilespmem:s20+$0x1C840] =	vst v62  }
0xdf: {  	[tilespmem:s20+$0x1C850] =	vst v63;
	v0 =	vmax.f32 v0, $0.0e+00  }
.Ltmp6:
0xe0: {  	[tilespmem:s20+$0x1C860] =	vst v0;
	(pc) =	sbr.rel @p0 .LBB2_11-.Ltmp6, $4  }
0xe1: {  	_ =	swait.ge [sflag:s12], $0x38  }
0xe2: {  	[sflag:s12] =	ssyncset.done $0x0  }
0xe3: {  	[sflag:s12] =	ssyncadd.s32 $0xFFFFFFC8  }
0xe4: {  	[spmem:s2] =	stream.indirect.scatter.add.f32 [tilespmem:s13], [sflag:$0x6], $0x80, s11, s25, $0xb8;
	[tilespmem:$0x1E600] =	vst v63  }
0xe5: {  	_ =	swait.ge [sflag:s29], $0x38  }
.Ltmp7:
0xe6: {  	s10 =	sadd.s32 s24, s16;
	[sflag:s29] =	ssyncset.done $0x0;
	(pc) =	sbr.rel .LBB2_2-.Ltmp7, $4  }
0xe7: {  	s10 =	smul.u32 $0x380, s10;
	[sflag:s29] =	ssyncadd.s32 $0xFFFFFFC8  }
0xe8: {  	[tilespmem:s30], [sflag:$0x2] =	stream.indirect.gather [hbm4b:s4+s25], $0x80, s23, s25, $0xb8;
	[tilespmem:$0x1E600] =	vst v63  }
0xe9: {  	s19 =	sadd.s32 $0x1, s19;
	s10 =	sadd.s32 s5, s10  }
0xea: {  	[tilespmem:s31], [sflag:$0x4] =	stream.linear.gather [hbm4b:s10+s3], $0x1C00, $0x38;
	[tilespmem:$0x1E600] =	vst v63  }
.LBB2_12:
0xeb: {  	_ =	sfence.sel $0x180000  }
0xec: {  	[bflag:$0x0] =	sbarrier.arrive $0xFFFF  }
0xed: {  	_ =	strace $0x9000004A  }
0xee: {  	s0 =	stileid.u32;
	[bflag:$0x2] =	sbarrier.arrive $0xFFFF  }
0xef: {  	p0 =	sne.s32 s0, $0x0;
	s0 =	rddreg [dreg:$0x2]  }
0xf0: {  	s0 =	sadd.s32 @!p0 $0x100000, s0  }
0xf1: {  	[sflag:s0] =	ssyncadd.tile.s32 @!p0 $0x1;
	_ =	shalt  }
.Lfunc_end2:
_tile_overlayer_lowered:
.L_overlay_start_2:
0xf2: {  	(tag) =	ssettag $0x2  }
0xf3: {  	s0 =	rddreg [dreg:$0x0];
	s2 =	stileid.u32  }
0xf4: {  	s1 =	rddreg [dreg:$0x1];
	p0 =	sne.s32 s2, $0x0  }
0xf5: {  	s3 =	rddreg [dreg:$0x2];
	[bflag:$0x3] =	sbarrier.arrive $0xFFFF;
	s2 =	simm.s32 @!p0 $0x1C0B  }
0xf6: {  	[timem:s3], [sflag:s2] =	dma.local @!p0 [hbm:s0], s1  }
0xf7: {  	s0 =	simm.s32 @!p0 $0xB  }
0xf8: {  	_ =	swait.ge @!p0 [sflag:s0], s1  }
0xf9: {  	s1 =	ssub.s32 @!p0 $0x0, s1;
	[sflag:s0] =	ssyncset.done @!p0 $0x0  }
0xfa: {  	[sflag:s0] =	ssyncadd.s32 @!p0 s1  }
0xfb: {  	[bflag:$0x3] =	sbarrier.arrive $0xFFFF  }
0xfc: {  	_ =	shalt  }

// kernel: kernel.31.cloned.1.call-start
scs
__scs_entry_jumppad:
0x0: {  	(pc) =	sbr.rel $0x88, $3  }
0x1: {  	(tag) =	ssettag $0x0;
	lr =	simm.s32 $0x1  }
0x2: {  	[smem:$0x3F8F] =	sst lr;
	_ =	strace $0xD0000000  }
0x3: {  	_ = 	snop  }
0x4: {  	_ = 	snop  }
0x5: {  	_ = 	snop  }
0x6: {  	_ = 	snop  }
0x7: {  	_ = 	snop  }
__scs_overlays_trampoline_lowered:
0x8: {  	[smem:$0x3F9E] =	sst s0  }
0x9: {  	[smem:$0x3F9F] =	sst s1  }
0xa: {  	[smem:$0x3FA0] =	sst s2  }
0xb: {  	[smem:$0x3FA1] =	sst s3  }
0xc: {  	[smem:$0x3FA2] =	sst s4  }
0xd: {  	[smem:$0x3FA3] =	sst s5  }
0xe: {  	[smem:$0x3FA4] =	sst s6  }
0xf: {  	[smem:$0x3FA5] =	sst s7  }
0x10: {  	[smem:$0x3FA6] =	sst s8  }
0x11: {  	[smem:$0x3FA7] =	sst s9;
	s0 =	simm.s32 @!p0 $0x0  }
0x12: {  	s1 =	sld [smem:$0x3F8D];
	s0 =	simm.s32 @p0 $0x1  }
0x13: {  	[smem:$0x3FA8] =	sst s0;
	s0 =	simm.s32 @!p1 $0x0  }
0x14: {  	s2 =	sld [smem:$0x3F8C];
	s0 =	simm.s32 @p1 $0x1  }
0x15: {  	[smem:$0x3FA9] =	sst s0;
	s0 =	simm.s32 @!p2 $0x0  }
0x16: {  	s3 =	sld [smem:$0x3FDB];
	s0 =	simm.s32 @p2 $0x1  }
0x17: {  	s4 =	simm.s32 $0x1BF5;
	[smem:$0x3FAB] =	sst s0  }
0x18: {  	s0 =	sld [smem:$0x3F8E];
	_ =	swait.ge [sflag:s4], $0x0  }
0x19: {  	s7 =	sld [smem:$0x3F8F]  }
0x1a: {  	s8 =	sadd.s32 $0xFFFFE003, lr  }
0x1b: {  	s9 =	sadd.s32 $0xFFFFFEF7, lr;
	s5 =	simm.s32 $0xFFFFFFFF;
	p2 =	slt.u32 s8, $0xFFFFF086  }
0x1c: {  	p1 =	slt.u32 s9, $0xF7A;
	s5 =	simm.s32 @!p2 $0x0  }
0x1d: {  	s5 =	simm.s32 @p1 $0x1;
	p0 =	seq.s32 s7, s2  }
0x1e: {  	s7 =	smul.u32 @!p0 $0xF7A, s2;
	p2 =	seq.s32 @!p0 s5, $0x0  }
0x1f: {  	s9 =	smul.u32 $0xF7A, s1;
	s8 =	simm.s32 @!p0 $0x1BF5;
	p2 =	por !p2, p0  }
0x20: {  	[sflag:s8] =	ssyncset.s32 @!p0 $0xFFFFF086;
	s6 =	sadd.s32 @!p0 s3, s7;
	s7 =	simm.s32 @!p0 $0x108  }
0x21: {  	s3 =	sadd.s32 s3, s9;
	s6 =	sadd.s32 @!p0 $0x88, s6;
	s7 =	simm.s32 @p2 $0x1082  }
0x22: {  	[simem:s7], [sflag:s8] =	dma.local @!p0 [hbm:s6], $0xF7A  }
0x23: {  	s9 =	sor.u32 $0xD0000000, s2;
	s6 =	simm.s32 $0x108;
	_ =	swait.ge @!p0 [sflag:s8], $0x0  }
0x24: {  	s3 =	sadd.s32 $0x88, s3;
	s6 =	simm.s32 @!p1 $0x1082;
	[sflag:s4] =	ssyncset.s32 $0xFFFFF086  }
0x25: {  	[simem:s6], [sflag:s4] =	dma.local [hbm:s3], $0xF7A  }
0x26: {  	[smem:$0x3F8F] =	sst s1;
	(tag) =	ssettag s2;
	_ =	strace s9  }
0x27: {  	s1 =	sld [smem:$0x3F9F]  }
0x28: {  	s2 =	sld [smem:$0x3FA0]  }
0x29: {  	s4 =	sld [smem:$0x3FA2]  }
0x2a: {  	p0 =	seq.s32 s5, $0x0;
	s5 =	sld [smem:$0x3FA3]  }
0x2b: {  	s6 =	sld [smem:$0x3FA4]  }
0x2c: {  	s7 =	sld [smem:$0x3FA5]  }
0x2d: {  	s3 =	simm.s32 $0x108;
	s8 =	sld [smem:$0x3FA6]  }
0x2e: {  	s3 =	simm.s32 @!p0 $0x1082;
	s9 =	sld [smem:$0x3FA7]  }
0x2f: {  	lr =	sadd.s32 s0, s3;
	s0 =	sld [smem:$0x3F9E]  }
0x30: {  	s3 =	sld [smem:$0x3FA1]  }
0x31: {  	[smem:$0x3FAA] =	sst s10  }
0x32: {  	s10 =	sld [smem:$0x3FA8];
	_ =	sdelay $0x3  }
0x33: {  	p0 =	seq.s32 s10, $0x1;
	s10 =	sld [smem:$0x3FAA];
	_ =	sdelay $0x3  }
0x34: {  	[smem:$0x3FAA] =	sst s10  }
0x35: {  	s10 =	sld [smem:$0x3FA9];
	_ =	sdelay $0x3  }
0x36: {  	p1 =	seq.s32 s10, $0x1;
	s10 =	sld [smem:$0x3FAA];
	_ =	sdelay $0x3  }
0x37: {  	[smem:$0x3FAA] =	sst s10  }
0x38: {  	s10 =	sld [smem:$0x3FAB]  }
0x39: {  	_ = 	snop;
	(pc) =	sbr.ind lr, $3  }
0x3a: {  	_ = 	snop  }
0x3b: {  	_ = 	snop  }
0x3c: {  	p2 =	seq.s32 s10, $0x1;
	s10 =	sld [smem:$0x3FAA]  }
0x3d: {  	_ =	shalt  }
0x3e: {  	_ =	shalt  }
0x3f: {  	_ =	shalt  }
0x40: {  	_ =	shalt  }
0x41: {  	_ =	shalt  }
0x42: {  	_ =	shalt  }
0x43: {  	_ =	shalt  }
0x44: {  	_ =	shalt  }
0x45: {  	_ =	shalt  }
0x46: {  	_ =	shalt  }
0x47: {  	_ =	shalt  }
0x48: {  	_ =	shalt  }
0x49: {  	_ =	shalt  }
0x4a: {  	_ =	shalt  }
0x4b: {  	_ =	shalt  }
0x4c: {  	_ =	shalt  }
0x4d: {  	_ =	shalt  }
0x4e: {  	_ =	shalt  }
0x4f: {  	_ =	shalt  }
0x50: {  	_ =	shalt  }
0x51: {  	_ =	shalt  }
0x52: {  	_ =	shalt  }
0x53: {  	_ =	shalt  }
0x54: {  	_ =	shalt  }
0x55: {  	_ =	shalt  }
0x56: {  	_ =	shalt  }
0x57: {  	_ =	shalt  }
0x58: {  	_ =	shalt  }
0x59: {  	_ =	shalt  }
0x5a: {  	_ =	shalt  }
0x5b: {  	_ =	shalt  }
0x5c: {  	_ =	shalt  }
0x5d: {  	_ =	shalt  }
0x5e: {  	_ =	shalt  }
0x5f: {  	_ =	shalt  }
0x60: {  	_ =	shalt  }
0x61: {  	_ =	shalt  }
0x62: {  	_ =	shalt  }
0x63: {  	_ =	shalt  }
0x64: {  	_ =	shalt  }
0x65: {  	_ =	shalt  }
0x66: {  	_ =	shalt  }
0x67: {  	_ =	shalt  }
0x68: {  	_ =	shalt  }
0x69: {  	_ =	shalt  }
0x6a: {  	_ =	shalt  }
0x6b: {  	_ =	shalt  }
0x6c: {  	_ =	shalt  }
0x6d: {  	_ =	shalt  }
0x6e: {  	_ =	shalt  }
0x6f: {  	_ =	shalt  }
0x70: {  	_ =	shalt  }
0x71: {  	_ =	shalt  }
0x72: {  	_ =	shalt  }
0x73: {  	_ =	shalt  }
0x74: {  	_ =	shalt  }
0x75: {  	_ =	shalt  }
0x76: {  	_ =	shalt  }
0x77: {  	_ =	shalt  }
0x78: {  	_ =	shalt  }
0x79: {  	_ =	shalt  }
0x7a: {  	_ =	shalt  }
0x7b: {  	_ =	shalt  }
0x7c: {  	_ =	shalt  }
0x7d: {  	_ =	shalt  }
0x7e: {  	_ =	shalt  }
0x7f: {  	_ =	shalt  }
0x80: {  	_ =	shalt  }
0x81: {  	_ =	shalt  }
0x82: {  	_ =	shalt  }
0x83: {  	_ =	shalt  }
0x84: {  	_ =	shalt  }
0x85: {  	_ =	shalt  }
0x86: {  	_ =	shalt  }
0x87: {  	_ =	shalt  }
.Lfunc_end0:
.L_simem_size_0:
called_computation.2_lowered:
.L_overlay_start_0:
0x88: {  	s2 =	sld [smem:$0x3FD9]  }
0x89: {  	s3 =	sld [smem:$0x3FFE];
	_ =	sdelay $0x1  }
0x8a: {  	s1 =	srdreg.scid  }
0x8b: {  	s0 =	sand.u32 $0x1, s1  }
0x8c: {  	s16 =	sshll.u32 s0, $0xA;
	s2 =	sadd.s32 s3, s2  }
0x8d: {  	s2 =	sadd.s32 s2, s16  }
0x8e: {  	[smem:$0x3FB6] =	sst s2  }
0x8f: {  	_ = 	snop  }
0x90: {  	(tm) =	ssettm $0x1  }
0x91: {  	s17 =	sld [smem:$0x3FFB];
	_ =	sdelay $0x3  }
0x92: {  	_ =	strace s17  }
0x93: {  	s2 =	sld [smem:$0x3FFC];
	_ =	sdelay $0x3  }
0x94: {  	_ =	strace s2  }
0x95: {  	s2 =	sld [smem:$0x3FFD];
	_ =	sdelay $0x3  }
0x96: {  	_ =	strace s2  }
0x97: {  	_ =	strace $0x8FFFFFFF  }
0x98: {  	s18 =	sld [smem:$0x3FDB];
	_ =	sdelay $0x1  }
0x99: {  	s19 =	simm.s32 $_scs_section_size  }
0x9a: {  	s4 =	simm.s32 $_size__tile_overlayer_lowered;
	s5 =	simm.s32 $_tile_overlayer_lowered  }
0x9b: {  	s22 =	simm.s32 $0x1BFF;
	s21 =	sshll.u32 s5, $0x1;
	s2 =	sadd.s32 s19, s18  }
0x9c: {  	s6 =	simm.s32 $0x0;
	s20 =	sshll.u32 s4, $0x1;
	s4 =	sadd.s32 s21, s2  }
0x9d: {  	[timem:s6], [sflag:s22] =	dma.local [hbm:s4], s20  }
0x9e: {  	_ =	swait.ge [sflag:s22], s20  }
0x9f: {  	s3 =	ssub.s32 $0x0, s20;
	[sflag:s22] =	ssyncset.done $0x0  }
0xa0: {  	[sflag:s22] =	ssyncadd.s32 s3;
	_ =	sdelay $0x1  }
0xa1: {  	s23 =	simm.s32 $0x1B8B  }
0xa2: {  	_ =	swait.ge [sflag:s23], $0x1  }
0xa3: {  	[sflag:s23] =	ssyncset.done $0x0  }
0xa4: {  	s25 =	simm.s32 $0x1B8E;
	s24 =	sld [smem:$0x3FFE];
	[sflag:s23] =	ssyncadd.s32 $0xFFFFFFFF  }
0xa5: {  	s26 =	simm.s32 $execute0_lowered;
	[smem:$0x3FD2] =	sst s25  }
0xa6: {  	s4 =	sshll.u32 s26, $0x1;
	_ =	strace $0x8000004C;
	[dreg:$0x1] =	wrdreg $0xFFFFFFFF  }
0xa7: {  	s28 =	simm.s32 $_size_execute0_lowered;
	s2 =	sadd.s32 s2, s4;
	[dreg:$0x0] =	wrdreg $0x0  }
0xa8: {  	s4 =	sshll.u32 s28, $0x1;
	[dreg:$0x2] =	wrdreg s2  }
0xa9: {  	[dreg:$0x3] =	wrdreg s4  }
0xaa: {  	[dreg:$0x4] =	wrdreg $0xC0  }
0xab: {  	_ =	task [dreg:s6], $0x5FFFF  }
0xac: {  	[dreg:$0x1] =	wrdreg $0xFFFFFFFF  }
0xad: {  	[dreg:$0x0] =	wrdreg $0x60  }
0xae: {  	[dreg:$0x2] =	wrdreg s24  }
0xaf: {  	[dreg:$0x3] =	wrdreg $0x0  }
0xb0: {  	[dreg:$0x4] =	wrdreg $0x9  }
0xb1: {  	_ =	task.clear_ibuf [dreg:s6], $0x5FFFF;
	_ =	strace $0x9000004C  }
0xb2: {  	s29 =	simm.s32 $0x9;
	_ =	strace $0x8000004E  }
0xb3: {  	_ =	swait.ge [sflag:s29], $0x1  }
0xb4: {  	[sflag:s29] =	ssyncadd.s32 $0xFFFFFFFF  }
0xb5: {  	_ =	strace $0x9000004E  }
0xb6: {  	_ =	sfence  }
0xb7: {  	s30 =	sld [smem:$0x0];
	_ =	sdelay $0x2  }
0xb8: {  	s31 =	sshll.u32 s1, $0xD;
	s1 =	sshrl.u32 s1, $0x2  }
0xb9: {  	s3 =	sand.u32 $0x4000, s31;
	s1 =	sadd.s32 s1, s30  }
0xba: {  	s0 =	sor.u32 s3, s0;
	s1 =	sshll.u32 s1, $0x11  }
0xbb: {  	s0 =	sor.u32 s1, s0  }
0xbc: {  	s0 =	sadd.s32 $0x8F2B, s0  }
0xbd: {  	[sflag:s0] =	ssyncadd.remote.s32 $0x1  }
0xbe: {  	_ =	sfence.sel $0xFFFF  }
0xbf: {  	[dreg:$0x0] =	wrdreg $0xFFFFFFFF;
	(pc) =	sbr.abs _section_cstart, $3  }
0xc0: {  	[dreg:$0x1] =	wrdreg $0xFFFFFFFF  }
0xc1: {  	_ =	task.clear_ibuf [dreg:s6], $0x2FFFF;
	_ =	strace $0x9FFFFFFF  }
0xc2: {  	(tm) =	ssettm $0x7FFFFFFF  }
0xc3: {  	_ =	shalt  }
tec
execute0_lowered:
.L_overlay_start_1:
0x0: {  	(tag) =	ssettag $0x1  }
0x1: {  	s0 =	rddreg [dreg:$0x0]  }
0x2: {  	s2 =	rddreg [dreg:$0x1];
	s3 =	simm.s32 $0x0;
	s13 =	stileid.u32  }
0x3: {  	s1 =	srdreg.scid;
	s29 =	simm.s32 $0x8;
	s30 =	simm.s32 $0x15800  }
0x4: {  	s31 =	simm.s32 $0x19000;
	s28 =	simm.s32 $0x9;
	s14 =	simm.s32 $0x5  }
0x5: {  	[smem:$0x7FF] =	sst s3;
	s8 =	smul.u32 $0x13C00, s13;
	s1 =	sand.u32 $0x1, s1  }
0x6: {  	s4 =	sadd.s32 $0x1EA00, s0;
	s5 =	sadd.s32 $0x9D9C00, s0;
	s6 =	sadd.s32 $0x14C00, s0  }
0x7: {  	s7 =	sadd.s32 $0xAE00, s0;
	s11 =	smul.u32 $0x4F000, s13;
	s20 =	sshll.u32 s13, $0x6  }
0x8: {  	_ =	strace $0x8000004D;
	s9 =	smul.u32 $0x13C000, s1;
	s17 =	sshll.u32 s1, $0x4  }
0x9: {  	s1 =	ssub.s32 $0x2, s1;
	s19 =	sor.u32 $0x1C0B, s20;
	s10 =	sshrl.u32 s8, $0x3  }
0xa: {  	s12 =	sshrl.u32 s1, $0x1;
	s11 =	sshrl.u32 s11, $0x2;
	[dreg:$0x4] =	wrdreg s19  }
0xb: {  	s10 =	sadd.s32 s10, s0;
	s8 =	sadd.s32 s8, s9;
	s9 =	sor.u32 s13, s17  }
0xc: {  	s1 =	ssub.s32 s1, s12;
	s11 =	sadd.s32 s11, s2;
	s13 =	simm.s32 $0x1C800  }
0xd: {  	s8 =	sshrl.u32 s8, $0x3;
	s18 =	smul.u32 $0x2760, s9;
	s10 =	sadd.s32 $0x45C00, s10  }
0xe: {  	s21 =	smul.u32 $0x4EC, s9;
	s26 =	smax.u32 s1, $0x1;
	s20 =	sshrl.u32 s11, $0x3  }
0xf: {  	s1 =	simm.s32 $0x3;
	s11 =	simm.s32 $0x1E580;
	[dreg:$0x3] =	wrdreg s10  }
0x10: {  	s0 =	sadd.s32 s8, s0;
	s8 =	smul.u32 $0xB4, s9;
	[dreg:$0xa] =	wrdreg s26  }
0x11: {  	s9 =	smul.u32 $0x27600, s9;
	s26 =	simm.s32 $0x1E500;
	[dreg:$0xb] =	wrdreg s20  }
0x12: {  	s22 =	sadd.s32 $0x38, s18;
	s23 =	sadd.s32 s6, s21;
	s0 =	sadd.s32 $0x6D400, s0  }
0x13: {  	s21 =	simm.s32 $0xB;
	s18 =	simm.s32 $0x0;
	[dreg:$0x5] =	wrdreg s23  }
0x14: {  	s24 =	sshrl.u32 s22, $0x3;
	s10 =	sshll.u32 s22, $0x4;
	s9 =	sadd.s32 s5, s9  }
.Ltmp0:
0x15: {  	s15 =	sor.u32 $0x2, s8;
	s16 =	sor.u32 $0x3, s8;
	(pc) =	sbr.rel .LBB2_1-.Ltmp0, $4  }
0x16: {  	s17 =	sor.u32 $0x1, s8;
	[dreg:$0x9] =	wrdreg s0;
	s23 =	simm.s32 $0x1E480  }
0x17: {  	s0 =	simm.s32 $0x1;
	s12 =	sadd.s32 s6, s24;
	[dreg:$0x7] =	wrdreg s9  }
0x18: {  	s25 =	sadd.s32 s5, s10;
	s9 =	simm.s32 $0x1AC00;
	[dreg:$0x6] =	wrdreg s12  }
0x19: {  	[dreg:$0x8] =	wrdreg s25;
	s25 =	simm.s32 $0x38;
	s12 =	simm.s32 $0xA  }
.LBB2_11:
0x1a: {  	_ =	swait.ge [sflag:s14], $0x1C00  }
0x1b: {  	[sflag:s14] =	ssyncset.done $0x0  }
0x1c: {  	s10 =	simm.s32 $0x6;
	[sflag:s14] =	ssyncadd.s32 $0xFFFFE400  }
0x1d: {  	_ =	swait.ge [sflag:s10], $0x1C00  }
0x1e: {  	[sflag:s10] =	ssyncset.done $0x0  }
0x1f: {  	[sflag:s10] =	ssyncadd.s32 $0xFFFFE400  }
0x20: {  	[bflag:$0x0] =	sbarrier.arrive $0xFFFF  }
0x21: {  	s19 =	rddreg [dreg:$0x4]  }
0x22: {  	s22 =	rddreg [dreg:$0x9]  }
0x23: {  	s21 =	simm.s32 $0xB;
	s20 =	rddreg [dreg:$0xb]  }
0x24: {  	[hbm:s22], [sflag:s19] =	dma.local [spmem:s20], $0x2780  }
0x25: {  	_ =	swait.ge [sflag:s21], $0x2780  }
0x26: {  	s18 =	sadd.s32 $0x1, s18;
	s24 =	rddreg [dreg:$0xa]  }
0x27: {  	p0 =	sne.s32 s18, s24  }
.Ltmp1:
0x28: {  	_ = 	snop;
	(pc) =	sbr.rel @!p0 .LBB2_12-.Ltmp1, $3  }
0x29: {  	_ =	sdelay $0x1  }
0x2a: {  	[sflag:s21] =	ssyncset.done $0x0  }
0x2b: {  	[sflag:s21] =	ssyncadd.s32 $0xFFFFD880  }
.LBB2_1:
0x2c: {  	s10 =	rddreg [dreg:$0x3]  }
0x2d: {  	[spmem:s20], [sflag:s19] =	dma.local [hbm:s10], $0x2780  }
0x2e: {  	_ =	swait.ge [sflag:s21], $0x2780  }
0x2f: {  	[sflag:s21] =	ssyncset.done $0x0  }
0x30: {  	[sflag:s21] =	ssyncadd.s32 $0xFFFFD880  }
0x31: {  	[bflag:$0x0] =	sbarrier.arrive $0xFFFF  }
0x32: {  	s21 =	simm.s32 $0x1E400;
	s20 =	rddreg [dreg:$0x5]  }
0x33: {  	[tilespmem:s21], [sflag:$0x7] =	stream.linear.gather [hbm4b:s20+s3], $0x38, $0x38;
	[tilespmem:$0x1E600] =	vst v63  }
0x34: {  	s24 =	simm.s32 $0x7;
	s22 =	rddreg [dreg:$0x6]  }
0x35: {  	[tilespmem:s23], [sflag:$0x8] =	stream.linear.gather [hbm4b:s22+s3], $0x38, $0x38;
	[tilespmem:$0x1E600] =	vst v63  }
0x36: {  	_ =	swait.ge [sflag:s24], $0x38  }
0x37: {  	[sflag:s24] =	ssyncset.done $0x0  }
0x38: {  	s20 =	simm.s32 $0x13C00;
	[sflag:s24] =	ssyncadd.s32 $0xFFFFFFC8  }
0x39: {  	[tilespmem:s20], [sflag:$0x1] =	stream.indirect.gather [hbm4b:s4+s25], $0x80, s21, s25, $0xb8;
	[tilespmem:$0x1E600] =	vst v63  }
0x3a: {  	s22 =	simm.s32 $0x17400;
	s21 =	rddreg [dreg:$0x7]  }
0x3b: {  	[tilespmem:s22], [sflag:$0x3] =	stream.linear.gather [hbm4b:s21+s3], $0x1C00, $0x38;
	[tilespmem:$0x1E600] =	vst v63  }
0x3c: {  	_ =	swait.ge [sflag:s29], $0x38  }
0x3d: {  	[sflag:s29] =	ssyncset.done $0x0  }
0x3e: {  	[sflag:s29] =	ssyncadd.s32 $0xFFFFFFC8  }
0x3f: {  	[tilespmem:s30], [sflag:$0x2] =	stream.indirect.gather [hbm4b:s4+s25], $0x80, s23, s25, $0xb8;
	[tilespmem:$0x1E600] =	vst v63  }
0x40: {  	s19 =	simm.s32 $0x0;
	s24 =	rddreg [dreg:$0x8]  }
0x41: {  	[tilespmem:s31], [sflag:$0x4] =	stream.linear.gather [hbm4b:s24+s3], $0x1C00, $0x38;
	[tilespmem:$0x1E600] =	vst v63  }
.LBB2_2:
0x42: {  	p0 =	seq.s32 s19, $0x59  }
0x43: {  	_ =	swait.ge [sflag:s0], $0x1C00;
	p1 =	seq.s32 @!p0 s19, $0x0  }
0x44: {  	s24 =	sshll.u32 s19, $0x1;
	[sflag:s0] =	ssyncset.done $0x0;
	p1 =	por p0, !p1  }
.Ltmp2:
0x45: {  	s22 =	sadd.s32 @!p0 s24, s15;
	[sflag:s0] =	ssyncadd.s32 $0xFFFFE400;
	(pc) =	sbr.rel @!p1 .LBB2_3-.Ltmp2, $4  }
0x46: {  	s10 =	smul.u32 @!p0 $0x7, s22;
	_ =	swait.ge [sflag:s1], $0x1C00  }
0x47: {  	s20 =	simm.s32 @!p0 $0x0;
	[sflag:s1] =	ssyncset.done $0x0  }
0x48: {  	s21 =	simm.s32 @!p0 $0x1E400;
	s10 =	sadd.s32 @!p0 s6, s10;
	[sflag:s1] =	ssyncadd.s32 $0xFFFFE400  }
0x49: {  	[tilespmem:s21], [sflag:$0x7] =	stream.linear.gather @!p0 [hbm4b:s10+s20], $0x38, $0x38;
	[tilespmem:$0x1E600] =	vst v63  }
.Ltmp3:
0x4a: {  	(pc) =	sbr.rel .LBB2_5-.Ltmp3, $4  }
0x4b: {  	_ = 	snop  }
0x4c: {  	_ =	swait.ge [sflag:s14], $0x1C00  }
0x4d: {  	[sflag:s14] =	ssyncset.done $0x0  }
0x4e: {  	p1 =	por $0x0, $0x0;
	[sflag:s14] =	ssyncadd.s32 $0xFFFFE400  }
.LBB2_3:
0x4f: {  	p1 =	por @!p0 $0x1, $0x1  }
.LBB2_5:
0x50: {  	s10 =	sadd.s32 s8, s24  }
0x51: {  	s10 =	smul.u32 $0x7, s10;
	_ =	sdelay $0x1  }
0x52: {  	s20 =	simm.s32 $0x0;
	s10 =	sadd.s32 s7, s10  }
0x53: {  	[tilespmem:s26], [sflag:$0x9] =	stream.linear.gather [hbm4b:s10+s20], $0x38, $0x38;
	[tilespmem:$0x1E600] =	vst v63  }
0x54: {  	s10 =	simm.s32 $0x0  }
0x55: {  	v0 =	vld [tilespmem:s10+$0x13C70]  }
0x56: {  	v1 =	vld [tilespmem:s10+$0x17470]  }
0x57: {  	v2 =	vld [tilespmem:s10+$0x13C00]  }
0x58: {  	v3 =	vld [tilespmem:s10+$0x17400]  }
0x59: {  	v4 =	vld [tilespmem:s10+$0x13C10]  }
0x5a: {  	v5 =	vld [tilespmem:s10+$0x17410]  }
0x5b: {  	v6 =	vld [tilespmem:s10+$0x13C20]  }
0x5c: {  	v0 =	vadd.f32 v1, v0;
	v1 =	vld [tilespmem:s10+$0x17420]  }
0x5d: {  	v7 =	vld [tilespmem:s10+$0x13C30]  }
0x5e: {  	v8 =	vld [tilespmem:s10+$0x17430];
	v2 =	vadd.f32 v3, v2  }
0x5f: {  	v9 =	vld [tilespmem:s10+$0x13C40];
	v0 =	vmax.f32 v0, $0.0e+00  }
0x60: {  	[tilespmem:s10+$0x1AC70] =	vst v0;
	v0 =	vmax.f32 v2, $0.0e+00;
	v2 =	vadd.f32 v5, v4;
	v5 =	vld [tilespmem:s10+$0x17440]  }
0x61: {  	v3 =	vld [tilespmem:s10+$0x17450];
	v1 =	vadd.f32 v1, v6  }
0x62: {  	[tilespmem:s10+$0x1AC00] =	vst v0;
	v0 =	vld [tilespmem:s10+$0x13C50];
	v2 =	vmax.f32 v2, $0.0e+00  }
0x63: {  	v4 =	vld [tilespmem:s10+$0x17460];
	v6 =	vadd.f32 v8, v7;
	[tilespmem:s10+$0x1AC10] =	vst v2;
	v2 =	vmax.f32 v1, $0.0e+00  }
0x64: {  	s20 =	simm.s32 $0x80;
	v1 =	vld [tilespmem:s10+$0x13C60];
	[tilespmem:s10+$0x1AC20] =	vst v2  }
0x65: {  	s21 =	simm.s32 $0x400;
	v6 =	vmax.f32 v6, $0.0e+00;
	v5 =	vadd.f32 v5, v9;
	v2 =	vld [tilespmem:s20+$0x13C70]  }
.LBB2_6:
0x66: {  	p2 =	sne.s32 s21, $0x6E00;
	v7 =	vld [tilespmem:s20+$0x17470];
	[tilespmem:s10+$0x1AC30] =	vst v6  }
0x67: {  	v6 =	vld [tilespmem:s20+$0x13C00];
	v5 =	vmax.f32 v5, $0.0e+00;
	v0 =	vadd.f32 v3, v0  }
0x68: {  	v3 =	vld [tilespmem:s20+$0x17400];
	[tilespmem:s10+$0x1AC40] =	vst v5  }
0x69: {  	v5 =	vld [tilespmem:s20+$0x13C10];
	v0 =	vmax.f32 v0, $0.0e+00;
	v1 =	vadd.f32 v4, v1  }
0x6a: {  	v4 =	vld [tilespmem:s20+$0x17410];
	[tilespmem:s10+$0x1AC50] =	vst v0  }
0x6b: {  	v0 =	vld [tilespmem:s20+$0x13C20];
	v2 =	vadd.f32 v7, v2;
	v1 =	vmax.f32 v1, $0.0e+00  }
0x6c: {  	v7 =	vld [tilespmem:s20+$0x17420];
	[tilespmem:s10+$0x1AC60] =	vst v1;
	s10 =	smov.u32 s20  }
0x6d: {  	v1 =	vadd.f32 v3, v6;
	v6 =	vld [tilespmem:s10+$0x13C30];
	v2 =	vmax.f32 v2, $0.0e+00  }
0x6e: {  	v8 =	vld [tilespmem:s10+$0x17430];
	[tilespmem:s10+$0x1AC70] =	vst v2  }
0x6f: {  	v1 =	vmax.f32 v1, $0.0e+00;
	v2 =	vadd.f32 v4, v5;
	v5 =	vld [tilespmem:s10+$0x13C40]  }
0x70: {  	[tilespmem:s10+$0x1AC00] =	vst v1;
	v9 =	vld [tilespmem:s10+$0x17440]  }
.Ltmp4:
0x71: {  	v1 =	vmax.f32 v2, $0.0e+00;
	v2 =	vadd.f32 v7, v0;
	v0 =	vld [tilespmem:s10+$0x13C50];
	(pc) =	sbr.rel @p2 .LBB2_6-.Ltmp4, $4  }
0x72: {  	[tilespmem:s10+$0x1AC10] =	vst v1;
	v3 =	vld [tilespmem:s10+$0x17450]  }
0x73: {  	v2 =	vmax.f32 v2, $0.0e+00;
	v6 =	vadd.f32 v8, v6;
	v1 =	vld [tilespmem:s10+$0x13C60]  }
0x74: {  	s20 =	sshra.s32 s21, $0x2;
	[tilespmem:s10+$0x1AC20] =	vst v2;
	v4 =	vld [tilespmem:s10+$0x17460]  }
0x75: {  	s21 =	sadd.s32 $0x200, s21;
	v2 =	vld [tilespmem:s20+$0x13C70];
	v6 =	vmax.f32 v6, $0.0e+00;
	v5 =	vadd.f32 v9, v5  }
0x76: {  	v7 =	vld [tilespmem:s20+$0x17470];
	[tilespmem:s10+$0x1AC30] =	vst v6  }
0x77: {  	v6 =	vld [tilespmem:s20+$0x13C00];
	v5 =	vmax.f32 v5, $0.0e+00;
	v0 =	vadd.f32 v3, v0  }
0x78: {  	v8 =	vld [tilespmem:s20+$0x17400];
	[tilespmem:s10+$0x1AC40] =	vst v5  }
0x79: {  	v3 =	vld [tilespmem:s20+$0x13C10];
	v0 =	vmax.f32 v0, $0.0e+00;
	v1 =	vadd.f32 v4, v1  }
0x7a: {  	v5 =	vld [tilespmem:s20+$0x17410];
	[tilespmem:s10+$0x1AC50] =	vst v0  }
0x7b: {  	v0 =	vld [tilespmem:s20+$0x13C20];
	v1 =	vmax.f32 v1, $0.0e+00  }
0x7c: {  	v4 =	vld [tilespmem:s20+$0x17420];
	v2 =	vadd.f32 v7, v2;
	[tilespmem:s10+$0x1AC60] =	vst v1  }
0x7d: {  	v6 =	vadd.f32 v8, v6;
	v1 =	vld [tilespmem:s20+$0x13C30]  }
0x7e: {  	v2 =	vmax.f32 v2, $0.0e+00;
	v7 =	vld [tilespmem:s20+$0x17430]  }
0x7f: {  	[tilespmem:s20+$0x1AC70] =	vst v2;
	v2 =	vmax.f32 v6, $0.0e+00;
	v6 =	vld [tilespmem:s20+$0x13C40]  }
0x80: {  	v3 =	vadd.f32 v5, v3;
	v5 =	vld [tilespmem:s20+$0x13C50]  }
0x81: {  	[tilespmem:s20+$0x1AC00] =	vst v2;
	v2 =	vld [tilespmem:s20+$0x17440];
	v0 =	vadd.f32 v4, v0  }
0x82: {  	v3 =	vmax.f32 v3, $0.0e+00;
	v4 =	vld [tilespmem:s20+$0x13C60]  }
0x83: {  	[tilespmem:s20+$0x1AC10] =	vst v3;
	v3 =	vld [tilespmem:s20+$0x17450];
	v0 =	vmax.f32 v0, $0.0e+00  }
0x84: {  	[tilespmem:s20+$0x1AC20] =	vst v0;
	v0 =	vld [tilespmem:s20+$0x17460];
	_ =	sdelay $0x1  }
0x85: {  	v1 =	vadd.f32 v7, v1  }
0x86: {  	v2 =	vadd.f32 v2, v6  }
0x87: {  	v1 =	vmax.f32 v1, $0.0e+00;
	v3 =	vadd.f32 v3, v5  }
0x88: {  	[tilespmem:s20+$0x1AC30] =	vst v1;
	v1 =	vmax.f32 v2, $0.0e+00;
	v0 =	vadd.f32 v0, v4  }
0x89: {  	[tilespmem:s20+$0x1AC40] =	vst v1;
	v1 =	vmax.f32 v3, $0.0e+00  }
0x8a: {  	[tilespmem:s20+$0x1AC50] =	vst v1;
	v0 =	vmax.f32 v0, $0.0e+00  }
0x8b: {  	[tilespmem:s20+$0x1AC60] =	vst v0  }
0x8c: {  	_ =	swait.ge [sflag:s28], $0x38  }
0x8d: {  	[sflag:s28] =	ssyncset.done $0x0  }
0x8e: {  	s10 =	simm.s32 @p0 $0x2;
	[sflag:s28] =	ssyncadd.s32 $0xFFFFFFC8  }
0x8f: {  	[spmem:s2] =	stream.indirect.scatter.add.f32 [tilespmem:s9], [sflag:$0x5], $0x80, s26, s25, $0xb8;
	[tilespmem:$0x1E600] =	vst v63  }
0x90: {  	_ =	swait.ge @p0 [sflag:s10], $0x1C00  }
0x91: {  	[sflag:s10] =	ssyncset.done @p0 $0x0  }
0x92: {  	[sflag:s10] =	ssyncadd.s32 @p0 $0xFFFFE400;
	s10 =	simm.s32 @p0 $0x4  }
0x93: {  	_ =	swait.ge @p0 [sflag:s10], $0x1C00  }
0x94: {  	[sflag:s10] =	ssyncset.done @p0 $0x0  }
0x95: {  	[sflag:s10] =	ssyncadd.s32 @p0 $0xFFFFE400;
	s10 =	simm.s32 @!p0 $0x7  }
0x96: {  	_ =	swait.ge @!p0 [sflag:s10], $0x38  }
0x97: {  	s21 =	simm.s32 @!p0 $0x13C00;
	s22 =	smul.u32 @!p0 $0x380, s22;
	[sflag:s10] =	ssyncset.done @!p0 $0x0  }
0x98: {  	s20 =	simm.s32 @!p0 $0x1E400;
	[sflag:s10] =	ssyncadd.s32 @!p0 $0xFFFFFFC8;
	s10 =	simm.s32 @!p0 $0x38  }
0x99: {  	[tilespmem:s21], [sflag:$0x1] =	stream.indirect.gather @!p0 [hbm4b:s4+s10], $0x80, s20, s10, $0xb8;
	[tilespmem:$0x1E600] =	vst v63  }
0x9a: {  	s10 =	sadd.s32 @!p0 s5, s22;
	s20 =	simm.s32 @!p0 $0x0;
	s21 =	simm.s32 @!p0 $0x17400  }
0x9b: {  	[tilespmem:s21], [sflag:$0x3] =	stream.linear.gather @!p0 [hbm4b:s10+s20], $0x1C00, $0x38;
	[tilespmem:$0x1E600] =	vst v63  }
0x9c: {  	s10 =	simm.s32 @!p0 $0x2  }
0x9d: {  	_ =	swait.ge @!p0 [sflag:s10], $0x1C00  }
0x9e: {  	[sflag:s10] =	ssyncset.done @!p0 $0x0  }
0x9f: {  	s21 =	sadd.s32 @!p0 s24, s16;
	[sflag:s10] =	ssyncadd.s32 @!p0 $0xFFFFE400;
	s10 =	simm.s32 @!p0 $0x4  }
0xa0: {  	s21 =	smul.u32 @!p0 $0x7, s21;
	_ =	swait.ge @!p0 [sflag:s10], $0x1C00  }
0xa1: {  	[sflag:s10] =	ssyncset.done @!p0 $0x0  }
0xa2: {  	[sflag:s10] =	ssyncadd.s32 @!p0 $0xFFFFE400;
	s10 =	sadd.s32 @!p0 s6, s21;
	s21 =	simm.s32 @!p0 $0x1E480  }
0xa3: {  	[tilespmem:s21], [sflag:$0x8] =	stream.linear.gather @!p0 [hbm4b:s10+s20], $0x38, $0x38;
	[tilespmem:$0x1E600] =	vst v63  }
0xa4: {  	s22 =	sadd.s32 s24, s17;
	s10 =	simm.s32 @!p1 $0x6  }
0xa5: {  	s20 =	smul.u32 $0x7, s22;
	_ =	swait.ge @!p1 [sflag:s10], $0x1C00  }
0xa6: {  	s22 =	simm.s32 $0x0;
	[sflag:s10] =	ssyncset.done @!p1 $0x0  }
0xa7: {  	s21 =	sadd.s32 s7, s20;
	[sflag:s10] =	ssyncadd.s32 @!p1 $0xFFFFE400;
	s10 =	simm.s32 $0x0  }
0xa8: {  	[tilespmem:s11], [sflag:$0xA] =	stream.linear.gather [hbm4b:s21+s22], $0x38, $0x38;
	[tilespmem:$0x1E600] =	vst v63  }
0xa9: {  	v0 =	vld [tilespmem:s10+$0x15870]  }
0xaa: {  	v1 =	vld [tilespmem:s10+$0x19070]  }
0xab: {  	v2 =	vld [tilespmem:s10+$0x15800]  }
0xac: {  	v3 =	vld [tilespmem:s10+$0x19000]  }
0xad: {  	v4 =	vld [tilespmem:s10+$0x15810]  }
0xae: {  	v5 =	vld [tilespmem:s10+$0x19010]  }
0xaf: {  	v6 =	vld [tilespmem:s10+$0x15820]  }
0xb0: {  	v0 =	vadd.f32 v1, v0;
	v1 =	vld [tilespmem:s10+$0x19020]  }
0xb1: {  	v7 =	vld [tilespmem:s10+$0x15830]  }
0xb2: {  	v8 =	vld [tilespmem:s10+$0x19030];
	v2 =	vadd.f32 v3, v2  }
0xb3: {  	v9 =	vld [tilespmem:s10+$0x15840];
	v0 =	vmax.f32 v0, $0.0e+00  }
0xb4: {  	[tilespmem:s10+$0x1C870] =	vst v0;
	v0 =	vmax.f32 v2, $0.0e+00;
	v2 =	vadd.f32 v5, v4;
	v5 =	vld [tilespmem:s10+$0x19040]  }
0xb5: {  	v3 =	vld [tilespmem:s10+$0x19050];
	v1 =	vadd.f32 v1, v6  }
0xb6: {  	[tilespmem:s10+$0x1C800] =	vst v0;
	v0 =	vld [tilespmem:s10+$0x15850];
	v2 =	vmax.f32 v2, $0.0e+00  }
0xb7: {  	v4 =	vld [tilespmem:s10+$0x19060];
	v6 =	vadd.f32 v8, v7;
	[tilespmem:s10+$0x1C810] =	vst v2;
	v2 =	vmax.f32 v1, $0.0e+00  }
0xb8: {  	s20 =	simm.s32 $0x80;
	v1 =	vld [tilespmem:s10+$0x15860];
	[tilespmem:s10+$0x1C820] =	vst v2  }
0xb9: {  	s21 =	simm.s32 $0x400;
	v6 =	vmax.f32 v6, $0.0e+00;
	v5 =	vadd.f32 v5, v9;
	v2 =	vld [tilespmem:s20+$0x15870]  }
.LBB2_8:
0xba: {  	p1 =	sne.s32 s21, $0x6E00;
	v7 =	vld [tilespmem:s20+$0x19070];
	[tilespmem:s10+$0x1C830] =	vst v6  }
0xbb: {  	v6 =	vld [tilespmem:s20+$0x15800];
	v5 =	vmax.f32 v5, $0.0e+00;
	v0 =	vadd.f32 v3, v0  }
0xbc: {  	v3 =	vld [tilespmem:s20+$0x19000];
	[tilespmem:s10+$0x1C840] =	vst v5  }
0xbd: {  	v5 =	vld [tilespmem:s20+$0x15810];
	v0 =	vmax.f32 v0, $0.0e+00;
	v1 =	vadd.f32 v4, v1  }
0xbe: {  	v4 =	vld [tilespmem:s20+$0x19010];
	[tilespmem:s10+$0x1C850] =	vst v0  }
0xbf: {  	v0 =	vld [tilespmem:s20+$0x15820];
	v2 =	vadd.f32 v7, v2;
	v1 =	vmax.f32 v1, $0.0e+00  }
0xc0: {  	v7 =	vld [tilespmem:s20+$0x19020];
	[tilespmem:s10+$0x1C860] =	vst v1;
	s10 =	smov.u32 s20  }
0xc1: {  	v1 =	vadd.f32 v3, v6;
	v6 =	vld [tilespmem:s10+$0x15830];
	v2 =	vmax.f32 v2, $0.0e+00  }
0xc2: {  	v8 =	vld [tilespmem:s10+$0x19030];
	[tilespmem:s10+$0x1C870] =	vst v2  }
0xc3: {  	v1 =	vmax.f32 v1, $0.0e+00;
	v2 =	vadd.f32 v4, v5;
	v5 =	vld [tilespmem:s10+$0x15840]  }
0xc4: {  	[tilespmem:s10+$0x1C800] =	vst v1;
	v9 =	vld [tilespmem:s10+$0x19040]  }
.Ltmp5:
0xc5: {  	v1 =	vmax.f32 v2, $0.0e+00;
	v2 =	vadd.f32 v7, v0;
	v0 =	vld [tilespmem:s10+$0x15850];
	(pc) =	sbr.rel @p1 .LBB2_8-.Ltmp5, $4  }
0xc6: {  	[tilespmem:s10+$0x1C810] =	vst v1;
	v3 =	vld [tilespmem:s10+$0x19050]  }
0xc7: {  	v2 =	vmax.f32 v2, $0.0e+00;
	v6 =	vadd.f32 v8, v6;
	v1 =	vld [tilespmem:s10+$0x15860]  }
0xc8: {  	s20 =	sshra.s32 s21, $0x2;
	[tilespmem:s10+$0x1C820] =	vst v2;
	v4 =	vld [tilespmem:s10+$0x19060]  }
0xc9: {  	s21 =	sadd.s32 $0x200, s21;
	v2 =	vld [tilespmem:s20+$0x15870];
	v6 =	vmax.f32 v6, $0.0e+00;
	v5 =	vadd.f32 v9, v5  }
0xca: {  	v7 =	vld [tilespmem:s20+$0x19070];
	[tilespmem:s10+$0x1C830] =	vst v6  }
0xcb: {  	v6 =	vld [tilespmem:s20+$0x15800];
	v5 =	vmax.f32 v5, $0.0e+00;
	v0 =	vadd.f32 v3, v0  }
0xcc: {  	v8 =	vld [tilespmem:s20+$0x19000];
	[tilespmem:s10+$0x1C840] =	vst v5  }
0xcd: {  	v52 =	vld [tilespmem:s20+$0x15810];
	v0 =	vmax.f32 v0, $0.0e+00;
	v1 =	vadd.f32 v4, v1  }
0xce: {  	v5 =	vld [tilespmem:s20+$0x19010];
	[tilespmem:s10+$0x1C850] =	vst v0  }
0xcf: {  	v0 =	vld [tilespmem:s20+$0x15820];
	v1 =	vmax.f32 v1, $0.0e+00  }
0xd0: {  	v53 =	vld [tilespmem:s20+$0x19020];
	[tilespmem:s10+$0x1C860] =	vst v1  }
0xd1: {  	v1 =	vld [tilespmem:s20+$0x15830]  }
0xd2: {  	v54 =	vld [tilespmem:s20+$0x19030]  }
0xd3: {  	v56 =	vld [tilespmem:s20+$0x15840]  }
0xd4: {  	v57 =	vld [tilespmem:s20+$0x19040]  }
0xd5: {  	v58 =	vld [tilespmem:s20+$0x15850]  }
0xd6: {  	v2 =	vadd.f32 v7, v2;
	v59 =	vld [tilespmem:s20+$0x19050]  }
0xd7: {  	v6 =	vadd.f32 v8, v6;
	v60 =	vld [tilespmem:s20+$0x15860]  }
0xd8: {  	v2 =	vmax.f32 v2, $0.0e+00;
	v61 =	vld [tilespmem:s20+$0x19060];
	v3 =	vadd.f32 v5, v52  }
0xd9: {  	[tilespmem:s20+$0x1C870] =	vst v2;
	v55 =	vmax.f32 v6, $0.0e+00;
	v0 =	vadd.f32 v53, v0  }
0xda: {  	[tilespmem:s20+$0x1C800] =	vst v55;
	v3 =	vmax.f32 v3, $0.0e+00;
	v1 =	vadd.f32 v54, v1  }
0xdb: {  	[tilespmem:s20+$0x1C810] =	vst v3;
	v0 =	vmax.f32 v0, $0.0e+00;
	v2 =	vadd.f32 v57, v56  }
0xdc: {  	v3 =	vadd.f32 v59, v58;
	[tilespmem:s20+$0x1C820] =	vst v0;
	v1 =	vmax.f32 v1, $0.0e+00  }
0xdd: {  	v0 =	vadd.f32 v61, v60;
	v62 =	vmax.f32 v2, $0.0e+00;
	[tilespmem:s20+$0x1C830] =	vst v1  }
0xde: {  	v63 =	vmax.f32 v3, $0.0e+00;
	[tilespmem:s20+$0x1C840] =	vst v62  }
0xdf: {  	[tilespmem:s20+$0x1C850] =	vst v63;
	v0 =	vmax.f32 v0, $0.0e+00  }
.Ltmp6:
0xe0: {  	[tilespmem:s20+$0x1C860] =	vst v0;
	(pc) =	sbr.rel @p0 .LBB2_11-.Ltmp6, $4  }
0xe1: {  	_ =	swait.ge [sflag:s12], $0x38  }
0xe2: {  	[sflag:s12] =	ssyncset.done $0x0  }
0xe3: {  	[sflag:s12] =	ssyncadd.s32 $0xFFFFFFC8  }
0xe4: {  	[spmem:s2] =	stream.indirect.scatter.add.f32 [tilespmem:s13], [sflag:$0x6], $0x80, s11, s25, $0xb8;
	[tilespmem:$0x1E600] =	vst v63  }
0xe5: {  	_ =	swait.ge [sflag:s29], $0x38  }
.Ltmp7:
0xe6: {  	s10 =	sadd.s32 s24, s16;
	[sflag:s29] =	ssyncset.done $0x0;
	(pc) =	sbr.rel .LBB2_2-.Ltmp7, $4  }
0xe7: {  	s10 =	smul.u32 $0x380, s10;
	[sflag:s29] =	ssyncadd.s32 $0xFFFFFFC8  }
0xe8: {  	[tilespmem:s30], [sflag:$0x2] =	stream.indirect.gather [hbm4b:s4+s25], $0x80, s23, s25, $0xb8;
	[tilespmem:$0x1E600] =	vst v63  }
0xe9: {  	s19 =	sadd.s32 $0x1, s19;
	s10 =	sadd.s32 s5, s10  }
0xea: {  	[tilespmem:s31], [sflag:$0x4] =	stream.linear.gather [hbm4b:s10+s3], $0x1C00, $0x38;
	[tilespmem:$0x1E600] =	vst v63  }
.LBB2_12:
0xeb: {  	_ =	sfence.sel $0x180000  }
0xec: {  	[bflag:$0x0] =	sbarrier.arrive $0xFFFF  }
0xed: {  	_ =	strace $0x9000004D  }
0xee: {  	s0 =	stileid.u32;
	[bflag:$0x2] =	sbarrier.arrive $0xFFFF  }
0xef: {  	p0 =	sne.s32 s0, $0x0;
	s0 =	rddreg [dreg:$0x2]  }
0xf0: {  	s0 =	sadd.s32 @!p0 $0x100000, s0  }
0xf1: {  	[sflag:s0] =	ssyncadd.tile.s32 @!p0 $0x1;
	_ =	shalt  }
.Lfunc_end2:
_tile_overlayer_lowered:
.L_overlay_start_2:
0xf2: {  	(tag) =	ssettag $0x2  }
0xf3: {  	s0 =	rddreg [dreg:$0x0];
	s2 =	stileid.u32  }
0xf4: {  	s1 =	rddreg [dreg:$0x1];
	p0 =	sne.s32 s2, $0x0  }
0xf5: {  	s3 =	rddreg [dreg:$0x2];
	[bflag:$0x3] =	sbarrier.arrive $0xFFFF;
	s2 =	simm.s32 @!p0 $0x1C0B  }
0xf6: {  	[timem:s3], [sflag:s2] =	dma.local @!p0 [hbm:s0], s1  }
0xf7: {  	s0 =	simm.s32 @!p0 $0xB  }
0xf8: {  	_ =	swait.ge @!p0 [sflag:s0], s1  }
0xf9: {  	s1 =	ssub.s32 @!p0 $0x0, s1;
	[sflag:s0] =	ssyncset.done @!p0 $0x0  }
0xfa: {  	[sflag:s0] =	ssyncadd.s32 @!p0 s1  }
0xfb: {  	[bflag:$0x3] =	sbarrier.arrive $0xFFFF  }
0xfc: {  	_ =	shalt  }

// kernel: kernel.34.cloned.1.call-start
scs
__scs_entry_jumppad:
0x0: {  	(pc) =	sbr.rel $0x88, $3  }
0x1: {  	(tag) =	ssettag $0x0;
	lr =	simm.s32 $0x1  }
0x2: {  	[smem:$0x3F8F] =	sst lr;
	_ =	strace $0xD0000000  }
0x3: {  	_ = 	snop  }
0x4: {  	_ = 	snop  }
0x5: {  	_ = 	snop  }
0x6: {  	_ = 	snop  }
0x7: {  	_ = 	snop  }
__scs_overlays_trampoline_lowered:
0x8: {  	[smem:$0x3F9E] =	sst s0  }
0x9: {  	[smem:$0x3F9F] =	sst s1  }
0xa: {  	[smem:$0x3FA0] =	sst s2  }
0xb: {  	[smem:$0x3FA1] =	sst s3  }
0xc: {  	[smem:$0x3FA2] =	sst s4  }
0xd: {  	[smem:$0x3FA3] =	sst s5  }
0xe: {  	[smem:$0x3FA4] =	sst s6  }
0xf: {  	[smem:$0x3FA5] =	sst s7  }
0x10: {  	[smem:$0x3FA6] =	sst s8  }
0x11: {  	[smem:$0x3FA7] =	sst s9;
	s0 =	simm.s32 @!p0 $0x0  }
0x12: {  	s1 =	sld [smem:$0x3F8D];
	s0 =	simm.s32 @p0 $0x1  }
0x13: {  	[smem:$0x3FA8] =	sst s0;
	s0 =	simm.s32 @!p1 $0x0  }
0x14: {  	s2 =	sld [smem:$0x3F8C];
	s0 =	simm.s32 @p1 $0x1  }
0x15: {  	[smem:$0x3FA9] =	sst s0;
	s0 =	simm.s32 @!p2 $0x0  }
0x16: {  	s3 =	sld [smem:$0x3FDB];
	s0 =	simm.s32 @p2 $0x1  }
0x17: {  	s4 =	simm.s32 $0x1BF5;
	[smem:$0x3FAB] =	sst s0  }
0x18: {  	s0 =	sld [smem:$0x3F8E];
	_ =	swait.ge [sflag:s4], $0x0  }
0x19: {  	s7 =	sld [smem:$0x3F8F]  }
0x1a: {  	s8 =	sadd.s32 $0xFFFFE003, lr  }
0x1b: {  	s9 =	sadd.s32 $0xFFFFFEF7, lr;
	s5 =	simm.s32 $0xFFFFFFFF;
	p2 =	slt.u32 s8, $0xFFFFF086  }
0x1c: {  	p1 =	slt.u32 s9, $0xF7A;
	s5 =	simm.s32 @!p2 $0x0  }
0x1d: {  	s5 =	simm.s32 @p1 $0x1;
	p0 =	seq.s32 s7, s2  }
0x1e: {  	s7 =	smul.u32 @!p0 $0xF7A, s2;
	p2 =	seq.s32 @!p0 s5, $0x0  }
0x1f: {  	s9 =	smul.u32 $0xF7A, s1;
	s8 =	simm.s32 @!p0 $0x1BF5;
	p2 =	por !p2, p0  }
0x20: {  	[sflag:s8] =	ssyncset.s32 @!p0 $0xFFFFF086;
	s6 =	sadd.s32 @!p0 s3, s7;
	s7 =	simm.s32 @!p0 $0x108  }
0x21: {  	s3 =	sadd.s32 s3, s9;
	s6 =	sadd.s32 @!p0 $0x88, s6;
	s7 =	simm.s32 @p2 $0x1082  }
0x22: {  	[simem:s7], [sflag:s8] =	dma.local @!p0 [hbm:s6], $0xF7A  }
0x23: {  	s9 =	sor.u32 $0xD0000000, s2;
	s6 =	simm.s32 $0x108;
	_ =	swait.ge @!p0 [sflag:s8], $0x0  }
0x24: {  	s3 =	sadd.s32 $0x88, s3;
	s6 =	simm.s32 @!p1 $0x1082;
	[sflag:s4] =	ssyncset.s32 $0xFFFFF086  }
0x25: {  	[simem:s6], [sflag:s4] =	dma.local [hbm:s3], $0xF7A  }
0x26: {  	[smem:$0x3F8F] =	sst s1;
	(tag) =	ssettag s2;
	_ =	strace s9  }
0x27: {  	s1 =	sld [smem:$0x3F9F]  }
0x28: {  	s2 =	sld [smem:$0x3FA0]  }
0x29: {  	s4 =	sld [smem:$0x3FA2]  }
0x2a: {  	p0 =	seq.s32 s5, $0x0;
	s5 =	sld [smem:$0x3FA3]  }
0x2b: {  	s6 =	sld [smem:$0x3FA4]  }
0x2c: {  	s7 =	sld [smem:$0x3FA5]  }
0x2d: {  	s3 =	simm.s32 $0x108;
	s8 =	sld [smem:$0x3FA6]  }
0x2e: {  	s3 =	simm.s32 @!p0 $0x1082;
	s9 =	sld [smem:$0x3FA7]  }
0x2f: {  	lr =	sadd.s32 s0, s3;
	s0 =	sld [smem:$0x3F9E]  }
0x30: {  	s3 =	sld [smem:$0x3FA1]  }
0x31: {  	[smem:$0x3FAA] =	sst s10  }
0x32: {  	s10 =	sld [smem:$0x3FA8];
	_ =	sdelay $0x3  }
0x33: {  	p0 =	seq.s32 s10, $0x1;
	s10 =	sld [smem:$0x3FAA];
	_ =	sdelay $0x3  }
0x34: {  	[smem:$0x3FAA] =	sst s10  }
0x35: {  	s10 =	sld [smem:$0x3FA9];
	_ =	sdelay $0x3  }
0x36: {  	p1 =	seq.s32 s10, $0x1;
	s10 =	sld [smem:$0x3FAA];
	_ =	sdelay $0x3  }
0x37: {  	[smem:$0x3FAA] =	sst s10  }
0x38: {  	s10 =	sld [smem:$0x3FAB]  }
0x39: {  	_ = 	snop;
	(pc) =	sbr.ind lr, $3  }
0x3a: {  	_ = 	snop  }
0x3b: {  	_ = 	snop  }
0x3c: {  	p2 =	seq.s32 s10, $0x1;
	s10 =	sld [smem:$0x3FAA]  }
0x3d: {  	_ =	shalt  }
0x3e: {  	_ =	shalt  }
0x3f: {  	_ =	shalt  }
0x40: {  	_ =	shalt  }
0x41: {  	_ =	shalt  }
0x42: {  	_ =	shalt  }
0x43: {  	_ =	shalt  }
0x44: {  	_ =	shalt  }
0x45: {  	_ =	shalt  }
0x46: {  	_ =	shalt  }
0x47: {  	_ =	shalt  }
0x48: {  	_ =	shalt  }
0x49: {  	_ =	shalt  }
0x4a: {  	_ =	shalt  }
0x4b: {  	_ =	shalt  }
0x4c: {  	_ =	shalt  }
0x4d: {  	_ =	shalt  }
0x4e: {  	_ =	shalt  }
0x4f: {  	_ =	shalt  }
0x50: {  	_ =	shalt  }
0x51: {  	_ =	shalt  }
0x52: {  	_ =	shalt  }
0x53: {  	_ =	shalt  }
0x54: {  	_ =	shalt  }
0x55: {  	_ =	shalt  }
0x56: {  	_ =	shalt  }
0x57: {  	_ =	shalt  }
0x58: {  	_ =	shalt  }
0x59: {  	_ =	shalt  }
0x5a: {  	_ =	shalt  }
0x5b: {  	_ =	shalt  }
0x5c: {  	_ =	shalt  }
0x5d: {  	_ =	shalt  }
0x5e: {  	_ =	shalt  }
0x5f: {  	_ =	shalt  }
0x60: {  	_ =	shalt  }
0x61: {  	_ =	shalt  }
0x62: {  	_ =	shalt  }
0x63: {  	_ =	shalt  }
0x64: {  	_ =	shalt  }
0x65: {  	_ =	shalt  }
0x66: {  	_ =	shalt  }
0x67: {  	_ =	shalt  }
0x68: {  	_ =	shalt  }
0x69: {  	_ =	shalt  }
0x6a: {  	_ =	shalt  }
0x6b: {  	_ =	shalt  }
0x6c: {  	_ =	shalt  }
0x6d: {  	_ =	shalt  }
0x6e: {  	_ =	shalt  }
0x6f: {  	_ =	shalt  }
0x70: {  	_ =	shalt  }
0x71: {  	_ =	shalt  }
0x72: {  	_ =	shalt  }
0x73: {  	_ =	shalt  }
0x74: {  	_ =	shalt  }
0x75: {  	_ =	shalt  }
0x76: {  	_ =	shalt  }
0x77: {  	_ =	shalt  }
0x78: {  	_ =	shalt  }
0x79: {  	_ =	shalt  }
0x7a: {  	_ =	shalt  }
0x7b: {  	_ =	shalt  }
0x7c: {  	_ =	shalt  }
0x7d: {  	_ =	shalt  }
0x7e: {  	_ =	shalt  }
0x7f: {  	_ =	shalt  }
0x80: {  	_ =	shalt  }
0x81: {  	_ =	shalt  }
0x82: {  	_ =	shalt  }
0x83: {  	_ =	shalt  }
0x84: {  	_ =	shalt  }
0x85: {  	_ =	shalt  }
0x86: {  	_ =	shalt  }
0x87: {  	_ =	shalt  }
.Lfunc_end0:
.L_simem_size_0:
called_computation.3_lowered:
.L_overlay_start_0:
0x88: {  	s2 =	sld [smem:$0x3FD9]  }
0x89: {  	s3 =	sld [smem:$0x3FFE];
	_ =	sdelay $0x1  }
0x8a: {  	s1 =	srdreg.scid  }
0x8b: {  	s0 =	sand.u32 $0x1, s1  }
0x8c: {  	s16 =	sshll.u32 s0, $0xA;
	s2 =	sadd.s32 s3, s2  }
0x8d: {  	s2 =	sadd.s32 s2, s16  }
0x8e: {  	[smem:$0x3FB6] =	sst s2  }
0x8f: {  	_ = 	snop  }
0x90: {  	(tm) =	ssettm $0x1  }
0x91: {  	s17 =	sld [smem:$0x3FFB];
	_ =	sdelay $0x3  }
0x92: {  	_ =	strace s17  }
0x93: {  	s2 =	sld [smem:$0x3FFC];
	_ =	sdelay $0x3  }
0x94: {  	_ =	strace s2  }
0x95: {  	s2 =	sld [smem:$0x3FFD];
	_ =	sdelay $0x3  }
0x96: {  	_ =	strace s2  }
0x97: {  	_ =	strace $0x8FFFFFFF  }
0x98: {  	s18 =	sld [smem:$0x3FDB];
	_ =	sdelay $0x1  }
0x99: {  	s19 =	simm.s32 $_scs_section_size  }
0x9a: {  	s4 =	simm.s32 $_size__tile_overlayer_lowered;
	s5 =	simm.s32 $_tile_overlayer_lowered  }
0x9b: {  	s22 =	simm.s32 $0x1BFF;
	s21 =	sshll.u32 s5, $0x1;
	s2 =	sadd.s32 s19, s18  }
0x9c: {  	s6 =	simm.s32 $0x0;
	s20 =	sshll.u32 s4, $0x1;
	s4 =	sadd.s32 s21, s2  }
0x9d: {  	[timem:s6], [sflag:s22] =	dma.local [hbm:s4], s20  }
0x9e: {  	_ =	swait.ge [sflag:s22], s20  }
0x9f: {  	s3 =	ssub.s32 $0x0, s20;
	[sflag:s22] =	ssyncset.done $0x0  }
0xa0: {  	[sflag:s22] =	ssyncadd.s32 s3;
	_ =	sdelay $0x1  }
0xa1: {  	s23 =	simm.s32 $0x1B8B  }
0xa2: {  	_ =	swait.ge [sflag:s23], $0x1  }
0xa3: {  	[sflag:s23] =	ssyncset.done $0x0  }
0xa4: {  	s25 =	simm.s32 $0x1B8E;
	s24 =	sld [smem:$0x3FFE];
	[sflag:s23] =	ssyncadd.s32 $0xFFFFFFFF  }
0xa5: {  	s26 =	simm.s32 $execute0_lowered;
	[smem:$0x3FD2] =	sst s25  }
0xa6: {  	s4 =	sshll.u32 s26, $0x1;
	_ =	strace $0x8000004F;
	[dreg:$0x1] =	wrdreg $0xFFFFFFFF  }
0xa7: {  	s28 =	simm.s32 $_size_execute0_lowered;
	s2 =	sadd.s32 s2, s4;
	[dreg:$0x0] =	wrdreg $0x0  }
0xa8: {  	s4 =	sshll.u32 s28, $0x1;
	[dreg:$0x2] =	wrdreg s2  }
0xa9: {  	[dreg:$0x3] =	wrdreg s4  }
0xaa: {  	[dreg:$0x4] =	wrdreg $0xC0  }
0xab: {  	_ =	task [dreg:s6], $0x5FFFF  }
0xac: {  	[dreg:$0x1] =	wrdreg $0xFFFFFFFF  }
0xad: {  	[dreg:$0x0] =	wrdreg $0x60  }
0xae: {  	[dreg:$0x2] =	wrdreg s24  }
0xaf: {  	[dreg:$0x3] =	wrdreg $0x0  }
0xb0: {  	[dreg:$0x4] =	wrdreg $0x9  }
0xb1: {  	_ =	task.clear_ibuf [dreg:s6], $0x5FFFF;
	_ =	strace $0x9000004F  }
0xb2: {  	s29 =	simm.s32 $0x9;
	_ =	strace $0x80000051  }
0xb3: {  	_ =	swait.ge [sflag:s29], $0x1  }
0xb4: {  	[sflag:s29] =	ssyncadd.s32 $0xFFFFFFFF  }
0xb5: {  	_ =	strace $0x90000051  }
0xb6: {  	_ =	sfence  }
0xb7: {  	s30 =	sld [smem:$0x0];
	_ =	sdelay $0x2  }
0xb8: {  	s31 =	sshll.u32 s1, $0xD;
	s1 =	sshrl.u32 s1, $0x2  }
0xb9: {  	s3 =	sand.u32 $0x4000, s31;
	s1 =	sadd.s32 s1, s30  }
0xba: {  	s0 =	sor.u32 s3, s0;
	s1 =	sshll.u32 s1, $0x11  }
0xbb: {  	s0 =	sor.u32 s1, s0  }
0xbc: {  	s0 =	sadd.s32 $0x8F2B, s0  }
0xbd: {  	[sflag:s0] =	ssyncadd.remote.s32 $0x1  }
0xbe: {  	_ =	sfence.sel $0xFFFF  }
0xbf: {  	[dreg:$0x0] =	wrdreg $0xFFFFFFFF;
	(pc) =	sbr.abs _section_cstart, $3  }
0xc0: {  	[dreg:$0x1] =	wrdreg $0xFFFFFFFF  }
0xc1: {  	_ =	task.clear_ibuf [dreg:s6], $0x2FFFF;
	_ =	strace $0x9FFFFFFF  }
0xc2: {  	(tm) =	ssettm $0x7FFFFFFF  }
0xc3: {  	_ =	shalt  }
tec
execute0_lowered:
.L_overlay_start_1:
0x0: {  	(tag) =	ssettag $0x1  }
0x1: {  	s0 =	rddreg [dreg:$0x0]  }
0x2: {  	s2 =	rddreg [dreg:$0x1];
	s3 =	simm.s32 $0x0;
	s13 =	stileid.u32  }
0x3: {  	s1 =	srdreg.scid;
	s29 =	simm.s32 $0x8;
	s30 =	simm.s32 $0x15800  }
0x4: {  	s31 =	simm.s32 $0x19000;
	s28 =	simm.s32 $0x9;
	s14 =	simm.s32 $0x5  }
0x5: {  	[smem:$0x7FF] =	sst s3;
	s8 =	smul.u32 $0x13C00, s13;
	s1 =	sand.u32 $0x1, s1  }
0x6: {  	s4 =	sadd.s32 $0x1EA00, s0;
	s5 =	sadd.s32 $0xEC5C00, s0;
	s6 =	sadd.s32 $0x14C00, s0  }
0x7: {  	s7 =	sadd.s32 $0xAE00, s0;
	s11 =	smul.u32 $0x4F000, s13;
	s20 =	sshll.u32 s13, $0x6  }
0x8: {  	_ =	strace $0x80000050;
	s9 =	smul.u32 $0x13C000, s1;
	s17 =	sshll.u32 s1, $0x4  }
0x9: {  	s1 =	ssub.s32 $0x2, s1;
	s19 =	sor.u32 $0x1C0B, s20;
	s10 =	sshrl.u32 s8, $0x3  }
0xa: {  	s12 =	sshrl.u32 s1, $0x1;
	s11 =	sshrl.u32 s11, $0x2;
	[dreg:$0x4] =	wrdreg s19  }
0xb: {  	s10 =	sadd.s32 s10, s0;
	s8 =	sadd.s32 s8, s9;
	s9 =	sor.u32 s13, s17  }
0xc: {  	s1 =	ssub.s32 s1, s12;
	s11 =	sadd.s32 s11, s2;
	s13 =	simm.s32 $0x1C800  }
0xd: {  	s8 =	sshrl.u32 s8, $0x3;
	s18 =	smul.u32 $0x2760, s9;
	s10 =	sadd.s32 $0x45C00, s10  }
0xe: {  	s21 =	smul.u32 $0x4EC, s9;
	s26 =	smax.u32 s1, $0x1;
	s20 =	sshrl.u32 s11, $0x3  }
0xf: {  	s1 =	simm.s32 $0x3;
	s11 =	simm.s32 $0x1E580;
	[dreg:$0x3] =	wrdreg s10  }
0x10: {  	s0 =	sadd.s32 s8, s0;
	s8 =	smul.u32 $0xB4, s9;
	[dreg:$0xa] =	wrdreg s26  }
0x11: {  	s9 =	smul.u32 $0x27600, s9;
	s26 =	simm.s32 $0x1E500;
	[dreg:$0xb] =	wrdreg s20  }
0x12: {  	s22 =	sadd.s32 $0x38, s18;
	s23 =	sadd.s32 s6, s21;
	s0 =	sadd.s32 $0x6D400, s0  }
0x13: {  	s21 =	simm.s32 $0xB;
	s18 =	simm.s32 $0x0;
	[dreg:$0x5] =	wrdreg s23  }
0x14: {  	s24 =	sshrl.u32 s22, $0x3;
	s10 =	sshll.u32 s22, $0x4;
	s9 =	sadd.s32 s5, s9  }
.Ltmp0:
0x15: {  	s15 =	sor.u32 $0x2, s8;
	s16 =	sor.u32 $0x3, s8;
	(pc) =	sbr.rel .LBB2_1-.Ltmp0, $4  }
0x16: {  	s17 =	sor.u32 $0x1, s8;
	[dreg:$0x9] =	wrdreg s0;
	s23 =	simm.s32 $0x1E480  }
0x17: {  	s0 =	simm.s32 $0x1;
	s12 =	sadd.s32 s6, s24;
	[dreg:$0x7] =	wrdreg s9  }
0x18: {  	s25 =	sadd.s32 s5, s10;
	s9 =	simm.s32 $0x1AC00;
	[dreg:$0x6] =	wrdreg s12  }
0x19: {  	[dreg:$0x8] =	wrdreg s25;
	s25 =	simm.s32 $0x38;
	s12 =	simm.s32 $0xA  }
.LBB2_11:
0x1a: {  	_ =	swait.ge [sflag:s14], $0x1C00  }
0x1b: {  	[sflag:s14] =	ssyncset.done $0x0  }
0x1c: {  	s10 =	simm.s32 $0x6;
	[sflag:s14] =	ssyncadd.s32 $0xFFFFE400  }
0x1d: {  	_ =	swait.ge [sflag:s10], $0x1C00  }
0x1e: {  	[sflag:s10] =	ssyncset.done $0x0  }
0x1f: {  	[sflag:s10] =	ssyncadd.s32 $0xFFFFE400  }
0x20: {  	[bflag:$0x0] =	sbarrier.arrive $0xFFFF  }
0x21: {  	s19 =	rddreg [dreg:$0x4]  }
0x22: {  	s22 =	rddreg [dreg:$0x9]  }
0x23: {  	s21 =	simm.s32 $0xB;
	s20 =	rddreg [dreg:$0xb]  }
0x24: {  	[hbm:s22], [sflag:s19] =	dma.local [spmem:s20], $0x2780  }
0x25: {  	_ =	swait.ge [sflag:s21], $0x2780  }
0x26: {  	s18 =	sadd.s32 $0x1, s18;
	s24 =	rddreg [dreg:$0xa]  }
0x27: {  	p0 =	sne.s32 s18, s24  }
.Ltmp1:
0x28: {  	_ = 	snop;
	(pc) =	sbr.rel @!p0 .LBB2_12-.Ltmp1, $3  }
0x29: {  	_ =	sdelay $0x1  }
0x2a: {  	[sflag:s21] =	ssyncset.done $0x0  }
0x2b: {  	[sflag:s21] =	ssyncadd.s32 $0xFFFFD880  }
.LBB2_1:
0x2c: {  	s10 =	rddreg [dreg:$0x3]  }
0x2d: {  	[spmem:s20], [sflag:s19] =	dma.local [hbm:s10], $0x2780  }
0x2e: {  	_ =	swait.ge [sflag:s21], $0x2780  }
0x2f: {  	[sflag:s21] =	ssyncset.done $0x0  }
0x30: {  	[sflag:s21] =	ssyncadd.s32 $0xFFFFD880  }
0x31: {  	[bflag:$0x0] =	sbarrier.arrive $0xFFFF  }
0x32: {  	s21 =	simm.s32 $0x1E400;
	s20 =	rddreg [dreg:$0x5]  }
0x33: {  	[tilespmem:s21], [sflag:$0x7] =	stream.linear.gather [hbm4b:s20+s3], $0x38, $0x38;
	[tilespmem:$0x1E600] =	vst v63  }
0x34: {  	s24 =	simm.s32 $0x7;
	s22 =	rddreg [dreg:$0x6]  }
0x35: {  	[tilespmem:s23], [sflag:$0x8] =	stream.linear.gather [hbm4b:s22+s3], $0x38, $0x38;
	[tilespmem:$0x1E600] =	vst v63  }
0x36: {  	_ =	swait.ge [sflag:s24], $0x38  }
0x37: {  	[sflag:s24] =	ssyncset.done $0x0  }
0x38: {  	s20 =	simm.s32 $0x13C00;
	[sflag:s24] =	ssyncadd.s32 $0xFFFFFFC8  }
0x39: {  	[tilespmem:s20], [sflag:$0x1] =	stream.indirect.gather [hbm4b:s4+s25], $0x80, s21, s25, $0xb8;
	[tilespmem:$0x1E600] =	vst v63  }
0x3a: {  	s22 =	simm.s32 $0x17400;
	s21 =	rddreg [dreg:$0x7]  }
0x3b: {  	[tilespmem:s22], [sflag:$0x3] =	stream.linear.gather [hbm4b:s21+s3], $0x1C00, $0x38;
	[tilespmem:$0x1E600] =	vst v63  }
0x3c: {  	_ =	swait.ge [sflag:s29], $0x38  }
0x3d: {  	[sflag:s29] =	ssyncset.done $0x0  }
0x3e: {  	[sflag:s29] =	ssyncadd.s32 $0xFFFFFFC8  }
0x3f: {  	[tilespmem:s30], [sflag:$0x2] =	stream.indirect.gather [hbm4b:s4+s25], $0x80, s23, s25, $0xb8;
	[tilespmem:$0x1E600] =	vst v63  }
0x40: {  	s19 =	simm.s32 $0x0;
	s24 =	rddreg [dreg:$0x8]  }
0x41: {  	[tilespmem:s31], [sflag:$0x4] =	stream.linear.gather [hbm4b:s24+s3], $0x1C00, $0x38;
	[tilespmem:$0x1E600] =	vst v63  }
.LBB2_2:
0x42: {  	p0 =	seq.s32 s19, $0x59  }
0x43: {  	_ =	swait.ge [sflag:s0], $0x1C00;
	p1 =	seq.s32 @!p0 s19, $0x0  }
0x44: {  	s24 =	sshll.u32 s19, $0x1;
	[sflag:s0] =	ssyncset.done $0x0;
	p1 =	por p0, !p1  }
.Ltmp2:
0x45: {  	s22 =	sadd.s32 @!p0 s24, s15;
	[sflag:s0] =	ssyncadd.s32 $0xFFFFE400;
	(pc) =	sbr.rel @!p1 .LBB2_3-.Ltmp2, $4  }
0x46: {  	s10 =	smul.u32 @!p0 $0x7, s22;
	_ =	swait.ge [sflag:s1], $0x1C00  }
0x47: {  	s20 =	simm.s32 @!p0 $0x0;
	[sflag:s1] =	ssyncset.done $0x0  }
0x48: {  	s21 =	simm.s32 @!p0 $0x1E400;
	s10 =	sadd.s32 @!p0 s6, s10;
	[sflag:s1] =	ssyncadd.s32 $0xFFFFE400  }
0x49: {  	[tilespmem:s21], [sflag:$0x7] =	stream.linear.gather @!p0 [hbm4b:s10+s20], $0x38, $0x38;
	[tilespmem:$0x1E600] =	vst v63  }
.Ltmp3:
0x4a: {  	(pc) =	sbr.rel .LBB2_5-.Ltmp3, $4  }
0x4b: {  	_ = 	snop  }
0x4c: {  	_ =	swait.ge [sflag:s14], $0x1C00  }
0x4d: {  	[sflag:s14] =	ssyncset.done $0x0  }
0x4e: {  	p1 =	por $0x0, $0x0;
	[sflag:s14] =	ssyncadd.s32 $0xFFFFE400  }
.LBB2_3:
0x4f: {  	p1 =	por @!p0 $0x1, $0x1  }
.LBB2_5:
0x50: {  	s10 =	sadd.s32 s8, s24  }
0x51: {  	s10 =	smul.u32 $0x7, s10;
	_ =	sdelay $0x1  }
0x52: {  	s20 =	simm.s32 $0x0;
	s10 =	sadd.s32 s7, s10  }
0x53: {  	[tilespmem:s26], [sflag:$0x9] =	stream.linear.gather [hbm4b:s10+s20], $0x38, $0x38;
	[tilespmem:$0x1E600] =	vst v63  }
0x54: {  	s10 =	simm.s32 $0x0  }
0x55: {  	v0 =	vld [tilespmem:s10+$0x13C70]  }
0x56: {  	v1 =	vld [tilespmem:s10+$0x17470]  }
0x57: {  	v2 =	vld [tilespmem:s10+$0x13C00]  }
0x58: {  	v3 =	vld [tilespmem:s10+$0x17400]  }
0x59: {  	v4 =	vld [tilespmem:s10+$0x13C10]  }
0x5a: {  	v5 =	vld [tilespmem:s10+$0x17410]  }
0x5b: {  	v6 =	vld [tilespmem:s10+$0x13C20]  }
0x5c: {  	v0 =	vadd.f32 v1, v0;
	v1 =	vld [tilespmem:s10+$0x17420]  }
0x5d: {  	v7 =	vld [tilespmem:s10+$0x13C30]  }
0x5e: {  	v8 =	vld [tilespmem:s10+$0x17430];
	v2 =	vadd.f32 v3, v2  }
0x5f: {  	v9 =	vld [tilespmem:s10+$0x13C40];
	v0 =	vmax.f32 v0, $0.0e+00  }
0x60: {  	[tilespmem:s10+$0x1AC70] =	vst v0;
	v0 =	vmax.f32 v2, $0.0e+00;
	v2 =	vadd.f32 v5, v4;
	v5 =	vld [tilespmem:s10+$0x17440]  }
0x61: {  	v3 =	vld [tilespmem:s10+$0x17450];
	v1 =	vadd.f32 v1, v6  }
0x62: {  	[tilespmem:s10+$0x1AC00] =	vst v0;
	v0 =	vld [tilespmem:s10+$0x13C50];
	v2 =	vmax.f32 v2, $0.0e+00  }
0x63: {  	v4 =	vld [tilespmem:s10+$0x17460];
	v6 =	vadd.f32 v8, v7;
	[tilespmem:s10+$0x1AC10] =	vst v2;
	v2 =	vmax.f32 v1, $0.0e+00  }
0x64: {  	s20 =	simm.s32 $0x80;
	v1 =	vld [tilespmem:s10+$0x13C60];
	[tilespmem:s10+$0x1AC20] =	vst v2  }
0x65: {  	s21 =	simm.s32 $0x400;
	v6 =	vmax.f32 v6, $0.0e+00;
	v5 =	vadd.f32 v5, v9;
	v2 =	vld [tilespmem:s20+$0x13C70]  }
.LBB2_6:
0x66: {  	p2 =	sne.s32 s21, $0x6E00;
	v7 =	vld [tilespmem:s20+$0x17470];
	[tilespmem:s10+$0x1AC30] =	vst v6  }
0x67: {  	v6 =	vld [tilespmem:s20+$0x13C00];
	v5 =	vmax.f32 v5, $0.0e+00;
	v0 =	vadd.f32 v3, v0  }
0x68: {  	v3 =	vld [tilespmem:s20+$0x17400];
	[tilespmem:s10+$0x1AC40] =	vst v5  }
0x69: {  	v5 =	vld [tilespmem:s20+$0x13C10];
	v0 =	vmax.f32 v0, $0.0e+00;
	v1 =	vadd.f32 v4, v1  }
0x6a: {  	v4 =	vld [tilespmem:s20+$0x17410];
	[tilespmem:s10+$0x1AC50] =	vst v0  }
0x6b: {  	v0 =	vld [tilespmem:s20+$0x13C20];
	v2 =	vadd.f32 v7, v2;
	v1 =	vmax.f32 v1, $0.0e+00  }
0x6c: {  	v7 =	vld [tilespmem:s20+$0x17420];
	[tilespmem:s10+$0x1AC60] =	vst v1;
	s10 =	smov.u32 s20  }
0x6d: {  	v1 =	vadd.f32 v3, v6;
	v6 =	vld [tilespmem:s10+$0x13C30];
	v2 =	vmax.f32 v2, $0.0e+00  }
0x6e: {  	v8 =	vld [tilespmem:s10+$0x17430];
	[tilespmem:s10+$0x1AC70] =	vst v2  }
0x6f: {  	v1 =	vmax.f32 v1, $0.0e+00;
	v2 =	vadd.f32 v4, v5;
	v5 =	vld [tilespmem:s10+$0x13C40]  }
0x70: {  	[tilespmem:s10+$0x1AC00] =	vst v1;
	v9 =	vld [tilespmem:s10+$0x17440]  }
.Ltmp4:
0x71: {  	v1 =	vmax.f32 v2, $0.0e+00;
	v2 =	vadd.f32 v7, v0;
	v0 =	vld [tilespmem:s10+$0x13C50];
	(pc) =	sbr.rel @p2 .LBB2_6-.Ltmp4, $4  }
0x72: {  	[tilespmem:s10+$0x1AC10] =	vst v1;
	v3 =	vld [tilespmem:s10+$0x17450]  }
0x73: {  	v2 =	vmax.f32 v2, $0.0e+00;
	v6 =	vadd.f32 v8, v6;
	v1 =	vld [tilespmem:s10+$0x13C60]  }
0x74: {  	s20 =	sshra.s32 s21, $0x2;
	[tilespmem:s10+$0x1AC20] =	vst v2;
	v4 =	vld [tilespmem:s10+$0x17460]  }
0x75: {  	s21 =	sadd.s32 $0x200, s21;
	v2 =	vld [tilespmem:s20+$0x13C70];
	v6 =	vmax.f32 v6, $0.0e+00;
	v5 =	vadd.f32 v9, v5  }
0x76: {  	v7 =	vld [tilespmem:s20+$0x17470];
	[tilespmem:s10+$0x1AC30] =	vst v6  }
0x77: {  	v6 =	vld [tilespmem:s20+$0x13C00];
	v5 =	vmax.f32 v5, $0.0e+00;
	v0 =	vadd.f32 v3, v0  }
0x78: {  	v8 =	vld [tilespmem:s20+$0x17400];
	[tilespmem:s10+$0x1AC40] =	vst v5  }
0x79: {  	v3 =	vld [tilespmem:s20+$0x13C10];
	v0 =	vmax.f32 v0, $0.0e+00;
	v1 =	vadd.f32 v4, v1  }
0x7a: {  	v5 =	vld [tilespmem:s20+$0x17410];
	[tilespmem:s10+$0x1AC50] =	vst v0  }
0x7b: {  	v0 =	vld [tilespmem:s20+$0x13C20];
	v1 =	vmax.f32 v1, $0.0e+00  }
0x7c: {  	v4 =	vld [tilespmem:s20+$0x17420];
	v2 =	vadd.f32 v7, v2;
	[tilespmem:s10+$0x1AC60] =	vst v1  }
0x7d: {  	v6 =	vadd.f32 v8, v6;
	v1 =	vld [tilespmem:s20+$0x13C30]  }
0x7e: {  	v2 =	vmax.f32 v2, $0.0e+00;
	v7 =	vld [tilespmem:s20+$0x17430]  }
0x7f: {  	[tilespmem:s20+$0x1AC70] =	vst v2;
	v2 =	vmax.f32 v6, $0.0e+00;
	v6 =	vld [tilespmem:s20+$0x13C40]  }
0x80: {  	v3 =	vadd.f32 v5, v3;
	v5 =	vld [tilespmem:s20+$0x13C50]  }
0x81: {  	[tilespmem:s20+$0x1AC00] =	vst v2;
	v2 =	vld [tilespmem:s20+$0x17440];
	v0 =	vadd.f32 v4, v0  }
0x82: {  	v3 =	vmax.f32 v3, $0.0e+00;
	v4 =	vld [tilespmem:s20+$0x13C60]  }
0x83: {  	[tilespmem:s20+$0x1AC10] =	vst v3;
	v3 =	vld [tilespmem:s20+$0x17450];
	v0 =	vmax.f32 v0, $0.0e+00  }
0x84: {  	[tilespmem:s20+$0x1AC20] =	vst v0;
	v0 =	vld [tilespmem:s20+$0x17460];
	_ =	sdelay $0x1  }
0x85: {  	v1 =	vadd.f32 v7, v1  }
0x86: {  	v2 =	vadd.f32 v2, v6  }
0x87: {  	v1 =	vmax.f32 v1, $0.0e+00;
	v3 =	vadd.f32 v3, v5  }
0x88: {  	[tilespmem:s20+$0x1AC30] =	vst v1;
	v1 =	vmax.f32 v2, $0.0e+00;
	v0 =	vadd.f32 v0, v4  }
0x89: {  	[tilespmem:s20+$0x1AC40] =	vst v1;
	v1 =	vmax.f32 v3, $0.0e+00  }
0x8a: {  	[tilespmem:s20+$0x1AC50] =	vst v1;
	v0 =	vmax.f32 v0, $0.0e+00  }
0x8b: {  	[tilespmem:s20+$0x1AC60] =	vst v0  }
0x8c: {  	_ =	swait.ge [sflag:s28], $0x38  }
0x8d: {  	[sflag:s28] =	ssyncset.done $0x0  }
0x8e: {  	s10 =	simm.s32 @p0 $0x2;
	[sflag:s28] =	ssyncadd.s32 $0xFFFFFFC8  }
0x8f: {  	[spmem:s2] =	stream.indirect.scatter.add.f32 [tilespmem:s9], [sflag:$0x5], $0x80, s26, s25, $0xb8;
	[tilespmem:$0x1E600] =	vst v63  }
0x90: {  	_ =	swait.ge @p0 [sflag:s10], $0x1C00  }
0x91: {  	[sflag:s10] =	ssyncset.done @p0 $0x0  }
0x92: {  	[sflag:s10] =	ssyncadd.s32 @p0 $0xFFFFE400;
	s10 =	simm.s32 @p0 $0x4  }
0x93: {  	_ =	swait.ge @p0 [sflag:s10], $0x1C00  }
0x94: {  	[sflag:s10] =	ssyncset.done @p0 $0x0  }
0x95: {  	[sflag:s10] =	ssyncadd.s32 @p0 $0xFFFFE400;
	s10 =	simm.s32 @!p0 $0x7  }
0x96: {  	_ =	swait.ge @!p0 [sflag:s10], $0x38  }
0x97: {  	s21 =	simm.s32 @!p0 $0x13C00;
	s22 =	smul.u32 @!p0 $0x380, s22;
	[sflag:s10] =	ssyncset.done @!p0 $0x0  }
0x98: {  	s20 =	simm.s32 @!p0 $0x1E400;
	[sflag:s10] =	ssyncadd.s32 @!p0 $0xFFFFFFC8;
	s10 =	simm.s32 @!p0 $0x38  }
0x99: {  	[tilespmem:s21], [sflag:$0x1] =	stream.indirect.gather @!p0 [hbm4b:s4+s10], $0x80, s20, s10, $0xb8;
	[tilespmem:$0x1E600] =	vst v63  }
0x9a: {  	s10 =	sadd.s32 @!p0 s5, s22;
	s20 =	simm.s32 @!p0 $0x0;
	s21 =	simm.s32 @!p0 $0x17400  }
0x9b: {  	[tilespmem:s21], [sflag:$0x3] =	stream.linear.gather @!p0 [hbm4b:s10+s20], $0x1C00, $0x38;
	[tilespmem:$0x1E600] =	vst v63  }
0x9c: {  	s10 =	simm.s32 @!p0 $0x2  }
0x9d: {  	_ =	swait.ge @!p0 [sflag:s10], $0x1C00  }
0x9e: {  	[sflag:s10] =	ssyncset.done @!p0 $0x0  }
0x9f: {  	s21 =	sadd.s32 @!p0 s24, s16;
	[sflag:s10] =	ssyncadd.s32 @!p0 $0xFFFFE400;
	s10 =	simm.s32 @!p0 $0x4  }
0xa0: {  	s21 =	smul.u32 @!p0 $0x7, s21;
	_ =	swait.ge @!p0 [sflag:s10], $0x1C00  }
0xa1: {  	[sflag:s10] =	ssyncset.done @!p0 $0x0  }
0xa2: {  	[sflag:s10] =	ssyncadd.s32 @!p0 $0xFFFFE400;
	s10 =	sadd.s32 @!p0 s6, s21;
	s21 =	simm.s32 @!p0 $0x1E480  }
0xa3: {  	[tilespmem:s21], [sflag:$0x8] =	stream.linear.gather @!p0 [hbm4b:s10+s20], $0x38, $0x38;
	[tilespmem:$0x1E600] =	vst v63  }
0xa4: {  	s22 =	sadd.s32 s24, s17;
	s10 =	simm.s32 @!p1 $0x6  }
0xa5: {  	s20 =	smul.u32 $0x7, s22;
	_ =	swait.ge @!p1 [sflag:s10], $0x1C00  }
0xa6: {  	s22 =	simm.s32 $0x0;
	[sflag:s10] =	ssyncset.done @!p1 $0x0  }
0xa7: {  	s21 =	sadd.s32 s7, s20;
	[sflag:s10] =	ssyncadd.s32 @!p1 $0xFFFFE400;
	s10 =	simm.s32 $0x0  }
0xa8: {  	[tilespmem:s11], [sflag:$0xA] =	stream.linear.gather [hbm4b:s21+s22], $0x38, $0x38;
	[tilespmem:$0x1E600] =	vst v63  }
0xa9: {  	v0 =	vld [tilespmem:s10+$0x15870]  }
0xaa: {  	v1 =	vld [tilespmem:s10+$0x19070]  }
0xab: {  	v2 =	vld [tilespmem:s10+$0x15800]  }
0xac: {  	v3 =	vld [tilespmem:s10+$0x19000]  }
0xad: {  	v4 =	vld [tilespmem:s10+$0x15810]  }
0xae: {  	v5 =	vld [tilespmem:s10+$0x19010]  }
0xaf: {  	v6 =	vld [tilespmem:s10+$0x15820]  }
0xb0: {  	v0 =	vadd.f32 v1, v0;
	v1 =	vld [tilespmem:s10+$0x19020]  }
0xb1: {  	v7 =	vld [tilespmem:s10+$0x15830]  }
0xb2: {  	v8 =	vld [tilespmem:s10+$0x19030];
	v2 =	vadd.f32 v3, v2  }
0xb3: {  	v9 =	vld [tilespmem:s10+$0x15840];
	v0 =	vmax.f32 v0, $0.0e+00  }
0xb4: {  	[tilespmem:s10+$0x1C870] =	vst v0;
	v0 =	vmax.f32 v2, $0.0e+00;
	v2 =	vadd.f32 v5, v4;
	v5 =	vld [tilespmem:s10+$0x19040]  }
0xb5: {  	v3 =	vld [tilespmem:s10+$0x19050];
	v1 =	vadd.f32 v1, v6  }
0xb6: {  	[tilespmem:s10+$0x1C800] =	vst v0;
	v0 =	vld [tilespmem:s10+$0x15850];
	v2 =	vmax.f32 v2, $0.0e+00  }
0xb7: {  	v4 =	vld [tilespmem:s10+$0x19060];
	v6 =	vadd.f32 v8, v7;
	[tilespmem:s10+$0x1C810] =	vst v2;
	v2 =	vmax.f32 v1, $0.0e+00  }
0xb8: {  	s20 =	simm.s32 $0x80;
	v1 =	vld [tilespmem:s10+$0x15860];
	[tilespmem:s10+$0x1C820] =	vst v2  }
0xb9: {  	s21 =	simm.s32 $0x400;
	v6 =	vmax.f32 v6, $0.0e+00;
	v5 =	vadd.f32 v5, v9;
	v2 =	vld [tilespmem:s20+$0x15870]  }
.LBB2_8:
0xba: {  	p1 =	sne.s32 s21, $0x6E00;
	v7 =	vld [tilespmem:s20+$0x19070];
	[tilespmem:s10+$0x1C830] =	vst v6  }
0xbb: {  	v6 =	vld [tilespmem:s20+$0x15800];
	v5 =	vmax.f32 v5, $0.0e+00;
	v0 =	vadd.f32 v3, v0  }
0xbc: {  	v3 =	vld [tilespmem:s20+$0x19000];
	[tilespmem:s10+$0x1C840] =	vst v5  }
0xbd: {  	v5 =	vld [tilespmem:s20+$0x15810];
	v0 =	vmax.f32 v0, $0.0e+00;
	v1 =	vadd.f32 v4, v1  }
0xbe: {  	v4 =	vld [tilespmem:s20+$0x19010];
	[tilespmem:s10+$0x1C850] =	vst v0  }
0xbf: {  	v0 =	vld [tilespmem:s20+$0x15820];
	v2 =	vadd.f32 v7, v2;
	v1 =	vmax.f32 v1, $0.0e+00  }
0xc0: {  	v7 =	vld [tilespmem:s20+$0x19020];
	[tilespmem:s10+$0x1C860] =	vst v1;
	s10 =	smov.u32 s20  }
0xc1: {  	v1 =	vadd.f32 v3, v6;
	v6 =	vld [tilespmem:s10+$0x15830];
	v2 =	vmax.f32 v2, $0.0e+00  }
0xc2: {  	v8 =	vld [tilespmem:s10+$0x19030];
	[tilespmem:s10+$0x1C870] =	vst v2  }
0xc3: {  	v1 =	vmax.f32 v1, $0.0e+00;
	v2 =	vadd.f32 v4, v5;
	v5 =	vld [tilespmem:s10+$0x15840]  }
0xc4: {  	[tilespmem:s10+$0x1C800] =	vst v1;
	v9 =	vld [tilespmem:s10+$0x19040]  }
.Ltmp5:
0xc5: {  	v1 =	vmax.f32 v2, $0.0e+00;
	v2 =	vadd.f32 v7, v0;
	v0 =	vld [tilespmem:s10+$0x15850];
	(pc) =	sbr.rel @p1 .LBB2_8-.Ltmp5, $4  }
0xc6: {  	[tilespmem:s10+$0x1C810] =	vst v1;
	v3 =	vld [tilespmem:s10+$0x19050]  }
0xc7: {  	v2 =	vmax.f32 v2, $0.0e+00;
	v6 =	vadd.f32 v8, v6;
	v1 =	vld [tilespmem:s10+$0x15860]  }
0xc8: {  	s20 =	sshra.s32 s21, $0x2;
	[tilespmem:s10+$0x1C820] =	vst v2;
	v4 =	vld [tilespmem:s10+$0x19060]  }
0xc9: {  	s21 =	sadd.s32 $0x200, s21;
	v2 =	vld [tilespmem:s20+$0x15870];
	v6 =	vmax.f32 v6, $0.0e+00;
	v5 =	vadd.f32 v9, v5  }
0xca: {  	v7 =	vld [tilespmem:s20+$0x19070];
	[tilespmem:s10+$0x1C830] =	vst v6  }
0xcb: {  	v6 =	vld [tilespmem:s20+$0x15800];
	v5 =	vmax.f32 v5, $0.0e+00;
	v0 =	vadd.f32 v3, v0  }
0xcc: {  	v8 =	vld [tilespmem:s20+$0x19000];
	[tilespmem:s10+$0x1C840] =	vst v5  }
0xcd: {  	v52 =	vld [tilespmem:s20+$0x15810];
	v0 =	vmax.f32 v0, $0.0e+00;
	v1 =	vadd.f32 v4, v1  }
0xce: {  	v5 =	vld [tilespmem:s20+$0x19010];
	[tilespmem:s10+$0x1C850] =	vst v0  }
0xcf: {  	v0 =	vld [tilespmem:s20+$0x15820];
	v1 =	vmax.f32 v1, $0.0e+00  }
0xd0: {  	v53 =	vld [tilespmem:s20+$0x19020];
	[tilespmem:s10+$0x1C860] =	vst v1  }
0xd1: {  	v1 =	vld [tilespmem:s20+$0x15830]  }
0xd2: {  	v54 =	vld [tilespmem:s20+$0x19030]  }
0xd3: {  	v56 =	vld [tilespmem:s20+$0x15840]  }
0xd4: {  	v57 =	vld [tilespmem:s20+$0x19040]  }
0xd5: {  	v58 =	vld [tilespmem:s20+$0x15850]  }
0xd6: {  	v2 =	vadd.f32 v7, v2;
	v59 =	vld [tilespmem:s20+$0x19050]  }
0xd7: {  	v6 =	vadd.f32 v8, v6;
	v60 =	vld [tilespmem:s20+$0x15860]  }
0xd8: {  	v2 =	vmax.f32 v2, $0.0e+00;
	v61 =	vld [tilespmem:s20+$0x19060];
	v3 =	vadd.f32 v5, v52  }
0xd9: {  	[tilespmem:s20+$0x1C870] =	vst v2;
	v55 =	vmax.f32 v6, $0.0e+00;
	v0 =	vadd.f32 v53, v0  }
0xda: {  	[tilespmem:s20+$0x1C800] =	vst v55;
	v3 =	vmax.f32 v3, $0.0e+00;
	v1 =	vadd.f32 v54, v1  }
0xdb: {  	[tilespmem:s20+$0x1C810] =	vst v3;
	v0 =	vmax.f32 v0, $0.0e+00;
	v2 =	vadd.f32 v57, v56  }
0xdc: {  	v3 =	vadd.f32 v59, v58;
	[tilespmem:s20+$0x1C820] =	vst v0;
	v1 =	vmax.f32 v1, $0.0e+00  }
0xdd: {  	v0 =	vadd.f32 v61, v60;
	v62 =	vmax.f32 v2, $0.0e+00;
	[tilespmem:s20+$0x1C830] =	vst v1  }
0xde: {  	v63 =	vmax.f32 v3, $0.0e+00;
	[tilespmem:s20+$0x1C840] =	vst v62  }
0xdf: {  	[tilespmem:s20+$0x1C850] =	vst v63;
	v0 =	vmax.f32 v0, $0.0e+00  }
.Ltmp6:
0xe0: {  	[tilespmem:s20+$0x1C860] =	vst v0;
	(pc) =	sbr.rel @p0 .LBB2_11-.Ltmp6, $4  }
0xe1: {  	_ =	swait.ge [sflag:s12], $0x38  }
0xe2: {  	[sflag:s12] =	ssyncset.done $0x0  }
0xe3: {  	[sflag:s12] =	ssyncadd.s32 $0xFFFFFFC8  }
0xe4: {  	[spmem:s2] =	stream.indirect.scatter.add.f32 [tilespmem:s13], [sflag:$0x6], $0x80, s11, s25, $0xb8;
	[tilespmem:$0x1E600] =	vst v63  }
0xe5: {  	_ =	swait.ge [sflag:s29], $0x38  }
.Ltmp7:
0xe6: {  	s10 =	sadd.s32 s24, s16;
	[sflag:s29] =	ssyncset.done $0x0;
	(pc) =	sbr.rel .LBB2_2-.Ltmp7, $4  }
0xe7: {  	s10 =	smul.u32 $0x380, s10;
	[sflag:s29] =	ssyncadd.s32 $0xFFFFFFC8  }
0xe8: {  	[tilespmem:s30], [sflag:$0x2] =	stream.indirect.gather [hbm4b:s4+s25], $0x80, s23, s25, $0xb8;
	[tilespmem:$0x1E600] =	vst v63  }
0xe9: {  	s19 =	sadd.s32 $0x1, s19;
	s10 =	sadd.s32 s5, s10  }
0xea: {  	[tilespmem:s31], [sflag:$0x4] =	stream.linear.gather [hbm4b:s10+s3], $0x1C00, $0x38;
	[tilespmem:$0x1E600] =	vst v63  }
.LBB2_12:
0xeb: {  	_ =	sfence.sel $0x180000  }
0xec: {  	[bflag:$0x0] =	sbarrier.arrive $0xFFFF  }
0xed: {  	_ =	strace $0x90000050  }
0xee: {  	s0 =	stileid.u32;
	[bflag:$0x2] =	sbarrier.arrive $0xFFFF  }
0xef: {  	p0 =	sne.s32 s0, $0x0;
	s0 =	rddreg [dreg:$0x2]  }
0xf0: {  	s0 =	sadd.s32 @!p0 $0x100000, s0  }
0xf1: {  	[sflag:s0] =	ssyncadd.tile.s32 @!p0 $0x1;
	_ =	shalt  }
.Lfunc_end2:
_tile_overlayer_lowered:
.L_overlay_start_2:
0xf2: {  	(tag) =	ssettag $0x2  }
0xf3: {  	s0 =	rddreg [dreg:$0x0];
	s2 =	stileid.u32  }
0xf4: {  	s1 =	rddreg [dreg:$0x1];
	p0 =	sne.s32 s2, $0x0  }
0xf5: {  	s3 =	rddreg [dreg:$0x2];
	[bflag:$0x3] =	sbarrier.arrive $0xFFFF;
	s2 =	simm.s32 @!p0 $0x1C0B  }
0xf6: {  	[timem:s3], [sflag:s2] =	dma.local @!p0 [hbm:s0], s1  }
0xf7: {  	s0 =	simm.s32 @!p0 $0xB  }
0xf8: {  	_ =	swait.ge @!p0 [sflag:s0], s1  }
0xf9: {  	s1 =	ssub.s32 @!p0 $0x0, s1;
	[sflag:s0] =	ssyncset.done @!p0 $0x0  }
0xfa: {  	[sflag:s0] =	ssyncadd.s32 @!p0 s1  }
0xfb: {  	[bflag:$0x3] =	sbarrier.arrive $0xFFFF  }
0xfc: {  	_ =	shalt  }

// kernel: kernel.37.cloned.1.call-start
scs
__scs_entry_jumppad:
0x0: {  	(pc) =	sbr.rel $0x88, $3  }
0x1: {  	(tag) =	ssettag $0x0;
	lr =	simm.s32 $0x1  }
0x2: {  	[smem:$0x3F8F] =	sst lr;
	_ =	strace $0xD0000000  }
0x3: {  	_ = 	snop  }
0x4: {  	_ = 	snop  }
0x5: {  	_ = 	snop  }
0x6: {  	_ = 	snop  }
0x7: {  	_ = 	snop  }
__scs_overlays_trampoline_lowered:
0x8: {  	[smem:$0x3F9E] =	sst s0  }
0x9: {  	[smem:$0x3F9F] =	sst s1  }
0xa: {  	[smem:$0x3FA0] =	sst s2  }
0xb: {  	[smem:$0x3FA1] =	sst s3  }
0xc: {  	[smem:$0x3FA2] =	sst s4  }
0xd: {  	[smem:$0x3FA3] =	sst s5  }
0xe: {  	[smem:$0x3FA4] =	sst s6  }
0xf: {  	[smem:$0x3FA5] =	sst s7  }
0x10: {  	[smem:$0x3FA6] =	sst s8  }
0x11: {  	[smem:$0x3FA7] =	sst s9;
	s0 =	simm.s32 @!p0 $0x0  }
0x12: {  	s1 =	sld [smem:$0x3F8D];
	s0 =	simm.s32 @p0 $0x1  }
0x13: {  	[smem:$0x3FA8] =	sst s0;
	s0 =	simm.s32 @!p1 $0x0  }
0x14: {  	s2 =	sld [smem:$0x3F8C];
	s0 =	simm.s32 @p1 $0x1  }
0x15: {  	[smem:$0x3FA9] =	sst s0;
	s0 =	simm.s32 @!p2 $0x0  }
0x16: {  	s3 =	sld [smem:$0x3FDB];
	s0 =	simm.s32 @p2 $0x1  }
0x17: {  	s4 =	simm.s32 $0x1BF5;
	[smem:$0x3FAB] =	sst s0  }
0x18: {  	s0 =	sld [smem:$0x3F8E];
	_ =	swait.ge [sflag:s4], $0x0  }
0x19: {  	s7 =	sld [smem:$0x3F8F]  }
0x1a: {  	s8 =	sadd.s32 $0xFFFFE003, lr  }
0x1b: {  	s9 =	sadd.s32 $0xFFFFFEF7, lr;
	s5 =	simm.s32 $0xFFFFFFFF;
	p2 =	slt.u32 s8, $0xFFFFF086  }
0x1c: {  	p1 =	slt.u32 s9, $0xF7A;
	s5 =	simm.s32 @!p2 $0x0  }
0x1d: {  	s5 =	simm.s32 @p1 $0x1;
	p0 =	seq.s32 s7, s2  }
0x1e: {  	s7 =	smul.u32 @!p0 $0xF7A, s2;
	p2 =	seq.s32 @!p0 s5, $0x0  }
0x1f: {  	s9 =	smul.u32 $0xF7A, s1;
	s8 =	simm.s32 @!p0 $0x1BF5;
	p2 =	por !p2, p0  }
0x20: {  	[sflag:s8] =	ssyncset.s32 @!p0 $0xFFFFF086;
	s6 =	sadd.s32 @!p0 s3, s7;
	s7 =	simm.s32 @!p0 $0x108  }
0x21: {  	s3 =	sadd.s32 s3, s9;
	s6 =	sadd.s32 @!p0 $0x88, s6;
	s7 =	simm.s32 @p2 $0x1082  }
0x22: {  	[simem:s7], [sflag:s8] =	dma.local @!p0 [hbm:s6], $0xF7A  }
0x23: {  	s9 =	sor.u32 $0xD0000000, s2;
	s6 =	simm.s32 $0x108;
	_ =	swait.ge @!p0 [sflag:s8], $0x0  }
0x24: {  	s3 =	sadd.s32 $0x88, s3;
	s6 =	simm.s32 @!p1 $0x1082;
	[sflag:s4] =	ssyncset.s32 $0xFFFFF086  }
0x25: {  	[simem:s6], [sflag:s4] =	dma.local [hbm:s3], $0xF7A  }
0x26: {  	[smem:$0x3F8F] =	sst s1;
	(tag) =	ssettag s2;
	_ =	strace s9  }
0x27: {  	s1 =	sld [smem:$0x3F9F]  }
0x28: {  	s2 =	sld [smem:$0x3FA0]  }
0x29: {  	s4 =	sld [smem:$0x3FA2]  }
0x2a: {  	p0 =	seq.s32 s5, $0x0;
	s5 =	sld [smem:$0x3FA3]  }
0x2b: {  	s6 =	sld [smem:$0x3FA4]  }
0x2c: {  	s7 =	sld [smem:$0x3FA5]  }
0x2d: {  	s3 =	simm.s32 $0x108;
	s8 =	sld [smem:$0x3FA6]  }
0x2e: {  	s3 =	simm.s32 @!p0 $0x1082;
	s9 =	sld [smem:$0x3FA7]  }
0x2f: {  	lr =	sadd.s32 s0, s3;
	s0 =	sld [smem:$0x3F9E]  }
0x30: {  	s3 =	sld [smem:$0x3FA1]  }
0x31: {  	[smem:$0x3FAA] =	sst s10  }
0x32: {  	s10 =	sld [smem:$0x3FA8];
	_ =	sdelay $0x3  }
0x33: {  	p0 =	seq.s32 s10, $0x1;
	s10 =	sld [smem:$0x3FAA];
	_ =	sdelay $0x3  }
0x34: {  	[smem:$0x3FAA] =	sst s10  }
0x35: {  	s10 =	sld [smem:$0x3FA9];
	_ =	sdelay $0x3  }
0x36: {  	p1 =	seq.s32 s10, $0x1;
	s10 =	sld [smem:$0x3FAA];
	_ =	sdelay $0x3  }
0x37: {  	[smem:$0x3FAA] =	sst s10  }
0x38: {  	s10 =	sld [smem:$0x3FAB]  }
0x39: {  	_ = 	snop;
	(pc) =	sbr.ind lr, $3  }
0x3a: {  	_ = 	snop  }
0x3b: {  	_ = 	snop  }
0x3c: {  	p2 =	seq.s32 s10, $0x1;
	s10 =	sld [smem:$0x3FAA]  }
0x3d: {  	_ =	shalt  }
0x3e: {  	_ =	shalt  }
0x3f: {  	_ =	shalt  }
0x40: {  	_ =	shalt  }
0x41: {  	_ =	shalt  }
0x42: {  	_ =	shalt  }
0x43: {  	_ =	shalt  }
0x44: {  	_ =	shalt  }
0x45: {  	_ =	shalt  }
0x46: {  	_ =	shalt  }
0x47: {  	_ =	shalt  }
0x48: {  	_ =	shalt  }
0x49: {  	_ =	shalt  }
0x4a: {  	_ =	shalt  }
0x4b: {  	_ =	shalt  }
0x4c: {  	_ =	shalt  }
0x4d: {  	_ =	shalt  }
0x4e: {  	_ =	shalt  }
0x4f: {  	_ =	shalt  }
0x50: {  	_ =	shalt  }
0x51: {  	_ =	shalt  }
0x52: {  	_ =	shalt  }
0x53: {  	_ =	shalt  }
0x54: {  	_ =	shalt  }
0x55: {  	_ =	shalt  }
0x56: {  	_ =	shalt  }
0x57: {  	_ =	shalt  }
0x58: {  	_ =	shalt  }
0x59: {  	_ =	shalt  }
0x5a: {  	_ =	shalt  }
0x5b: {  	_ =	shalt  }
0x5c: {  	_ =	shalt  }
0x5d: {  	_ =	shalt  }
0x5e: {  	_ =	shalt  }
0x5f: {  	_ =	shalt  }
0x60: {  	_ =	shalt  }
0x61: {  	_ =	shalt  }
0x62: {  	_ =	shalt  }
0x63: {  	_ =	shalt  }
0x64: {  	_ =	shalt  }
0x65: {  	_ =	shalt  }
0x66: {  	_ =	shalt  }
0x67: {  	_ =	shalt  }
0x68: {  	_ =	shalt  }
0x69: {  	_ =	shalt  }
0x6a: {  	_ =	shalt  }
0x6b: {  	_ =	shalt  }
0x6c: {  	_ =	shalt  }
0x6d: {  	_ =	shalt  }
0x6e: {  	_ =	shalt  }
0x6f: {  	_ =	shalt  }
0x70: {  	_ =	shalt  }
0x71: {  	_ =	shalt  }
0x72: {  	_ =	shalt  }
0x73: {  	_ =	shalt  }
0x74: {  	_ =	shalt  }
0x75: {  	_ =	shalt  }
0x76: {  	_ =	shalt  }
0x77: {  	_ =	shalt  }
0x78: {  	_ =	shalt  }
0x79: {  	_ =	shalt  }
0x7a: {  	_ =	shalt  }
0x7b: {  	_ =	shalt  }
0x7c: {  	_ =	shalt  }
0x7d: {  	_ =	shalt  }
0x7e: {  	_ =	shalt  }
0x7f: {  	_ =	shalt  }
0x80: {  	_ =	shalt  }
0x81: {  	_ =	shalt  }
0x82: {  	_ =	shalt  }
0x83: {  	_ =	shalt  }
0x84: {  	_ =	shalt  }
0x85: {  	_ =	shalt  }
0x86: {  	_ =	shalt  }
0x87: {  	_ =	shalt  }
.Lfunc_end0:
.L_simem_size_0:
called_computation.4_lowered:
.L_overlay_start_0:
0x88: {  	s2 =	sld [smem:$0x3FD9]  }
0x89: {  	s3 =	sld [smem:$0x3FFE];
	_ =	sdelay $0x1  }
0x8a: {  	s1 =	srdreg.scid  }
0x8b: {  	s0 =	sand.u32 $0x1, s1  }
0x8c: {  	s16 =	sshll.u32 s0, $0xA;
	s2 =	sadd.s32 s3, s2  }
0x8d: {  	s2 =	sadd.s32 s2, s16  }
0x8e: {  	[smem:$0x3FB6] =	sst s2  }
0x8f: {  	_ = 	snop  }
0x90: {  	(tm) =	ssettm $0x1  }
0x91: {  	s17 =	sld [smem:$0x3FFB];
	_ =	sdelay $0x3  }
0x92: {  	_ =	strace s17  }
0x93: {  	s2 =	sld [smem:$0x3FFC];
	_ =	sdelay $0x3  }
0x94: {  	_ =	strace s2  }
0x95: {  	s2 =	sld [smem:$0x3FFD];
	_ =	sdelay $0x3  }
0x96: {  	_ =	strace s2  }
0x97: {  	_ =	strace $0x8FFFFFFF  }
0x98: {  	s18 =	sld [smem:$0x3FDB];
	_ =	sdelay $0x1  }
0x99: {  	s19 =	simm.s32 $_scs_section_size  }
0x9a: {  	s4 =	simm.s32 $_size__tile_overlayer_lowered;
	s5 =	simm.s32 $_tile_overlayer_lowered  }
0x9b: {  	s22 =	simm.s32 $0x1BFF;
	s21 =	sshll.u32 s5, $0x1;
	s2 =	sadd.s32 s19, s18  }
0x9c: {  	s6 =	simm.s32 $0x0;
	s20 =	sshll.u32 s4, $0x1;
	s4 =	sadd.s32 s21, s2  }
0x9d: {  	[timem:s6], [sflag:s22] =	dma.local [hbm:s4], s20  }
0x9e: {  	_ =	swait.ge [sflag:s22], s20  }
0x9f: {  	s3 =	ssub.s32 $0x0, s20;
	[sflag:s22] =	ssyncset.done $0x0  }
0xa0: {  	[sflag:s22] =	ssyncadd.s32 s3;
	_ =	sdelay $0x1  }
0xa1: {  	s23 =	simm.s32 $0x1B8B  }
0xa2: {  	_ =	swait.ge [sflag:s23], $0x1  }
0xa3: {  	[sflag:s23] =	ssyncset.done $0x0  }
0xa4: {  	s25 =	simm.s32 $0x1B8E;
	s24 =	sld [smem:$0x3FFE];
	[sflag:s23] =	ssyncadd.s32 $0xFFFFFFFF  }
0xa5: {  	s26 =	simm.s32 $execute0_lowered;
	[smem:$0x3FD2] =	sst s25  }
0xa6: {  	s4 =	sshll.u32 s26, $0x1;
	_ =	strace $0x80000052;
	[dreg:$0x1] =	wrdreg $0xFFFFFFFF  }
0xa7: {  	s28 =	simm.s32 $_size_execute0_lowered;
	s2 =	sadd.s32 s2, s4;
	[dreg:$0x0] =	wrdreg $0x0  }
0xa8: {  	s4 =	sshll.u32 s28, $0x1;
	[dreg:$0x2] =	wrdreg s2  }
0xa9: {  	[dreg:$0x3] =	wrdreg s4  }
0xaa: {  	[dreg:$0x4] =	wrdreg $0xC0  }
0xab: {  	_ =	task [dreg:s6], $0x5FFFF  }
0xac: {  	[dreg:$0x1] =	wrdreg $0xFFFFFFFF  }
0xad: {  	[dreg:$0x0] =	wrdreg $0x60  }
0xae: {  	[dreg:$0x2] =	wrdreg s24  }
0xaf: {  	[dreg:$0x3] =	wrdreg $0x0  }
0xb0: {  	[dreg:$0x4] =	wrdreg $0x9  }
0xb1: {  	_ =	task.clear_ibuf [dreg:s6], $0x5FFFF;
	_ =	strace $0x90000052  }
0xb2: {  	s29 =	simm.s32 $0x9;
	_ =	strace $0x80000054  }
0xb3: {  	_ =	swait.ge [sflag:s29], $0x1  }
0xb4: {  	[sflag:s29] =	ssyncadd.s32 $0xFFFFFFFF  }
0xb5: {  	_ =	strace $0x90000054  }
0xb6: {  	_ =	sfence  }
0xb7: {  	s30 =	sld [smem:$0x0];
	_ =	sdelay $0x2  }
0xb8: {  	s31 =	sshll.u32 s1, $0xD;
	s1 =	sshrl.u32 s1, $0x2  }
0xb9: {  	s3 =	sand.u32 $0x4000, s31;
	s1 =	sadd.s32 s1, s30  }
0xba: {  	s0 =	sor.u32 s3, s0;
	s1 =	sshll.u32 s1, $0x11  }
0xbb: {  	s0 =	sor.u32 s1, s0  }
0xbc: {  	s0 =	sadd.s32 $0x8F2B, s0  }
0xbd: {  	[sflag:s0] =	ssyncadd.remote.s32 $0x1  }
0xbe: {  	_ =	sfence.sel $0xFFFF  }
0xbf: {  	[dreg:$0x0] =	wrdreg $0xFFFFFFFF;
	(pc) =	sbr.abs _section_cstart, $3  }
0xc0: {  	[dreg:$0x1] =	wrdreg $0xFFFFFFFF  }
0xc1: {  	_ =	task.clear_ibuf [dreg:s6], $0x2FFFF;
	_ =	strace $0x9FFFFFFF  }
0xc2: {  	(tm) =	ssettm $0x7FFFFFFF  }
0xc3: {  	_ =	shalt  }
tec
execute0_lowered:
.L_overlay_start_1:
0x0: {  	(tag) =	ssettag $0x1  }
0x1: {  	s0 =	rddreg [dreg:$0x0]  }
0x2: {  	s2 =	rddreg [dreg:$0x1];
	s3 =	simm.s32 $0x0;
	s13 =	stileid.u32  }
0x3: {  	s1 =	srdreg.scid;
	s29 =	simm.s32 $0x8;
	s30 =	simm.s32 $0x15800  }
0x4: {  	s31 =	simm.s32 $0x19000;
	s28 =	simm.s32 $0x9;
	s14 =	simm.s32 $0x5  }
0x5: {  	[smem:$0x7FF] =	sst s3;
	s8 =	smul.u32 $0x13C00, s13;
	s1 =	sand.u32 $0x1, s1  }
0x6: {  	s4 =	sadd.s32 $0x1EA00, s0;
	s5 =	sadd.s32 $0x9D9C00, s0;
	s6 =	sadd.s32 $0x14C00, s0  }
0x7: {  	s7 =	sadd.s32 $0xAE00, s0;
	s11 =	smul.u32 $0x4F000, s13;
	s20 =	sshll.u32 s13, $0x6  }
0x8: {  	_ =	strace $0x80000053;
	s9 =	smul.u32 $0x13C000, s1;
	s17 =	sshll.u32 s1, $0x4  }
0x9: {  	s1 =	ssub.s32 $0x2, s1;
	s19 =	sor.u32 $0x1C0B, s20;
	s10 =	sshrl.u32 s8, $0x3  }
0xa: {  	s12 =	sshrl.u32 s1, $0x1;
	s11 =	sshrl.u32 s11, $0x2;
	[dreg:$0x4] =	wrdreg s19  }
0xb: {  	s10 =	sadd.s32 s10, s0;
	s8 =	sadd.s32 s8, s9;
	s9 =	sor.u32 s13, s17  }
0xc: {  	s1 =	ssub.s32 s1, s12;
	s11 =	sadd.s32 s11, s2;
	s13 =	simm.s32 $0x1C800  }
0xd: {  	s8 =	sshrl.u32 s8, $0x3;
	s18 =	smul.u32 $0x2760, s9;
	s10 =	sadd.s32 $0x45C00, s10  }
0xe: {  	s21 =	smul.u32 $0x4EC, s9;
	s26 =	smax.u32 s1, $0x1;
	s20 =	sshrl.u32 s11, $0x3  }
0xf: {  	s1 =	simm.s32 $0x3;
	s11 =	simm.s32 $0x1E580;
	[dreg:$0x3] =	wrdreg s10  }
0x10: {  	s0 =	sadd.s32 s8, s0;
	s8 =	smul.u32 $0xB4, s9;
	[dreg:$0xa] =	wrdreg s26  }
0x11: {  	s9 =	smul.u32 $0x27600, s9;
	s26 =	simm.s32 $0x1E500;
	[dreg:$0xb] =	wrdreg s20  }
0x12: {  	s22 =	sadd.s32 $0x38, s18;
	s23 =	sadd.s32 s6, s21;
	s0 =	sadd.s32 $0x6D400, s0  }
0x13: {  	s21 =	simm.s32 $0xB;
	s18 =	simm.s32 $0x0;
	[dreg:$0x5] =	wrdreg s23  }
0x14: {  	s24 =	sshrl.u32 s22, $0x3;
	s10 =	sshll.u32 s22, $0x4;
	s9 =	sadd.s32 s5, s9  }
.Ltmp0:
0x15: {  	s15 =	sor.u32 $0x2, s8;
	s16 =	sor.u32 $0x3, s8;
	(pc) =	sbr.rel .LBB2_1-.Ltmp0, $4  }
0x16: {  	s17 =	sor.u32 $0x1, s8;
	[dreg:$0x9] =	wrdreg s0;
	s23 =	simm.s32 $0x1E480  }
0x17: {  	s0 =	simm.s32 $0x1;
	s12 =	sadd.s32 s6, s24;
	[dreg:$0x7] =	wrdreg s9  }
0x18: {  	s25 =	sadd.s32 s5, s10;
	s9 =	simm.s32 $0x1AC00;
	[dreg:$0x6] =	wrdreg s12  }
0x19: {  	[dreg:$0x8] =	wrdreg s25;
	s25 =	simm.s32 $0x38;
	s12 =	simm.s32 $0xA  }
.LBB2_11:
0x1a: {  	_ =	swait.ge [sflag:s14], $0x1C00  }
0x1b: {  	[sflag:s14] =	ssyncset.done $0x0  }
0x1c: {  	s10 =	simm.s32 $0x6;
	[sflag:s14] =	ssyncadd.s32 $0xFFFFE400  }
0x1d: {  	_ =	swait.ge [sflag:s10], $0x1C00  }
0x1e: {  	[sflag:s10] =	ssyncset.done $0x0  }
0x1f: {  	[sflag:s10] =	ssyncadd.s32 $0xFFFFE400  }
0x20: {  	[bflag:$0x0] =	sbarrier.arrive $0xFFFF  }
0x21: {  	s19 =	rddreg [dreg:$0x4]  }
0x22: {  	s22 =	rddreg [dreg:$0x9]  }
0x23: {  	s21 =	simm.s32 $0xB;
	s20 =	rddreg [dreg:$0xb]  }
0x24: {  	[hbm:s22], [sflag:s19] =	dma.local [spmem:s20], $0x2780  }
0x25: {  	_ =	swait.ge [sflag:s21], $0x2780  }
0x26: {  	s18 =	sadd.s32 $0x1, s18;
	s24 =	rddreg [dreg:$0xa]  }
0x27: {  	p0 =	sne.s32 s18, s24  }
.Ltmp1:
0x28: {  	_ = 	snop;
	(pc) =	sbr.rel @!p0 .LBB2_12-.Ltmp1, $3  }
0x29: {  	_ =	sdelay $0x1  }
0x2a: {  	[sflag:s21] =	ssyncset.done $0x0  }
0x2b: {  	[sflag:s21] =	ssyncadd.s32 $0xFFFFD880  }
.LBB2_1:
0x2c: {  	s10 =	rddreg [dreg:$0x3]  }
0x2d: {  	[spmem:s20], [sflag:s19] =	dma.local [hbm:s10], $0x2780  }
0x2e: {  	_ =	swait.ge [sflag:s21], $0x2780  }
0x2f: {  	[sflag:s21] =	ssyncset.done $0x0  }
0x30: {  	[sflag:s21] =	ssyncadd.s32 $0xFFFFD880  }
0x31: {  	[bflag:$0x0] =	sbarrier.arrive $0xFFFF  }
0x32: {  	s21 =	simm.s32 $0x1E400;
	s20 =	rddreg [dreg:$0x5]  }
0x33: {  	[tilespmem:s21], [sflag:$0x7] =	stream.linear.gather [hbm4b:s20+s3], $0x38, $0x38;
	[tilespmem:$0x1E600] =	vst v63  }
0x34: {  	s24 =	simm.s32 $0x7;
	s22 =	rddreg [dreg:$0x6]  }
0x35: {  	[tilespmem:s23], [sflag:$0x8] =	stream.linear.gather [hbm4b:s22+s3], $0x38, $0x38;
	[tilespmem:$0x1E600] =	vst v63  }
0x36: {  	_ =	swait.ge [sflag:s24], $0x38  }
0x37: {  	[sflag:s24] =	ssyncset.done $0x0  }
0x38: {  	s20 =	simm.s32 $0x13C00;
	[sflag:s24] =	ssyncadd.s32 $0xFFFFFFC8  }
0x39: {  	[tilespmem:s20], [sflag:$0x1] =	stream.indirect.gather [hbm4b:s4+s25], $0x80, s21, s25, $0xb8;
	[tilespmem:$0x1E600] =	vst v63  }
0x3a: {  	s22 =	simm.s32 $0x17400;
	s21 =	rddreg [dreg:$0x7]  }
0x3b: {  	[tilespmem:s22], [sflag:$0x3] =	stream.linear.gather [hbm4b:s21+s3], $0x1C00, $0x38;
	[tilespmem:$0x1E600] =	vst v63  }
0x3c: {  	_ =	swait.ge [sflag:s29], $0x38  }
0x3d: {  	[sflag:s29] =	ssyncset.done $0x0  }
0x3e: {  	[sflag:s29] =	ssyncadd.s32 $0xFFFFFFC8  }
0x3f: {  	[tilespmem:s30], [sflag:$0x2] =	stream.indirect.gather [hbm4b:s4+s25], $0x80, s23, s25, $0xb8;
	[tilespmem:$0x1E600] =	vst v63  }
0x40: {  	s19 =	simm.s32 $0x0;
	s24 =	rddreg [dreg:$0x8]  }
0x41: {  	[tilespmem:s31], [sflag:$0x4] =	stream.linear.gather [hbm4b:s24+s3], $0x1C00, $0x38;
	[tilespmem:$0x1E600] =	vst v63  }
.LBB2_2:
0x42: {  	p0 =	seq.s32 s19, $0x59  }
0x43: {  	_ =	swait.ge [sflag:s0], $0x1C00;
	p1 =	seq.s32 @!p0 s19, $0x0  }
0x44: {  	s24 =	sshll.u32 s19, $0x1;
	[sflag:s0] =	ssyncset.done $0x0;
	p1 =	por p0, !p1  }
.Ltmp2:
0x45: {  	s22 =	sadd.s32 @!p0 s24, s15;
	[sflag:s0] =	ssyncadd.s32 $0xFFFFE400;
	(pc) =	sbr.rel @!p1 .LBB2_3-.Ltmp2, $4  }
0x46: {  	s10 =	smul.u32 @!p0 $0x7, s22;
	_ =	swait.ge [sflag:s1], $0x1C00  }
0x47: {  	s20 =	simm.s32 @!p0 $0x0;
	[sflag:s1] =	ssyncset.done $0x0  }
0x48: {  	s21 =	simm.s32 @!p0 $0x1E400;
	s10 =	sadd.s32 @!p0 s6, s10;
	[sflag:s1] =	ssyncadd.s32 $0xFFFFE400  }
0x49: {  	[tilespmem:s21], [sflag:$0x7] =	stream.linear.gather @!p0 [hbm4b:s10+s20], $0x38, $0x38;
	[tilespmem:$0x1E600] =	vst v63  }
.Ltmp3:
0x4a: {  	(pc) =	sbr.rel .LBB2_5-.Ltmp3, $4  }
0x4b: {  	_ = 	snop  }
0x4c: {  	_ =	swait.ge [sflag:s14], $0x1C00  }
0x4d: {  	[sflag:s14] =	ssyncset.done $0x0  }
0x4e: {  	p1 =	por $0x0, $0x0;
	[sflag:s14] =	ssyncadd.s32 $0xFFFFE400  }
.LBB2_3:
0x4f: {  	p1 =	por @!p0 $0x1, $0x1  }
.LBB2_5:
0x50: {  	s10 =	sadd.s32 s8, s24  }
0x51: {  	s10 =	smul.u32 $0x7, s10;
	_ =	sdelay $0x1  }
0x52: {  	s20 =	simm.s32 $0x0;
	s10 =	sadd.s32 s7, s10  }
0x53: {  	[tilespmem:s26], [sflag:$0x9] =	stream.linear.gather [hbm4b:s10+s20], $0x38, $0x38;
	[tilespmem:$0x1E600] =	vst v63  }
0x54: {  	s10 =	simm.s32 $0x0  }
0x55: {  	v0 =	vld [tilespmem:s10+$0x13C70]  }
0x56: {  	v1 =	vld [tilespmem:s10+$0x17470]  }
0x57: {  	v2 =	vld [tilespmem:s10+$0x13C00]  }
0x58: {  	v3 =	vld [tilespmem:s10+$0x17400]  }
0x59: {  	v4 =	vld [tilespmem:s10+$0x13C10]  }
0x5a: {  	v5 =	vld [tilespmem:s10+$0x17410]  }
0x5b: {  	v6 =	vld [tilespmem:s10+$0x13C20]  }
0x5c: {  	v0 =	vadd.f32 v1, v0;
	v1 =	vld [tilespmem:s10+$0x17420]  }
0x5d: {  	v7 =	vld [tilespmem:s10+$0x13C30]  }
0x5e: {  	v8 =	vld [tilespmem:s10+$0x17430];
	v2 =	vadd.f32 v3, v2  }
0x5f: {  	v9 =	vld [tilespmem:s10+$0x13C40];
	v0 =	vmax.f32 v0, $0.0e+00  }
0x60: {  	[tilespmem:s10+$0x1AC70] =	vst v0;
	v0 =	vmax.f32 v2, $0.0e+00;
	v2 =	vadd.f32 v5, v4;
	v5 =	vld [tilespmem:s10+$0x17440]  }
0x61: {  	v3 =	vld [tilespmem:s10+$0x17450];
	v1 =	vadd.f32 v1, v6  }
0x62: {  	[tilespmem:s10+$0x1AC00] =	vst v0;
	v0 =	vld [tilespmem:s10+$0x13C50];
	v2 =	vmax.f32 v2, $0.0e+00  }
0x63: {  	v4 =	vld [tilespmem:s10+$0x17460];
	v6 =	vadd.f32 v8, v7;
	[tilespmem:s10+$0x1AC10] =	vst v2;
	v2 =	vmax.f32 v1, $0.0e+00  }
0x64: {  	s20 =	simm.s32 $0x80;
	v1 =	vld [tilespmem:s10+$0x13C60];
	[tilespmem:s10+$0x1AC20] =	vst v2  }
0x65: {  	s21 =	simm.s32 $0x400;
	v6 =	vmax.f32 v6, $0.0e+00;
	v5 =	vadd.f32 v5, v9;
	v2 =	vld [tilespmem:s20+$0x13C70]  }
.LBB2_6:
0x66: {  	p2 =	sne.s32 s21, $0x6E00;
	v7 =	vld [tilespmem:s20+$0x17470];
	[tilespmem:s10+$0x1AC30] =	vst v6  }
0x67: {  	v6 =	vld [tilespmem:s20+$0x13C00];
	v5 =	vmax.f32 v5, $0.0e+00;
	v0 =	vadd.f32 v3, v0  }
0x68: {  	v3 =	vld [tilespmem:s20+$0x17400];
	[tilespmem:s10+$0x1AC40] =	vst v5  }
0x69: {  	v5 =	vld [tilespmem:s20+$0x13C10];
	v0 =	vmax.f32 v0, $0.0e+00;
	v1 =	vadd.f32 v4, v1  }
0x6a: {  	v4 =	vld [tilespmem:s20+$0x17410];
	[tilespmem:s10+$0x1AC50] =	vst v0  }
0x6b: {  	v0 =	vld [tilespmem:s20+$0x13C20];
	v2 =	vadd.f32 v7, v2;
	v1 =	vmax.f32 v1, $0.0e+00  }
0x6c: {  	v7 =	vld [tilespmem:s20+$0x17420];
	[tilespmem:s10+$0x1AC60] =	vst v1;
	s10 =	smov.u32 s20  }
0x6d: {  	v1 =	vadd.f32 v3, v6;
	v6 =	vld [tilespmem:s10+$0x13C30];
	v2 =	vmax.f32 v2, $0.0e+00  }
0x6e: {  	v8 =	vld [tilespmem:s10+$0x17430];
	[tilespmem:s10+$0x1AC70] =	vst v2  }
0x6f: {  	v1 =	vmax.f32 v1, $0.0e+00;
	v2 =	vadd.f32 v4, v5;
	v5 =	vld [tilespmem:s10+$0x13C40]  }
0x70: {  	[tilespmem:s10+$0x1AC00] =	vst v1;
	v9 =	vld [tilespmem:s10+$0x17440]  }
.Ltmp4:
0x71: {  	v1 =	vmax.f32 v2, $0.0e+00;
	v2 =	vadd.f32 v7, v0;
	v0 =	vld [tilespmem:s10+$0x13C50];
	(pc) =	sbr.rel @p2 .LBB2_6-.Ltmp4, $4  }
0x72: {  	[tilespmem:s10+$0x1AC10] =	vst v1;
	v3 =	vld [tilespmem:s10+$0x17450]  }
0x73: {  	v2 =	vmax.f32 v2, $0.0e+00;
	v6 =	vadd.f32 v8, v6;
	v1 =	vld [tilespmem:s10+$0x13C60]  }
0x74: {  	s20 =	sshra.s32 s21, $0x2;
	[tilespmem:s10+$0x1AC20] =	vst v2;
	v4 =	vld [tilespmem:s10+$0x17460]  }
0x75: {  	s21 =	sadd.s32 $0x200, s21;
	v2 =	vld [tilespmem:s20+$0x13C70];
	v6 =	vmax.f32 v6, $0.0e+00;
	v5 =	vadd.f32 v9, v5  }
0x76: {  	v7 =	vld [tilespmem:s20+$0x17470];
	[tilespmem:s10+$0x1AC30] =	vst v6  }
0x77: {  	v6 =	vld [tilespmem:s20+$0x13C00];
	v5 =	vmax.f32 v5, $0.0e+00;
	v0 =	vadd.f32 v3, v0  }
0x78: {  	v8 =	vld [tilespmem:s20+$0x17400];
	[tilespmem:s10+$0x1AC40] =	vst v5  }
0x79: {  	v3 =	vld [tilespmem:s20+$0x13C10];
	v0 =	vmax.f32 v0, $0.0e+00;
	v1 =	vadd.f32 v4, v1  }
0x7a: {  	v5 =	vld [tilespmem:s20+$0x17410];
	[tilespmem:s10+$0x1AC50] =	vst v0  }
0x7b: {  	v0 =	vld [tilespmem:s20+$0x13C20];
	v1 =	vmax.f32 v1, $0.0e+00  }
0x7c: {  	v4 =	vld [tilespmem:s20+$0x17420];
	v2 =	vadd.f32 v7, v2;
	[tilespmem:s10+$0x1AC60] =	vst v1  }
0x7d: {  	v6 =	vadd.f32 v8, v6;
	v1 =	vld [tilespmem:s20+$0x13C30]  }
0x7e: {  	v2 =	vmax.f32 v2, $0.0e+00;
	v7 =	vld [tilespmem:s20+$0x17430]  }
0x7f: {  	[tilespmem:s20+$0x1AC70] =	vst v2;
	v2 =	vmax.f32 v6, $0.0e+00;
	v6 =	vld [tilespmem:s20+$0x13C40]  }
0x80: {  	v3 =	vadd.f32 v5, v3;
	v5 =	vld [tilespmem:s20+$0x13C50]  }
0x81: {  	[tilespmem:s20+$0x1AC00] =	vst v2;
	v2 =	vld [tilespmem:s20+$0x17440];
	v0 =	vadd.f32 v4, v0  }
0x82: {  	v3 =	vmax.f32 v3, $0.0e+00;
	v4 =	vld [tilespmem:s20+$0x13C60]  }
0x83: {  	[tilespmem:s20+$0x1AC10] =	vst v3;
	v3 =	vld [tilespmem:s20+$0x17450];
	v0 =	vmax.f32 v0, $0.0e+00  }
0x84: {  	[tilespmem:s20+$0x1AC20] =	vst v0;
	v0 =	vld [tilespmem:s20+$0x17460];
	_ =	sdelay $0x1  }
0x85: {  	v1 =	vadd.f32 v7, v1  }
0x86: {  	v2 =	vadd.f32 v2, v6  }
0x87: {  	v1 =	vmax.f32 v1, $0.0e+00;
	v3 =	vadd.f32 v3, v5  }
0x88: {  	[tilespmem:s20+$0x1AC30] =	vst v1;
	v1 =	vmax.f32 v2, $0.0e+00;
	v0 =	vadd.f32 v0, v4  }
0x89: {  	[tilespmem:s20+$0x1AC40] =	vst v1;
	v1 =	vmax.f32 v3, $0.0e+00  }
0x8a: {  	[tilespmem:s20+$0x1AC50] =	vst v1;
	v0 =	vmax.f32 v0, $0.0e+00  }
0x8b: {  	[tilespmem:s20+$0x1AC60] =	vst v0  }
0x8c: {  	_ =	swait.ge [sflag:s28], $0x38  }
0x8d: {  	[sflag:s28] =	ssyncset.done $0x0  }
0x8e: {  	s10 =	simm.s32 @p0 $0x2;
	[sflag:s28] =	ssyncadd.s32 $0xFFFFFFC8  }
0x8f: {  	[spmem:s2] =	stream.indirect.scatter.add.f32 [tilespmem:s9], [sflag:$0x5], $0x80, s26, s25, $0xb8;
	[tilespmem:$0x1E600] =	vst v63  }
0x90: {  	_ =	swait.ge @p0 [sflag:s10], $0x1C00  }
0x91: {  	[sflag:s10] =	ssyncset.done @p0 $0x0  }
0x92: {  	[sflag:s10] =	ssyncadd.s32 @p0 $0xFFFFE400;
	s10 =	simm.s32 @p0 $0x4  }
0x93: {  	_ =	swait.ge @p0 [sflag:s10], $0x1C00  }
0x94: {  	[sflag:s10] =	ssyncset.done @p0 $0x0  }
0x95: {  	[sflag:s10] =	ssyncadd.s32 @p0 $0xFFFFE400;
	s10 =	simm.s32 @!p0 $0x7  }
0x96: {  	_ =	swait.ge @!p0 [sflag:s10], $0x38  }
0x97: {  	s21 =	simm.s32 @!p0 $0x13C00;
	s22 =	smul.u32 @!p0 $0x380, s22;
	[sflag:s10] =	ssyncset.done @!p0 $0x0  }
0x98: {  	s20 =	simm.s32 @!p0 $0x1E400;
	[sflag:s10] =	ssyncadd.s32 @!p0 $0xFFFFFFC8;
	s10 =	simm.s32 @!p0 $0x38  }
0x99: {  	[tilespmem:s21], [sflag:$0x1] =	stream.indirect.gather @!p0 [hbm4b:s4+s10], $0x80, s20, s10, $0xb8;
	[tilespmem:$0x1E600] =	vst v63  }
0x9a: {  	s10 =	sadd.s32 @!p0 s5, s22;
	s20 =	simm.s32 @!p0 $0x0;
	s21 =	simm.s32 @!p0 $0x17400  }
0x9b: {  	[tilespmem:s21], [sflag:$0x3] =	stream.linear.gather @!p0 [hbm4b:s10+s20], $0x1C00, $0x38;
	[tilespmem:$0x1E600] =	vst v63  }
0x9c: {  	s10 =	simm.s32 @!p0 $0x2  }
0x9d: {  	_ =	swait.ge @!p0 [sflag:s10], $0x1C00  }
0x9e: {  	[sflag:s10] =	ssyncset.done @!p0 $0x0  }
0x9f: {  	s21 =	sadd.s32 @!p0 s24, s16;
	[sflag:s10] =	ssyncadd.s32 @!p0 $0xFFFFE400;
	s10 =	simm.s32 @!p0 $0x4  }
0xa0: {  	s21 =	smul.u32 @!p0 $0x7, s21;
	_ =	swait.ge @!p0 [sflag:s10], $0x1C00  }
0xa1: {  	[sflag:s10] =	ssyncset.done @!p0 $0x0  }
0xa2: {  	[sflag:s10] =	ssyncadd.s32 @!p0 $0xFFFFE400;
	s10 =	sadd.s32 @!p0 s6, s21;
	s21 =	simm.s32 @!p0 $0x1E480  }
0xa3: {  	[tilespmem:s21], [sflag:$0x8] =	stream.linear.gather @!p0 [hbm4b:s10+s20], $0x38, $0x38;
	[tilespmem:$0x1E600] =	vst v63  }
0xa4: {  	s22 =	sadd.s32 s24, s17;
	s10 =	simm.s32 @!p1 $0x6  }
0xa5: {  	s20 =	smul.u32 $0x7, s22;
	_ =	swait.ge @!p1 [sflag:s10], $0x1C00  }
0xa6: {  	s22 =	simm.s32 $0x0;
	[sflag:s10] =	ssyncset.done @!p1 $0x0  }
0xa7: {  	s21 =	sadd.s32 s7, s20;
	[sflag:s10] =	ssyncadd.s32 @!p1 $0xFFFFE400;
	s10 =	simm.s32 $0x0  }
0xa8: {  	[tilespmem:s11], [sflag:$0xA] =	stream.linear.gather [hbm4b:s21+s22], $0x38, $0x38;
	[tilespmem:$0x1E600] =	vst v63  }
0xa9: {  	v0 =	vld [tilespmem:s10+$0x15870]  }
0xaa: {  	v1 =	vld [tilespmem:s10+$0x19070]  }
0xab: {  	v2 =	vld [tilespmem:s10+$0x15800]  }
0xac: {  	v3 =	vld [tilespmem:s10+$0x19000]  }
0xad: {  	v4 =	vld [tilespmem:s10+$0x15810]  }
0xae: {  	v5 =	vld [tilespmem:s10+$0x19010]  }
0xaf: {  	v6 =	vld [tilespmem:s10+$0x15820]  }
0xb0: {  	v0 =	vadd.f32 v1, v0;
	v1 =	vld [tilespmem:s10+$0x19020]  }
0xb1: {  	v7 =	vld [tilespmem:s10+$0x15830]  }
0xb2: {  	v8 =	vld [tilespmem:s10+$0x19030];
	v2 =	vadd.f32 v3, v2  }
0xb3: {  	v9 =	vld [tilespmem:s10+$0x15840];
	v0 =	vmax.f32 v0, $0.0e+00  }
0xb4: {  	[tilespmem:s10+$0x1C870] =	vst v0;
	v0 =	vmax.f32 v2, $0.0e+00;
	v2 =	vadd.f32 v5, v4;
	v5 =	vld [tilespmem:s10+$0x19040]  }
0xb5: {  	v3 =	vld [tilespmem:s10+$0x19050];
	v1 =	vadd.f32 v1, v6  }
0xb6: {  	[tilespmem:s10+$0x1C800] =	vst v0;
	v0 =	vld [tilespmem:s10+$0x15850];
	v2 =	vmax.f32 v2, $0.0e+00  }
0xb7: {  	v4 =	vld [tilespmem:s10+$0x19060];
	v6 =	vadd.f32 v8, v7;
	[tilespmem:s10+$0x1C810] =	vst v2;
	v2 =	vmax.f32 v1, $0.0e+00  }
0xb8: {  	s20 =	simm.s32 $0x80;
	v1 =	vld [tilespmem:s10+$0x15860];
	[tilespmem:s10+$0x1C820] =	vst v2  }
0xb9: {  	s21 =	simm.s32 $0x400;
	v6 =	vmax.f32 v6, $0.0e+00;
	v5 =	vadd.f32 v5, v9;
	v2 =	vld [tilespmem:s20+$0x15870]  }
.LBB2_8:
0xba: {  	p1 =	sne.s32 s21, $0x6E00;
	v7 =	vld [tilespmem:s20+$0x19070];
	[tilespmem:s10+$0x1C830] =	vst v6  }
0xbb: {  	v6 =	vld [tilespmem:s20+$0x15800];
	v5 =	vmax.f32 v5, $0.0e+00;
	v0 =	vadd.f32 v3, v0  }
0xbc: {  	v3 =	vld [tilespmem:s20+$0x19000];
	[tilespmem:s10+$0x1C840] =	vst v5  }
0xbd: {  	v5 =	vld [tilespmem:s20+$0x15810];
	v0 =	vmax.f32 v0, $0.0e+00;
	v1 =	vadd.f32 v4, v1  }
0xbe: {  	v4 =	vld [tilespmem:s20+$0x19010];
	[tilespmem:s10+$0x1C850] =	vst v0  }
0xbf: {  	v0 =	vld [tilespmem:s20+$0x15820];
	v2 =	vadd.f32 v7, v2;
	v1 =	vmax.f32 v1, $0.0e+00  }
0xc0: {  	v7 =	vld [tilespmem:s20+$0x19020];
	[tilespmem:s10+$0x1C860] =	vst v1;
	s10 =	smov.u32 s20  }
0xc1: {  	v1 =	vadd.f32 v3, v6;
	v6 =	vld [tilespmem:s10+$0x15830];
	v2 =	vmax.f32 v2, $0.0e+00  }
0xc2: {  	v8 =	vld [tilespmem:s10+$0x19030];
	[tilespmem:s10+$0x1C870] =	vst v2  }
0xc3: {  	v1 =	vmax.f32 v1, $0.0e+00;
	v2 =	vadd.f32 v4, v5;
	v5 =	vld [tilespmem:s10+$0x15840]  }
0xc4: {  	[tilespmem:s10+$0x1C800] =	vst v1;
	v9 =	vld [tilespmem:s10+$0x19040]  }
.Ltmp5:
0xc5: {  	v1 =	vmax.f32 v2, $0.0e+00;
	v2 =	vadd.f32 v7, v0;
	v0 =	vld [tilespmem:s10+$0x15850];
	(pc) =	sbr.rel @p1 .LBB2_8-.Ltmp5, $4  }
0xc6: {  	[tilespmem:s10+$0x1C810] =	vst v1;
	v3 =	vld [tilespmem:s10+$0x19050]  }
0xc7: {  	v2 =	vmax.f32 v2, $0.0e+00;
	v6 =	vadd.f32 v8, v6;
	v1 =	vld [tilespmem:s10+$0x15860]  }
0xc8: {  	s20 =	sshra.s32 s21, $0x2;
	[tilespmem:s10+$0x1C820] =	vst v2;
	v4 =	vld [tilespmem:s10+$0x19060]  }
0xc9: {  	s21 =	sadd.s32 $0x200, s21;
	v2 =	vld [tilespmem:s20+$0x15870];
	v6 =	vmax.f32 v6, $0.0e+00;
	v5 =	vadd.f32 v9, v5  }
0xca: {  	v7 =	vld [tilespmem:s20+$0x19070];
	[tilespmem:s10+$0x1C830] =	vst v6  }
0xcb: {  	v6 =	vld [tilespmem:s20+$0x15800];
	v5 =	vmax.f32 v5, $0.0e+00;
	v0 =	vadd.f32 v3, v0  }
0xcc: {  	v8 =	vld [tilespmem:s20+$0x19000];
	[tilespmem:s10+$0x1C840] =	vst v5  }
0xcd: {  	v52 =	vld [tilespmem:s20+$0x15810];
	v0 =	vmax.f32 v0, $0.0e+00;
	v1 =	vadd.f32 v4, v1  }
0xce: {  	v5 =	vld [tilespmem:s20+$0x19010];
	[tilespmem:s10+$0x1C850] =	vst v0  }
0xcf: {  	v0 =	vld [tilespmem:s20+$0x15820];
	v1 =	vmax.f32 v1, $0.0e+00  }
0xd0: {  	v53 =	vld [tilespmem:s20+$0x19020];
	[tilespmem:s10+$0x1C860] =	vst v1  }
0xd1: {  	v1 =	vld [tilespmem:s20+$0x15830]  }
0xd2: {  	v54 =	vld [tilespmem:s20+$0x19030]  }
0xd3: {  	v56 =	vld [tilespmem:s20+$0x15840]  }
0xd4: {  	v57 =	vld [tilespmem:s20+$0x19040]  }
0xd5: {  	v58 =	vld [tilespmem:s20+$0x15850]  }
0xd6: {  	v2 =	vadd.f32 v7, v2;
	v59 =	vld [tilespmem:s20+$0x19050]  }
0xd7: {  	v6 =	vadd.f32 v8, v6;
	v60 =	vld [tilespmem:s20+$0x15860]  }
0xd8: {  	v2 =	vmax.f32 v2, $0.0e+00;
	v61 =	vld [tilespmem:s20+$0x19060];
	v3 =	vadd.f32 v5, v52  }
0xd9: {  	[tilespmem:s20+$0x1C870] =	vst v2;
	v55 =	vmax.f32 v6, $0.0e+00;
	v0 =	vadd.f32 v53, v0  }
0xda: {  	[tilespmem:s20+$0x1C800] =	vst v55;
	v3 =	vmax.f32 v3, $0.0e+00;
	v1 =	vadd.f32 v54, v1  }
0xdb: {  	[tilespmem:s20+$0x1C810] =	vst v3;
	v0 =	vmax.f32 v0, $0.0e+00;
	v2 =	vadd.f32 v57, v56  }
0xdc: {  	v3 =	vadd.f32 v59, v58;
	[tilespmem:s20+$0x1C820] =	vst v0;
	v1 =	vmax.f32 v1, $0.0e+00  }
0xdd: {  	v0 =	vadd.f32 v61, v60;
	v62 =	vmax.f32 v2, $0.0e+00;
	[tilespmem:s20+$0x1C830] =	vst v1  }
0xde: {  	v63 =	vmax.f32 v3, $0.0e+00;
	[tilespmem:s20+$0x1C840] =	vst v62  }
0xdf: {  	[tilespmem:s20+$0x1C850] =	vst v63;
	v0 =	vmax.f32 v0, $0.0e+00  }
.Ltmp6:
0xe0: {  	[tilespmem:s20+$0x1C860] =	vst v0;
	(pc) =	sbr.rel @p0 .LBB2_11-.Ltmp6, $4  }
0xe1: {  	_ =	swait.ge [sflag:s12], $0x38  }
0xe2: {  	[sflag:s12] =	ssyncset.done $0x0  }
0xe3: {  	[sflag:s12] =	ssyncadd.s32 $0xFFFFFFC8  }
0xe4: {  	[spmem:s2] =	stream.indirect.scatter.add.f32 [tilespmem:s13], [sflag:$0x6], $0x80, s11, s25, $0xb8;
	[tilespmem:$0x1E600] =	vst v63  }
0xe5: {  	_ =	swait.ge [sflag:s29], $0x38  }
.Ltmp7:
0xe6: {  	s10 =	sadd.s32 s24, s16;
	[sflag:s29] =	ssyncset.done $0x0;
	(pc) =	sbr.rel .LBB2_2-.Ltmp7, $4  }
0xe7: {  	s10 =	smul.u32 $0x380, s10;
	[sflag:s29] =	ssyncadd.s32 $0xFFFFFFC8  }
0xe8: {  	[tilespmem:s30], [sflag:$0x2] =	stream.indirect.gather [hbm4b:s4+s25], $0x80, s23, s25, $0xb8;
	[tilespmem:$0x1E600] =	vst v63  }
0xe9: {  	s19 =	sadd.s32 $0x1, s19;
	s10 =	sadd.s32 s5, s10  }
0xea: {  	[tilespmem:s31], [sflag:$0x4] =	stream.linear.gather [hbm4b:s10+s3], $0x1C00, $0x38;
	[tilespmem:$0x1E600] =	vst v63  }
.LBB2_12:
0xeb: {  	_ =	sfence.sel $0x180000  }
0xec: {  	[bflag:$0x0] =	sbarrier.arrive $0xFFFF  }
0xed: {  	_ =	strace $0x90000053  }
0xee: {  	s0 =	stileid.u32;
	[bflag:$0x2] =	sbarrier.arrive $0xFFFF  }
0xef: {  	p0 =	sne.s32 s0, $0x0;
	s0 =	rddreg [dreg:$0x2]  }
0xf0: {  	s0 =	sadd.s32 @!p0 $0x100000, s0  }
0xf1: {  	[sflag:s0] =	ssyncadd.tile.s32 @!p0 $0x1;
	_ =	shalt  }
.Lfunc_end2:
_tile_overlayer_lowered:
.L_overlay_start_2:
0xf2: {  	(tag) =	ssettag $0x2  }
0xf3: {  	s0 =	rddreg [dreg:$0x0];
	s2 =	stileid.u32  }
0xf4: {  	s1 =	rddreg [dreg:$0x1];
	p0 =	sne.s32 s2, $0x0  }
0xf5: {  	s3 =	rddreg [dreg:$0x2];
	[bflag:$0x3] =	sbarrier.arrive $0xFFFF;
	s2 =	simm.s32 @!p0 $0x1C0B  }
0xf6: {  	[timem:s3], [sflag:s2] =	dma.local @!p0 [hbm:s0], s1  }
0xf7: {  	s0 =	simm.s32 @!p0 $0xB  }
0xf8: {  	_ =	swait.ge @!p0 [sflag:s0], s1  }
0xf9: {  	s1 =	ssub.s32 @!p0 $0x0, s1;
	[sflag:s0] =	ssyncset.done @!p0 $0x0  }
0xfa: {  	[sflag:s0] =	ssyncadd.s32 @!p0 s1  }
0xfb: {  	[bflag:$0x3] =	sbarrier.arrive $0xFFFF  }
0xfc: {  	_ =	shalt  }

</sc_bundles>
